<compile_context>
chip_gen: v7x
topology: tpu7x:2x2x1
jax: 0.10.2.dev20260603
libtpu: 0.0.44.dev20260713+nightly
codegen_flags: <defaults>
</compile_context>

<pallas_src>
import functools

import jax
import jax.numpy as jnp
from jax import lax
from jax.experimental import pallas as pl
from jax.experimental.pallas import tpu as pltpu
from jax.experimental.pallas import tpu_sc as plsc

_NC = 2
_NS = 16
_NW = _NC * _NS

_CHUNK = 80
_K = 5
_BATCH = _CHUNK * _K

_BE = 3200



def _sc_gather(src_tbl, dst_tbl, src_idx, dst_idx):
  e = src_idx.shape[0]
  d = src_tbl.shape[1]
  epw = e // _NW
  n_batches = epw // _BATCH
  mesh = plsc.VectorSubcoreMesh(core_axis_name="c", subcore_axis_name="s")

  @functools.partial(
      pl.kernel,
      out_type=(jax.ShapeDtypeStruct((e, d), jnp.float32),
                jax.ShapeDtypeStruct((e, d), jnp.float32)),
      mesh=mesh,
      scratch_types=[
          pltpu.VMEM((epw,), jnp.int32),
          pltpu.VMEM((epw,), jnp.int32),
          pltpu.VMEM((_BATCH, d), jnp.float32),
          pltpu.VMEM((_BATCH, d), jnp.float32),
          pltpu.SemaphoreType.DMA,
          pltpu.SemaphoreType.DMA,
          pltpu.SemaphoreType.DMA,
      ],
  )
  def gather_kernel(src_tbl_hbm, dst_tbl_hbm, sidx_hbm, didx_hbm,
                    src_out, dst_out, sidx_v, didx_v, sbuf, dbuf,
                    gsem, wsem_s, wsem_d):
    wid = lax.axis_index("s") * _NC + lax.axis_index("c")
    base = wid * epw
    pltpu.sync_copy(sidx_hbm.at[pl.ds(base, epw)], sidx_v)
    pltpu.sync_copy(didx_hbm.at[pl.ds(base, epw)], didx_v)

    def fire_gathers(tbl, idx_v, buf, off):
      copies = []
      for j in range(_K):
        co = off + j * _CHUNK
        copies.append(pltpu.async_copy(
            tbl.at[idx_v.at[pl.ds(co, _CHUNK)]],
            buf.at[pl.ds(j * _CHUNK, _CHUNK)], gsem))
      return copies

    def drain_write(buf, out, off, wsem):
      pltpu.make_async_copy(buf, out.at[pl.ds(base + off, _BATCH)],
                            wsem).wait()

    def body(b, carry):
      off = b * _BATCH
      prev = (b - 1) * _BATCH

      @pl.when(b > 0)
      def _():
        drain_write(sbuf, src_out, prev, wsem_s)

      sc = fire_gathers(src_tbl_hbm, sidx_v, sbuf, off)

      @pl.when(b > 0)
      def _():
        drain_write(dbuf, dst_out, prev, wsem_d)

      dc = fire_gathers(dst_tbl_hbm, didx_v, dbuf, off)
      for c in sc:
        c.wait()
      pltpu.async_copy(sbuf, src_out.at[pl.ds(base + off, _BATCH)], wsem_s)
      for c in dc:
        c.wait()
      pltpu.async_copy(dbuf, dst_out.at[pl.ds(base + off, _BATCH)], wsem_d)
      return carry

    lax.fori_loop(0, n_batches, body, 0)
    last = (n_batches - 1) * _BATCH
    drain_write(sbuf, src_out, last, wsem_s)
    drain_write(dbuf, dst_out, last, wsem_d)

  return gather_kernel(src_tbl, dst_tbl, src_idx, dst_idx)


def _mlp_body(s_ref, d_ref, e_ref, w1_ref, b1_ref, w2_ref, b2_ref,
              g_ref, bt_ref, o_ref):
  ef = e_ref[:]
  cat = jnp.concatenate(
      [s_ref[:].astype(jnp.bfloat16),
       d_ref[:].astype(jnp.bfloat16),
       ef.astype(jnp.bfloat16)], axis=1)
  h = lax.dot_general(cat, w1_ref[:], (((1,), (0,)), ((), ())),
                      preferred_element_type=jnp.float32)
  h += b1_ref[:]
  h = h * (0.5 * jnp.tanh(0.5 * h) + 0.5)
  h2 = lax.dot_general(h.astype(jnp.bfloat16), w2_ref[:],
                       (((1,), (0,)), ((), ())),
                       preferred_element_type=jnp.float32)
  h2 += b2_ref[:]
  mu = jnp.mean(h2, axis=1, keepdims=True)
  xc = h2 - mu
  var = jnp.mean(xc * xc, axis=1, keepdims=True)
  o_ref[:] = xc * lax.rsqrt(var + 1e-5) * g_ref[:] + bt_ref[:] + ef


def _tc_mlp_seg(acc, src_g, dst_g, edge, w1, b1, w2, b2, gamma, beta,
                blk0, seg_e):
  e, d = edge.shape
  h = w1.shape[1]
  nb = seg_e // _BE

  def seg_map(i):
    return (i + blk0, 0)

  def body(acc_ref, s_ref, d_ref, e_ref, w1_ref, b1_ref, w2_ref, b2_ref,
           g_ref, bt_ref, o_ref):
    del acc_ref
    _mlp_body(s_ref, d_ref, e_ref, w1_ref, b1_ref, w2_ref, b2_ref,
              g_ref, bt_ref, o_ref)

  fn = body if acc is not None else _mlp_body
  in_specs = [
      pl.BlockSpec((_BE, d), lambda i: (i, 0)),
      pl.BlockSpec((_BE, d), lambda i: (i, 0)),
      pl.BlockSpec((_BE, d), seg_map),
      pl.BlockSpec((3 * d, h), lambda i: (0, 0)),
      pl.BlockSpec((1, h), lambda i: (0, 0)),
      pl.BlockSpec((h, d), lambda i: (0, 0)),
      pl.BlockSpec((1, d), lambda i: (0, 0)),
      pl.BlockSpec((1, d), lambda i: (0, 0)),
      pl.BlockSpec((1, d), lambda i: (0, 0)),
  ]
  args = [src_g, dst_g, edge,
          w1.astype(jnp.bfloat16), b1.reshape(1, h),
          w2.astype(jnp.bfloat16), b2.reshape(1, d),
          gamma.reshape(1, d), beta.reshape(1, d)]
  kwargs = {}
  if acc is not None:
    in_specs = [pl.BlockSpec(memory_space=pl.ANY)] + in_specs
    args = [acc] + args
    kwargs["input_output_aliases"] = {0: 0}
  return pl.pallas_call(
      fn,
      grid=(nb,),
      in_specs=in_specs,
      out_specs=pl.BlockSpec((_BE, d), seg_map),
      out_shape=jax.ShapeDtypeStruct((e, d), jnp.float32),
      **kwargs,
  )(*args)


_SEG_SIZES = (12800, 76800, 76800, 76800, 76800)


def kernel(src_node_features, dst_node_features, edge_features,
           src_indices, dst_indices, W1, b1, W2, b2, ln_gamma, ln_beta):
  e, d = edge_features.shape
  src_idx = src_indices.astype(jnp.int32)
  dst_idx = dst_indices.astype(jnp.int32)
  gathered = []
  off = 0
  for seg_e in _SEG_SIZES:
    sl = slice(off, off + seg_e)
    gathered.append(_sc_gather(src_node_features, dst_node_features,
                               src_idx[sl], dst_idx[sl]))
    off += seg_e
  acc = None
  off = 0
  for j, seg_e in enumerate(_SEG_SIZES):
    src_g, dst_g = gathered[j]
    acc = _tc_mlp_seg(acc, src_g, dst_g, edge_features,
                      W1, b1, W2, b2, ln_gamma, ln_beta, off // _BE, seg_e)
    off += seg_e
  return acc

# --- scband reference (transcript-rebuilt; emitter-appended) ---
"""Pipeline reference for scband-mesh-edge-block-40321152975367 (READ-ONLY COPY).

The authoritative reference and input builder live on the scoring server;
editing this copy changes nothing except your own understanding.
"""

import jax, jax.numpy as jnp
import numpy as np

N_NODES = 10000
N_EDGES = 320000
D = 128
H = 512

def setup_inputs(seed: int = 0) -> dict:
    key = jax.random.key(seed)
    ks = jax.random.split(key, 12)
    src_node_features = jax.random.normal(ks[0], (N_NODES, D), dtype=jnp.float32)
    dst_node_features = jax.random.normal(ks[1], (N_NODES, D), dtype=jnp.float32)
    edge_features = jax.random.normal(ks[2], (N_EDGES, D), dtype=jnp.float32)
    src_indices = jax.random.randint(ks[3], (N_EDGES,), 0, N_NODES, dtype=jnp.int64 if jax.config.jax_enable_x64 else jnp.int32)
    dst_indices = jax.random.randint(ks[4], (N_EDGES,), 0, N_NODES, dtype=jnp.int64 if jax.config.jax_enable_x64 else jnp.int32)
    in_dim = 3 * D
    W1 = jax.random.normal(ks[5], (in_dim, H), dtype=jnp.float32) * (1.0 / np.sqrt(in_dim))
    b1 = jnp.zeros((H,), dtype=jnp.float32)
    W2 = jax.random.normal(ks[6], (H, D), dtype=jnp.float32) * (1.0 / np.sqrt(H))
    b2 = jnp.zeros((D,), dtype=jnp.float32)
    ln_gamma = jnp.ones((D,), dtype=jnp.float32)
    ln_beta = jnp.zeros((D,), dtype=jnp.float32)
    return {
        "src_node_features": src_node_features,
        "dst_node_features": dst_node_features,
        "edge_features": edge_features,
        "src_indices": src_indices,
        "dst_indices": dst_indices,
        "W1": W1, "b1": b1, "W2": W2, "b2": b2,
        "ln_gamma": ln_gamma, "ln_beta": ln_beta,
    }

def _layernorm(x, gamma, beta, eps=1e-5):
    mu = jnp.mean(x, axis=-1, keepdims=True)
    var = jnp.var(x, axis=-1, keepdims=True)
    return (x - mu) / jnp.sqrt(var + eps) * gamma + beta

def reference(src_node_features, dst_node_features, edge_features, src_indices, dst_indices, W1, b1, W2, b2, ln_gamma, ln_beta):
    # gather (SparseCore-friendly)
    src_g = jnp.take(src_node_features, src_indices, axis=0)
    dst_g = jnp.take(dst_node_features, dst_indices, axis=0)
    cat = jnp.concatenate([src_g, dst_g, edge_features], axis=-1)
    h = jax.nn.silu(cat @ W1 + b1)
    h = h @ W2 + b2
    h = _layernorm(h, ln_gamma, ln_beta)
    return h + edge_features

if __name__ == "__main__":
    import jax
    _d = setup_inputs()
    print(jax.jit(kernel)(*tuple(_d.values())))

</pallas_src>

<mosaic_0001>
#map = affine_map<(d0, d1) -> (0, 0)>
#map1 = affine_map<(d0, d1) -> (0)>
module attributes {stable_mosaic.version = 14 : i64} {
  func.func @gather_kernel(%arg0: i32, %arg1: i32, %arg2: memref<10000x128xf32, #tpu.memory_space<hbm>>, %arg3: memref<10000x128xf32, #tpu.memory_space<hbm>>, %arg4: memref<12800xi32, #tpu.memory_space<hbm>>, %arg5: memref<12800xi32, #tpu.memory_space<hbm>>, %arg6: memref<12800x128xf32, #tpu.memory_space<hbm>>, %arg7: memref<12800x128xf32, #tpu.memory_space<hbm>>, %arg8: memref<400xi32, #tpu.memory_space<vmem>>, %arg9: memref<400xi32, #tpu.memory_space<vmem>>, %arg10: memref<400x128xf32, #tpu.memory_space<vmem>>, %arg11: memref<400x128xf32, #tpu.memory_space<vmem>>, %arg12: memref<!tpu.dma_semaphore, #tpu.memory_space<semaphore_mem>>, %arg13: memref<!tpu.dma_semaphore, #tpu.memory_space<semaphore_mem>>, %arg14: memref<!tpu.dma_semaphore, #tpu.memory_space<semaphore_mem>>) attributes {dimension_semantics = [#tpu.dimension_semantics<core_parallel>, #tpu.dimension_semantics<subcore_parallel>], iteration_bounds = array<i64: 2, 16>, scalar_prefetch = 0 : i64, scratch_operands = 7 : i64, tpu.core_type = #tpu.core_type<sc_vector_subcore>, window_params = [{transform_indices = #map}, {transform_indices = #map}, {transform_indices = #map1}, {transform_indices = #map1}, {transform_indices = #map}, {transform_indices = #map}]} {
    %mul3A = arith.constant 2 : i32
    %mul3A_0 = arith.muli %arg1, %mul3A : i32
    %add3A = arith.addi %mul3A_0, %arg0 : i32
    %mul3A_1 = arith.constant 400 : i32
    %mul3A_2 = arith.muli %add3A, %mul3A_1 : i32
    "tpu.region"() ({
      %run_scoped3A = tpu.sem_alloc : memref<!tpu.dma_semaphore, #tpu.memory_space<semaphore_mem>>
      %dma_start3A_197 = tpu.memref_slice %arg4[%mul3A_2] : memref<12800xi32, #tpu.memory_space<hbm>> -> memref<400xi32, #tpu.memory_space<hbm>>
      %dma_start3A_198 = tpu.memref_slice %arg4[%mul3A_2] : memref<12800xi32, #tpu.memory_space<hbm>> -> memref<400xi32, #tpu.memory_space<hbm>>
      tpu.enqueue_dma source(%dma_start3A_198 : memref<400xi32, #tpu.memory_space<hbm>>) target(%arg8 : memref<400xi32, #tpu.memory_space<vmem>>) target_semaphore(%run_scoped3A : memref<!tpu.dma_semaphore, #tpu.memory_space<semaphore_mem>>)
      %dma_wait3A_199 = tpu.memref_slice %arg4[%mul3A_2] : memref<12800xi32, #tpu.memory_space<hbm>> -> memref<400xi32, #tpu.memory_space<hbm>>
      %dma_wait3A_200 = tpu.memref_slice %arg4[%mul3A_2] : memref<12800xi32, #tpu.memory_space<hbm>> -> memref<400xi32, #tpu.memory_space<hbm>>
      tpu.wait_dma2 semaphore(%run_scoped3A : memref<!tpu.dma_semaphore, #tpu.memory_space<semaphore_mem>>) src(%dma_wait3A_200 : memref<400xi32, #tpu.memory_space<hbm>>) dst(%arg8 : memref<400xi32, #tpu.memory_space<vmem>>)
      tpu.yield
    }) : () -> ()
    "tpu.region"() ({
      %run_scoped3A = tpu.sem_alloc : memref<!tpu.dma_semaphore, #tpu.memory_space<semaphore_mem>>
      %dma_start3A_197 = tpu.memref_slice %arg5[%mul3A_2] : memref<12800xi32, #tpu.memory_space<hbm>> -> memref<400xi32, #tpu.memory_space<hbm>>
      %dma_start3A_198 = tpu.memref_slice %arg5[%mul3A_2] : memref<12800xi32, #tpu.memory_space<hbm>> -> memref<400xi32, #tpu.memory_space<hbm>>
      tpu.enqueue_dma source(%dma_start3A_198 : memref<400xi32, #tpu.memory_space<hbm>>) target(%arg9 : memref<400xi32, #tpu.memory_space<vmem>>) target_semaphore(%run_scoped3A : memref<!tpu.dma_semaphore, #tpu.memory_space<semaphore_mem>>)
      %dma_wait3A_199 = tpu.memref_slice %arg5[%mul3A_2] : memref<12800xi32, #tpu.memory_space<hbm>> -> memref<400xi32, #tpu.memory_space<hbm>>
      %dma_wait3A_200 = tpu.memref_slice %arg5[%mul3A_2] : memref<12800xi32, #tpu.memory_space<hbm>> -> memref<400xi32, #tpu.memory_space<hbm>>
      tpu.wait_dma2 semaphore(%run_scoped3A : memref<!tpu.dma_semaphore, #tpu.memory_space<semaphore_mem>>) src(%dma_wait3A_200 : memref<400xi32, #tpu.memory_space<hbm>>) dst(%arg9 : memref<400xi32, #tpu.memory_space<vmem>>)
      tpu.yield
    }) : () -> ()
    %scan3A = arith.constant 0 : i32
    %scan3A_3 = arith.constant 0 : i32
    %mul3A_4 = arith.constant 400 : i32
    %mul3A_5 = arith.muli %scan3A_3, %mul3A_4 : i32
    %sub3A = arith.constant 1 : i32
    %sub3A_6 = arith.subi %scan3A_3, %sub3A : i32
    %mul3A_7 = arith.constant 400 : i32
    %mul3A_8 = arith.muli %sub3A_6, %mul3A_7 : i32
    %gt3A = arith.constant 0 : i32
    %gt3A_9 = arith.cmpi sgt, %scan3A_3, %gt3A : i32
    %convert_element_type3A = arith.extui %gt3A_9 : i1 to i32
    %cond3A = arith.constant 0 : i32
    %cond3A_10 = arith.cmpi ne, %convert_element_type3A, %cond3A : i32
    scf.if %cond3A_10 {
      %add3A_197 = arith.addi %mul3A_2, %mul3A_8 : i32
      %dma_wait3A_198 = arith.constant 0 : i32
      %dma_wait3A_199 = tpu.memref_slice %arg6[%add3A_197, %dma_wait3A_198] : memref<12800x128xf32, #tpu.memory_space<hbm>> -> memref<400x128xf32, #tpu.memory_space<hbm>>
      %dma_wait3A_200 = arith.constant 0 : i32
      %dma_wait3A_201 = tpu.memref_slice %arg6[%add3A_197, %dma_wait3A_200] : memref<12800x128xf32, #tpu.memory_space<hbm>> -> memref<400x128xf32, #tpu.memory_space<hbm>>
      tpu.wait_dma2 semaphore(%arg13 : memref<!tpu.dma_semaphore, #tpu.memory_space<semaphore_mem>>) src(%arg10 : memref<400x128xf32, #tpu.memory_space<vmem>>) dst(%dma_wait3A_201 : memref<400x128xf32, #tpu.memory_space<hbm>>)
    } else {
    }
    %add3A_11 = arith.constant 0 : i32
    %add3A_12 = arith.addi %mul3A_5, %add3A_11 : i32
    %dma_start3A = arith.constant 0 : i32
    %dma_start3A_13 = arith.constant 0 : i32
    %dma_start3A_14 = tpu.memref_slice %arg10[%dma_start3A, %dma_start3A_13] : memref<400x128xf32, #tpu.memory_space<vmem>> -> memref<80x128xf32, #tpu.memory_space<vmem>>
    %dma_start3A_15 = tpu.memref_slice %arg8[%add3A_12] : memref<400xi32, #tpu.memory_space<vmem>> -> memref<80xi32, #tpu.memory_space<vmem>>
    %dma_start3A_16 = arith.constant 0 : i32
    %dma_start3A_17 = arith.constant 0 : i32
    %dma_start3A_18 = tpu.memref_slice %arg2[%dma_start3A_16, %dma_start3A_17] : memref<10000x128xf32, #tpu.memory_space<hbm>> -> memref<10000x128xf32, #tpu.memory_space<hbm>>
    tpu.enqueue_indirect_dma source(%dma_start3A_18 : memref<10000x128xf32, #tpu.memory_space<hbm>>) target(%dma_start3A_14 : memref<80x128xf32, #tpu.memory_space<vmem>>) offsets(%dma_start3A_15 : memref<80xi32, #tpu.memory_space<vmem>>) semaphore(%arg12 : memref<!tpu.dma_semaphore, #tpu.memory_space<semaphore_mem>>)
    %add3A_19 = arith.constant 80 : i32
    %add3A_20 = arith.addi %mul3A_5, %add3A_19 : i32
    %dma_start3A_21 = arith.constant 80 : i32
    %dma_start3A_22 = arith.constant 0 : i32
    %dma_start3A_23 = tpu.memref_slice %arg10[%dma_start3A_21, %dma_start3A_22] : memref<400x128xf32, #tpu.memory_space<vmem>> -> memref<80x128xf32, #tpu.memory_space<vmem>>
    %dma_start3A_24 = tpu.memref_slice %arg8[%add3A_20] : memref<400xi32, #tpu.memory_space<vmem>> -> memref<80xi32, #tpu.memory_space<vmem>>
    %dma_start3A_25 = arith.constant 0 : i32
    %dma_start3A_26 = arith.constant 0 : i32
    %dma_start3A_27 = tpu.memref_slice %arg2[%dma_start3A_25, %dma_start3A_26] : memref<10000x128xf32, #tpu.memory_space<hbm>> -> memref<10000x128xf32, #tpu.memory_space<hbm>>
    tpu.enqueue_indirect_dma source(%dma_start3A_27 : memref<10000x128xf32, #tpu.memory_space<hbm>>) target(%dma_start3A_23 : memref<80x128xf32, #tpu.memory_space<vmem>>) offsets(%dma_start3A_24 : memref<80xi32, #tpu.memory_space<vmem>>) semaphore(%arg12 : memref<!tpu.dma_semaphore, #tpu.memory_space<semaphore_mem>>)
    %add3A_28 = arith.constant 160 : i32
    %add3A_29 = arith.addi %mul3A_5, %add3A_28 : i32
    %dma_start3A_30 = arith.constant 160 : i32
    %dma_start3A_31 = arith.constant 0 : i32
    %dma_start3A_32 = tpu.memref_slice %arg10[%dma_start3A_30, %dma_start3A_31] : memref<400x128xf32, #tpu.memory_space<vmem>> -> memref<80x128xf32, #tpu.memory_space<vmem>>
    %dma_start3A_33 = tpu.memref_slice %arg8[%add3A_29] : memref<400xi32, #tpu.memory_space<vmem>> -> memref<80xi32, #tpu.memory_space<vmem>>
    %dma_start3A_34 = arith.constant 0 : i32
    %dma_start3A_35 = arith.constant 0 : i32
    %dma_start3A_36 = tpu.memref_slice %arg2[%dma_start3A_34, %dma_start3A_35] : memref<10000x128xf32, #tpu.memory_space<hbm>> -> memref<10000x128xf32, #tpu.memory_space<hbm>>
    tpu.enqueue_indirect_dma source(%dma_start3A_36 : memref<10000x128xf32, #tpu.memory_space<hbm>>) target(%dma_start3A_32 : memref<80x128xf32, #tpu.memory_space<vmem>>) offsets(%dma_start3A_33 : memref<80xi32, #tpu.memory_space<vmem>>) semaphore(%arg12 : memref<!tpu.dma_semaphore, #tpu.memory_space<semaphore_mem>>)
    %add3A_37 = arith.constant 240 : i32
    %add3A_38 = arith.addi %mul3A_5, %add3A_37 : i32
    %dma_start3A_39 = arith.constant 240 : i32
    %dma_start3A_40 = arith.constant 0 : i32
    %dma_start3A_41 = tpu.memref_slice %arg10[%dma_start3A_39, %dma_start3A_40] : memref<400x128xf32, #tpu.memory_space<vmem>> -> memref<80x128xf32, #tpu.memory_space<vmem>>
    %dma_start3A_42 = tpu.memref_slice %arg8[%add3A_38] : memref<400xi32, #tpu.memory_space<vmem>> -> memref<80xi32, #tpu.memory_space<vmem>>
    %dma_start3A_43 = arith.constant 0 : i32
    %dma_start3A_44 = arith.constant 0 : i32
    %dma_start3A_45 = tpu.memref_slice %arg2[%dma_start3A_43, %dma_start3A_44] : memref<10000x128xf32, #tpu.memory_space<hbm>> -> memref<10000x128xf32, #tpu.memory_space<hbm>>
    tpu.enqueue_indirect_dma source(%dma_start3A_45 : memref<10000x128xf32, #tpu.memory_space<hbm>>) target(%dma_start3A_41 : memref<80x128xf32, #tpu.memory_space<vmem>>) offsets(%dma_start3A_42 : memref<80xi32, #tpu.memory_space<vmem>>) semaphore(%arg12 : memref<!tpu.dma_semaphore, #tpu.memory_space<semaphore_mem>>)
    %add3A_46 = arith.constant 320 : i32
    %add3A_47 = arith.addi %mul3A_5, %add3A_46 : i32
    %dma_start3A_48 = arith.constant 320 : i32
    %dma_start3A_49 = arith.constant 0 : i32
    %dma_start3A_50 = tpu.memref_slice %arg10[%dma_start3A_48, %dma_start3A_49] : memref<400x128xf32, #tpu.memory_space<vmem>> -> memref<80x128xf32, #tpu.memory_space<vmem>>
    %dma_start3A_51 = tpu.memref_slice %arg8[%add3A_47] : memref<400xi32, #tpu.memory_space<vmem>> -> memref<80xi32, #tpu.memory_space<vmem>>
    %dma_start3A_52 = arith.constant 0 : i32
    %dma_start3A_53 = arith.constant 0 : i32
    %dma_start3A_54 = tpu.memref_slice %arg2[%dma_start3A_52, %dma_start3A_53] : memref<10000x128xf32, #tpu.memory_space<hbm>> -> memref<10000x128xf32, #tpu.memory_space<hbm>>
    tpu.enqueue_indirect_dma source(%dma_start3A_54 : memref<10000x128xf32, #tpu.memory_space<hbm>>) target(%dma_start3A_50 : memref<80x128xf32, #tpu.memory_space<vmem>>) offsets(%dma_start3A_51 : memref<80xi32, #tpu.memory_space<vmem>>) semaphore(%arg12 : memref<!tpu.dma_semaphore, #tpu.memory_space<semaphore_mem>>)
    %gt3A_55 = arith.constant 0 : i32
    %gt3A_56 = arith.cmpi sgt, %scan3A_3, %gt3A_55 : i32
    %convert_element_type3A_57 = arith.extui %gt3A_56 : i1 to i32
    %cond3A_58 = arith.constant 0 : i32
    %cond3A_59 = arith.cmpi ne, %convert_element_type3A_57, %cond3A_58 : i32
    scf.if %cond3A_59 {
      %add3A_197 = arith.addi %mul3A_2, %mul3A_8 : i32
      %dma_wait3A_198 = arith.constant 0 : i32
      %dma_wait3A_199 = tpu.memref_slice %arg7[%add3A_197, %dma_wait3A_198] : memref<12800x128xf32, #tpu.memory_space<hbm>> -> memref<400x128xf32, #tpu.memory_space<hbm>>
      %dma_wait3A_200 = arith.constant 0 : i32
      %dma_wait3A_201 = tpu.memref_slice %arg7[%add3A_197, %dma_wait3A_200] : memref<12800x128xf32, #tpu.memory_space<hbm>> -> memref<400x128xf32, #tpu.memory_space<hbm>>
      tpu.wait_dma2 semaphore(%arg14 : memref<!tpu.dma_semaphore, #tpu.memory_space<semaphore_mem>>) src(%arg11 : memref<400x128xf32, #tpu.memory_space<vmem>>) dst(%dma_wait3A_201 : memref<400x128xf32, #tpu.memory_space<hbm>>)
    } else {
    }
    %add3A_60 = arith.constant 0 : i32
    %add3A_61 = arith.addi %mul3A_5, %add3A_60 : i32
    %dma_start3A_62 = arith.constant 0 : i32
    %dma_start3A_63 = arith.constant 0 : i32
    %dma_start3A_64 = tpu.memref_slice %arg11[%dma_start3A_62, %dma_start3A_63] : memref<400x128xf32, #tpu.memory_space<vmem>> -> memref<80x128xf32, #tpu.memory_space<vmem>>
    %dma_start3A_65 = tpu.memref_slice %arg9[%add3A_61] : memref<400xi32, #tpu.memory_space<vmem>> -> memref<80xi32, #tpu.memory_space<vmem>>
    %dma_start3A_66 = arith.constant 0 : i32
    %dma_start3A_67 = arith.constant 0 : i32
    %dma_start3A_68 = tpu.memref_slice %arg3[%dma_start3A_66, %dma_start3A_67] : memref<10000x128xf32, #tpu.memory_space<hbm>> -> memref<10000x128xf32, #tpu.memory_space<hbm>>
    tpu.enqueue_indirect_dma source(%dma_start3A_68 : memref<10000x128xf32, #tpu.memory_space<hbm>>) target(%dma_start3A_64 : memref<80x128xf32, #tpu.memory_space<vmem>>) offsets(%dma_start3A_65 : memref<80xi32, #tpu.memory_space<vmem>>) semaphore(%arg12 : memref<!tpu.dma_semaphore, #tpu.memory_space<semaphore_mem>>)
    %add3A_69 = arith.constant 80 : i32
    %add3A_70 = arith.addi %mul3A_5, %add3A_69 : i32
    %dma_start3A_71 = arith.constant 80 : i32
    %dma_start3A_72 = arith.constant 0 : i32
    %dma_start3A_73 = tpu.memref_slice %arg11[%dma_start3A_71, %dma_start3A_72] : memref<400x128xf32, #tpu.memory_space<vmem>> -> memref<80x128xf32, #tpu.memory_space<vmem>>
    %dma_start3A_74 = tpu.memref_slice %arg9[%add3A_70] : memref<400xi32, #tpu.memory_space<vmem>> -> memref<80xi32, #tpu.memory_space<vmem>>
    %dma_start3A_75 = arith.constant 0 : i32
    %dma_start3A_76 = arith.constant 0 : i32
    %dma_start3A_77 = tpu.memref_slice %arg3[%dma_start3A_75, %dma_start3A_76] : memref<10000x128xf32, #tpu.memory_space<hbm>> -> memref<10000x128xf32, #tpu.memory_space<hbm>>
    tpu.enqueue_indirect_dma source(%dma_start3A_77 : memref<10000x128xf32, #tpu.memory_space<hbm>>) target(%dma_start3A_73 : memref<80x128xf32, #tpu.memory_space<vmem>>) offsets(%dma_start3A_74 : memref<80xi32, #tpu.memory_space<vmem>>) semaphore(%arg12 : memref<!tpu.dma_semaphore, #tpu.memory_space<semaphore_mem>>)
    %add3A_78 = arith.constant 160 : i32
    %add3A_79 = arith.addi %mul3A_5, %add3A_78 : i32
    %dma_start3A_80 = arith.constant 160 : i32
    %dma_start3A_81 = arith.constant 0 : i32
    %dma_start3A_82 = tpu.memref_slice %arg11[%dma_start3A_80, %dma_start3A_81] : memref<400x128xf32, #tpu.memory_space<vmem>> -> memref<80x128xf32, #tpu.memory_space<vmem>>
    %dma_start3A_83 = tpu.memref_slice %arg9[%add3A_79] : memref<400xi32, #tpu.memory_space<vmem>> -> memref<80xi32, #tpu.memory_space<vmem>>
    %dma_start3A_84 = arith.constant 0 : i32
    %dma_start3A_85 = arith.constant 0 : i32
    %dma_start3A_86 = tpu.memref_slice %arg3[%dma_start3A_84, %dma_start3A_85] : memref<10000x128xf32, #tpu.memory_space<hbm>> -> memref<10000x128xf32, #tpu.memory_space<hbm>>
    tpu.enqueue_indirect_dma source(%dma_start3A_86 : memref<10000x128xf32, #tpu.memory_space<hbm>>) target(%dma_start3A_82 : memref<80x128xf32, #tpu.memory_space<vmem>>) offsets(%dma_start3A_83 : memref<80xi32, #tpu.memory_space<vmem>>) semaphore(%arg12 : memref<!tpu.dma_semaphore, #tpu.memory_space<semaphore_mem>>)
    %add3A_87 = arith.constant 240 : i32
    %add3A_88 = arith.addi %mul3A_5, %add3A_87 : i32
    %dma_start3A_89 = arith.constant 240 : i32
    %dma_start3A_90 = arith.constant 0 : i32
    %dma_start3A_91 = tpu.memref_slice %arg11[%dma_start3A_89, %dma_start3A_90] : memref<400x128xf32, #tpu.memory_space<vmem>> -> memref<80x128xf32, #tpu.memory_space<vmem>>
    %dma_start3A_92 = tpu.memref_slice %arg9[%add3A_88] : memref<400xi32, #tpu.memory_space<vmem>> -> memref<80xi32, #tpu.memory_space<vmem>>
    %dma_start3A_93 = arith.constant 0 : i32
    %dma_start3A_94 = arith.constant 0 : i32
    %dma_start3A_95 = tpu.memref_slice %arg3[%dma_start3A_93, %dma_start3A_94] : memref<10000x128xf32, #tpu.memory_space<hbm>> -> memref<10000x128xf32, #tpu.memory_space<hbm>>
    tpu.enqueue_indirect_dma source(%dma_start3A_95 : memref<10000x128xf32, #tpu.memory_space<hbm>>) target(%dma_start3A_91 : memref<80x128xf32, #tpu.memory_space<vmem>>) offsets(%dma_start3A_92 : memref<80xi32, #tpu.memory_space<vmem>>) semaphore(%arg12 : memref<!tpu.dma_semaphore, #tpu.memory_space<semaphore_mem>>)
    %add3A_96 = arith.constant 320 : i32
    %add3A_97 = arith.addi %mul3A_5, %add3A_96 : i32
    %dma_start3A_98 = arith.constant 320 : i32
    %dma_start3A_99 = arith.constant 0 : i32
    %dma_start3A_100 = tpu.memref_slice %arg11[%dma_start3A_98, %dma_start3A_99] : memref<400x128xf32, #tpu.memory_space<vmem>> -> memref<80x128xf32, #tpu.memory_space<vmem>>
    %dma_start3A_101 = tpu.memref_slice %arg9[%add3A_97] : memref<400xi32, #tpu.memory_space<vmem>> -> memref<80xi32, #tpu.memory_space<vmem>>
    %dma_start3A_102 = arith.constant 0 : i32
    %dma_start3A_103 = arith.constant 0 : i32
    %dma_start3A_104 = tpu.memref_slice %arg3[%dma_start3A_102, %dma_start3A_103] : memref<10000x128xf32, #tpu.memory_space<hbm>> -> memref<10000x128xf32, #tpu.memory_space<hbm>>
    tpu.enqueue_indirect_dma source(%dma_start3A_104 : memref<10000x128xf32, #tpu.memory_space<hbm>>) target(%dma_start3A_100 : memref<80x128xf32, #tpu.memory_space<vmem>>) offsets(%dma_start3A_101 : memref<80xi32, #tpu.memory_space<vmem>>) semaphore(%arg12 : memref<!tpu.dma_semaphore, #tpu.memory_space<semaphore_mem>>)
    %dma_wait3A = arith.constant 0 : i32
    %dma_wait3A_105 = arith.constant 0 : i32
    %dma_wait3A_106 = tpu.memref_slice %arg10[%dma_wait3A, %dma_wait3A_105] : memref<400x128xf32, #tpu.memory_space<vmem>> -> memref<80x128xf32, #tpu.memory_space<vmem>>
    %dma_wait3A_107 = tpu.memref_slice %arg8[%add3A_12] : memref<400xi32, #tpu.memory_space<vmem>> -> memref<80xi32, #tpu.memory_space<vmem>>
    %dma_wait3A_108 = arith.constant 0 : i32
    %dma_wait3A_109 = arith.constant 0 : i32
    %dma_wait3A_110 = tpu.memref_slice %arg2[%dma_wait3A_108, %dma_wait3A_109] : memref<10000x128xf32, #tpu.memory_space<hbm>> -> memref<10000x128xf32, #tpu.memory_space<hbm>>
    tpu.wait_indirect_dma semaphore(%arg12 : memref<!tpu.dma_semaphore, #tpu.memory_space<semaphore_mem>>) src(%dma_wait3A_110 : memref<10000x128xf32, #tpu.memory_space<hbm>>) dst(%dma_wait3A_106 : memref<80x128xf32, #tpu.memory_space<vmem>>)
    %dma_wait3A_111 = arith.constant 80 : i32
    %dma_wait3A_112 = arith.constant 0 : i32
    %dma_wait3A_113 = tpu.memref_slice %arg10[%dma_wait3A_111, %dma_wait3A_112] : memref<400x128xf32, #tpu.memory_space<vmem>> -> memref<80x128xf32, #tpu.memory_space<vmem>>
    %dma_wait3A_114 = tpu.memref_slice %arg8[%add3A_20] : memref<400xi32, #tpu.memory_space<vmem>> -> memref<80xi32, #tpu.memory_space<vmem>>
    %dma_wait3A_115 = arith.constant 0 : i32
    %dma_wait3A_116 = arith.constant 0 : i32
    %dma_wait3A_117 = tpu.memref_slice %arg2[%dma_wait3A_115, %dma_wait3A_116] : memref<10000x128xf32, #tpu.memory_space<hbm>> -> memref<10000x128xf32, #tpu.memory_space<hbm>>
    tpu.wait_indirect_dma semaphore(%arg12 : memref<!tpu.dma_semaphore, #tpu.memory_space<semaphore_mem>>) src(%dma_wait3A_117 : memref<10000x128xf32, #tpu.memory_space<hbm>>) dst(%dma_wait3A_113 : memref<80x128xf32, #tpu.memory_space<vmem>>)
    %dma_wait3A_118 = arith.constant 160 : i32
    %dma_wait3A_119 = arith.constant 0 : i32
    %dma_wait3A_120 = tpu.memref_slice %arg10[%dma_wait3A_118, %dma_wait3A_119] : memref<400x128xf32, #tpu.memory_space<vmem>> -> memref<80x128xf32, #tpu.memory_space<vmem>>
    %dma_wait3A_121 = tpu.memref_slice %arg8[%add3A_29] : memref<400xi32, #tpu.memory_space<vmem>> -> memref<80xi32, #tpu.memory_space<vmem>>
    %dma_wait3A_122 = arith.constant 0 : i32
    %dma_wait3A_123 = arith.constant 0 : i32
    %dma_wait3A_124 = tpu.memref_slice %arg2[%dma_wait3A_122, %dma_wait3A_123] : memref<10000x128xf32, #tpu.memory_space<hbm>> -> memref<10000x128xf32, #tpu.memory_space<hbm>>
    tpu.wait_indirect_dma semaphore(%arg12 : memref<!tpu.dma_semaphore, #tpu.memory_space<semaphore_mem>>) src(%dma_wait3A_124 : memref<10000x128xf32, #tpu.memory_space<hbm>>) dst(%dma_wait3A_120 : memref<80x128xf32, #tpu.memory_space<vmem>>)
    %dma_wait3A_125 = arith.constant 240 : i32
    %dma_wait3A_126 = arith.constant 0 : i32
    %dma_wait3A_127 = tpu.memref_slice %arg10[%dma_wait3A_125, %dma_wait3A_126] : memref<400x128xf32, #tpu.memory_space<vmem>> -> memref<80x128xf32, #tpu.memory_space<vmem>>
    %dma_wait3A_128 = tpu.memref_slice %arg8[%add3A_38] : memref<400xi32, #tpu.memory_space<vmem>> -> memref<80xi32, #tpu.memory_space<vmem>>
    %dma_wait3A_129 = arith.constant 0 : i32
    %dma_wait3A_130 = arith.constant 0 : i32
    %dma_wait3A_131 = tpu.memref_slice %arg2[%dma_wait3A_129, %dma_wait3A_130] : memref<10000x128xf32, #tpu.memory_space<hbm>> -> memref<10000x128xf32, #tpu.memory_space<hbm>>
    tpu.wait_indirect_dma semaphore(%arg12 : memref<!tpu.dma_semaphore, #tpu.memory_space<semaphore_mem>>) src(%dma_wait3A_131 : memref<10000x128xf32, #tpu.memory_space<hbm>>) dst(%dma_wait3A_127 : memref<80x128xf32, #tpu.memory_space<vmem>>)
    %dma_wait3A_132 = arith.constant 320 : i32
    %dma_wait3A_133 = arith.constant 0 : i32
    %dma_wait3A_134 = tpu.memref_slice %arg10[%dma_wait3A_132, %dma_wait3A_133] : memref<400x128xf32, #tpu.memory_space<vmem>> -> memref<80x128xf32, #tpu.memory_space<vmem>>
    %dma_wait3A_135 = tpu.memref_slice %arg8[%add3A_47] : memref<400xi32, #tpu.memory_space<vmem>> -> memref<80xi32, #tpu.memory_space<vmem>>
    %dma_wait3A_136 = arith.constant 0 : i32
    %dma_wait3A_137 = arith.constant 0 : i32
    %dma_wait3A_138 = tpu.memref_slice %arg2[%dma_wait3A_136, %dma_wait3A_137] : memref<10000x128xf32, #tpu.memory_space<hbm>> -> memref<10000x128xf32, #tpu.memory_space<hbm>>
    tpu.wait_indirect_dma semaphore(%arg12 : memref<!tpu.dma_semaphore, #tpu.memory_space<semaphore_mem>>) src(%dma_wait3A_138 : memref<10000x128xf32, #tpu.memory_space<hbm>>) dst(%dma_wait3A_134 : memref<80x128xf32, #tpu.memory_space<vmem>>)
    %add3A_139 = arith.addi %mul3A_2, %mul3A_5 : i32
    %dma_start3A_140 = arith.constant 0 : i32
    %dma_start3A_141 = tpu.memref_slice %arg6[%add3A_139, %dma_start3A_140] : memref<12800x128xf32, #tpu.memory_space<hbm>> -> memref<400x128xf32, #tpu.memory_space<hbm>>
    %dma_start3A_142 = arith.constant 0 : i32
    %dma_start3A_143 = tpu.memref_slice %arg6[%add3A_139, %dma_start3A_142] : memref<12800x128xf32, #tpu.memory_space<hbm>> -> memref<400x128xf32, #tpu.memory_space<hbm>>
    tpu.enqueue_dma source(%arg10 : memref<400x128xf32, #tpu.memory_space<vmem>>) target(%dma_start3A_143 : memref<400x128xf32, #tpu.memory_space<hbm>>) target_semaphore(%arg13 : memref<!tpu.dma_semaphore, #tpu.memory_space<semaphore_mem>>)
    %dma_wait3A_144 = arith.constant 0 : i32
    %dma_wait3A_145 = arith.constant 0 : i32
    %dma_wait3A_146 = tpu.memref_slice %arg11[%dma_wait3A_144, %dma_wait3A_145] : memref<400x128xf32, #tpu.memory_space<vmem>> -> memref<80x128xf32, #tpu.memory_space<vmem>>
    %dma_wait3A_147 = tpu.memref_slice %arg9[%add3A_61] : memref<400xi32, #tpu.memory_space<vmem>> -> memref<80xi32, #tpu.memory_space<vmem>>
    %dma_wait3A_148 = arith.constant 0 : i32
    %dma_wait3A_149 = arith.constant 0 : i32
    %dma_wait3A_150 = tpu.memref_slice %arg3[%dma_wait3A_148, %dma_wait3A_149] : memref<10000x128xf32, #tpu.memory_space<hbm>> -> memref<10000x128xf32, #tpu.memory_space<hbm>>
    tpu.wait_indirect_dma semaphore(%arg12 : memref<!tpu.dma_semaphore, #tpu.memory_space<semaphore_mem>>) src(%dma_wait3A_150 : memref<10000x128xf32, #tpu.memory_space<hbm>>) dst(%dma_wait3A_146 : memref<80x128xf32, #tpu.memory_space<vmem>>)
    %dma_wait3A_151 = arith.constant 80 : i32
    %dma_wait3A_152 = arith.constant 0 : i32
    %dma_wait3A_153 = tpu.memref_slice %arg11[%dma_wait3A_151, %dma_wait3A_152] : memref<400x128xf32, #tpu.memory_space<vmem>> -> memref<80x128xf32, #tpu.memory_space<vmem>>
    %dma_wait3A_154 = tpu.memref_slice %arg9[%add3A_70] : memref<400xi32, #tpu.memory_space<vmem>> -> memref<80xi32, #tpu.memory_space<vmem>>
    %dma_wait3A_155 = arith.constant 0 : i32
    %dma_wait3A_156 = arith.constant 0 : i32
    %dma_wait3A_157 = tpu.memref_slice %arg3[%dma_wait3A_155, %dma_wait3A_156] : memref<10000x128xf32, #tpu.memory_space<hbm>> -> memref<10000x128xf32, #tpu.memory_space<hbm>>
    tpu.wait_indirect_dma semaphore(%arg12 : memref<!tpu.dma_semaphore, #tpu.memory_space<semaphore_mem>>) src(%dma_wait3A_157 : memref<10000x128xf32, #tpu.memory_space<hbm>>) dst(%dma_wait3A_153 : memref<80x128xf32, #tpu.memory_space<vmem>>)
    %dma_wait3A_158 = arith.constant 160 : i32
    %dma_wait3A_159 = arith.constant 0 : i32
    %dma_wait3A_160 = tpu.memref_slice %arg11[%dma_wait3A_158, %dma_wait3A_159] : memref<400x128xf32, #tpu.memory_space<vmem>> -> memref<80x128xf32, #tpu.memory_space<vmem>>
    %dma_wait3A_161 = tpu.memref_slice %arg9[%add3A_79] : memref<400xi32, #tpu.memory_space<vmem>> -> memref<80xi32, #tpu.memory_space<vmem>>
    %dma_wait3A_162 = arith.constant 0 : i32
    %dma_wait3A_163 = arith.constant 0 : i32
    %dma_wait3A_164 = tpu.memref_slice %arg3[%dma_wait3A_162, %dma_wait3A_163] : memref<10000x128xf32, #tpu.memory_space<hbm>> -> memref<10000x128xf32, #tpu.memory_space<hbm>>
    tpu.wait_indirect_dma semaphore(%arg12 : memref<!tpu.dma_semaphore, #tpu.memory_space<semaphore_mem>>) src(%dma_wait3A_164 : memref<10000x128xf32, #tpu.memory_space<hbm>>) dst(%dma_wait3A_160 : memref<80x128xf32, #tpu.memory_space<vmem>>)
    %dma_wait3A_165 = arith.constant 240 : i32
    %dma_wait3A_166 = arith.constant 0 : i32
    %dma_wait3A_167 = tpu.memref_slice %arg11[%dma_wait3A_165, %dma_wait3A_166] : memref<400x128xf32, #tpu.memory_space<vmem>> -> memref<80x128xf32, #tpu.memory_space<vmem>>
    %dma_wait3A_168 = tpu.memref_slice %arg9[%add3A_88] : memref<400xi32, #tpu.memory_space<vmem>> -> memref<80xi32, #tpu.memory_space<vmem>>
    %dma_wait3A_169 = arith.constant 0 : i32
    %dma_wait3A_170 = arith.constant 0 : i32
    %dma_wait3A_171 = tpu.memref_slice %arg3[%dma_wait3A_169, %dma_wait3A_170] : memref<10000x128xf32, #tpu.memory_space<hbm>> -> memref<10000x128xf32, #tpu.memory_space<hbm>>
    tpu.wait_indirect_dma semaphore(%arg12 : memref<!tpu.dma_semaphore, #tpu.memory_space<semaphore_mem>>) src(%dma_wait3A_171 : memref<10000x128xf32, #tpu.memory_space<hbm>>) dst(%dma_wait3A_167 : memref<80x128xf32, #tpu.memory_space<vmem>>)
    %dma_wait3A_172 = arith.constant 320 : i32
    %dma_wait3A_173 = arith.constant 0 : i32
    %dma_wait3A_174 = tpu.memref_slice %arg11[%dma_wait3A_172, %dma_wait3A_173] : memref<400x128xf32, #tpu.memory_space<vmem>> -> memref<80x128xf32, #tpu.memory_space<vmem>>
    %dma_wait3A_175 = tpu.memref_slice %arg9[%add3A_97] : memref<400xi32, #tpu.memory_space<vmem>> -> memref<80xi32, #tpu.memory_space<vmem>>
    %dma_wait3A_176 = arith.constant 0 : i32
    %dma_wait3A_177 = arith.constant 0 : i32
    %dma_wait3A_178 = tpu.memref_slice %arg3[%dma_wait3A_176, %dma_wait3A_177] : memref<10000x128xf32, #tpu.memory_space<hbm>> -> memref<10000x128xf32, #tpu.memory_space<hbm>>
    tpu.wait_indirect_dma semaphore(%arg12 : memref<!tpu.dma_semaphore, #tpu.memory_space<semaphore_mem>>) src(%dma_wait3A_178 : memref<10000x128xf32, #tpu.memory_space<hbm>>) dst(%dma_wait3A_174 : memref<80x128xf32, #tpu.memory_space<vmem>>)
    %add3A_179 = arith.addi %mul3A_2, %mul3A_5 : i32
    %dma_start3A_180 = arith.constant 0 : i32
    %dma_start3A_181 = tpu.memref_slice %arg7[%add3A_179, %dma_start3A_180] : memref<12800x128xf32, #tpu.memory_space<hbm>> -> memref<400x128xf32, #tpu.memory_space<hbm>>
    %dma_start3A_182 = arith.constant 0 : i32
    %dma_start3A_183 = tpu.memref_slice %arg7[%add3A_179, %dma_start3A_182] : memref<12800x128xf32, #tpu.memory_space<hbm>> -> memref<400x128xf32, #tpu.memory_space<hbm>>
    tpu.enqueue_dma source(%arg11 : memref<400x128xf32, #tpu.memory_space<vmem>>) target(%dma_start3A_183 : memref<400x128xf32, #tpu.memory_space<hbm>>) target_semaphore(%arg14 : memref<!tpu.dma_semaphore, #tpu.memory_space<semaphore_mem>>)
    %scan3A_184 = arith.constant 1 : i32
    %add3A_185 = arith.constant 0 : i32
    %add3A_186 = arith.addi %mul3A_2, %add3A_185 : i32
    %dma_wait3A_187 = arith.constant 0 : i32
    %dma_wait3A_188 = tpu.memref_slice %arg6[%add3A_186, %dma_wait3A_187] : memref<12800x128xf32, #tpu.memory_space<hbm>> -> memref<400x128xf32, #tpu.memory_space<hbm>>
    %dma_wait3A_189 = arith.constant 0 : i32
    %dma_wait3A_190 = tpu.memref_slice %arg6[%add3A_186, %dma_wait3A_189] : memref<12800x128xf32, #tpu.memory_space<hbm>> -> memref<400x128xf32, #tpu.memory_space<hbm>>
    tpu.wait_dma2 semaphore(%arg13 : memref<!tpu.dma_semaphore, #tpu.memory_space<semaphore_mem>>) src(%arg10 : memref<400x128xf32, #tpu.memory_space<vmem>>) dst(%dma_wait3A_190 : memref<400x128xf32, #tpu.memory_space<hbm>>)
    %add3A_191 = arith.constant 0 : i32
    %add3A_192 = arith.addi %mul3A_2, %add3A_191 : i32
    %dma_wait3A_193 = arith.constant 0 : i32
    %dma_wait3A_194 = tpu.memref_slice %arg7[%add3A_192, %dma_wait3A_193] : memref<12800x128xf32, #tpu.memory_space<hbm>> -> memref<400x128xf32, #tpu.memory_space<hbm>>
    %dma_wait3A_195 = arith.constant 0 : i32
    %dma_wait3A_196 = tpu.memref_slice %arg7[%add3A_192, %dma_wait3A_195] : memref<12800x128xf32, #tpu.memory_space<hbm>> -> memref<400x128xf32, #tpu.memory_space<hbm>>
    tpu.wait_dma2 semaphore(%arg14 : memref<!tpu.dma_semaphore, #tpu.memory_space<semaphore_mem>>) src(%arg11 : memref<400x128xf32, #tpu.memory_space<vmem>>) dst(%dma_wait3A_196 : memref<400x128xf32, #tpu.memory_space<hbm>>)
    return
  }
}

#map = affine_map<(d0, d1) -> (0, 0)>
#map1 = affine_map<(d0, d1) -> (0)>
module attributes {stable_mosaic.version = 14 : i64} {
  func.func @gather_kernel(%arg0: i32, %arg1: i32, %arg2: memref<10000x128xf32, #tpu.memory_space<hbm>>, %arg3: memref<10000x128xf32, #tpu.memory_space<hbm>>, %arg4: memref<76800xi32, #tpu.memory_space<hbm>>, %arg5: memref<76800xi32, #tpu.memory_space<hbm>>, %arg6: memref<76800x128xf32, #tpu.memory_space<hbm>>, %arg7: memref<76800x128xf32, #tpu.memory_space<hbm>>, %arg8: memref<2400xi32, #tpu.memory_space<vmem>>, %arg9: memref<2400xi32, #tpu.memory_space<vmem>>, %arg10: memref<400x128xf32, #tpu.memory_space<vmem>>, %arg11: memref<400x128xf32, #tpu.memory_space<vmem>>, %arg12: memref<!tpu.dma_semaphore, #tpu.memory_space<semaphore_mem>>, %arg13: memref<!tpu.dma_semaphore, #tpu.memory_space<semaphore_mem>>, %arg14: memref<!tpu.dma_semaphore, #tpu.memory_space<semaphore_mem>>) attributes {dimension_semantics = [#tpu.dimension_semantics<core_parallel>, #tpu.dimension_semantics<subcore_parallel>], iteration_bounds = array<i64: 2, 16>, scalar_prefetch = 0 : i64, scratch_operands = 7 : i64, tpu.core_type = #tpu.core_type<sc_vector_subcore>, window_params = [{transform_indices = #map}, {transform_indices = #map}, {transform_indices = #map1}, {transform_indices = #map1}, {transform_indices = #map}, {transform_indices = #map}]} {
    %mul3A = arith.constant 2 : i32
    %mul3A_0 = arith.muli %arg1, %mul3A : i32
    %add3A = arith.addi %mul3A_0, %arg0 : i32
    %mul3A_1 = arith.constant 2400 : i32
    %mul3A_2 = arith.muli %add3A, %mul3A_1 : i32
    "tpu.region"() ({
      %run_scoped3A = tpu.sem_alloc : memref<!tpu.dma_semaphore, #tpu.memory_space<semaphore_mem>>
      %dma_start3A = tpu.memref_slice %arg4[%mul3A_2] : memref<76800xi32, #tpu.memory_space<hbm>> -> memref<2400xi32, #tpu.memory_space<hbm>>
      %dma_start3A_19 = tpu.memref_slice %arg4[%mul3A_2] : memref<76800xi32, #tpu.memory_space<hbm>> -> memref<2400xi32, #tpu.memory_space<hbm>>
      tpu.enqueue_dma source(%dma_start3A_19 : memref<2400xi32, #tpu.memory_space<hbm>>) target(%arg8 : memref<2400xi32, #tpu.memory_space<vmem>>) target_semaphore(%run_scoped3A : memref<!tpu.dma_semaphore, #tpu.memory_space<semaphore_mem>>)
      %dma_wait3A_20 = tpu.memref_slice %arg4[%mul3A_2] : memref<76800xi32, #tpu.memory_space<hbm>> -> memref<2400xi32, #tpu.memory_space<hbm>>
      %dma_wait3A_21 = tpu.memref_slice %arg4[%mul3A_2] : memref<76800xi32, #tpu.memory_space<hbm>> -> memref<2400xi32, #tpu.memory_space<hbm>>
      tpu.wait_dma2 semaphore(%run_scoped3A : memref<!tpu.dma_semaphore, #tpu.memory_space<semaphore_mem>>) src(%dma_wait3A_21 : memref<2400xi32, #tpu.memory_space<hbm>>) dst(%arg8 : memref<2400xi32, #tpu.memory_space<vmem>>)
      tpu.yield
    }) : () -> ()
    "tpu.region"() ({
      %run_scoped3A = tpu.sem_alloc : memref<!tpu.dma_semaphore, #tpu.memory_space<semaphore_mem>>
      %dma_start3A = tpu.memref_slice %arg5[%mul3A_2] : memref<76800xi32, #tpu.memory_space<hbm>> -> memref<2400xi32, #tpu.memory_space<hbm>>
      %dma_start3A_19 = tpu.memref_slice %arg5[%mul3A_2] : memref<76800xi32, #tpu.memory_space<hbm>> -> memref<2400xi32, #tpu.memory_space<hbm>>
      tpu.enqueue_dma source(%dma_start3A_19 : memref<2400xi32, #tpu.memory_space<hbm>>) target(%arg9 : memref<2400xi32, #tpu.memory_space<vmem>>) target_semaphore(%run_scoped3A : memref<!tpu.dma_semaphore, #tpu.memory_space<semaphore_mem>>)
      %dma_wait3A_20 = tpu.memref_slice %arg5[%mul3A_2] : memref<76800xi32, #tpu.memory_space<hbm>> -> memref<2400xi32, #tpu.memory_space<hbm>>
      %dma_wait3A_21 = tpu.memref_slice %arg5[%mul3A_2] : memref<76800xi32, #tpu.memory_space<hbm>> -> memref<2400xi32, #tpu.memory_space<hbm>>
      tpu.wait_dma2 semaphore(%run_scoped3A : memref<!tpu.dma_semaphore, #tpu.memory_space<semaphore_mem>>) src(%dma_wait3A_21 : memref<2400xi32, #tpu.memory_space<hbm>>) dst(%arg9 : memref<2400xi32, #tpu.memory_space<vmem>>)
      tpu.yield
    }) : () -> ()
    %scan3A = arith.constant 0 : i32
    %scan3A_3 = arith.constant 0 : i32
    %scan3A_4 = arith.constant 6 : i32
    %scan3A_5 = arith.addi %scan3A_3, %scan3A_4 : i32
    %scan3A_6 = arith.constant 1 : i32
    scf.for %scan3A_19 = %scan3A_3 to %scan3A_5 step %scan3A_6  : i32 {
      %mul3A_20 = arith.constant 400 : i32
      %mul3A_21 = arith.muli %scan3A_19, %mul3A_20 : i32
      %sub3A = arith.constant 1 : i32
      %sub3A_22 = arith.subi %scan3A_19, %sub3A : i32
      %mul3A_23 = arith.constant 400 : i32
      %mul3A_24 = arith.muli %sub3A_22, %mul3A_23 : i32
      %gt3A = arith.constant 0 : i32
      %gt3A_25 = arith.cmpi sgt, %scan3A_19, %gt3A : i32
      %convert_element_type3A = arith.extui %gt3A_25 : i1 to i32
      %cond3A = arith.constant 0 : i32
      %cond3A_26 = arith.cmpi ne, %convert_element_type3A, %cond3A : i32
      scf.if %cond3A_26 {
        %add3A_201 = arith.addi %mul3A_2, %mul3A_24 : i32
        %dma_wait3A_202 = arith.constant 0 : i32
        %dma_wait3A_203 = tpu.memref_slice %arg6[%add3A_201, %dma_wait3A_202] : memref<76800x128xf32, #tpu.memory_space<hbm>> -> memref<400x128xf32, #tpu.memory_space<hbm>>
        %dma_wait3A_204 = arith.constant 0 : i32
        %dma_wait3A_205 = tpu.memref_slice %arg6[%add3A_201, %dma_wait3A_204] : memref<76800x128xf32, #tpu.memory_space<hbm>> -> memref<400x128xf32, #tpu.memory_space<hbm>>
        tpu.wait_dma2 semaphore(%arg13 : memref<!tpu.dma_semaphore, #tpu.memory_space<semaphore_mem>>) src(%arg10 : memref<400x128xf32, #tpu.memory_space<vmem>>) dst(%dma_wait3A_205 : memref<400x128xf32, #tpu.memory_space<hbm>>)
      } else {
      }
      %add3A_27 = arith.constant 0 : i32
      %add3A_28 = arith.addi %mul3A_21, %add3A_27 : i32
      %dma_start3A = arith.constant 0 : i32
      %dma_start3A_29 = arith.constant 0 : i32
      %dma_start3A_30 = tpu.memref_slice %arg10[%dma_start3A, %dma_start3A_29] : memref<400x128xf32, #tpu.memory_space<vmem>> -> memref<80x128xf32, #tpu.memory_space<vmem>>
      %dma_start3A_31 = tpu.memref_slice %arg8[%add3A_28] : memref<2400xi32, #tpu.memory_space<vmem>> -> memref<80xi32, #tpu.memory_space<vmem>>
      %dma_start3A_32 = arith.constant 0 : i32
      %dma_start3A_33 = arith.constant 0 : i32
      %dma_start3A_34 = tpu.memref_slice %arg2[%dma_start3A_32, %dma_start3A_33] : memref<10000x128xf32, #tpu.memory_space<hbm>> -> memref<10000x128xf32, #tpu.memory_space<hbm>>
      tpu.enqueue_indirect_dma source(%dma_start3A_34 : memref<10000x128xf32, #tpu.memory_space<hbm>>) target(%dma_start3A_30 : memref<80x128xf32, #tpu.memory_space<vmem>>) offsets(%dma_start3A_31 : memref<80xi32, #tpu.memory_space<vmem>>) semaphore(%arg12 : memref<!tpu.dma_semaphore, #tpu.memory_space<semaphore_mem>>)
      %add3A_35 = arith.constant 80 : i32
      %add3A_36 = arith.addi %mul3A_21, %add3A_35 : i32
      %dma_start3A_37 = arith.constant 80 : i32
      %dma_start3A_38 = arith.constant 0 : i32
      %dma_start3A_39 = tpu.memref_slice %arg10[%dma_start3A_37, %dma_start3A_38] : memref<400x128xf32, #tpu.memory_space<vmem>> -> memref<80x128xf32, #tpu.memory_space<vmem>>
      %dma_start3A_40 = tpu.memref_slice %arg8[%add3A_36] : memref<2400xi32, #tpu.memory_space<vmem>> -> memref<80xi32, #tpu.memory_space<vmem>>
      %dma_start3A_41 = arith.constant 0 : i32
      %dma_start3A_42 = arith.constant 0 : i32
      %dma_start3A_43 = tpu.memref_slice %arg2[%dma_start3A_41, %dma_start3A_42] : memref<10000x128xf32, #tpu.memory_space<hbm>> -> memref<10000x128xf32, #tpu.memory_space<hbm>>
      tpu.enqueue_indirect_dma source(%dma_start3A_43 : memref<10000x128xf32, #tpu.memory_space<hbm>>) target(%dma_start3A_39 : memref<80x128xf32, #tpu.memory_space<vmem>>) offsets(%dma_start3A_40 : memref<80xi32, #tpu.memory_space<vmem>>) semaphore(%arg12 : memref<!tpu.dma_semaphore, #tpu.memory_space<semaphore_mem>>)
      %add3A_44 = arith.constant 160 : i32
      %add3A_45 = arith.addi %mul3A_21, %add3A_44 : i32
      %dma_start3A_46 = arith.constant 160 : i32
      %dma_start3A_47 = arith.constant 0 : i32
      %dma_start3A_48 = tpu.memref_slice %arg10[%dma_start3A_46, %dma_start3A_47] : memref<400x128xf32, #tpu.memory_space<vmem>> -> memref<80x128xf32, #tpu.memory_space<vmem>>
      %dma_start3A_49 = tpu.memref_slice %arg8[%add3A_45] : memref<2400xi32, #tpu.memory_space<vmem>> -> memref<80xi32, #tpu.memory_space<vmem>>
      %dma_start3A_50 = arith.constant 0 : i32
      %dma_start3A_51 = arith.constant 0 : i32
      %dma_start3A_52 = tpu.memref_slice %arg2[%dma_start3A_50, %dma_start3A_51] : memref<10000x128xf32, #tpu.memory_space<hbm>> -> memref<10000x128xf32, #tpu.memory_space<hbm>>
      tpu.enqueue_indirect_dma source(%dma_start3A_52 : memref<10000x128xf32, #tpu.memory_space<hbm>>) target(%dma_start3A_48 : memref<80x128xf32, #tpu.memory_space<vmem>>) offsets(%dma_start3A_49 : memref<80xi32, #tpu.memory_space<vmem>>) semaphore(%arg12 : memref<!tpu.dma_semaphore, #tpu.memory_space<semaphore_mem>>)
      %add3A_53 = arith.constant 240 : i32
      %add3A_54 = arith.addi %mul3A_21, %add3A_53 : i32
      %dma_start3A_55 = arith.constant 240 : i32
      %dma_start3A_56 = arith.constant 0 : i32
      %dma_start3A_57 = tpu.memref_slice %arg10[%dma_start3A_55, %dma_start3A_56] : memref<400x128xf32, #tpu.memory_space<vmem>> -> memref<80x128xf32, #tpu.memory_space<vmem>>
      %dma_start3A_58 = tpu.memref_slice %arg8[%add3A_54] : memref<2400xi32, #tpu.memory_space<vmem>> -> memref<80xi32, #tpu.memory_space<vmem>>
      %dma_start3A_59 = arith.constant 0 : i32
      %dma_start3A_60 = arith.constant 0 : i32
      %dma_start3A_61 = tpu.memref_slice %arg2[%dma_start3A_59, %dma_start3A_60] : memref<10000x128xf32, #tpu.memory_space<hbm>> -> memref<10000x128xf32, #tpu.memory_space<hbm>>
      tpu.enqueue_indirect_dma source(%dma_start3A_61 : memref<10000x128xf32, #tpu.memory_space<hbm>>) target(%dma_start3A_57 : memref<80x128xf32, #tpu.memory_space<vmem>>) offsets(%dma_start3A_58 : memref<80xi32, #tpu.memory_space<vmem>>) semaphore(%arg12 : memref<!tpu.dma_semaphore, #tpu.memory_space<semaphore_mem>>)
      %add3A_62 = arith.constant 320 : i32
      %add3A_63 = arith.addi %mul3A_21, %add3A_62 : i32
      %dma_start3A_64 = arith.constant 320 : i32
      %dma_start3A_65 = arith.constant 0 : i32
      %dma_start3A_66 = tpu.memref_slice %arg10[%dma_start3A_64, %dma_start3A_65] : memref<400x128xf32, #tpu.memory_space<vmem>> -> memref<80x128xf32, #tpu.memory_space<vmem>>
      %dma_start3A_67 = tpu.memref_slice %arg8[%add3A_63] : memref<2400xi32, #tpu.memory_space<vmem>> -> memref<80xi32, #tpu.memory_space<vmem>>
      %dma_start3A_68 = arith.constant 0 : i32
      %dma_start3A_69 = arith.constant 0 : i32
      %dma_start3A_70 = tpu.memref_slice %arg2[%dma_start3A_68, %dma_start3A_69] : memref<10000x128xf32, #tpu.memory_space<hbm>> -> memref<10000x128xf32, #tpu.memory_space<hbm>>
      tpu.enqueue_indirect_dma source(%dma_start3A_70 : memref<10000x128xf32, #tpu.memory_space<hbm>>) target(%dma_start3A_66 : memref<80x128xf32, #tpu.memory_space<vmem>>) offsets(%dma_start3A_67 : memref<80xi32, #tpu.memory_space<vmem>>) semaphore(%arg12 : memref<!tpu.dma_semaphore, #tpu.memory_space<semaphore_mem>>)
      %gt3A_71 = arith.constant 0 : i32
      %gt3A_72 = arith.cmpi sgt, %scan3A_19, %gt3A_71 : i32
      %convert_element_type3A_73 = arith.extui %gt3A_72 : i1 to i32
      %cond3A_74 = arith.constant 0 : i32
      %cond3A_75 = arith.cmpi ne, %convert_element_type3A_73, %cond3A_74 : i32
      scf.if %cond3A_75 {
        %add3A_201 = arith.addi %mul3A_2, %mul3A_24 : i32
        %dma_wait3A_202 = arith.constant 0 : i32
        %dma_wait3A_203 = tpu.memref_slice %arg7[%add3A_201, %dma_wait3A_202] : memref<76800x128xf32, #tpu.memory_space<hbm>> -> memref<400x128xf32, #tpu.memory_space<hbm>>
        %dma_wait3A_204 = arith.constant 0 : i32
        %dma_wait3A_205 = tpu.memref_slice %arg7[%add3A_201, %dma_wait3A_204] : memref<76800x128xf32, #tpu.memory_space<hbm>> -> memref<400x128xf32, #tpu.memory_space<hbm>>
        tpu.wait_dma2 semaphore(%arg14 : memref<!tpu.dma_semaphore, #tpu.memory_space<semaphore_mem>>) src(%arg11 : memref<400x128xf32, #tpu.memory_space<vmem>>) dst(%dma_wait3A_205 : memref<400x128xf32, #tpu.memory_space<hbm>>)
      } else {
      }
      %add3A_76 = arith.constant 0 : i32
      %add3A_77 = arith.addi %mul3A_21, %add3A_76 : i32
      %dma_start3A_78 = arith.constant 0 : i32
      %dma_start3A_79 = arith.constant 0 : i32
      %dma_start3A_80 = tpu.memref_slice %arg11[%dma_start3A_78, %dma_start3A_79] : memref<400x128xf32, #tpu.memory_space<vmem>> -> memref<80x128xf32, #tpu.memory_space<vmem>>
      %dma_start3A_81 = tpu.memref_slice %arg9[%add3A_77] : memref<2400xi32, #tpu.memory_space<vmem>> -> memref<80xi32, #tpu.memory_space<vmem>>
      %dma_start3A_82 = arith.constant 0 : i32
      %dma_start3A_83 = arith.constant 0 : i32
      %dma_start3A_84 = tpu.memref_slice %arg3[%dma_start3A_82, %dma_start3A_83] : memref<10000x128xf32, #tpu.memory_space<hbm>> -> memref<10000x128xf32, #tpu.memory_space<hbm>>
      tpu.enqueue_indirect_dma source(%dma_start3A_84 : memref<10000x128xf32, #tpu.memory_space<hbm>>) target(%dma_start3A_80 : memref<80x128xf32, #tpu.memory_space<vmem>>) offsets(%dma_start3A_81 : memref<80xi32, #tpu.memory_space<vmem>>) semaphore(%arg12 : memref<!tpu.dma_semaphore, #tpu.memory_space<semaphore_mem>>)
      %add3A_85 = arith.constant 80 : i32
      %add3A_86 = arith.addi %mul3A_21, %add3A_85 : i32
      %dma_start3A_87 = arith.constant 80 : i32
      %dma_start3A_88 = arith.constant 0 : i32
      %dma_start3A_89 = tpu.memref_slice %arg11[%dma_start3A_87, %dma_start3A_88] : memref<400x128xf32, #tpu.memory_space<vmem>> -> memref<80x128xf32, #tpu.memory_space<vmem>>
      %dma_start3A_90 = tpu.memref_slice %arg9[%add3A_86] : memref<2400xi32, #tpu.memory_space<vmem>> -> memref<80xi32, #tpu.memory_space<vmem>>
      %dma_start3A_91 = arith.constant 0 : i32
      %dma_start3A_92 = arith.constant 0 : i32
      %dma_start3A_93 = tpu.memref_slice %arg3[%dma_start3A_91, %dma_start3A_92] : memref<10000x128xf32, #tpu.memory_space<hbm>> -> memref<10000x128xf32, #tpu.memory_space<hbm>>
      tpu.enqueue_indirect_dma source(%dma_start3A_93 : memref<10000x128xf32, #tpu.memory_space<hbm>>) target(%dma_start3A_89 : memref<80x128xf32, #tpu.memory_space<vmem>>) offsets(%dma_start3A_90 : memref<80xi32, #tpu.memory_space<vmem>>) semaphore(%arg12 : memref<!tpu.dma_semaphore, #tpu.memory_space<semaphore_mem>>)
      %add3A_94 = arith.constant 160 : i32
      %add3A_95 = arith.addi %mul3A_21, %add3A_94 : i32
      %dma_start3A_96 = arith.constant 160 : i32
      %dma_start3A_97 = arith.constant 0 : i32
      %dma_start3A_98 = tpu.memref_slice %arg11[%dma_start3A_96, %dma_start3A_97] : memref<400x128xf32, #tpu.memory_space<vmem>> -> memref<80x128xf32, #tpu.memory_space<vmem>>
      %dma_start3A_99 = tpu.memref_slice %arg9[%add3A_95] : memref<2400xi32, #tpu.memory_space<vmem>> -> memref<80xi32, #tpu.memory_space<vmem>>
      %dma_start3A_100 = arith.constant 0 : i32
      %dma_start3A_101 = arith.constant 0 : i32
      %dma_start3A_102 = tpu.memref_slice %arg3[%dma_start3A_100, %dma_start3A_101] : memref<10000x128xf32, #tpu.memory_space<hbm>> -> memref<10000x128xf32, #tpu.memory_space<hbm>>
      tpu.enqueue_indirect_dma source(%dma_start3A_102 : memref<10000x128xf32, #tpu.memory_space<hbm>>) target(%dma_start3A_98 : memref<80x128xf32, #tpu.memory_space<vmem>>) offsets(%dma_start3A_99 : memref<80xi32, #tpu.memory_space<vmem>>) semaphore(%arg12 : memref<!tpu.dma_semaphore, #tpu.memory_space<semaphore_mem>>)
      %add3A_103 = arith.constant 240 : i32
      %add3A_104 = arith.addi %mul3A_21, %add3A_103 : i32
      %dma_start3A_105 = arith.constant 240 : i32
      %dma_start3A_106 = arith.constant 0 : i32
      %dma_start3A_107 = tpu.memref_slice %arg11[%dma_start3A_105, %dma_start3A_106] : memref<400x128xf32, #tpu.memory_space<vmem>> -> memref<80x128xf32, #tpu.memory_space<vmem>>
      %dma_start3A_108 = tpu.memref_slice %arg9[%add3A_104] : memref<2400xi32, #tpu.memory_space<vmem>> -> memref<80xi32, #tpu.memory_space<vmem>>
      %dma_start3A_109 = arith.constant 0 : i32
      %dma_start3A_110 = arith.constant 0 : i32
      %dma_start3A_111 = tpu.memref_slice %arg3[%dma_start3A_109, %dma_start3A_110] : memref<10000x128xf32, #tpu.memory_space<hbm>> -> memref<10000x128xf32, #tpu.memory_space<hbm>>
      tpu.enqueue_indirect_dma source(%dma_start3A_111 : memref<10000x128xf32, #tpu.memory_space<hbm>>) target(%dma_start3A_107 : memref<80x128xf32, #tpu.memory_space<vmem>>) offsets(%dma_start3A_108 : memref<80xi32, #tpu.memory_space<vmem>>) semaphore(%arg12 : memref<!tpu.dma_semaphore, #tpu.memory_space<semaphore_mem>>)
      %add3A_112 = arith.constant 320 : i32
      %add3A_113 = arith.addi %mul3A_21, %add3A_112 : i32
      %dma_start3A_114 = arith.constant 320 : i32
      %dma_start3A_115 = arith.constant 0 : i32
      %dma_start3A_116 = tpu.memref_slice %arg11[%dma_start3A_114, %dma_start3A_115] : memref<400x128xf32, #tpu.memory_space<vmem>> -> memref<80x128xf32, #tpu.memory_space<vmem>>
      %dma_start3A_117 = tpu.memref_slice %arg9[%add3A_113] : memref<2400xi32, #tpu.memory_space<vmem>> -> memref<80xi32, #tpu.memory_space<vmem>>
      %dma_start3A_118 = arith.constant 0 : i32
      %dma_start3A_119 = arith.constant 0 : i32
      %dma_start3A_120 = tpu.memref_slice %arg3[%dma_start3A_118, %dma_start3A_119] : memref<10000x128xf32, #tpu.memory_space<hbm>> -> memref<10000x128xf32, #tpu.memory_space<hbm>>
      tpu.enqueue_indirect_dma source(%dma_start3A_120 : memref<10000x128xf32, #tpu.memory_space<hbm>>) target(%dma_start3A_116 : memref<80x128xf32, #tpu.memory_space<vmem>>) offsets(%dma_start3A_117 : memref<80xi32, #tpu.memory_space<vmem>>) semaphore(%arg12 : memref<!tpu.dma_semaphore, #tpu.memory_space<semaphore_mem>>)
      %dma_wait3A_121 = arith.constant 0 : i32
      %dma_wait3A_122 = arith.constant 0 : i32
      %dma_wait3A_123 = tpu.memref_slice %arg10[%dma_wait3A_121, %dma_wait3A_122] : memref<400x128xf32, #tpu.memory_space<vmem>> -> memref<80x128xf32, #tpu.memory_space<vmem>>
      %dma_wait3A_124 = tpu.memref_slice %arg8[%add3A_28] : memref<2400xi32, #tpu.memory_space<vmem>> -> memref<80xi32, #tpu.memory_space<vmem>>
      %dma_wait3A_125 = arith.constant 0 : i32
      %dma_wait3A_126 = arith.constant 0 : i32
      %dma_wait3A_127 = tpu.memref_slice %arg2[%dma_wait3A_125, %dma_wait3A_126] : memref<10000x128xf32, #tpu.memory_space<hbm>> -> memref<10000x128xf32, #tpu.memory_space<hbm>>
      tpu.wait_indirect_dma semaphore(%arg12 : memref<!tpu.dma_semaphore, #tpu.memory_space<semaphore_mem>>) src(%dma_wait3A_127 : memref<10000x128xf32, #tpu.memory_space<hbm>>) dst(%dma_wait3A_123 : memref<80x128xf32, #tpu.memory_space<vmem>>)
      %dma_wait3A_128 = arith.constant 80 : i32
      %dma_wait3A_129 = arith.constant 0 : i32
      %dma_wait3A_130 = tpu.memref_slice %arg10[%dma_wait3A_128, %dma_wait3A_129] : memref<400x128xf32, #tpu.memory_space<vmem>> -> memref<80x128xf32, #tpu.memory_space<vmem>>
      %dma_wait3A_131 = tpu.memref_slice %arg8[%add3A_36] : memref<2400xi32, #tpu.memory_space<vmem>> -> memref<80xi32, #tpu.memory_space<vmem>>
      %dma_wait3A_132 = arith.constant 0 : i32
      %dma_wait3A_133 = arith.constant 0 : i32
      %dma_wait3A_134 = tpu.memref_slice %arg2[%dma_wait3A_132, %dma_wait3A_133] : memref<10000x128xf32, #tpu.memory_space<hbm>> -> memref<10000x128xf32, #tpu.memory_space<hbm>>
      tpu.wait_indirect_dma semaphore(%arg12 : memref<!tpu.dma_semaphore, #tpu.memory_space<semaphore_mem>>) src(%dma_wait3A_134 : memref<10000x128xf32, #tpu.memory_space<hbm>>) dst(%dma_wait3A_130 : memref<80x128xf32, #tpu.memory_space<vmem>>)
      %dma_wait3A_135 = arith.constant 160 : i32
      %dma_wait3A_136 = arith.constant 0 : i32
      %dma_wait3A_137 = tpu.memref_slice %arg10[%dma_wait3A_135, %dma_wait3A_136] : memref<400x128xf32, #tpu.memory_space<vmem>> -> memref<80x128xf32, #tpu.memory_space<vmem>>
      %dma_wait3A_138 = tpu.memref_slice %arg8[%add3A_45] : memref<2400xi32, #tpu.memory_space<vmem>> -> memref<80xi32, #tpu.memory_space<vmem>>
      %dma_wait3A_139 = arith.constant 0 : i32
      %dma_wait3A_140 = arith.constant 0 : i32
      %dma_wait3A_141 = tpu.memref_slice %arg2[%dma_wait3A_139, %dma_wait3A_140] : memref<10000x128xf32, #tpu.memory_space<hbm>> -> memref<10000x128xf32, #tpu.memory_space<hbm>>
      tpu.wait_indirect_dma semaphore(%arg12 : memref<!tpu.dma_semaphore, #tpu.memory_space<semaphore_mem>>) src(%dma_wait3A_141 : memref<10000x128xf32, #tpu.memory_space<hbm>>) dst(%dma_wait3A_137 : memref<80x128xf32, #tpu.memory_space<vmem>>)
      %dma_wait3A_142 = arith.constant 240 : i32
      %dma_wait3A_143 = arith.constant 0 : i32
      %dma_wait3A_144 = tpu.memref_slice %arg10[%dma_wait3A_142, %dma_wait3A_143] : memref<400x128xf32, #tpu.memory_space<vmem>> -> memref<80x128xf32, #tpu.memory_space<vmem>>
      %dma_wait3A_145 = tpu.memref_slice %arg8[%add3A_54] : memref<2400xi32, #tpu.memory_space<vmem>> -> memref<80xi32, #tpu.memory_space<vmem>>
      %dma_wait3A_146 = arith.constant 0 : i32
      %dma_wait3A_147 = arith.constant 0 : i32
      %dma_wait3A_148 = tpu.memref_slice %arg2[%dma_wait3A_146, %dma_wait3A_147] : memref<10000x128xf32, #tpu.memory_space<hbm>> -> memref<10000x128xf32, #tpu.memory_space<hbm>>
      tpu.wait_indirect_dma semaphore(%arg12 : memref<!tpu.dma_semaphore, #tpu.memory_space<semaphore_mem>>) src(%dma_wait3A_148 : memref<10000x128xf32, #tpu.memory_space<hbm>>) dst(%dma_wait3A_144 : memref<80x128xf32, #tpu.memory_space<vmem>>)
      %dma_wait3A_149 = arith.constant 320 : i32
      %dma_wait3A_150 = arith.constant 0 : i32
      %dma_wait3A_151 = tpu.memref_slice %arg10[%dma_wait3A_149, %dma_wait3A_150] : memref<400x128xf32, #tpu.memory_space<vmem>> -> memref<80x128xf32, #tpu.memory_space<vmem>>
      %dma_wait3A_152 = tpu.memref_slice %arg8[%add3A_63] : memref<2400xi32, #tpu.memory_space<vmem>> -> memref<80xi32, #tpu.memory_space<vmem>>
      %dma_wait3A_153 = arith.constant 0 : i32
      %dma_wait3A_154 = arith.constant 0 : i32
      %dma_wait3A_155 = tpu.memref_slice %arg2[%dma_wait3A_153, %dma_wait3A_154] : memref<10000x128xf32, #tpu.memory_space<hbm>> -> memref<10000x128xf32, #tpu.memory_space<hbm>>
      tpu.wait_indirect_dma semaphore(%arg12 : memref<!tpu.dma_semaphore, #tpu.memory_space<semaphore_mem>>) src(%dma_wait3A_155 : memref<10000x128xf32, #tpu.memory_space<hbm>>) dst(%dma_wait3A_151 : memref<80x128xf32, #tpu.memory_space<vmem>>)
      %add3A_156 = arith.addi %mul3A_2, %mul3A_21 : i32
      %dma_start3A_157 = arith.constant 0 : i32
      %dma_start3A_158 = tpu.memref_slice %arg6[%add3A_156, %dma_start3A_157] : memref<76800x128xf32, #tpu.memory_space<hbm>> -> memref<400x128xf32, #tpu.memory_space<hbm>>
      %dma_start3A_159 = arith.constant 0 : i32
      %dma_start3A_160 = tpu.memref_slice %arg6[%add3A_156, %dma_start3A_159] : memref<76800x128xf32, #tpu.memory_space<hbm>> -> memref<400x128xf32, #tpu.memory_space<hbm>>
      tpu.enqueue_dma source(%arg10 : memref<400x128xf32, #tpu.memory_space<vmem>>) target(%dma_start3A_160 : memref<400x128xf32, #tpu.memory_space<hbm>>) target_semaphore(%arg13 : memref<!tpu.dma_semaphore, #tpu.memory_space<semaphore_mem>>)
      %dma_wait3A_161 = arith.constant 0 : i32
      %dma_wait3A_162 = arith.constant 0 : i32
      %dma_wait3A_163 = tpu.memref_slice %arg11[%dma_wait3A_161, %dma_wait3A_162] : memref<400x128xf32, #tpu.memory_space<vmem>> -> memref<80x128xf32, #tpu.memory_space<vmem>>
      %dma_wait3A_164 = tpu.memref_slice %arg9[%add3A_77] : memref<2400xi32, #tpu.memory_space<vmem>> -> memref<80xi32, #tpu.memory_space<vmem>>
      %dma_wait3A_165 = arith.constant 0 : i32
      %dma_wait3A_166 = arith.constant 0 : i32
      %dma_wait3A_167 = tpu.memref_slice %arg3[%dma_wait3A_165, %dma_wait3A_166] : memref<10000x128xf32, #tpu.memory_space<hbm>> -> memref<10000x128xf32, #tpu.memory_space<hbm>>
      tpu.wait_indirect_dma semaphore(%arg12 : memref<!tpu.dma_semaphore, #tpu.memory_space<semaphore_mem>>) src(%dma_wait3A_167 : memref<10000x128xf32, #tpu.memory_space<hbm>>) dst(%dma_wait3A_163 : memref<80x128xf32, #tpu.memory_space<vmem>>)
      %dma_wait3A_168 = arith.constant 80 : i32
      %dma_wait3A_169 = arith.constant 0 : i32
      %dma_wait3A_170 = tpu.memref_slice %arg11[%dma_wait3A_168, %dma_wait3A_169] : memref<400x128xf32, #tpu.memory_space<vmem>> -> memref<80x128xf32, #tpu.memory_space<vmem>>
      %dma_wait3A_171 = tpu.memref_slice %arg9[%add3A_86] : memref<2400xi32, #tpu.memory_space<vmem>> -> memref<80xi32, #tpu.memory_space<vmem>>
      %dma_wait3A_172 = arith.constant 0 : i32
      %dma_wait3A_173 = arith.constant 0 : i32
      %dma_wait3A_174 = tpu.memref_slice %arg3[%dma_wait3A_172, %dma_wait3A_173] : memref<10000x128xf32, #tpu.memory_space<hbm>> -> memref<10000x128xf32, #tpu.memory_space<hbm>>
      tpu.wait_indirect_dma semaphore(%arg12 : memref<!tpu.dma_semaphore, #tpu.memory_space<semaphore_mem>>) src(%dma_wait3A_174 : memref<10000x128xf32, #tpu.memory_space<hbm>>) dst(%dma_wait3A_170 : memref<80x128xf32, #tpu.memory_space<vmem>>)
      %dma_wait3A_175 = arith.constant 160 : i32
      %dma_wait3A_176 = arith.constant 0 : i32
      %dma_wait3A_177 = tpu.memref_slice %arg11[%dma_wait3A_175, %dma_wait3A_176] : memref<400x128xf32, #tpu.memory_space<vmem>> -> memref<80x128xf32, #tpu.memory_space<vmem>>
      %dma_wait3A_178 = tpu.memref_slice %arg9[%add3A_95] : memref<2400xi32, #tpu.memory_space<vmem>> -> memref<80xi32, #tpu.memory_space<vmem>>
      %dma_wait3A_179 = arith.constant 0 : i32
      %dma_wait3A_180 = arith.constant 0 : i32
      %dma_wait3A_181 = tpu.memref_slice %arg3[%dma_wait3A_179, %dma_wait3A_180] : memref<10000x128xf32, #tpu.memory_space<hbm>> -> memref<10000x128xf32, #tpu.memory_space<hbm>>
      tpu.wait_indirect_dma semaphore(%arg12 : memref<!tpu.dma_semaphore, #tpu.memory_space<semaphore_mem>>) src(%dma_wait3A_181 : memref<10000x128xf32, #tpu.memory_space<hbm>>) dst(%dma_wait3A_177 : memref<80x128xf32, #tpu.memory_space<vmem>>)
      %dma_wait3A_182 = arith.constant 240 : i32
      %dma_wait3A_183 = arith.constant 0 : i32
      %dma_wait3A_184 = tpu.memref_slice %arg11[%dma_wait3A_182, %dma_wait3A_183] : memref<400x128xf32, #tpu.memory_space<vmem>> -> memref<80x128xf32, #tpu.memory_space<vmem>>
      %dma_wait3A_185 = tpu.memref_slice %arg9[%add3A_104] : memref<2400xi32, #tpu.memory_space<vmem>> -> memref<80xi32, #tpu.memory_space<vmem>>
      %dma_wait3A_186 = arith.constant 0 : i32
      %dma_wait3A_187 = arith.constant 0 : i32
      %dma_wait3A_188 = tpu.memref_slice %arg3[%dma_wait3A_186, %dma_wait3A_187] : memref<10000x128xf32, #tpu.memory_space<hbm>> -> memref<10000x128xf32, #tpu.memory_space<hbm>>
      tpu.wait_indirect_dma semaphore(%arg12 : memref<!tpu.dma_semaphore, #tpu.memory_space<semaphore_mem>>) src(%dma_wait3A_188 : memref<10000x128xf32, #tpu.memory_space<hbm>>) dst(%dma_wait3A_184 : memref<80x128xf32, #tpu.memory_space<vmem>>)
      %dma_wait3A_189 = arith.constant 320 : i32
      %dma_wait3A_190 = arith.constant 0 : i32
      %dma_wait3A_191 = tpu.memref_slice %arg11[%dma_wait3A_189, %dma_wait3A_190] : memref<400x128xf32, #tpu.memory_space<vmem>> -> memref<80x128xf32, #tpu.memory_space<vmem>>
      %dma_wait3A_192 = tpu.memref_slice %arg9[%add3A_113] : memref<2400xi32, #tpu.memory_space<vmem>> -> memref<80xi32, #tpu.memory_space<vmem>>
      %dma_wait3A_193 = arith.constant 0 : i32
      %dma_wait3A_194 = arith.constant 0 : i32
      %dma_wait3A_195 = tpu.memref_slice %arg3[%dma_wait3A_193, %dma_wait3A_194] : memref<10000x128xf32, #tpu.memory_space<hbm>> -> memref<10000x128xf32, #tpu.memory_space<hbm>>
      tpu.wait_indirect_dma semaphore(%arg12 : memref<!tpu.dma_semaphore, #tpu.memory_space<semaphore_mem>>) src(%dma_wait3A_195 : memref<10000x128xf32, #tpu.memory_space<hbm>>) dst(%dma_wait3A_191 : memref<80x128xf32, #tpu.memory_space<vmem>>)
      %add3A_196 = arith.addi %mul3A_2, %mul3A_21 : i32
      %dma_start3A_197 = arith.constant 0 : i32
      %dma_start3A_198 = tpu.memref_slice %arg7[%add3A_196, %dma_start3A_197] : memref<76800x128xf32, #tpu.memory_space<hbm>> -> memref<400x128xf32, #tpu.memory_space<hbm>>
      %dma_start3A_199 = arith.constant 0 : i32
      %dma_start3A_200 = tpu.memref_slice %arg7[%add3A_196, %dma_start3A_199] : memref<76800x128xf32, #tpu.memory_space<hbm>> -> memref<400x128xf32, #tpu.memory_space<hbm>>
      tpu.enqueue_dma source(%arg11 : memref<400x128xf32, #tpu.memory_space<vmem>>) target(%dma_start3A_200 : memref<400x128xf32, #tpu.memory_space<hbm>>) target_semaphore(%arg14 : memref<!tpu.dma_semaphore, #tpu.memory_space<semaphore_mem>>)
    }
    %scan3A_7 = arith.constant 6 : i32
    %add3A_8 = arith.constant 2000 : i32
    %add3A_9 = arith.addi %mul3A_2, %add3A_8 : i32
    %dma_wait3A = arith.constant 0 : i32
    %dma_wait3A_10 = tpu.memref_slice %arg6[%add3A_9, %dma_wait3A] : memref<76800x128xf32, #tpu.memory_space<hbm>> -> memref<400x128xf32, #tpu.memory_space<hbm>>
    %dma_wait3A_11 = arith.constant 0 : i32
    %dma_wait3A_12 = tpu.memref_slice %arg6[%add3A_9, %dma_wait3A_11] : memref<76800x128xf32, #tpu.memory_space<hbm>> -> memref<400x128xf32, #tpu.memory_space<hbm>>
    tpu.wait_dma2 semaphore(%arg13 : memref<!tpu.dma_semaphore, #tpu.memory_space<semaphore_mem>>) src(%arg10 : memref<400x128xf32, #tpu.memory_space<vmem>>) dst(%dma_wait3A_12 : memref<400x128xf32, #tpu.memory_space<hbm>>)
    %add3A_13 = arith.constant 2000 : i32
    %add3A_14 = arith.addi %mul3A_2, %add3A_13 : i32
    %dma_wait3A_15 = arith.constant 0 : i32
    %dma_wait3A_16 = tpu.memref_slice %arg7[%add3A_14, %dma_wait3A_15] : memref<76800x128xf32, #tpu.memory_space<hbm>> -> memref<400x128xf32, #tpu.memory_space<hbm>>
    %dma_wait3A_17 = arith.constant 0 : i32
    %dma_wait3A_18 = tpu.memref_slice %arg7[%add3A_14, %dma_wait3A_17] : memref<76800x128xf32, #tpu.memory_space<hbm>> -> memref<400x128xf32, #tpu.memory_space<hbm>>
    tpu.wait_dma2 semaphore(%arg14 : memref<!tpu.dma_semaphore, #tpu.memory_space<semaphore_mem>>) src(%arg11 : memref<400x128xf32, #tpu.memory_space<vmem>>) dst(%dma_wait3A_18 : memref<400x128xf32, #tpu.memory_space<hbm>>)
    return
  }
}

#map = affine_map<(d0, d1) -> (0, 0)>
#map1 = affine_map<(d0, d1) -> (0)>
module attributes {stable_mosaic.version = 14 : i64} {
  func.func @gather_kernel(%arg0: i32, %arg1: i32, %arg2: memref<10000x128xf32, #tpu.memory_space<hbm>>, %arg3: memref<10000x128xf32, #tpu.memory_space<hbm>>, %arg4: memref<76800xi32, #tpu.memory_space<hbm>>, %arg5: memref<76800xi32, #tpu.memory_space<hbm>>, %arg6: memref<76800x128xf32, #tpu.memory_space<hbm>>, %arg7: memref<76800x128xf32, #tpu.memory_space<hbm>>, %arg8: memref<2400xi32, #tpu.memory_space<vmem>>, %arg9: memref<2400xi32, #tpu.memory_space<vmem>>, %arg10: memref<400x128xf32, #tpu.memory_space<vmem>>, %arg11: memref<400x128xf32, #tpu.memory_space<vmem>>, %arg12: memref<!tpu.dma_semaphore, #tpu.memory_space<semaphore_mem>>, %arg13: memref<!tpu.dma_semaphore, #tpu.memory_space<semaphore_mem>>, %arg14: memref<!tpu.dma_semaphore, #tpu.memory_space<semaphore_mem>>) attributes {dimension_semantics = [#tpu.dimension_semantics<core_parallel>, #tpu.dimension_semantics<subcore_parallel>], iteration_bounds = array<i64: 2, 16>, scalar_prefetch = 0 : i64, scratch_operands = 7 : i64, tpu.core_type = #tpu.core_type<sc_vector_subcore>, window_params = [{transform_indices = #map}, {transform_indices = #map}, {transform_indices = #map1}, {transform_indices = #map1}, {transform_indices = #map}, {transform_indices = #map}]} {
    %mul3A = arith.constant 2 : i32
    %mul3A_0 = arith.muli %arg1, %mul3A : i32
    %add3A = arith.addi %mul3A_0, %arg0 : i32
    %mul3A_1 = arith.constant 2400 : i32
    %mul3A_2 = arith.muli %add3A, %mul3A_1 : i32
    "tpu.region"() ({
      %run_scoped3A = tpu.sem_alloc : memref<!tpu.dma_semaphore, #tpu.memory_space<semaphore_mem>>
      %dma_start3A = tpu.memref_slice %arg4[%mul3A_2] : memref<76800xi32, #tpu.memory_space<hbm>> -> memref<2400xi32, #tpu.memory_space<hbm>>
      %dma_start3A_19 = tpu.memref_slice %arg4[%mul3A_2] : memref<76800xi32, #tpu.memory_space<hbm>> -> memref<2400xi32, #tpu.memory_space<hbm>>
      tpu.enqueue_dma source(%dma_start3A_19 : memref<2400xi32, #tpu.memory_space<hbm>>) target(%arg8 : memref<2400xi32, #tpu.memory_space<vmem>>) target_semaphore(%run_scoped3A : memref<!tpu.dma_semaphore, #tpu.memory_space<semaphore_mem>>)
      %dma_wait3A_20 = tpu.memref_slice %arg4[%mul3A_2] : memref<76800xi32, #tpu.memory_space<hbm>> -> memref<2400xi32, #tpu.memory_space<hbm>>
      %dma_wait3A_21 = tpu.memref_slice %arg4[%mul3A_2] : memref<76800xi32, #tpu.memory_space<hbm>> -> memref<2400xi32, #tpu.memory_space<hbm>>
      tpu.wait_dma2 semaphore(%run_scoped3A : memref<!tpu.dma_semaphore, #tpu.memory_space<semaphore_mem>>) src(%dma_wait3A_21 : memref<2400xi32, #tpu.memory_space<hbm>>) dst(%arg8 : memref<2400xi32, #tpu.memory_space<vmem>>)
      tpu.yield
    }) : () -> ()
    "tpu.region"() ({
      %run_scoped3A = tpu.sem_alloc : memref<!tpu.dma_semaphore, #tpu.memory_space<semaphore_mem>>
      %dma_start3A = tpu.memref_slice %arg5[%mul3A_2] : memref<76800xi32, #tpu.memory_space<hbm>> -> memref<2400xi32, #tpu.memory_space<hbm>>
      %dma_start3A_19 = tpu.memref_slice %arg5[%mul3A_2] : memref<76800xi32, #tpu.memory_space<hbm>> -> memref<2400xi32, #tpu.memory_space<hbm>>
      tpu.enqueue_dma source(%dma_start3A_19 : memref<2400xi32, #tpu.memory_space<hbm>>) target(%arg9 : memref<2400xi32, #tpu.memory_space<vmem>>) target_semaphore(%run_scoped3A : memref<!tpu.dma_semaphore, #tpu.memory_space<semaphore_mem>>)
      %dma_wait3A_20 = tpu.memref_slice %arg5[%mul3A_2] : memref<76800xi32, #tpu.memory_space<hbm>> -> memref<2400xi32, #tpu.memory_space<hbm>>
      %dma_wait3A_21 = tpu.memref_slice %arg5[%mul3A_2] : memref<76800xi32, #tpu.memory_space<hbm>> -> memref<2400xi32, #tpu.memory_space<hbm>>
      tpu.wait_dma2 semaphore(%run_scoped3A : memref<!tpu.dma_semaphore, #tpu.memory_space<semaphore_mem>>) src(%dma_wait3A_21 : memref<2400xi32, #tpu.memory_space<hbm>>) dst(%arg9 : memref<2400xi32, #tpu.memory_space<vmem>>)
      tpu.yield
    }) : () -> ()
    %scan3A = arith.constant 0 : i32
    %scan3A_3 = arith.constant 0 : i32
    %scan3A_4 = arith.constant 6 : i32
    %scan3A_5 = arith.addi %scan3A_3, %scan3A_4 : i32
    %scan3A_6 = arith.constant 1 : i32
    scf.for %scan3A_19 = %scan3A_3 to %scan3A_5 step %scan3A_6  : i32 {
      %mul3A_20 = arith.constant 400 : i32
      %mul3A_21 = arith.muli %scan3A_19, %mul3A_20 : i32
      %sub3A = arith.constant 1 : i32
      %sub3A_22 = arith.subi %scan3A_19, %sub3A : i32
      %mul3A_23 = arith.constant 400 : i32
      %mul3A_24 = arith.muli %sub3A_22, %mul3A_23 : i32
      %gt3A = arith.constant 0 : i32
      %gt3A_25 = arith.cmpi sgt, %scan3A_19, %gt3A : i32
      %convert_element_type3A = arith.extui %gt3A_25 : i1 to i32
      %cond3A = arith.constant 0 : i32
      %cond3A_26 = arith.cmpi ne, %convert_element_type3A, %cond3A : i32
      scf.if %cond3A_26 {
        %add3A_201 = arith.addi %mul3A_2, %mul3A_24 : i32
        %dma_wait3A_202 = arith.constant 0 : i32
        %dma_wait3A_203 = tpu.memref_slice %arg6[%add3A_201, %dma_wait3A_202] : memref<76800x128xf32, #tpu.memory_space<hbm>> -> memref<400x128xf32, #tpu.memory_space<hbm>>
        %dma_wait3A_204 = arith.constant 0 : i32
        %dma_wait3A_205 = tpu.memref_slice %arg6[%add3A_201, %dma_wait3A_204] : memref<76800x128xf32, #tpu.memory_space<hbm>> -> memref<400x128xf32, #tpu.memory_space<hbm>>
        tpu.wait_dma2 semaphore(%arg13 : memref<!tpu.dma_semaphore, #tpu.memory_space<semaphore_mem>>) src(%arg10 : memref<400x128xf32, #tpu.memory_space<vmem>>) dst(%dma_wait3A_205 : memref<400x128xf32, #tpu.memory_space<hbm>>)
      } else {
      }
      %add3A_27 = arith.constant 0 : i32
      %add3A_28 = arith.addi %mul3A_21, %add3A_27 : i32
      %dma_start3A = arith.constant 0 : i32
      %dma_start3A_29 = arith.constant 0 : i32
      %dma_start3A_30 = tpu.memref_slice %arg10[%dma_start3A, %dma_start3A_29] : memref<400x128xf32, #tpu.memory_space<vmem>> -> memref<80x128xf32, #tpu.memory_space<vmem>>
      %dma_start3A_31 = tpu.memref_slice %arg8[%add3A_28] : memref<2400xi32, #tpu.memory_space<vmem>> -> memref<80xi32, #tpu.memory_space<vmem>>
      %dma_start3A_32 = arith.constant 0 : i32
      %dma_start3A_33 = arith.constant 0 : i32
      %dma_start3A_34 = tpu.memref_slice %arg2[%dma_start3A_32, %dma_start3A_33] : memref<10000x128xf32, #tpu.memory_space<hbm>> -> memref<10000x128xf32, #tpu.memory_space<hbm>>
      tpu.enqueue_indirect_dma source(%dma_start3A_34 : memref<10000x128xf32, #tpu.memory_space<hbm>>) target(%dma_start3A_30 : memref<80x128xf32, #tpu.memory_space<vmem>>) offsets(%dma_start3A_31 : memref<80xi32, #tpu.memory_space<vmem>>) semaphore(%arg12 : memref<!tpu.dma_semaphore, #tpu.memory_space<semaphore_mem>>)
      %add3A_35 = arith.constant 80 : i32
      %add3A_36 = arith.addi %mul3A_21, %add3A_35 : i32
      %dma_start3A_37 = arith.constant 80 : i32
      %dma_start3A_38 = arith.constant 0 : i32
      %dma_start3A_39 = tpu.memref_slice %arg10[%dma_start3A_37, %dma_start3A_38] : memref<400x128xf32, #tpu.memory_space<vmem>> -> memref<80x128xf32, #tpu.memory_space<vmem>>
      %dma_start3A_40 = tpu.memref_slice %arg8[%add3A_36] : memref<2400xi32, #tpu.memory_space<vmem>> -> memref<80xi32, #tpu.memory_space<vmem>>
      %dma_start3A_41 = arith.constant 0 : i32
      %dma_start3A_42 = arith.constant 0 : i32
      %dma_start3A_43 = tpu.memref_slice %arg2[%dma_start3A_41, %dma_start3A_42] : memref<10000x128xf32, #tpu.memory_space<hbm>> -> memref<10000x128xf32, #tpu.memory_space<hbm>>
      tpu.enqueue_indirect_dma source(%dma_start3A_43 : memref<10000x128xf32, #tpu.memory_space<hbm>>) target(%dma_start3A_39 : memref<80x128xf32, #tpu.memory_space<vmem>>) offsets(%dma_start3A_40 : memref<80xi32, #tpu.memory_space<vmem>>) semaphore(%arg12 : memref<!tpu.dma_semaphore, #tpu.memory_space<semaphore_mem>>)
      %add3A_44 = arith.constant 160 : i32
      %add3A_45 = arith.addi %mul3A_21, %add3A_44 : i32
      %dma_start3A_46 = arith.constant 160 : i32
      %dma_start3A_47 = arith.constant 0 : i32
      %dma_start3A_48 = tpu.memref_slice %arg10[%dma_start3A_46, %dma_start3A_47] : memref<400x128xf32, #tpu.memory_space<vmem>> -> memref<80x128xf32, #tpu.memory_space<vmem>>
      %dma_start3A_49 = tpu.memref_slice %arg8[%add3A_45] : memref<2400xi32, #tpu.memory_space<vmem>> -> memref<80xi32, #tpu.memory_space<vmem>>
      %dma_start3A_50 = arith.constant 0 : i32
      %dma_start3A_51 = arith.constant 0 : i32
      %dma_start3A_52 = tpu.memref_slice %arg2[%dma_start3A_50, %dma_start3A_51] : memref<10000x128xf32, #tpu.memory_space<hbm>> -> memref<10000x128xf32, #tpu.memory_space<hbm>>
      tpu.enqueue_indirect_dma source(%dma_start3A_52 : memref<10000x128xf32, #tpu.memory_space<hbm>>) target(%dma_start3A_48 : memref<80x128xf32, #tpu.memory_space<vmem>>) offsets(%dma_start3A_49 : memref<80xi32, #tpu.memory_space<vmem>>) semaphore(%arg12 : memref<!tpu.dma_semaphore, #tpu.memory_space<semaphore_mem>>)
      %add3A_53 = arith.constant 240 : i32
      %add3A_54 = arith.addi %mul3A_21, %add3A_53 : i32
      %dma_start3A_55 = arith.constant 240 : i32
      %dma_start3A_56 = arith.constant 0 : i32
      %dma_start3A_57 = tpu.memref_slice %arg10[%dma_start3A_55, %dma_start3A_56] : memref<400x128xf32, #tpu.memory_space<vmem>> -> memref<80x128xf32, #tpu.memory_space<vmem>>
      %dma_start3A_58 = tpu.memref_slice %arg8[%add3A_54] : memref<2400xi32, #tpu.memory_space<vmem>> -> memref<80xi32, #tpu.memory_space<vmem>>
      %dma_start3A_59 = arith.constant 0 : i32
      %dma_start3A_60 = arith.constant 0 : i32
      %dma_start3A_61 = tpu.memref_slice %arg2[%dma_start3A_59, %dma_start3A_60] : memref<10000x128xf32, #tpu.memory_space<hbm>> -> memref<10000x128xf32, #tpu.memory_space<hbm>>
      tpu.enqueue_indirect_dma source(%dma_start3A_61 : memref<10000x128xf32, #tpu.memory_space<hbm>>) target(%dma_start3A_57 : memref<80x128xf32, #tpu.memory_space<vmem>>) offsets(%dma_start3A_58 : memref<80xi32, #tpu.memory_space<vmem>>) semaphore(%arg12 : memref<!tpu.dma_semaphore, #tpu.memory_space<semaphore_mem>>)
      %add3A_62 = arith.constant 320 : i32
      %add3A_63 = arith.addi %mul3A_21, %add3A_62 : i32
      %dma_start3A_64 = arith.constant 320 : i32
      %dma_start3A_65 = arith.constant 0 : i32
      %dma_start3A_66 = tpu.memref_slice %arg10[%dma_start3A_64, %dma_start3A_65] : memref<400x128xf32, #tpu.memory_space<vmem>> -> memref<80x128xf32, #tpu.memory_space<vmem>>
      %dma_start3A_67 = tpu.memref_slice %arg8[%add3A_63] : memref<2400xi32, #tpu.memory_space<vmem>> -> memref<80xi32, #tpu.memory_space<vmem>>
      %dma_start3A_68 = arith.constant 0 : i32
      %dma_start3A_69 = arith.constant 0 : i32
      %dma_start3A_70 = tpu.memref_slice %arg2[%dma_start3A_68, %dma_start3A_69] : memref<10000x128xf32, #tpu.memory_space<hbm>> -> memref<10000x128xf32, #tpu.memory_space<hbm>>
      tpu.enqueue_indirect_dma source(%dma_start3A_70 : memref<10000x128xf32, #tpu.memory_space<hbm>>) target(%dma_start3A_66 : memref<80x128xf32, #tpu.memory_space<vmem>>) offsets(%dma_start3A_67 : memref<80xi32, #tpu.memory_space<vmem>>) semaphore(%arg12 : memref<!tpu.dma_semaphore, #tpu.memory_space<semaphore_mem>>)
      %gt3A_71 = arith.constant 0 : i32
      %gt3A_72 = arith.cmpi sgt, %scan3A_19, %gt3A_71 : i32
      %convert_element_type3A_73 = arith.extui %gt3A_72 : i1 to i32
      %cond3A_74 = arith.constant 0 : i32
      %cond3A_75 = arith.cmpi ne, %convert_element_type3A_73, %cond3A_74 : i32
      scf.if %cond3A_75 {
        %add3A_201 = arith.addi %mul3A_2, %mul3A_24 : i32
        %dma_wait3A_202 = arith.constant 0 : i32
        %dma_wait3A_203 = tpu.memref_slice %arg7[%add3A_201, %dma_wait3A_202] : memref<76800x128xf32, #tpu.memory_space<hbm>> -> memref<400x128xf32, #tpu.memory_space<hbm>>
        %dma_wait3A_204 = arith.constant 0 : i32
        %dma_wait3A_205 = tpu.memref_slice %arg7[%add3A_201, %dma_wait3A_204] : memref<76800x128xf32, #tpu.memory_space<hbm>> -> memref<400x128xf32, #tpu.memory_space<hbm>>
        tpu.wait_dma2 semaphore(%arg14 : memref<!tpu.dma_semaphore, #tpu.memory_space<semaphore_mem>>) src(%arg11 : memref<400x128xf32, #tpu.memory_space<vmem>>) dst(%dma_wait3A_205 : memref<400x128xf32, #tpu.memory_space<hbm>>)
      } else {
      }
      %add3A_76 = arith.constant 0 : i32
      %add3A_77 = arith.addi %mul3A_21, %add3A_76 : i32
      %dma_start3A_78 = arith.constant 0 : i32
      %dma_start3A_79 = arith.constant 0 : i32
      %dma_start3A_80 = tpu.memref_slice %arg11[%dma_start3A_78, %dma_start3A_79] : memref<400x128xf32, #tpu.memory_space<vmem>> -> memref<80x128xf32, #tpu.memory_space<vmem>>
      %dma_start3A_81 = tpu.memref_slice %arg9[%add3A_77] : memref<2400xi32, #tpu.memory_space<vmem>> -> memref<80xi32, #tpu.memory_space<vmem>>
      %dma_start3A_82 = arith.constant 0 : i32
      %dma_start3A_83 = arith.constant 0 : i32
      %dma_start3A_84 = tpu.memref_slice %arg3[%dma_start3A_82, %dma_start3A_83] : memref<10000x128xf32, #tpu.memory_space<hbm>> -> memref<10000x128xf32, #tpu.memory_space<hbm>>
      tpu.enqueue_indirect_dma source(%dma_start3A_84 : memref<10000x128xf32, #tpu.memory_space<hbm>>) target(%dma_start3A_80 : memref<80x128xf32, #tpu.memory_space<vmem>>) offsets(%dma_start3A_81 : memref<80xi32, #tpu.memory_space<vmem>>) semaphore(%arg12 : memref<!tpu.dma_semaphore, #tpu.memory_space<semaphore_mem>>)
      %add3A_85 = arith.constant 80 : i32
      %add3A_86 = arith.addi %mul3A_21, %add3A_85 : i32
      %dma_start3A_87 = arith.constant 80 : i32
      %dma_start3A_88 = arith.constant 0 : i32
      %dma_start3A_89 = tpu.memref_slice %arg11[%dma_start3A_87, %dma_start3A_88] : memref<400x128xf32, #tpu.memory_space<vmem>> -> memref<80x128xf32, #tpu.memory_space<vmem>>
      %dma_start3A_90 = tpu.memref_slice %arg9[%add3A_86] : memref<2400xi32, #tpu.memory_space<vmem>> -> memref<80xi32, #tpu.memory_space<vmem>>
      %dma_start3A_91 = arith.constant 0 : i32
      %dma_start3A_92 = arith.constant 0 : i32
      %dma_start3A_93 = tpu.memref_slice %arg3[%dma_start3A_91, %dma_start3A_92] : memref<10000x128xf32, #tpu.memory_space<hbm>> -> memref<10000x128xf32, #tpu.memory_space<hbm>>
      tpu.enqueue_indirect_dma source(%dma_start3A_93 : memref<10000x128xf32, #tpu.memory_space<hbm>>) target(%dma_start3A_89 : memref<80x128xf32, #tpu.memory_space<vmem>>) offsets(%dma_start3A_90 : memref<80xi32, #tpu.memory_space<vmem>>) semaphore(%arg12 : memref<!tpu.dma_semaphore, #tpu.memory_space<semaphore_mem>>)
      %add3A_94 = arith.constant 160 : i32
      %add3A_95 = arith.addi %mul3A_21, %add3A_94 : i32
      %dma_start3A_96 = arith.constant 160 : i32
      %dma_start3A_97 = arith.constant 0 : i32
      %dma_start3A_98 = tpu.memref_slice %arg11[%dma_start3A_96, %dma_start3A_97] : memref<400x128xf32, #tpu.memory_space<vmem>> -> memref<80x128xf32, #tpu.memory_space<vmem>>
      %dma_start3A_99 = tpu.memref_slice %arg9[%add3A_95] : memref<2400xi32, #tpu.memory_space<vmem>> -> memref<80xi32, #tpu.memory_space<vmem>>
      %dma_start3A_100 = arith.constant 0 : i32
      %dma_start3A_101 = arith.constant 0 : i32
      %dma_start3A_102 = tpu.memref_slice %arg3[%dma_start3A_100, %dma_start3A_101] : memref<10000x128xf32, #tpu.memory_space<hbm>> -> memref<10000x128xf32, #tpu.memory_space<hbm>>
      tpu.enqueue_indirect_dma source(%dma_start3A_102 : memref<10000x128xf32, #tpu.memory_space<hbm>>) target(%dma_start3A_98 : memref<80x128xf32, #tpu.memory_space<vmem>>) offsets(%dma_start3A_99 : memref<80xi32, #tpu.memory_space<vmem>>) semaphore(%arg12 : memref<!tpu.dma_semaphore, #tpu.memory_space<semaphore_mem>>)
      %add3A_103 = arith.constant 240 : i32
      %add3A_104 = arith.addi %mul3A_21, %add3A_103 : i32
      %dma_start3A_105 = arith.constant 240 : i32
      %dma_start3A_106 = arith.constant 0 : i32
      %dma_start3A_107 = tpu.memref_slice %arg11[%dma_start3A_105, %dma_start3A_106] : memref<400x128xf32, #tpu.memory_space<vmem>> -> memref<80x128xf32, #tpu.memory_space<vmem>>
      %dma_start3A_108 = tpu.memref_slice %arg9[%add3A_104] : memref<2400xi32, #tpu.memory_space<vmem>> -> memref<80xi32, #tpu.memory_space<vmem>>
      %dma_start3A_109 = arith.constant 0 : i32
      %dma_start3A_110 = arith.constant 0 : i32
      %dma_start3A_111 = tpu.memref_slice %arg3[%dma_start3A_109, %dma_start3A_110] : memref<10000x128xf32, #tpu.memory_space<hbm>> -> memref<10000x128xf32, #tpu.memory_space<hbm>>
      tpu.enqueue_indirect_dma source(%dma_start3A_111 : memref<10000x128xf32, #tpu.memory_space<hbm>>) target(%dma_start3A_107 : memref<80x128xf32, #tpu.memory_space<vmem>>) offsets(%dma_start3A_108 : memref<80xi32, #tpu.memory_space<vmem>>) semaphore(%arg12 : memref<!tpu.dma_semaphore, #tpu.memory_space<semaphore_mem>>)
      %add3A_112 = arith.constant 320 : i32
      %add3A_113 = arith.addi %mul3A_21, %add3A_112 : i32
      %dma_start3A_114 = arith.constant 320 : i32
      %dma_start3A_115 = arith.constant 0 : i32
      %dma_start3A_116 = tpu.memref_slice %arg11[%dma_start3A_114, %dma_start3A_115] : memref<400x128xf32, #tpu.memory_space<vmem>> -> memref<80x128xf32, #tpu.memory_space<vmem>>
      %dma_start3A_117 = tpu.memref_slice %arg9[%add3A_113] : memref<2400xi32, #tpu.memory_space<vmem>> -> memref<80xi32, #tpu.memory_space<vmem>>
      %dma_start3A_118 = arith.constant 0 : i32
      %dma_start3A_119 = arith.constant 0 : i32
      %dma_start3A_120 = tpu.memref_slice %arg3[%dma_start3A_118, %dma_start3A_119] : memref<10000x128xf32, #tpu.memory_space<hbm>> -> memref<10000x128xf32, #tpu.memory_space<hbm>>
      tpu.enqueue_indirect_dma source(%dma_start3A_120 : memref<10000x128xf32, #tpu.memory_space<hbm>>) target(%dma_start3A_116 : memref<80x128xf32, #tpu.memory_space<vmem>>) offsets(%dma_start3A_117 : memref<80xi32, #tpu.memory_space<vmem>>) semaphore(%arg12 : memref<!tpu.dma_semaphore, #tpu.memory_space<semaphore_mem>>)
      %dma_wait3A_121 = arith.constant 0 : i32
      %dma_wait3A_122 = arith.constant 0 : i32
      %dma_wait3A_123 = tpu.memref_slice %arg10[%dma_wait3A_121, %dma_wait3A_122] : memref<400x128xf32, #tpu.memory_space<vmem>> -> memref<80x128xf32, #tpu.memory_space<vmem>>
      %dma_wait3A_124 = tpu.memref_slice %arg8[%add3A_28] : memref<2400xi32, #tpu.memory_space<vmem>> -> memref<80xi32, #tpu.memory_space<vmem>>
      %dma_wait3A_125 = arith.constant 0 : i32
      %dma_wait3A_126 = arith.constant 0 : i32
      %dma_wait3A_127 = tpu.memref_slice %arg2[%dma_wait3A_125, %dma_wait3A_126] : memref<10000x128xf32, #tpu.memory_space<hbm>> -> memref<10000x128xf32, #tpu.memory_space<hbm>>
      tpu.wait_indirect_dma semaphore(%arg12 : memref<!tpu.dma_semaphore, #tpu.memory_space<semaphore_mem>>) src(%dma_wait3A_127 : memref<10000x128xf32, #tpu.memory_space<hbm>>) dst(%dma_wait3A_123 : memref<80x128xf32, #tpu.memory_space<vmem>>)
      %dma_wait3A_128 = arith.constant 80 : i32
      %dma_wait3A_129 = arith.constant 0 : i32
      %dma_wait3A_130 = tpu.memref_slice %arg10[%dma_wait3A_128, %dma_wait3A_129] : memref<400x128xf32, #tpu.memory_space<vmem>> -> memref<80x128xf32, #tpu.memory_space<vmem>>
      %dma_wait3A_131 = tpu.memref_slice %arg8[%add3A_36] : memref<2400xi32, #tpu.memory_space<vmem>> -> memref<80xi32, #tpu.memory_space<vmem>>
      %dma_wait3A_132 = arith.constant 0 : i32
      %dma_wait3A_133 = arith.constant 0 : i32
      %dma_wait3A_134 = tpu.memref_slice %arg2[%dma_wait3A_132, %dma_wait3A_133] : memref<10000x128xf32, #tpu.memory_space<hbm>> -> memref<10000x128xf32, #tpu.memory_space<hbm>>
      tpu.wait_indirect_dma semaphore(%arg12 : memref<!tpu.dma_semaphore, #tpu.memory_space<semaphore_mem>>) src(%dma_wait3A_134 : memref<10000x128xf32, #tpu.memory_space<hbm>>) dst(%dma_wait3A_130 : memref<80x128xf32, #tpu.memory_space<vmem>>)
      %dma_wait3A_135 = arith.constant 160 : i32
      %dma_wait3A_136 = arith.constant 0 : i32
      %dma_wait3A_137 = tpu.memref_slice %arg10[%dma_wait3A_135, %dma_wait3A_136] : memref<400x128xf32, #tpu.memory_space<vmem>> -> memref<80x128xf32, #tpu.memory_space<vmem>>
      %dma_wait3A_138 = tpu.memref_slice %arg8[%add3A_45] : memref<2400xi32, #tpu.memory_space<vmem>> -> memref<80xi32, #tpu.memory_space<vmem>>
      %dma_wait3A_139 = arith.constant 0 : i32
      %dma_wait3A_140 = arith.constant 0 : i32
      %dma_wait3A_141 = tpu.memref_slice %arg2[%dma_wait3A_139, %dma_wait3A_140] : memref<10000x128xf32, #tpu.memory_space<hbm>> -> memref<10000x128xf32, #tpu.memory_space<hbm>>
      tpu.wait_indirect_dma semaphore(%arg12 : memref<!tpu.dma_semaphore, #tpu.memory_space<semaphore_mem>>) src(%dma_wait3A_141 : memref<10000x128xf32, #tpu.memory_space<hbm>>) dst(%dma_wait3A_137 : memref<80x128xf32, #tpu.memory_space<vmem>>)
      %dma_wait3A_142 = arith.constant 240 : i32
      %dma_wait3A_143 = arith.constant 0 : i32
      %dma_wait3A_144 = tpu.memref_slice %arg10[%dma_wait3A_142, %dma_wait3A_143] : memref<400x128xf32, #tpu.memory_space<vmem>> -> memref<80x128xf32, #tpu.memory_space<vmem>>
      %dma_wait3A_145 = tpu.memref_slice %arg8[%add3A_54] : memref<2400xi32, #tpu.memory_space<vmem>> -> memref<80xi32, #tpu.memory_space<vmem>>
      %dma_wait3A_146 = arith.constant 0 : i32
      %dma_wait3A_147 = arith.constant 0 : i32
      %dma_wait3A_148 = tpu.memref_slice %arg2[%dma_wait3A_146, %dma_wait3A_147] : memref<10000x128xf32, #tpu.memory_space<hbm>> -> memref<10000x128xf32, #tpu.memory_space<hbm>>
      tpu.wait_indirect_dma semaphore(%arg12 : memref<!tpu.dma_semaphore, #tpu.memory_space<semaphore_mem>>) src(%dma_wait3A_148 : memref<10000x128xf32, #tpu.memory_space<hbm>>) dst(%dma_wait3A_144 : memref<80x128xf32, #tpu.memory_space<vmem>>)
      %dma_wait3A_149 = arith.constant 320 : i32
      %dma_wait3A_150 = arith.constant 0 : i32
      %dma_wait3A_151 = tpu.memref_slice %arg10[%dma_wait3A_149, %dma_wait3A_150] : memref<400x128xf32, #tpu.memory_space<vmem>> -> memref<80x128xf32, #tpu.memory_space<vmem>>
      %dma_wait3A_152 = tpu.memref_slice %arg8[%add3A_63] : memref<2400xi32, #tpu.memory_space<vmem>> -> memref<80xi32, #tpu.memory_space<vmem>>
      %dma_wait3A_153 = arith.constant 0 : i32
      %dma_wait3A_154 = arith.constant 0 : i32
      %dma_wait3A_155 = tpu.memref_slice %arg2[%dma_wait3A_153, %dma_wait3A_154] : memref<10000x128xf32, #tpu.memory_space<hbm>> -> memref<10000x128xf32, #tpu.memory_space<hbm>>
      tpu.wait_indirect_dma semaphore(%arg12 : memref<!tpu.dma_semaphore, #tpu.memory_space<semaphore_mem>>) src(%dma_wait3A_155 : memref<10000x128xf32, #tpu.memory_space<hbm>>) dst(%dma_wait3A_151 : memref<80x128xf32, #tpu.memory_space<vmem>>)
      %add3A_156 = arith.addi %mul3A_2, %mul3A_21 : i32
      %dma_start3A_157 = arith.constant 0 : i32
      %dma_start3A_158 = tpu.memref_slice %arg6[%add3A_156, %dma_start3A_157] : memref<76800x128xf32, #tpu.memory_space<hbm>> -> memref<400x128xf32, #tpu.memory_space<hbm>>
      %dma_start3A_159 = arith.constant 0 : i32
      %dma_start3A_160 = tpu.memref_slice %arg6[%add3A_156, %dma_start3A_159] : memref<76800x128xf32, #tpu.memory_space<hbm>> -> memref<400x128xf32, #tpu.memory_space<hbm>>
      tpu.enqueue_dma source(%arg10 : memref<400x128xf32, #tpu.memory_space<vmem>>) target(%dma_start3A_160 : memref<400x128xf32, #tpu.memory_space<hbm>>) target_semaphore(%arg13 : memref<!tpu.dma_semaphore, #tpu.memory_space<semaphore_mem>>)
      %dma_wait3A_161 = arith.constant 0 : i32
      %dma_wait3A_162 = arith.constant 0 : i32
      %dma_wait3A_163 = tpu.memref_slice %arg11[%dma_wait3A_161, %dma_wait3A_162] : memref<400x128xf32, #tpu.memory_space<vmem>> -> memref<80x128xf32, #tpu.memory_space<vmem>>
      %dma_wait3A_164 = tpu.memref_slice %arg9[%add3A_77] : memref<2400xi32, #tpu.memory_space<vmem>> -> memref<80xi32, #tpu.memory_space<vmem>>
      %dma_wait3A_165 = arith.constant 0 : i32
      %dma_wait3A_166 = arith.constant 0 : i32
      %dma_wait3A_167 = tpu.memref_slice %arg3[%dma_wait3A_165, %dma_wait3A_166] : memref<10000x128xf32, #tpu.memory_space<hbm>> -> memref<10000x128xf32, #tpu.memory_space<hbm>>
      tpu.wait_indirect_dma semaphore(%arg12 : memref<!tpu.dma_semaphore, #tpu.memory_space<semaphore_mem>>) src(%dma_wait3A_167 : memref<10000x128xf32, #tpu.memory_space<hbm>>) dst(%dma_wait3A_163 : memref<80x128xf32, #tpu.memory_space<vmem>>)
      %dma_wait3A_168 = arith.constant 80 : i32
      %dma_wait3A_169 = arith.constant 0 : i32
      %dma_wait3A_170 = tpu.memref_slice %arg11[%dma_wait3A_168, %dma_wait3A_169] : memref<400x128xf32, #tpu.memory_space<vmem>> -> memref<80x128xf32, #tpu.memory_space<vmem>>
      %dma_wait3A_171 = tpu.memref_slice %arg9[%add3A_86] : memref<2400xi32, #tpu.memory_space<vmem>> -> memref<80xi32, #tpu.memory_space<vmem>>
      %dma_wait3A_172 = arith.constant 0 : i32
      %dma_wait3A_173 = arith.constant 0 : i32
      %dma_wait3A_174 = tpu.memref_slice %arg3[%dma_wait3A_172, %dma_wait3A_173] : memref<10000x128xf32, #tpu.memory_space<hbm>> -> memref<10000x128xf32, #tpu.memory_space<hbm>>
      tpu.wait_indirect_dma semaphore(%arg12 : memref<!tpu.dma_semaphore, #tpu.memory_space<semaphore_mem>>) src(%dma_wait3A_174 : memref<10000x128xf32, #tpu.memory_space<hbm>>) dst(%dma_wait3A_170 : memref<80x128xf32, #tpu.memory_space<vmem>>)
      %dma_wait3A_175 = arith.constant 160 : i32
      %dma_wait3A_176 = arith.constant 0 : i32
      %dma_wait3A_177 = tpu.memref_slice %arg11[%dma_wait3A_175, %dma_wait3A_176] : memref<400x128xf32, #tpu.memory_space<vmem>> -> memref<80x128xf32, #tpu.memory_space<vmem>>
      %dma_wait3A_178 = tpu.memref_slice %arg9[%add3A_95] : memref<2400xi32, #tpu.memory_space<vmem>> -> memref<80xi32, #tpu.memory_space<vmem>>
      %dma_wait3A_179 = arith.constant 0 : i32
      %dma_wait3A_180 = arith.constant 0 : i32
      %dma_wait3A_181 = tpu.memref_slice %arg3[%dma_wait3A_179, %dma_wait3A_180] : memref<10000x128xf32, #tpu.memory_space<hbm>> -> memref<10000x128xf32, #tpu.memory_space<hbm>>
      tpu.wait_indirect_dma semaphore(%arg12 : memref<!tpu.dma_semaphore, #tpu.memory_space<semaphore_mem>>) src(%dma_wait3A_181 : memref<10000x128xf32, #tpu.memory_space<hbm>>) dst(%dma_wait3A_177 : memref<80x128xf32, #tpu.memory_space<vmem>>)
      %dma_wait3A_182 = arith.constant 240 : i32
      %dma_wait3A_183 = arith.constant 0 : i32
      %dma_wait3A_184 = tpu.memref_slice %arg11[%dma_wait3A_182, %dma_wait3A_183] : memref<400x128xf32, #tpu.memory_space<vmem>> -> memref<80x128xf32, #tpu.memory_space<vmem>>
      %dma_wait3A_185 = tpu.memref_slice %arg9[%add3A_104] : memref<2400xi32, #tpu.memory_space<vmem>> -> memref<80xi32, #tpu.memory_space<vmem>>
      %dma_wait3A_186 = arith.constant 0 : i32
      %dma_wait3A_187 = arith.constant 0 : i32
      %dma_wait3A_188 = tpu.memref_slice %arg3[%dma_wait3A_186, %dma_wait3A_187] : memref<10000x128xf32, #tpu.memory_space<hbm>> -> memref<10000x128xf32, #tpu.memory_space<hbm>>
      tpu.wait_indirect_dma semaphore(%arg12 : memref<!tpu.dma_semaphore, #tpu.memory_space<semaphore_mem>>) src(%dma_wait3A_188 : memref<10000x128xf32, #tpu.memory_space<hbm>>) dst(%dma_wait3A_184 : memref<80x128xf32, #tpu.memory_space<vmem>>)
      %dma_wait3A_189 = arith.constant 320 : i32
      %dma_wait3A_190 = arith.constant 0 : i32
      %dma_wait3A_191 = tpu.memref_slice %arg11[%dma_wait3A_189, %dma_wait3A_190] : memref<400x128xf32, #tpu.memory_space<vmem>> -> memref<80x128xf32, #tpu.memory_space<vmem>>
      %dma_wait3A_192 = tpu.memref_slice %arg9[%add3A_113] : memref<2400xi32, #tpu.memory_space<vmem>> -> memref<80xi32, #tpu.memory_space<vmem>>
      %dma_wait3A_193 = arith.constant 0 : i32
      %dma_wait3A_194 = arith.constant 0 : i32
      %dma_wait3A_195 = tpu.memref_slice %arg3[%dma_wait3A_193, %dma_wait3A_194] : memref<10000x128xf32, #tpu.memory_space<hbm>> -> memref<10000x128xf32, #tpu.memory_space<hbm>>
      tpu.wait_indirect_dma semaphore(%arg12 : memref<!tpu.dma_semaphore, #tpu.memory_space<semaphore_mem>>) src(%dma_wait3A_195 : memref<10000x128xf32, #tpu.memory_space<hbm>>) dst(%dma_wait3A_191 : memref<80x128xf32, #tpu.memory_space<vmem>>)
      %add3A_196 = arith.addi %mul3A_2, %mul3A_21 : i32
      %dma_start3A_197 = arith.constant 0 : i32
      %dma_start3A_198 = tpu.memref_slice %arg7[%add3A_196, %dma_start3A_197] : memref<76800x128xf32, #tpu.memory_space<hbm>> -> memref<400x128xf32, #tpu.memory_space<hbm>>
      %dma_start3A_199 = arith.constant 0 : i32
      %dma_start3A_200 = tpu.memref_slice %arg7[%add3A_196, %dma_start3A_199] : memref<76800x128xf32, #tpu.memory_space<hbm>> -> memref<400x128xf32, #tpu.memory_space<hbm>>
      tpu.enqueue_dma source(%arg11 : memref<400x128xf32, #tpu.memory_space<vmem>>) target(%dma_start3A_200 : memref<400x128xf32, #tpu.memory_space<hbm>>) target_semaphore(%arg14 : memref<!tpu.dma_semaphore, #tpu.memory_space<semaphore_mem>>)
    }
    %scan3A_7 = arith.constant 6 : i32
    %add3A_8 = arith.constant 2000 : i32
    %add3A_9 = arith.addi %mul3A_2, %add3A_8 : i32
    %dma_wait3A = arith.constant 0 : i32
    %dma_wait3A_10 = tpu.memref_slice %arg6[%add3A_9, %dma_wait3A] : memref<76800x128xf32, #tpu.memory_space<hbm>> -> memref<400x128xf32, #tpu.memory_space<hbm>>
    %dma_wait3A_11 = arith.constant 0 : i32
    %dma_wait3A_12 = tpu.memref_slice %arg6[%add3A_9, %dma_wait3A_11] : memref<76800x128xf32, #tpu.memory_space<hbm>> -> memref<400x128xf32, #tpu.memory_space<hbm>>
    tpu.wait_dma2 semaphore(%arg13 : memref<!tpu.dma_semaphore, #tpu.memory_space<semaphore_mem>>) src(%arg10 : memref<400x128xf32, #tpu.memory_space<vmem>>) dst(%dma_wait3A_12 : memref<400x128xf32, #tpu.memory_space<hbm>>)
    %add3A_13 = arith.constant 2000 : i32
    %add3A_14 = arith.addi %mul3A_2, %add3A_13 : i32
    %dma_wait3A_15 = arith.constant 0 : i32
    %dma_wait3A_16 = tpu.memref_slice %arg7[%add3A_14, %dma_wait3A_15] : memref<76800x128xf32, #tpu.memory_space<hbm>> -> memref<400x128xf32, #tpu.memory_space<hbm>>
    %dma_wait3A_17 = arith.constant 0 : i32
    %dma_wait3A_18 = tpu.memref_slice %arg7[%add3A_14, %dma_wait3A_17] : memref<76800x128xf32, #tpu.memory_space<hbm>> -> memref<400x128xf32, #tpu.memory_space<hbm>>
    tpu.wait_dma2 semaphore(%arg14 : memref<!tpu.dma_semaphore, #tpu.memory_space<semaphore_mem>>) src(%arg11 : memref<400x128xf32, #tpu.memory_space<vmem>>) dst(%dma_wait3A_18 : memref<400x128xf32, #tpu.memory_space<hbm>>)
    return
  }
}

#map = affine_map<(d0, d1) -> (0, 0)>
#map1 = affine_map<(d0, d1) -> (0)>
module attributes {stable_mosaic.version = 14 : i64} {
  func.func @gather_kernel(%arg0: i32, %arg1: i32, %arg2: memref<10000x128xf32, #tpu.memory_space<hbm>>, %arg3: memref<10000x128xf32, #tpu.memory_space<hbm>>, %arg4: memref<76800xi32, #tpu.memory_space<hbm>>, %arg5: memref<76800xi32, #tpu.memory_space<hbm>>, %arg6: memref<76800x128xf32, #tpu.memory_space<hbm>>, %arg7: memref<76800x128xf32, #tpu.memory_space<hbm>>, %arg8: memref<2400xi32, #tpu.memory_space<vmem>>, %arg9: memref<2400xi32, #tpu.memory_space<vmem>>, %arg10: memref<400x128xf32, #tpu.memory_space<vmem>>, %arg11: memref<400x128xf32, #tpu.memory_space<vmem>>, %arg12: memref<!tpu.dma_semaphore, #tpu.memory_space<semaphore_mem>>, %arg13: memref<!tpu.dma_semaphore, #tpu.memory_space<semaphore_mem>>, %arg14: memref<!tpu.dma_semaphore, #tpu.memory_space<semaphore_mem>>) attributes {dimension_semantics = [#tpu.dimension_semantics<core_parallel>, #tpu.dimension_semantics<subcore_parallel>], iteration_bounds = array<i64: 2, 16>, scalar_prefetch = 0 : i64, scratch_operands = 7 : i64, tpu.core_type = #tpu.core_type<sc_vector_subcore>, window_params = [{transform_indices = #map}, {transform_indices = #map}, {transform_indices = #map1}, {transform_indices = #map1}, {transform_indices = #map}, {transform_indices = #map}]} {
    %mul3A = arith.constant 2 : i32
    %mul3A_0 = arith.muli %arg1, %mul3A : i32
    %add3A = arith.addi %mul3A_0, %arg0 : i32
    %mul3A_1 = arith.constant 2400 : i32
    %mul3A_2 = arith.muli %add3A, %mul3A_1 : i32
    "tpu.region"() ({
      %run_scoped3A = tpu.sem_alloc : memref<!tpu.dma_semaphore, #tpu.memory_space<semaphore_mem>>
      %dma_start3A = tpu.memref_slice %arg4[%mul3A_2] : memref<76800xi32, #tpu.memory_space<hbm>> -> memref<2400xi32, #tpu.memory_space<hbm>>
      %dma_start3A_19 = tpu.memref_slice %arg4[%mul3A_2] : memref<76800xi32, #tpu.memory_space<hbm>> -> memref<2400xi32, #tpu.memory_space<hbm>>
      tpu.enqueue_dma source(%dma_start3A_19 : memref<2400xi32, #tpu.memory_space<hbm>>) target(%arg8 : memref<2400xi32, #tpu.memory_space<vmem>>) target_semaphore(%run_scoped3A : memref<!tpu.dma_semaphore, #tpu.memory_space<semaphore_mem>>)
      %dma_wait3A_20 = tpu.memref_slice %arg4[%mul3A_2] : memref<76800xi32, #tpu.memory_space<hbm>> -> memref<2400xi32, #tpu.memory_space<hbm>>
      %dma_wait3A_21 = tpu.memref_slice %arg4[%mul3A_2] : memref<76800xi32, #tpu.memory_space<hbm>> -> memref<2400xi32, #tpu.memory_space<hbm>>
      tpu.wait_dma2 semaphore(%run_scoped3A : memref<!tpu.dma_semaphore, #tpu.memory_space<semaphore_mem>>) src(%dma_wait3A_21 : memref<2400xi32, #tpu.memory_space<hbm>>) dst(%arg8 : memref<2400xi32, #tpu.memory_space<vmem>>)
      tpu.yield
    }) : () -> ()
    "tpu.region"() ({
      %run_scoped3A = tpu.sem_alloc : memref<!tpu.dma_semaphore, #tpu.memory_space<semaphore_mem>>
      %dma_start3A = tpu.memref_slice %arg5[%mul3A_2] : memref<76800xi32, #tpu.memory_space<hbm>> -> memref<2400xi32, #tpu.memory_space<hbm>>
      %dma_start3A_19 = tpu.memref_slice %arg5[%mul3A_2] : memref<76800xi32, #tpu.memory_space<hbm>> -> memref<2400xi32, #tpu.memory_space<hbm>>
      tpu.enqueue_dma source(%dma_start3A_19 : memref<2400xi32, #tpu.memory_space<hbm>>) target(%arg9 : memref<2400xi32, #tpu.memory_space<vmem>>) target_semaphore(%run_scoped3A : memref<!tpu.dma_semaphore, #tpu.memory_space<semaphore_mem>>)
      %dma_wait3A_20 = tpu.memref_slice %arg5[%mul3A_2] : memref<76800xi32, #tpu.memory_space<hbm>> -> memref<2400xi32, #tpu.memory_space<hbm>>
      %dma_wait3A_21 = tpu.memref_slice %arg5[%mul3A_2] : memref<76800xi32, #tpu.memory_space<hbm>> -> memref<2400xi32, #tpu.memory_space<hbm>>
      tpu.wait_dma2 semaphore(%run_scoped3A : memref<!tpu.dma_semaphore, #tpu.memory_space<semaphore_mem>>) src(%dma_wait3A_21 : memref<2400xi32, #tpu.memory_space<hbm>>) dst(%arg9 : memref<2400xi32, #tpu.memory_space<vmem>>)
      tpu.yield
    }) : () -> ()
    %scan3A = arith.constant 0 : i32
    %scan3A_3 = arith.constant 0 : i32
    %scan3A_4 = arith.constant 6 : i32
    %scan3A_5 = arith.addi %scan3A_3, %scan3A_4 : i32
    %scan3A_6 = arith.constant 1 : i32
    scf.for %scan3A_19 = %scan3A_3 to %scan3A_5 step %scan3A_6  : i32 {
      %mul3A_20 = arith.constant 400 : i32
      %mul3A_21 = arith.muli %scan3A_19, %mul3A_20 : i32
      %sub3A = arith.constant 1 : i32
      %sub3A_22 = arith.subi %scan3A_19, %sub3A : i32
      %mul3A_23 = arith.constant 400 : i32
      %mul3A_24 = arith.muli %sub3A_22, %mul3A_23 : i32
      %gt3A = arith.constant 0 : i32
      %gt3A_25 = arith.cmpi sgt, %scan3A_19, %gt3A : i32
      %convert_element_type3A = arith.extui %gt3A_25 : i1 to i32
      %cond3A = arith.constant 0 : i32
      %cond3A_26 = arith.cmpi ne, %convert_element_type3A, %cond3A : i32
      scf.if %cond3A_26 {
        %add3A_201 = arith.addi %mul3A_2, %mul3A_24 : i32
        %dma_wait3A_202 = arith.constant 0 : i32
        %dma_wait3A_203 = tpu.memref_slice %arg6[%add3A_201, %dma_wait3A_202] : memref<76800x128xf32, #tpu.memory_space<hbm>> -> memref<400x128xf32, #tpu.memory_space<hbm>>
        %dma_wait3A_204 = arith.constant 0 : i32
        %dma_wait3A_205 = tpu.memref_slice %arg6[%add3A_201, %dma_wait3A_204] : memref<76800x128xf32, #tpu.memory_space<hbm>> -> memref<400x128xf32, #tpu.memory_space<hbm>>
        tpu.wait_dma2 semaphore(%arg13 : memref<!tpu.dma_semaphore, #tpu.memory_space<semaphore_mem>>) src(%arg10 : memref<400x128xf32, #tpu.memory_space<vmem>>) dst(%dma_wait3A_205 : memref<400x128xf32, #tpu.memory_space<hbm>>)
      } else {
      }
      %add3A_27 = arith.constant 0 : i32
      %add3A_28 = arith.addi %mul3A_21, %add3A_27 : i32
      %dma_start3A = arith.constant 0 : i32
      %dma_start3A_29 = arith.constant 0 : i32
      %dma_start3A_30 = tpu.memref_slice %arg10[%dma_start3A, %dma_start3A_29] : memref<400x128xf32, #tpu.memory_space<vmem>> -> memref<80x128xf32, #tpu.memory_space<vmem>>
      %dma_start3A_31 = tpu.memref_slice %arg8[%add3A_28] : memref<2400xi32, #tpu.memory_space<vmem>> -> memref<80xi32, #tpu.memory_space<vmem>>
      %dma_start3A_32 = arith.constant 0 : i32
      %dma_start3A_33 = arith.constant 0 : i32
      %dma_start3A_34 = tpu.memref_slice %arg2[%dma_start3A_32, %dma_start3A_33] : memref<10000x128xf32, #tpu.memory_space<hbm>> -> memref<10000x128xf32, #tpu.memory_space<hbm>>
      tpu.enqueue_indirect_dma source(%dma_start3A_34 : memref<10000x128xf32, #tpu.memory_space<hbm>>) target(%dma_start3A_30 : memref<80x128xf32, #tpu.memory_space<vmem>>) offsets(%dma_start3A_31 : memref<80xi32, #tpu.memory_space<vmem>>) semaphore(%arg12 : memref<!tpu.dma_semaphore, #tpu.memory_space<semaphore_mem>>)
      %add3A_35 = arith.constant 80 : i32
      %add3A_36 = arith.addi %mul3A_21, %add3A_35 : i32
      %dma_start3A_37 = arith.constant 80 : i32
      %dma_start3A_38 = arith.constant 0 : i32
      %dma_start3A_39 = tpu.memref_slice %arg10[%dma_start3A_37, %dma_start3A_38] : memref<400x128xf32, #tpu.memory_space<vmem>> -> memref<80x128xf32, #tpu.memory_space<vmem>>
      %dma_start3A_40 = tpu.memref_slice %arg8[%add3A_36] : memref<2400xi32, #tpu.memory_space<vmem>> -> memref<80xi32, #tpu.memory_space<vmem>>
      %dma_start3A_41 = arith.constant 0 : i32
      %dma_start3A_42 = arith.constant 0 : i32
      %dma_start3A_43 = tpu.memref_slice %arg2[%dma_start3A_41, %dma_start3A_42] : memref<10000x128xf32, #tpu.memory_space<hbm>> -> memref<10000x128xf32, #tpu.memory_space<hbm>>
      tpu.enqueue_indirect_dma source(%dma_start3A_43 : memref<10000x128xf32, #tpu.memory_space<hbm>>) target(%dma_start3A_39 : memref<80x128xf32, #tpu.memory_space<vmem>>) offsets(%dma_start3A_40 : memref<80xi32, #tpu.memory_space<vmem>>) semaphore(%arg12 : memref<!tpu.dma_semaphore, #tpu.memory_space<semaphore_mem>>)
      %add3A_44 = arith.constant 160 : i32
      %add3A_45 = arith.addi %mul3A_21, %add3A_44 : i32
      %dma_start3A_46 = arith.constant 160 : i32
      %dma_start3A_47 = arith.constant 0 : i32
      %dma_start3A_48 = tpu.memref_slice %arg10[%dma_start3A_46, %dma_start3A_47] : memref<400x128xf32, #tpu.memory_space<vmem>> -> memref<80x128xf32, #tpu.memory_space<vmem>>
      %dma_start3A_49 = tpu.memref_slice %arg8[%add3A_45] : memref<2400xi32, #tpu.memory_space<vmem>> -> memref<80xi32, #tpu.memory_space<vmem>>
      %dma_start3A_50 = arith.constant 0 : i32
      %dma_start3A_51 = arith.constant 0 : i32
      %dma_start3A_52 = tpu.memref_slice %arg2[%dma_start3A_50, %dma_start3A_51] : memref<10000x128xf32, #tpu.memory_space<hbm>> -> memref<10000x128xf32, #tpu.memory_space<hbm>>
      tpu.enqueue_indirect_dma source(%dma_start3A_52 : memref<10000x128xf32, #tpu.memory_space<hbm>>) target(%dma_start3A_48 : memref<80x128xf32, #tpu.memory_space<vmem>>) offsets(%dma_start3A_49 : memref<80xi32, #tpu.memory_space<vmem>>) semaphore(%arg12 : memref<!tpu.dma_semaphore, #tpu.memory_space<semaphore_mem>>)
      %add3A_53 = arith.constant 240 : i32
      %add3A_54 = arith.addi %mul3A_21, %add3A_53 : i32
      %dma_start3A_55 = arith.constant 240 : i32
      %dma_start3A_56 = arith.constant 0 : i32
      %dma_start3A_57 = tpu.memref_slice %arg10[%dma_start3A_55, %dma_start3A_56] : memref<400x128xf32, #tpu.memory_space<vmem>> -> memref<80x128xf32, #tpu.memory_space<vmem>>
      %dma_start3A_58 = tpu.memref_slice %arg8[%add3A_54] : memref<2400xi32, #tpu.memory_space<vmem>> -> memref<80xi32, #tpu.memory_space<vmem>>
      %dma_start3A_59 = arith.constant 0 : i32
      %dma_start3A_60 = arith.constant 0 : i32
      %dma_start3A_61 = tpu.memref_slice %arg2[%dma_start3A_59, %dma_start3A_60] : memref<10000x128xf32, #tpu.memory_space<hbm>> -> memref<10000x128xf32, #tpu.memory_space<hbm>>
      tpu.enqueue_indirect_dma source(%dma_start3A_61 : memref<10000x128xf32, #tpu.memory_space<hbm>>) target(%dma_start3A_57 : memref<80x128xf32, #tpu.memory_space<vmem>>) offsets(%dma_start3A_58 : memref<80xi32, #tpu.memory_space<vmem>>) semaphore(%arg12 : memref<!tpu.dma_semaphore, #tpu.memory_space<semaphore_mem>>)
      %add3A_62 = arith.constant 320 : i32
      %add3A_63 = arith.addi %mul3A_21, %add3A_62 : i32
      %dma_start3A_64 = arith.constant 320 : i32
      %dma_start3A_65 = arith.constant 0 : i32
      %dma_start3A_66 = tpu.memref_slice %arg10[%dma_start3A_64, %dma_start3A_65] : memref<400x128xf32, #tpu.memory_space<vmem>> -> memref<80x128xf32, #tpu.memory_space<vmem>>
      %dma_start3A_67 = tpu.memref_slice %arg8[%add3A_63] : memref<2400xi32, #tpu.memory_space<vmem>> -> memref<80xi32, #tpu.memory_space<vmem>>
      %dma_start3A_68 = arith.constant 0 : i32
      %dma_start3A_69 = arith.constant 0 : i32
      %dma_start3A_70 = tpu.memref_slice %arg2[%dma_start3A_68, %dma_start3A_69] : memref<10000x128xf32, #tpu.memory_space<hbm>> -> memref<10000x128xf32, #tpu.memory_space<hbm>>
      tpu.enqueue_indirect_dma source(%dma_start3A_70 : memref<10000x128xf32, #tpu.memory_space<hbm>>) target(%dma_start3A_66 : memref<80x128xf32, #tpu.memory_space<vmem>>) offsets(%dma_start3A_67 : memref<80xi32, #tpu.memory_space<vmem>>) semaphore(%arg12 : memref<!tpu.dma_semaphore, #tpu.memory_space<semaphore_mem>>)
      %gt3A_71 = arith.constant 0 : i32
      %gt3A_72 = arith.cmpi sgt, %scan3A_19, %gt3A_71 : i32
      %convert_element_type3A_73 = arith.extui %gt3A_72 : i1 to i32
      %cond3A_74 = arith.constant 0 : i32
      %cond3A_75 = arith.cmpi ne, %convert_element_type3A_73, %cond3A_74 : i32
      scf.if %cond3A_75 {
        %add3A_201 = arith.addi %mul3A_2, %mul3A_24 : i32
        %dma_wait3A_202 = arith.constant 0 : i32
        %dma_wait3A_203 = tpu.memref_slice %arg7[%add3A_201, %dma_wait3A_202] : memref<76800x128xf32, #tpu.memory_space<hbm>> -> memref<400x128xf32, #tpu.memory_space<hbm>>
        %dma_wait3A_204 = arith.constant 0 : i32
        %dma_wait3A_205 = tpu.memref_slice %arg7[%add3A_201, %dma_wait3A_204] : memref<76800x128xf32, #tpu.memory_space<hbm>> -> memref<400x128xf32, #tpu.memory_space<hbm>>
        tpu.wait_dma2 semaphore(%arg14 : memref<!tpu.dma_semaphore, #tpu.memory_space<semaphore_mem>>) src(%arg11 : memref<400x128xf32, #tpu.memory_space<vmem>>) dst(%dma_wait3A_205 : memref<400x128xf32, #tpu.memory_space<hbm>>)
      } else {
      }
      %add3A_76 = arith.constant 0 : i32
      %add3A_77 = arith.addi %mul3A_21, %add3A_76 : i32
      %dma_start3A_78 = arith.constant 0 : i32
      %dma_start3A_79 = arith.constant 0 : i32
      %dma_start3A_80 = tpu.memref_slice %arg11[%dma_start3A_78, %dma_start3A_79] : memref<400x128xf32, #tpu.memory_space<vmem>> -> memref<80x128xf32, #tpu.memory_space<vmem>>
      %dma_start3A_81 = tpu.memref_slice %arg9[%add3A_77] : memref<2400xi32, #tpu.memory_space<vmem>> -> memref<80xi32, #tpu.memory_space<vmem>>
      %dma_start3A_82 = arith.constant 0 : i32
      %dma_start3A_83 = arith.constant 0 : i32
      %dma_start3A_84 = tpu.memref_slice %arg3[%dma_start3A_82, %dma_start3A_83] : memref<10000x128xf32, #tpu.memory_space<hbm>> -> memref<10000x128xf32, #tpu.memory_space<hbm>>
      tpu.enqueue_indirect_dma source(%dma_start3A_84 : memref<10000x128xf32, #tpu.memory_space<hbm>>) target(%dma_start3A_80 : memref<80x128xf32, #tpu.memory_space<vmem>>) offsets(%dma_start3A_81 : memref<80xi32, #tpu.memory_space<vmem>>) semaphore(%arg12 : memref<!tpu.dma_semaphore, #tpu.memory_space<semaphore_mem>>)
      %add3A_85 = arith.constant 80 : i32
      %add3A_86 = arith.addi %mul3A_21, %add3A_85 : i32
      %dma_start3A_87 = arith.constant 80 : i32
      %dma_start3A_88 = arith.constant 0 : i32
      %dma_start3A_89 = tpu.memref_slice %arg11[%dma_start3A_87, %dma_start3A_88] : memref<400x128xf32, #tpu.memory_space<vmem>> -> memref<80x128xf32, #tpu.memory_space<vmem>>
      %dma_start3A_90 = tpu.memref_slice %arg9[%add3A_86] : memref<2400xi32, #tpu.memory_space<vmem>> -> memref<80xi32, #tpu.memory_space<vmem>>
      %dma_start3A_91 = arith.constant 0 : i32
      %dma_start3A_92 = arith.constant 0 : i32
      %dma_start3A_93 = tpu.memref_slice %arg3[%dma_start3A_91, %dma_start3A_92] : memref<10000x128xf32, #tpu.memory_space<hbm>> -> memref<10000x128xf32, #tpu.memory_space<hbm>>
      tpu.enqueue_indirect_dma source(%dma_start3A_93 : memref<10000x128xf32, #tpu.memory_space<hbm>>) target(%dma_start3A_89 : memref<80x128xf32, #tpu.memory_space<vmem>>) offsets(%dma_start3A_90 : memref<80xi32, #tpu.memory_space<vmem>>) semaphore(%arg12 : memref<!tpu.dma_semaphore, #tpu.memory_space<semaphore_mem>>)
      %add3A_94 = arith.constant 160 : i32
      %add3A_95 = arith.addi %mul3A_21, %add3A_94 : i32
      %dma_start3A_96 = arith.constant 160 : i32
      %dma_start3A_97 = arith.constant 0 : i32
      %dma_start3A_98 = tpu.memref_slice %arg11[%dma_start3A_96, %dma_start3A_97] : memref<400x128xf32, #tpu.memory_space<vmem>> -> memref<80x128xf32, #tpu.memory_space<vmem>>
      %dma_start3A_99 = tpu.memref_slice %arg9[%add3A_95] : memref<2400xi32, #tpu.memory_space<vmem>> -> memref<80xi32, #tpu.memory_space<vmem>>
      %dma_start3A_100 = arith.constant 0 : i32
      %dma_start3A_101 = arith.constant 0 : i32
      %dma_start3A_102 = tpu.memref_slice %arg3[%dma_start3A_100, %dma_start3A_101] : memref<10000x128xf32, #tpu.memory_space<hbm>> -> memref<10000x128xf32, #tpu.memory_space<hbm>>
      tpu.enqueue_indirect_dma source(%dma_start3A_102 : memref<10000x128xf32, #tpu.memory_space<hbm>>) target(%dma_start3A_98 : memref<80x128xf32, #tpu.memory_space<vmem>>) offsets(%dma_start3A_99 : memref<80xi32, #tpu.memory_space<vmem>>) semaphore(%arg12 : memref<!tpu.dma_semaphore, #tpu.memory_space<semaphore_mem>>)
      %add3A_103 = arith.constant 240 : i32
      %add3A_104 = arith.addi %mul3A_21, %add3A_103 : i32
      %dma_start3A_105 = arith.constant 240 : i32
      %dma_start3A_106 = arith.constant 0 : i32
      %dma_start3A_107 = tpu.memref_slice %arg11[%dma_start3A_105, %dma_start3A_106] : memref<400x128xf32, #tpu.memory_space<vmem>> -> memref<80x128xf32, #tpu.memory_space<vmem>>
      %dma_start3A_108 = tpu.memref_slice %arg9[%add3A_104] : memref<2400xi32, #tpu.memory_space<vmem>> -> memref<80xi32, #tpu.memory_space<vmem>>
      %dma_start3A_109 = arith.constant 0 : i32
      %dma_start3A_110 = arith.constant 0 : i32
      %dma_start3A_111 = tpu.memref_slice %arg3[%dma_start3A_109, %dma_start3A_110] : memref<10000x128xf32, #tpu.memory_space<hbm>> -> memref<10000x128xf32, #tpu.memory_space<hbm>>
      tpu.enqueue_indirect_dma source(%dma_start3A_111 : memref<10000x128xf32, #tpu.memory_space<hbm>>) target(%dma_start3A_107 : memref<80x128xf32, #tpu.memory_space<vmem>>) offsets(%dma_start3A_108 : memref<80xi32, #tpu.memory_space<vmem>>) semaphore(%arg12 : memref<!tpu.dma_semaphore, #tpu.memory_space<semaphore_mem>>)
      %add3A_112 = arith.constant 320 : i32
      %add3A_113 = arith.addi %mul3A_21, %add3A_112 : i32
      %dma_start3A_114 = arith.constant 320 : i32
      %dma_start3A_115 = arith.constant 0 : i32
      %dma_start3A_116 = tpu.memref_slice %arg11[%dma_start3A_114, %dma_start3A_115] : memref<400x128xf32, #tpu.memory_space<vmem>> -> memref<80x128xf32, #tpu.memory_space<vmem>>
      %dma_start3A_117 = tpu.memref_slice %arg9[%add3A_113] : memref<2400xi32, #tpu.memory_space<vmem>> -> memref<80xi32, #tpu.memory_space<vmem>>
      %dma_start3A_118 = arith.constant 0 : i32
      %dma_start3A_119 = arith.constant 0 : i32
      %dma_start3A_120 = tpu.memref_slice %arg3[%dma_start3A_118, %dma_start3A_119] : memref<10000x128xf32, #tpu.memory_space<hbm>> -> memref<10000x128xf32, #tpu.memory_space<hbm>>
      tpu.enqueue_indirect_dma source(%dma_start3A_120 : memref<10000x128xf32, #tpu.memory_space<hbm>>) target(%dma_start3A_116 : memref<80x128xf32, #tpu.memory_space<vmem>>) offsets(%dma_start3A_117 : memref<80xi32, #tpu.memory_space<vmem>>) semaphore(%arg12 : memref<!tpu.dma_semaphore, #tpu.memory_space<semaphore_mem>>)
      %dma_wait3A_121 = arith.constant 0 : i32
      %dma_wait3A_122 = arith.constant 0 : i32
      %dma_wait3A_123 = tpu.memref_slice %arg10[%dma_wait3A_121, %dma_wait3A_122] : memref<400x128xf32, #tpu.memory_space<vmem>> -> memref<80x128xf32, #tpu.memory_space<vmem>>
      %dma_wait3A_124 = tpu.memref_slice %arg8[%add3A_28] : memref<2400xi32, #tpu.memory_space<vmem>> -> memref<80xi32, #tpu.memory_space<vmem>>
      %dma_wait3A_125 = arith.constant 0 : i32
      %dma_wait3A_126 = arith.constant 0 : i32
      %dma_wait3A_127 = tpu.memref_slice %arg2[%dma_wait3A_125, %dma_wait3A_126] : memref<10000x128xf32, #tpu.memory_space<hbm>> -> memref<10000x128xf32, #tpu.memory_space<hbm>>
      tpu.wait_indirect_dma semaphore(%arg12 : memref<!tpu.dma_semaphore, #tpu.memory_space<semaphore_mem>>) src(%dma_wait3A_127 : memref<10000x128xf32, #tpu.memory_space<hbm>>) dst(%dma_wait3A_123 : memref<80x128xf32, #tpu.memory_space<vmem>>)
      %dma_wait3A_128 = arith.constant 80 : i32
      %dma_wait3A_129 = arith.constant 0 : i32
      %dma_wait3A_130 = tpu.memref_slice %arg10[%dma_wait3A_128, %dma_wait3A_129] : memref<400x128xf32, #tpu.memory_space<vmem>> -> memref<80x128xf32, #tpu.memory_space<vmem>>
      %dma_wait3A_131 = tpu.memref_slice %arg8[%add3A_36] : memref<2400xi32, #tpu.memory_space<vmem>> -> memref<80xi32, #tpu.memory_space<vmem>>
      %dma_wait3A_132 = arith.constant 0 : i32
      %dma_wait3A_133 = arith.constant 0 : i32
      %dma_wait3A_134 = tpu.memref_slice %arg2[%dma_wait3A_132, %dma_wait3A_133] : memref<10000x128xf32, #tpu.memory_space<hbm>> -> memref<10000x128xf32, #tpu.memory_space<hbm>>
      tpu.wait_indirect_dma semaphore(%arg12 : memref<!tpu.dma_semaphore, #tpu.memory_space<semaphore_mem>>) src(%dma_wait3A_134 : memref<10000x128xf32, #tpu.memory_space<hbm>>) dst(%dma_wait3A_130 : memref<80x128xf32, #tpu.memory_space<vmem>>)
      %dma_wait3A_135 = arith.constant 160 : i32
      %dma_wait3A_136 = arith.constant 0 : i32
      %dma_wait3A_137 = tpu.memref_slice %arg10[%dma_wait3A_135, %dma_wait3A_136] : memref<400x128xf32, #tpu.memory_space<vmem>> -> memref<80x128xf32, #tpu.memory_space<vmem>>
      %dma_wait3A_138 = tpu.memref_slice %arg8[%add3A_45] : memref<2400xi32, #tpu.memory_space<vmem>> -> memref<80xi32, #tpu.memory_space<vmem>>
      %dma_wait3A_139 = arith.constant 0 : i32
      %dma_wait3A_140 = arith.constant 0 : i32
      %dma_wait3A_141 = tpu.memref_slice %arg2[%dma_wait3A_139, %dma_wait3A_140] : memref<10000x128xf32, #tpu.memory_space<hbm>> -> memref<10000x128xf32, #tpu.memory_space<hbm>>
      tpu.wait_indirect_dma semaphore(%arg12 : memref<!tpu.dma_semaphore, #tpu.memory_space<semaphore_mem>>) src(%dma_wait3A_141 : memref<10000x128xf32, #tpu.memory_space<hbm>>) dst(%dma_wait3A_137 : memref<80x128xf32, #tpu.memory_space<vmem>>)
      %dma_wait3A_142 = arith.constant 240 : i32
      %dma_wait3A_143 = arith.constant 0 : i32
      %dma_wait3A_144 = tpu.memref_slice %arg10[%dma_wait3A_142, %dma_wait3A_143] : memref<400x128xf32, #tpu.memory_space<vmem>> -> memref<80x128xf32, #tpu.memory_space<vmem>>
      %dma_wait3A_145 = tpu.memref_slice %arg8[%add3A_54] : memref<2400xi32, #tpu.memory_space<vmem>> -> memref<80xi32, #tpu.memory_space<vmem>>
      %dma_wait3A_146 = arith.constant 0 : i32
      %dma_wait3A_147 = arith.constant 0 : i32
      %dma_wait3A_148 = tpu.memref_slice %arg2[%dma_wait3A_146, %dma_wait3A_147] : memref<10000x128xf32, #tpu.memory_space<hbm>> -> memref<10000x128xf32, #tpu.memory_space<hbm>>
      tpu.wait_indirect_dma semaphore(%arg12 : memref<!tpu.dma_semaphore, #tpu.memory_space<semaphore_mem>>) src(%dma_wait3A_148 : memref<10000x128xf32, #tpu.memory_space<hbm>>) dst(%dma_wait3A_144 : memref<80x128xf32, #tpu.memory_space<vmem>>)
      %dma_wait3A_149 = arith.constant 320 : i32
      %dma_wait3A_150 = arith.constant 0 : i32
      %dma_wait3A_151 = tpu.memref_slice %arg10[%dma_wait3A_149, %dma_wait3A_150] : memref<400x128xf32, #tpu.memory_space<vmem>> -> memref<80x128xf32, #tpu.memory_space<vmem>>
      %dma_wait3A_152 = tpu.memref_slice %arg8[%add3A_63] : memref<2400xi32, #tpu.memory_space<vmem>> -> memref<80xi32, #tpu.memory_space<vmem>>
      %dma_wait3A_153 = arith.constant 0 : i32
      %dma_wait3A_154 = arith.constant 0 : i32
      %dma_wait3A_155 = tpu.memref_slice %arg2[%dma_wait3A_153, %dma_wait3A_154] : memref<10000x128xf32, #tpu.memory_space<hbm>> -> memref<10000x128xf32, #tpu.memory_space<hbm>>
      tpu.wait_indirect_dma semaphore(%arg12 : memref<!tpu.dma_semaphore, #tpu.memory_space<semaphore_mem>>) src(%dma_wait3A_155 : memref<10000x128xf32, #tpu.memory_space<hbm>>) dst(%dma_wait3A_151 : memref<80x128xf32, #tpu.memory_space<vmem>>)
      %add3A_156 = arith.addi %mul3A_2, %mul3A_21 : i32
      %dma_start3A_157 = arith.constant 0 : i32
      %dma_start3A_158 = tpu.memref_slice %arg6[%add3A_156, %dma_start3A_157] : memref<76800x128xf32, #tpu.memory_space<hbm>> -> memref<400x128xf32, #tpu.memory_space<hbm>>
      %dma_start3A_159 = arith.constant 0 : i32
      %dma_start3A_160 = tpu.memref_slice %arg6[%add3A_156, %dma_start3A_159] : memref<76800x128xf32, #tpu.memory_space<hbm>> -> memref<400x128xf32, #tpu.memory_space<hbm>>
      tpu.enqueue_dma source(%arg10 : memref<400x128xf32, #tpu.memory_space<vmem>>) target(%dma_start3A_160 : memref<400x128xf32, #tpu.memory_space<hbm>>) target_semaphore(%arg13 : memref<!tpu.dma_semaphore, #tpu.memory_space<semaphore_mem>>)
      %dma_wait3A_161 = arith.constant 0 : i32
      %dma_wait3A_162 = arith.constant 0 : i32
      %dma_wait3A_163 = tpu.memref_slice %arg11[%dma_wait3A_161, %dma_wait3A_162] : memref<400x128xf32, #tpu.memory_space<vmem>> -> memref<80x128xf32, #tpu.memory_space<vmem>>
      %dma_wait3A_164 = tpu.memref_slice %arg9[%add3A_77] : memref<2400xi32, #tpu.memory_space<vmem>> -> memref<80xi32, #tpu.memory_space<vmem>>
      %dma_wait3A_165 = arith.constant 0 : i32
      %dma_wait3A_166 = arith.constant 0 : i32
      %dma_wait3A_167 = tpu.memref_slice %arg3[%dma_wait3A_165, %dma_wait3A_166] : memref<10000x128xf32, #tpu.memory_space<hbm>> -> memref<10000x128xf32, #tpu.memory_space<hbm>>
      tpu.wait_indirect_dma semaphore(%arg12 : memref<!tpu.dma_semaphore, #tpu.memory_space<semaphore_mem>>) src(%dma_wait3A_167 : memref<10000x128xf32, #tpu.memory_space<hbm>>) dst(%dma_wait3A_163 : memref<80x128xf32, #tpu.memory_space<vmem>>)
      %dma_wait3A_168 = arith.constant 80 : i32
      %dma_wait3A_169 = arith.constant 0 : i32
      %dma_wait3A_170 = tpu.memref_slice %arg11[%dma_wait3A_168, %dma_wait3A_169] : memref<400x128xf32, #tpu.memory_space<vmem>> -> memref<80x128xf32, #tpu.memory_space<vmem>>
      %dma_wait3A_171 = tpu.memref_slice %arg9[%add3A_86] : memref<2400xi32, #tpu.memory_space<vmem>> -> memref<80xi32, #tpu.memory_space<vmem>>
      %dma_wait3A_172 = arith.constant 0 : i32
      %dma_wait3A_173 = arith.constant 0 : i32
      %dma_wait3A_174 = tpu.memref_slice %arg3[%dma_wait3A_172, %dma_wait3A_173] : memref<10000x128xf32, #tpu.memory_space<hbm>> -> memref<10000x128xf32, #tpu.memory_space<hbm>>
      tpu.wait_indirect_dma semaphore(%arg12 : memref<!tpu.dma_semaphore, #tpu.memory_space<semaphore_mem>>) src(%dma_wait3A_174 : memref<10000x128xf32, #tpu.memory_space<hbm>>) dst(%dma_wait3A_170 : memref<80x128xf32, #tpu.memory_space<vmem>>)
      %dma_wait3A_175 = arith.constant 160 : i32
      %dma_wait3A_176 = arith.constant 0 : i32
      %dma_wait3A_177 = tpu.memref_slice %arg11[%dma_wait3A_175, %dma_wait3A_176] : memref<400x128xf32, #tpu.memory_space<vmem>> -> memref<80x128xf32, #tpu.memory_space<vmem>>
      %dma_wait3A_178 = tpu.memref_slice %arg9[%add3A_95] : memref<2400xi32, #tpu.memory_space<vmem>> -> memref<80xi32, #tpu.memory_space<vmem>>
      %dma_wait3A_179 = arith.constant 0 : i32
      %dma_wait3A_180 = arith.constant 0 : i32
      %dma_wait3A_181 = tpu.memref_slice %arg3[%dma_wait3A_179, %dma_wait3A_180] : memref<10000x128xf32, #tpu.memory_space<hbm>> -> memref<10000x128xf32, #tpu.memory_space<hbm>>
      tpu.wait_indirect_dma semaphore(%arg12 : memref<!tpu.dma_semaphore, #tpu.memory_space<semaphore_mem>>) src(%dma_wait3A_181 : memref<10000x128xf32, #tpu.memory_space<hbm>>) dst(%dma_wait3A_177 : memref<80x128xf32, #tpu.memory_space<vmem>>)
      %dma_wait3A_182 = arith.constant 240 : i32
      %dma_wait3A_183 = arith.constant 0 : i32
      %dma_wait3A_184 = tpu.memref_slice %arg11[%dma_wait3A_182, %dma_wait3A_183] : memref<400x128xf32, #tpu.memory_space<vmem>> -> memref<80x128xf32, #tpu.memory_space<vmem>>
      %dma_wait3A_185 = tpu.memref_slice %arg9[%add3A_104] : memref<2400xi32, #tpu.memory_space<vmem>> -> memref<80xi32, #tpu.memory_space<vmem>>
      %dma_wait3A_186 = arith.constant 0 : i32
      %dma_wait3A_187 = arith.constant 0 : i32
      %dma_wait3A_188 = tpu.memref_slice %arg3[%dma_wait3A_186, %dma_wait3A_187] : memref<10000x128xf32, #tpu.memory_space<hbm>> -> memref<10000x128xf32, #tpu.memory_space<hbm>>
      tpu.wait_indirect_dma semaphore(%arg12 : memref<!tpu.dma_semaphore, #tpu.memory_space<semaphore_mem>>) src(%dma_wait3A_188 : memref<10000x128xf32, #tpu.memory_space<hbm>>) dst(%dma_wait3A_184 : memref<80x128xf32, #tpu.memory_space<vmem>>)
      %dma_wait3A_189 = arith.constant 320 : i32
      %dma_wait3A_190 = arith.constant 0 : i32
      %dma_wait3A_191 = tpu.memref_slice %arg11[%dma_wait3A_189, %dma_wait3A_190] : memref<400x128xf32, #tpu.memory_space<vmem>> -> memref<80x128xf32, #tpu.memory_space<vmem>>
      %dma_wait3A_192 = tpu.memref_slice %arg9[%add3A_113] : memref<2400xi32, #tpu.memory_space<vmem>> -> memref<80xi32, #tpu.memory_space<vmem>>
      %dma_wait3A_193 = arith.constant 0 : i32
      %dma_wait3A_194 = arith.constant 0 : i32
      %dma_wait3A_195 = tpu.memref_slice %arg3[%dma_wait3A_193, %dma_wait3A_194] : memref<10000x128xf32, #tpu.memory_space<hbm>> -> memref<10000x128xf32, #tpu.memory_space<hbm>>
      tpu.wait_indirect_dma semaphore(%arg12 : memref<!tpu.dma_semaphore, #tpu.memory_space<semaphore_mem>>) src(%dma_wait3A_195 : memref<10000x128xf32, #tpu.memory_space<hbm>>) dst(%dma_wait3A_191 : memref<80x128xf32, #tpu.memory_space<vmem>>)
      %add3A_196 = arith.addi %mul3A_2, %mul3A_21 : i32
      %dma_start3A_197 = arith.constant 0 : i32
      %dma_start3A_198 = tpu.memref_slice %arg7[%add3A_196, %dma_start3A_197] : memref<76800x128xf32, #tpu.memory_space<hbm>> -> memref<400x128xf32, #tpu.memory_space<hbm>>
      %dma_start3A_199 = arith.constant 0 : i32
      %dma_start3A_200 = tpu.memref_slice %arg7[%add3A_196, %dma_start3A_199] : memref<76800x128xf32, #tpu.memory_space<hbm>> -> memref<400x128xf32, #tpu.memory_space<hbm>>
      tpu.enqueue_dma source(%arg11 : memref<400x128xf32, #tpu.memory_space<vmem>>) target(%dma_start3A_200 : memref<400x128xf32, #tpu.memory_space<hbm>>) target_semaphore(%arg14 : memref<!tpu.dma_semaphore, #tpu.memory_space<semaphore_mem>>)
    }
    %scan3A_7 = arith.constant 6 : i32
    %add3A_8 = arith.constant 2000 : i32
    %add3A_9 = arith.addi %mul3A_2, %add3A_8 : i32
    %dma_wait3A = arith.constant 0 : i32
    %dma_wait3A_10 = tpu.memref_slice %arg6[%add3A_9, %dma_wait3A] : memref<76800x128xf32, #tpu.memory_space<hbm>> -> memref<400x128xf32, #tpu.memory_space<hbm>>
    %dma_wait3A_11 = arith.constant 0 : i32
    %dma_wait3A_12 = tpu.memref_slice %arg6[%add3A_9, %dma_wait3A_11] : memref<76800x128xf32, #tpu.memory_space<hbm>> -> memref<400x128xf32, #tpu.memory_space<hbm>>
    tpu.wait_dma2 semaphore(%arg13 : memref<!tpu.dma_semaphore, #tpu.memory_space<semaphore_mem>>) src(%arg10 : memref<400x128xf32, #tpu.memory_space<vmem>>) dst(%dma_wait3A_12 : memref<400x128xf32, #tpu.memory_space<hbm>>)
    %add3A_13 = arith.constant 2000 : i32
    %add3A_14 = arith.addi %mul3A_2, %add3A_13 : i32
    %dma_wait3A_15 = arith.constant 0 : i32
    %dma_wait3A_16 = tpu.memref_slice %arg7[%add3A_14, %dma_wait3A_15] : memref<76800x128xf32, #tpu.memory_space<hbm>> -> memref<400x128xf32, #tpu.memory_space<hbm>>
    %dma_wait3A_17 = arith.constant 0 : i32
    %dma_wait3A_18 = tpu.memref_slice %arg7[%add3A_14, %dma_wait3A_17] : memref<76800x128xf32, #tpu.memory_space<hbm>> -> memref<400x128xf32, #tpu.memory_space<hbm>>
    tpu.wait_dma2 semaphore(%arg14 : memref<!tpu.dma_semaphore, #tpu.memory_space<semaphore_mem>>) src(%arg11 : memref<400x128xf32, #tpu.memory_space<vmem>>) dst(%dma_wait3A_18 : memref<400x128xf32, #tpu.memory_space<hbm>>)
    return
  }
}

#map = affine_map<(d0, d1) -> (0, 0)>
#map1 = affine_map<(d0, d1) -> (0)>
module attributes {stable_mosaic.version = 14 : i64} {
  func.func @gather_kernel(%arg0: i32, %arg1: i32, %arg2: memref<10000x128xf32, #tpu.memory_space<hbm>>, %arg3: memref<10000x128xf32, #tpu.memory_space<hbm>>, %arg4: memref<76800xi32, #tpu.memory_space<hbm>>, %arg5: memref<76800xi32, #tpu.memory_space<hbm>>, %arg6: memref<76800x128xf32, #tpu.memory_space<hbm>>, %arg7: memref<76800x128xf32, #tpu.memory_space<hbm>>, %arg8: memref<2400xi32, #tpu.memory_space<vmem>>, %arg9: memref<2400xi32, #tpu.memory_space<vmem>>, %arg10: memref<400x128xf32, #tpu.memory_space<vmem>>, %arg11: memref<400x128xf32, #tpu.memory_space<vmem>>, %arg12: memref<!tpu.dma_semaphore, #tpu.memory_space<semaphore_mem>>, %arg13: memref<!tpu.dma_semaphore, #tpu.memory_space<semaphore_mem>>, %arg14: memref<!tpu.dma_semaphore, #tpu.memory_space<semaphore_mem>>) attributes {dimension_semantics = [#tpu.dimension_semantics<core_parallel>, #tpu.dimension_semantics<subcore_parallel>], iteration_bounds = array<i64: 2, 16>, scalar_prefetch = 0 : i64, scratch_operands = 7 : i64, tpu.core_type = #tpu.core_type<sc_vector_subcore>, window_params = [{transform_indices = #map}, {transform_indices = #map}, {transform_indices = #map1}, {transform_indices = #map1}, {transform_indices = #map}, {transform_indices = #map}]} {
    %mul3A = arith.constant 2 : i32
    %mul3A_0 = arith.muli %arg1, %mul3A : i32
    %add3A = arith.addi %mul3A_0, %arg0 : i32
    %mul3A_1 = arith.constant 2400 : i32
    %mul3A_2 = arith.muli %add3A, %mul3A_1 : i32
    "tpu.region"() ({
      %run_scoped3A = tpu.sem_alloc : memref<!tpu.dma_semaphore, #tpu.memory_space<semaphore_mem>>
      %dma_start3A = tpu.memref_slice %arg4[%mul3A_2] : memref<76800xi32, #tpu.memory_space<hbm>> -> memref<2400xi32, #tpu.memory_space<hbm>>
      %dma_start3A_19 = tpu.memref_slice %arg4[%mul3A_2] : memref<76800xi32, #tpu.memory_space<hbm>> -> memref<2400xi32, #tpu.memory_space<hbm>>
      tpu.enqueue_dma source(%dma_start3A_19 : memref<2400xi32, #tpu.memory_space<hbm>>) target(%arg8 : memref<2400xi32, #tpu.memory_space<vmem>>) target_semaphore(%run_scoped3A : memref<!tpu.dma_semaphore, #tpu.memory_space<semaphore_mem>>)
      %dma_wait3A_20 = tpu.memref_slice %arg4[%mul3A_2] : memref<76800xi32, #tpu.memory_space<hbm>> -> memref<2400xi32, #tpu.memory_space<hbm>>
      %dma_wait3A_21 = tpu.memref_slice %arg4[%mul3A_2] : memref<76800xi32, #tpu.memory_space<hbm>> -> memref<2400xi32, #tpu.memory_space<hbm>>
      tpu.wait_dma2 semaphore(%run_scoped3A : memref<!tpu.dma_semaphore, #tpu.memory_space<semaphore_mem>>) src(%dma_wait3A_21 : memref<2400xi32, #tpu.memory_space<hbm>>) dst(%arg8 : memref<2400xi32, #tpu.memory_space<vmem>>)
      tpu.yield
    }) : () -> ()
    "tpu.region"() ({
      %run_scoped3A = tpu.sem_alloc : memref<!tpu.dma_semaphore, #tpu.memory_space<semaphore_mem>>
      %dma_start3A = tpu.memref_slice %arg5[%mul3A_2] : memref<76800xi32, #tpu.memory_space<hbm>> -> memref<2400xi32, #tpu.memory_space<hbm>>
      %dma_start3A_19 = tpu.memref_slice %arg5[%mul3A_2] : memref<76800xi32, #tpu.memory_space<hbm>> -> memref<2400xi32, #tpu.memory_space<hbm>>
      tpu.enqueue_dma source(%dma_start3A_19 : memref<2400xi32, #tpu.memory_space<hbm>>) target(%arg9 : memref<2400xi32, #tpu.memory_space<vmem>>) target_semaphore(%run_scoped3A : memref<!tpu.dma_semaphore, #tpu.memory_space<semaphore_mem>>)
      %dma_wait3A_20 = tpu.memref_slice %arg5[%mul3A_2] : memref<76800xi32, #tpu.memory_space<hbm>> -> memref<2400xi32, #tpu.memory_space<hbm>>
      %dma_wait3A_21 = tpu.memref_slice %arg5[%mul3A_2] : memref<76800xi32, #tpu.memory_space<hbm>> -> memref<2400xi32, #tpu.memory_space<hbm>>
      tpu.wait_dma2 semaphore(%run_scoped3A : memref<!tpu.dma_semaphore, #tpu.memory_space<semaphore_mem>>) src(%dma_wait3A_21 : memref<2400xi32, #tpu.memory_space<hbm>>) dst(%arg9 : memref<2400xi32, #tpu.memory_space<vmem>>)
      tpu.yield
    }) : () -> ()
    %scan3A = arith.constant 0 : i32
    %scan3A_3 = arith.constant 0 : i32
    %scan3A_4 = arith.constant 6 : i32
    %scan3A_5 = arith.addi %scan3A_3, %scan3A_4 : i32
    %scan3A_6 = arith.constant 1 : i32
    scf.for %scan3A_19 = %scan3A_3 to %scan3A_5 step %scan3A_6  : i32 {
      %mul3A_20 = arith.constant 400 : i32
      %mul3A_21 = arith.muli %scan3A_19, %mul3A_20 : i32
      %sub3A = arith.constant 1 : i32
      %sub3A_22 = arith.subi %scan3A_19, %sub3A : i32
      %mul3A_23 = arith.constant 400 : i32
      %mul3A_24 = arith.muli %sub3A_22, %mul3A_23 : i32
      %gt3A = arith.constant 0 : i32
      %gt3A_25 = arith.cmpi sgt, %scan3A_19, %gt3A : i32
      %convert_element_type3A = arith.extui %gt3A_25 : i1 to i32
      %cond3A = arith.constant 0 : i32
      %cond3A_26 = arith.cmpi ne, %convert_element_type3A, %cond3A : i32
      scf.if %cond3A_26 {
        %add3A_201 = arith.addi %mul3A_2, %mul3A_24 : i32
        %dma_wait3A_202 = arith.constant 0 : i32
        %dma_wait3A_203 = tpu.memref_slice %arg6[%add3A_201, %dma_wait3A_202] : memref<76800x128xf32, #tpu.memory_space<hbm>> -> memref<400x128xf32, #tpu.memory_space<hbm>>
        %dma_wait3A_204 = arith.constant 0 : i32
        %dma_wait3A_205 = tpu.memref_slice %arg6[%add3A_201, %dma_wait3A_204] : memref<76800x128xf32, #tpu.memory_space<hbm>> -> memref<400x128xf32, #tpu.memory_space<hbm>>
        tpu.wait_dma2 semaphore(%arg13 : memref<!tpu.dma_semaphore, #tpu.memory_space<semaphore_mem>>) src(%arg10 : memref<400x128xf32, #tpu.memory_space<vmem>>) dst(%dma_wait3A_205 : memref<400x128xf32, #tpu.memory_space<hbm>>)
      } else {
      }
      %add3A_27 = arith.constant 0 : i32
      %add3A_28 = arith.addi %mul3A_21, %add3A_27 : i32
      %dma_start3A = arith.constant 0 : i32
      %dma_start3A_29 = arith.constant 0 : i32
      %dma_start3A_30 = tpu.memref_slice %arg10[%dma_start3A, %dma_start3A_29] : memref<400x128xf32, #tpu.memory_space<vmem>> -> memref<80x128xf32, #tpu.memory_space<vmem>>
      %dma_start3A_31 = tpu.memref_slice %arg8[%add3A_28] : memref<2400xi32, #tpu.memory_space<vmem>> -> memref<80xi32, #tpu.memory_space<vmem>>
      %dma_start3A_32 = arith.constant 0 : i32
      %dma_start3A_33 = arith.constant 0 : i32
      %dma_start3A_34 = tpu.memref_slice %arg2[%dma_start3A_32, %dma_start3A_33] : memref<10000x128xf32, #tpu.memory_space<hbm>> -> memref<10000x128xf32, #tpu.memory_space<hbm>>
      tpu.enqueue_indirect_dma source(%dma_start3A_34 : memref<10000x128xf32, #tpu.memory_space<hbm>>) target(%dma_start3A_30 : memref<80x128xf32, #tpu.memory_space<vmem>>) offsets(%dma_start3A_31 : memref<80xi32, #tpu.memory_space<vmem>>) semaphore(%arg12 : memref<!tpu.dma_semaphore, #tpu.memory_space<semaphore_mem>>)
      %add3A_35 = arith.constant 80 : i32
      %add3A_36 = arith.addi %mul3A_21, %add3A_35 : i32
      %dma_start3A_37 = arith.constant 80 : i32
      %dma_start3A_38 = arith.constant 0 : i32
      %dma_start3A_39 = tpu.memref_slice %arg10[%dma_start3A_37, %dma_start3A_38] : memref<400x128xf32, #tpu.memory_space<vmem>> -> memref<80x128xf32, #tpu.memory_space<vmem>>
      %dma_start3A_40 = tpu.memref_slice %arg8[%add3A_36] : memref<2400xi32, #tpu.memory_space<vmem>> -> memref<80xi32, #tpu.memory_space<vmem>>
      %dma_start3A_41 = arith.constant 0 : i32
      %dma_start3A_42 = arith.constant 0 : i32
      %dma_start3A_43 = tpu.memref_slice %arg2[%dma_start3A_41, %dma_start3A_42] : memref<10000x128xf32, #tpu.memory_space<hbm>> -> memref<10000x128xf32, #tpu.memory_space<hbm>>
      tpu.enqueue_indirect_dma source(%dma_start3A_43 : memref<10000x128xf32, #tpu.memory_space<hbm>>) target(%dma_start3A_39 : memref<80x128xf32, #tpu.memory_space<vmem>>) offsets(%dma_start3A_40 : memref<80xi32, #tpu.memory_space<vmem>>) semaphore(%arg12 : memref<!tpu.dma_semaphore, #tpu.memory_space<semaphore_mem>>)
      %add3A_44 = arith.constant 160 : i32
      %add3A_45 = arith.addi %mul3A_21, %add3A_44 : i32
      %dma_start3A_46 = arith.constant 160 : i32
      %dma_start3A_47 = arith.constant 0 : i32
      %dma_start3A_48 = tpu.memref_slice %arg10[%dma_start3A_46, %dma_start3A_47] : memref<400x128xf32, #tpu.memory_space<vmem>> -> memref<80x128xf32, #tpu.memory_space<vmem>>
      %dma_start3A_49 = tpu.memref_slice %arg8[%add3A_45] : memref<2400xi32, #tpu.memory_space<vmem>> -> memref<80xi32, #tpu.memory_space<vmem>>
      %dma_start3A_50 = arith.constant 0 : i32
      %dma_start3A_51 = arith.constant 0 : i32
      %dma_start3A_52 = tpu.memref_slice %arg2[%dma_start3A_50, %dma_start3A_51] : memref<10000x128xf32, #tpu.memory_space<hbm>> -> memref<10000x128xf32, #tpu.memory_space<hbm>>
      tpu.enqueue_indirect_dma source(%dma_start3A_52 : memref<10000x128xf32, #tpu.memory_space<hbm>>) target(%dma_start3A_48 : memref<80x128xf32, #tpu.memory_space<vmem>>) offsets(%dma_start3A_49 : memref<80xi32, #tpu.memory_space<vmem>>) semaphore(%arg12 : memref<!tpu.dma_semaphore, #tpu.memory_space<semaphore_mem>>)
      %add3A_53 = arith.constant 240 : i32
      %add3A_54 = arith.addi %mul3A_21, %add3A_53 : i32
      %dma_start3A_55 = arith.constant 240 : i32
      %dma_start3A_56 = arith.constant 0 : i32
      %dma_start3A_57 = tpu.memref_slice %arg10[%dma_start3A_55, %dma_start3A_56] : memref<400x128xf32, #tpu.memory_space<vmem>> -> memref<80x128xf32, #tpu.memory_space<vmem>>
      %dma_start3A_58 = tpu.memref_slice %arg8[%add3A_54] : memref<2400xi32, #tpu.memory_space<vmem>> -> memref<80xi32, #tpu.memory_space<vmem>>
      %dma_start3A_59 = arith.constant 0 : i32
      %dma_start3A_60 = arith.constant 0 : i32
      %dma_start3A_61 = tpu.memref_slice %arg2[%dma_start3A_59, %dma_start3A_60] : memref<10000x128xf32, #tpu.memory_space<hbm>> -> memref<10000x128xf32, #tpu.memory_space<hbm>>
      tpu.enqueue_indirect_dma source(%dma_start3A_61 : memref<10000x128xf32, #tpu.memory_space<hbm>>) target(%dma_start3A_57 : memref<80x128xf32, #tpu.memory_space<vmem>>) offsets(%dma_start3A_58 : memref<80xi32, #tpu.memory_space<vmem>>) semaphore(%arg12 : memref<!tpu.dma_semaphore, #tpu.memory_space<semaphore_mem>>)
      %add3A_62 = arith.constant 320 : i32
      %add3A_63 = arith.addi %mul3A_21, %add3A_62 : i32
      %dma_start3A_64 = arith.constant 320 : i32
      %dma_start3A_65 = arith.constant 0 : i32
      %dma_start3A_66 = tpu.memref_slice %arg10[%dma_start3A_64, %dma_start3A_65] : memref<400x128xf32, #tpu.memory_space<vmem>> -> memref<80x128xf32, #tpu.memory_space<vmem>>
      %dma_start3A_67 = tpu.memref_slice %arg8[%add3A_63] : memref<2400xi32, #tpu.memory_space<vmem>> -> memref<80xi32, #tpu.memory_space<vmem>>
      %dma_start3A_68 = arith.constant 0 : i32
      %dma_start3A_69 = arith.constant 0 : i32
      %dma_start3A_70 = tpu.memref_slice %arg2[%dma_start3A_68, %dma_start3A_69] : memref<10000x128xf32, #tpu.memory_space<hbm>> -> memref<10000x128xf32, #tpu.memory_space<hbm>>
      tpu.enqueue_indirect_dma source(%dma_start3A_70 : memref<10000x128xf32, #tpu.memory_space<hbm>>) target(%dma_start3A_66 : memref<80x128xf32, #tpu.memory_space<vmem>>) offsets(%dma_start3A_67 : memref<80xi32, #tpu.memory_space<vmem>>) semaphore(%arg12 : memref<!tpu.dma_semaphore, #tpu.memory_space<semaphore_mem>>)
      %gt3A_71 = arith.constant 0 : i32
      %gt3A_72 = arith.cmpi sgt, %scan3A_19, %gt3A_71 : i32
      %convert_element_type3A_73 = arith.extui %gt3A_72 : i1 to i32
      %cond3A_74 = arith.constant 0 : i32
      %cond3A_75 = arith.cmpi ne, %convert_element_type3A_73, %cond3A_74 : i32
      scf.if %cond3A_75 {
        %add3A_201 = arith.addi %mul3A_2, %mul3A_24 : i32
        %dma_wait3A_202 = arith.constant 0 : i32
        %dma_wait3A_203 = tpu.memref_slice %arg7[%add3A_201, %dma_wait3A_202] : memref<76800x128xf32, #tpu.memory_space<hbm>> -> memref<400x128xf32, #tpu.memory_space<hbm>>
        %dma_wait3A_204 = arith.constant 0 : i32
        %dma_wait3A_205 = tpu.memref_slice %arg7[%add3A_201, %dma_wait3A_204] : memref<76800x128xf32, #tpu.memory_space<hbm>> -> memref<400x128xf32, #tpu.memory_space<hbm>>
        tpu.wait_dma2 semaphore(%arg14 : memref<!tpu.dma_semaphore, #tpu.memory_space<semaphore_mem>>) src(%arg11 : memref<400x128xf32, #tpu.memory_space<vmem>>) dst(%dma_wait3A_205 : memref<400x128xf32, #tpu.memory_space<hbm>>)
      } else {
      }
      %add3A_76 = arith.constant 0 : i32
      %add3A_77 = arith.addi %mul3A_21, %add3A_76 : i32
      %dma_start3A_78 = arith.constant 0 : i32
      %dma_start3A_79 = arith.constant 0 : i32
      %dma_start3A_80 = tpu.memref_slice %arg11[%dma_start3A_78, %dma_start3A_79] : memref<400x128xf32, #tpu.memory_space<vmem>> -> memref<80x128xf32, #tpu.memory_space<vmem>>
      %dma_start3A_81 = tpu.memref_slice %arg9[%add3A_77] : memref<2400xi32, #tpu.memory_space<vmem>> -> memref<80xi32, #tpu.memory_space<vmem>>
      %dma_start3A_82 = arith.constant 0 : i32
      %dma_start3A_83 = arith.constant 0 : i32
      %dma_start3A_84 = tpu.memref_slice %arg3[%dma_start3A_82, %dma_start3A_83] : memref<10000x128xf32, #tpu.memory_space<hbm>> -> memref<10000x128xf32, #tpu.memory_space<hbm>>
      tpu.enqueue_indirect_dma source(%dma_start3A_84 : memref<10000x128xf32, #tpu.memory_space<hbm>>) target(%dma_start3A_80 : memref<80x128xf32, #tpu.memory_space<vmem>>) offsets(%dma_start3A_81 : memref<80xi32, #tpu.memory_space<vmem>>) semaphore(%arg12 : memref<!tpu.dma_semaphore, #tpu.memory_space<semaphore_mem>>)
      %add3A_85 = arith.constant 80 : i32
      %add3A_86 = arith.addi %mul3A_21, %add3A_85 : i32
      %dma_start3A_87 = arith.constant 80 : i32
      %dma_start3A_88 = arith.constant 0 : i32
      %dma_start3A_89 = tpu.memref_slice %arg11[%dma_start3A_87, %dma_start3A_88] : memref<400x128xf32, #tpu.memory_space<vmem>> -> memref<80x128xf32, #tpu.memory_space<vmem>>
      %dma_start3A_90 = tpu.memref_slice %arg9[%add3A_86] : memref<2400xi32, #tpu.memory_space<vmem>> -> memref<80xi32, #tpu.memory_space<vmem>>
      %dma_start3A_91 = arith.constant 0 : i32
      %dma_start3A_92 = arith.constant 0 : i32
      %dma_start3A_93 = tpu.memref_slice %arg3[%dma_start3A_91, %dma_start3A_92] : memref<10000x128xf32, #tpu.memory_space<hbm>> -> memref<10000x128xf32, #tpu.memory_space<hbm>>
      tpu.enqueue_indirect_dma source(%dma_start3A_93 : memref<10000x128xf32, #tpu.memory_space<hbm>>) target(%dma_start3A_89 : memref<80x128xf32, #tpu.memory_space<vmem>>) offsets(%dma_start3A_90 : memref<80xi32, #tpu.memory_space<vmem>>) semaphore(%arg12 : memref<!tpu.dma_semaphore, #tpu.memory_space<semaphore_mem>>)
      %add3A_94 = arith.constant 160 : i32
      %add3A_95 = arith.addi %mul3A_21, %add3A_94 : i32
      %dma_start3A_96 = arith.constant 160 : i32
      %dma_start3A_97 = arith.constant 0 : i32
      %dma_start3A_98 = tpu.memref_slice %arg11[%dma_start3A_96, %dma_start3A_97] : memref<400x128xf32, #tpu.memory_space<vmem>> -> memref<80x128xf32, #tpu.memory_space<vmem>>
      %dma_start3A_99 = tpu.memref_slice %arg9[%add3A_95] : memref<2400xi32, #tpu.memory_space<vmem>> -> memref<80xi32, #tpu.memory_space<vmem>>
      %dma_start3A_100 = arith.constant 0 : i32
      %dma_start3A_101 = arith.constant 0 : i32
      %dma_start3A_102 = tpu.memref_slice %arg3[%dma_start3A_100, %dma_start3A_101] : memref<10000x128xf32, #tpu.memory_space<hbm>> -> memref<10000x128xf32, #tpu.memory_space<hbm>>
      tpu.enqueue_indirect_dma source(%dma_start3A_102 : memref<10000x128xf32, #tpu.memory_space<hbm>>) target(%dma_start3A_98 : memref<80x128xf32, #tpu.memory_space<vmem>>) offsets(%dma_start3A_99 : memref<80xi32, #tpu.memory_space<vmem>>) semaphore(%arg12 : memref<!tpu.dma_semaphore, #tpu.memory_space<semaphore_mem>>)
      %add3A_103 = arith.constant 240 : i32
      %add3A_104 = arith.addi %mul3A_21, %add3A_103 : i32
      %dma_start3A_105 = arith.constant 240 : i32
      %dma_start3A_106 = arith.constant 0 : i32
      %dma_start3A_107 = tpu.memref_slice %arg11[%dma_start3A_105, %dma_start3A_106] : memref<400x128xf32, #tpu.memory_space<vmem>> -> memref<80x128xf32, #tpu.memory_space<vmem>>
      %dma_start3A_108 = tpu.memref_slice %arg9[%add3A_104] : memref<2400xi32, #tpu.memory_space<vmem>> -> memref<80xi32, #tpu.memory_space<vmem>>
      %dma_start3A_109 = arith.constant 0 : i32
      %dma_start3A_110 = arith.constant 0 : i32
      %dma_start3A_111 = tpu.memref_slice %arg3[%dma_start3A_109, %dma_start3A_110] : memref<10000x128xf32, #tpu.memory_space<hbm>> -> memref<10000x128xf32, #tpu.memory_space<hbm>>
      tpu.enqueue_indirect_dma source(%dma_start3A_111 : memref<10000x128xf32, #tpu.memory_space<hbm>>) target(%dma_start3A_107 : memref<80x128xf32, #tpu.memory_space<vmem>>) offsets(%dma_start3A_108 : memref<80xi32, #tpu.memory_space<vmem>>) semaphore(%arg12 : memref<!tpu.dma_semaphore, #tpu.memory_space<semaphore_mem>>)
      %add3A_112 = arith.constant 320 : i32
      %add3A_113 = arith.addi %mul3A_21, %add3A_112 : i32
      %dma_start3A_114 = arith.constant 320 : i32
      %dma_start3A_115 = arith.constant 0 : i32
      %dma_start3A_116 = tpu.memref_slice %arg11[%dma_start3A_114, %dma_start3A_115] : memref<400x128xf32, #tpu.memory_space<vmem>> -> memref<80x128xf32, #tpu.memory_space<vmem>>
      %dma_start3A_117 = tpu.memref_slice %arg9[%add3A_113] : memref<2400xi32, #tpu.memory_space<vmem>> -> memref<80xi32, #tpu.memory_space<vmem>>
      %dma_start3A_118 = arith.constant 0 : i32
      %dma_start3A_119 = arith.constant 0 : i32
      %dma_start3A_120 = tpu.memref_slice %arg3[%dma_start3A_118, %dma_start3A_119] : memref<10000x128xf32, #tpu.memory_space<hbm>> -> memref<10000x128xf32, #tpu.memory_space<hbm>>
      tpu.enqueue_indirect_dma source(%dma_start3A_120 : memref<10000x128xf32, #tpu.memory_space<hbm>>) target(%dma_start3A_116 : memref<80x128xf32, #tpu.memory_space<vmem>>) offsets(%dma_start3A_117 : memref<80xi32, #tpu.memory_space<vmem>>) semaphore(%arg12 : memref<!tpu.dma_semaphore, #tpu.memory_space<semaphore_mem>>)
      %dma_wait3A_121 = arith.constant 0 : i32
      %dma_wait3A_122 = arith.constant 0 : i32
      %dma_wait3A_123 = tpu.memref_slice %arg10[%dma_wait3A_121, %dma_wait3A_122] : memref<400x128xf32, #tpu.memory_space<vmem>> -> memref<80x128xf32, #tpu.memory_space<vmem>>
      %dma_wait3A_124 = tpu.memref_slice %arg8[%add3A_28] : memref<2400xi32, #tpu.memory_space<vmem>> -> memref<80xi32, #tpu.memory_space<vmem>>
      %dma_wait3A_125 = arith.constant 0 : i32
      %dma_wait3A_126 = arith.constant 0 : i32
      %dma_wait3A_127 = tpu.memref_slice %arg2[%dma_wait3A_125, %dma_wait3A_126] : memref<10000x128xf32, #tpu.memory_space<hbm>> -> memref<10000x128xf32, #tpu.memory_space<hbm>>
      tpu.wait_indirect_dma semaphore(%arg12 : memref<!tpu.dma_semaphore, #tpu.memory_space<semaphore_mem>>) src(%dma_wait3A_127 : memref<10000x128xf32, #tpu.memory_space<hbm>>) dst(%dma_wait3A_123 : memref<80x128xf32, #tpu.memory_space<vmem>>)
      %dma_wait3A_128 = arith.constant 80 : i32
      %dma_wait3A_129 = arith.constant 0 : i32
      %dma_wait3A_130 = tpu.memref_slice %arg10[%dma_wait3A_128, %dma_wait3A_129] : memref<400x128xf32, #tpu.memory_space<vmem>> -> memref<80x128xf32, #tpu.memory_space<vmem>>
      %dma_wait3A_131 = tpu.memref_slice %arg8[%add3A_36] : memref<2400xi32, #tpu.memory_space<vmem>> -> memref<80xi32, #tpu.memory_space<vmem>>
      %dma_wait3A_132 = arith.constant 0 : i32
      %dma_wait3A_133 = arith.constant 0 : i32
      %dma_wait3A_134 = tpu.memref_slice %arg2[%dma_wait3A_132, %dma_wait3A_133] : memref<10000x128xf32, #tpu.memory_space<hbm>> -> memref<10000x128xf32, #tpu.memory_space<hbm>>
      tpu.wait_indirect_dma semaphore(%arg12 : memref<!tpu.dma_semaphore, #tpu.memory_space<semaphore_mem>>) src(%dma_wait3A_134 : memref<10000x128xf32, #tpu.memory_space<hbm>>) dst(%dma_wait3A_130 : memref<80x128xf32, #tpu.memory_space<vmem>>)
      %dma_wait3A_135 = arith.constant 160 : i32
      %dma_wait3A_136 = arith.constant 0 : i32
      %dma_wait3A_137 = tpu.memref_slice %arg10[%dma_wait3A_135, %dma_wait3A_136] : memref<400x128xf32, #tpu.memory_space<vmem>> -> memref<80x128xf32, #tpu.memory_space<vmem>>
      %dma_wait3A_138 = tpu.memref_slice %arg8[%add3A_45] : memref<2400xi32, #tpu.memory_space<vmem>> -> memref<80xi32, #tpu.memory_space<vmem>>
      %dma_wait3A_139 = arith.constant 0 : i32
      %dma_wait3A_140 = arith.constant 0 : i32
      %dma_wait3A_141 = tpu.memref_slice %arg2[%dma_wait3A_139, %dma_wait3A_140] : memref<10000x128xf32, #tpu.memory_space<hbm>> -> memref<10000x128xf32, #tpu.memory_space<hbm>>
      tpu.wait_indirect_dma semaphore(%arg12 : memref<!tpu.dma_semaphore, #tpu.memory_space<semaphore_mem>>) src(%dma_wait3A_141 : memref<10000x128xf32, #tpu.memory_space<hbm>>) dst(%dma_wait3A_137 : memref<80x128xf32, #tpu.memory_space<vmem>>)
      %dma_wait3A_142 = arith.constant 240 : i32
      %dma_wait3A_143 = arith.constant 0 : i32
      %dma_wait3A_144 = tpu.memref_slice %arg10[%dma_wait3A_142, %dma_wait3A_143] : memref<400x128xf32, #tpu.memory_space<vmem>> -> memref<80x128xf32, #tpu.memory_space<vmem>>
      %dma_wait3A_145 = tpu.memref_slice %arg8[%add3A_54] : memref<2400xi32, #tpu.memory_space<vmem>> -> memref<80xi32, #tpu.memory_space<vmem>>
      %dma_wait3A_146 = arith.constant 0 : i32
      %dma_wait3A_147 = arith.constant 0 : i32
      %dma_wait3A_148 = tpu.memref_slice %arg2[%dma_wait3A_146, %dma_wait3A_147] : memref<10000x128xf32, #tpu.memory_space<hbm>> -> memref<10000x128xf32, #tpu.memory_space<hbm>>
      tpu.wait_indirect_dma semaphore(%arg12 : memref<!tpu.dma_semaphore, #tpu.memory_space<semaphore_mem>>) src(%dma_wait3A_148 : memref<10000x128xf32, #tpu.memory_space<hbm>>) dst(%dma_wait3A_144 : memref<80x128xf32, #tpu.memory_space<vmem>>)
      %dma_wait3A_149 = arith.constant 320 : i32
      %dma_wait3A_150 = arith.constant 0 : i32
      %dma_wait3A_151 = tpu.memref_slice %arg10[%dma_wait3A_149, %dma_wait3A_150] : memref<400x128xf32, #tpu.memory_space<vmem>> -> memref<80x128xf32, #tpu.memory_space<vmem>>
      %dma_wait3A_152 = tpu.memref_slice %arg8[%add3A_63] : memref<2400xi32, #tpu.memory_space<vmem>> -> memref<80xi32, #tpu.memory_space<vmem>>
      %dma_wait3A_153 = arith.constant 0 : i32
      %dma_wait3A_154 = arith.constant 0 : i32
      %dma_wait3A_155 = tpu.memref_slice %arg2[%dma_wait3A_153, %dma_wait3A_154] : memref<10000x128xf32, #tpu.memory_space<hbm>> -> memref<10000x128xf32, #tpu.memory_space<hbm>>
      tpu.wait_indirect_dma semaphore(%arg12 : memref<!tpu.dma_semaphore, #tpu.memory_space<semaphore_mem>>) src(%dma_wait3A_155 : memref<10000x128xf32, #tpu.memory_space<hbm>>) dst(%dma_wait3A_151 : memref<80x128xf32, #tpu.memory_space<vmem>>)
      %add3A_156 = arith.addi %mul3A_2, %mul3A_21 : i32
      %dma_start3A_157 = arith.constant 0 : i32
      %dma_start3A_158 = tpu.memref_slice %arg6[%add3A_156, %dma_start3A_157] : memref<76800x128xf32, #tpu.memory_space<hbm>> -> memref<400x128xf32, #tpu.memory_space<hbm>>
      %dma_start3A_159 = arith.constant 0 : i32
      %dma_start3A_160 = tpu.memref_slice %arg6[%add3A_156, %dma_start3A_159] : memref<76800x128xf32, #tpu.memory_space<hbm>> -> memref<400x128xf32, #tpu.memory_space<hbm>>
      tpu.enqueue_dma source(%arg10 : memref<400x128xf32, #tpu.memory_space<vmem>>) target(%dma_start3A_160 : memref<400x128xf32, #tpu.memory_space<hbm>>) target_semaphore(%arg13 : memref<!tpu.dma_semaphore, #tpu.memory_space<semaphore_mem>>)
      %dma_wait3A_161 = arith.constant 0 : i32
      %dma_wait3A_162 = arith.constant 0 : i32
      %dma_wait3A_163 = tpu.memref_slice %arg11[%dma_wait3A_161, %dma_wait3A_162] : memref<400x128xf32, #tpu.memory_space<vmem>> -> memref<80x128xf32, #tpu.memory_space<vmem>>
      %dma_wait3A_164 = tpu.memref_slice %arg9[%add3A_77] : memref<2400xi32, #tpu.memory_space<vmem>> -> memref<80xi32, #tpu.memory_space<vmem>>
      %dma_wait3A_165 = arith.constant 0 : i32
      %dma_wait3A_166 = arith.constant 0 : i32
      %dma_wait3A_167 = tpu.memref_slice %arg3[%dma_wait3A_165, %dma_wait3A_166] : memref<10000x128xf32, #tpu.memory_space<hbm>> -> memref<10000x128xf32, #tpu.memory_space<hbm>>
      tpu.wait_indirect_dma semaphore(%arg12 : memref<!tpu.dma_semaphore, #tpu.memory_space<semaphore_mem>>) src(%dma_wait3A_167 : memref<10000x128xf32, #tpu.memory_space<hbm>>) dst(%dma_wait3A_163 : memref<80x128xf32, #tpu.memory_space<vmem>>)
      %dma_wait3A_168 = arith.constant 80 : i32
      %dma_wait3A_169 = arith.constant 0 : i32
      %dma_wait3A_170 = tpu.memref_slice %arg11[%dma_wait3A_168, %dma_wait3A_169] : memref<400x128xf32, #tpu.memory_space<vmem>> -> memref<80x128xf32, #tpu.memory_space<vmem>>
      %dma_wait3A_171 = tpu.memref_slice %arg9[%add3A_86] : memref<2400xi32, #tpu.memory_space<vmem>> -> memref<80xi32, #tpu.memory_space<vmem>>
      %dma_wait3A_172 = arith.constant 0 : i32
      %dma_wait3A_173 = arith.constant 0 : i32
      %dma_wait3A_174 = tpu.memref_slice %arg3[%dma_wait3A_172, %dma_wait3A_173] : memref<10000x128xf32, #tpu.memory_space<hbm>> -> memref<10000x128xf32, #tpu.memory_space<hbm>>
      tpu.wait_indirect_dma semaphore(%arg12 : memref<!tpu.dma_semaphore, #tpu.memory_space<semaphore_mem>>) src(%dma_wait3A_174 : memref<10000x128xf32, #tpu.memory_space<hbm>>) dst(%dma_wait3A_170 : memref<80x128xf32, #tpu.memory_space<vmem>>)
      %dma_wait3A_175 = arith.constant 160 : i32
      %dma_wait3A_176 = arith.constant 0 : i32
      %dma_wait3A_177 = tpu.memref_slice %arg11[%dma_wait3A_175, %dma_wait3A_176] : memref<400x128xf32, #tpu.memory_space<vmem>> -> memref<80x128xf32, #tpu.memory_space<vmem>>
      %dma_wait3A_178 = tpu.memref_slice %arg9[%add3A_95] : memref<2400xi32, #tpu.memory_space<vmem>> -> memref<80xi32, #tpu.memory_space<vmem>>
      %dma_wait3A_179 = arith.constant 0 : i32
      %dma_wait3A_180 = arith.constant 0 : i32
      %dma_wait3A_181 = tpu.memref_slice %arg3[%dma_wait3A_179, %dma_wait3A_180] : memref<10000x128xf32, #tpu.memory_space<hbm>> -> memref<10000x128xf32, #tpu.memory_space<hbm>>
      tpu.wait_indirect_dma semaphore(%arg12 : memref<!tpu.dma_semaphore, #tpu.memory_space<semaphore_mem>>) src(%dma_wait3A_181 : memref<10000x128xf32, #tpu.memory_space<hbm>>) dst(%dma_wait3A_177 : memref<80x128xf32, #tpu.memory_space<vmem>>)
      %dma_wait3A_182 = arith.constant 240 : i32
      %dma_wait3A_183 = arith.constant 0 : i32
      %dma_wait3A_184 = tpu.memref_slice %arg11[%dma_wait3A_182, %dma_wait3A_183] : memref<400x128xf32, #tpu.memory_space<vmem>> -> memref<80x128xf32, #tpu.memory_space<vmem>>
      %dma_wait3A_185 = tpu.memref_slice %arg9[%add3A_104] : memref<2400xi32, #tpu.memory_space<vmem>> -> memref<80xi32, #tpu.memory_space<vmem>>
      %dma_wait3A_186 = arith.constant 0 : i32
      %dma_wait3A_187 = arith.constant 0 : i32
      %dma_wait3A_188 = tpu.memref_slice %arg3[%dma_wait3A_186, %dma_wait3A_187] : memref<10000x128xf32, #tpu.memory_space<hbm>> -> memref<10000x128xf32, #tpu.memory_space<hbm>>
      tpu.wait_indirect_dma semaphore(%arg12 : memref<!tpu.dma_semaphore, #tpu.memory_space<semaphore_mem>>) src(%dma_wait3A_188 : memref<10000x128xf32, #tpu.memory_space<hbm>>) dst(%dma_wait3A_184 : memref<80x128xf32, #tpu.memory_space<vmem>>)
      %dma_wait3A_189 = arith.constant 320 : i32
      %dma_wait3A_190 = arith.constant 0 : i32
      %dma_wait3A_191 = tpu.memref_slice %arg11[%dma_wait3A_189, %dma_wait3A_190] : memref<400x128xf32, #tpu.memory_space<vmem>> -> memref<80x128xf32, #tpu.memory_space<vmem>>
      %dma_wait3A_192 = tpu.memref_slice %arg9[%add3A_113] : memref<2400xi32, #tpu.memory_space<vmem>> -> memref<80xi32, #tpu.memory_space<vmem>>
      %dma_wait3A_193 = arith.constant 0 : i32
      %dma_wait3A_194 = arith.constant 0 : i32
      %dma_wait3A_195 = tpu.memref_slice %arg3[%dma_wait3A_193, %dma_wait3A_194] : memref<10000x128xf32, #tpu.memory_space<hbm>> -> memref<10000x128xf32, #tpu.memory_space<hbm>>
      tpu.wait_indirect_dma semaphore(%arg12 : memref<!tpu.dma_semaphore, #tpu.memory_space<semaphore_mem>>) src(%dma_wait3A_195 : memref<10000x128xf32, #tpu.memory_space<hbm>>) dst(%dma_wait3A_191 : memref<80x128xf32, #tpu.memory_space<vmem>>)
      %add3A_196 = arith.addi %mul3A_2, %mul3A_21 : i32
      %dma_start3A_197 = arith.constant 0 : i32
      %dma_start3A_198 = tpu.memref_slice %arg7[%add3A_196, %dma_start3A_197] : memref<76800x128xf32, #tpu.memory_space<hbm>> -> memref<400x128xf32, #tpu.memory_space<hbm>>
      %dma_start3A_199 = arith.constant 0 : i32
      %dma_start3A_200 = tpu.memref_slice %arg7[%add3A_196, %dma_start3A_199] : memref<76800x128xf32, #tpu.memory_space<hbm>> -> memref<400x128xf32, #tpu.memory_space<hbm>>
      tpu.enqueue_dma source(%arg11 : memref<400x128xf32, #tpu.memory_space<vmem>>) target(%dma_start3A_200 : memref<400x128xf32, #tpu.memory_space<hbm>>) target_semaphore(%arg14 : memref<!tpu.dma_semaphore, #tpu.memory_space<semaphore_mem>>)
    }
    %scan3A_7 = arith.constant 6 : i32
    %add3A_8 = arith.constant 2000 : i32
    %add3A_9 = arith.addi %mul3A_2, %add3A_8 : i32
    %dma_wait3A = arith.constant 0 : i32
    %dma_wait3A_10 = tpu.memref_slice %arg6[%add3A_9, %dma_wait3A] : memref<76800x128xf32, #tpu.memory_space<hbm>> -> memref<400x128xf32, #tpu.memory_space<hbm>>
    %dma_wait3A_11 = arith.constant 0 : i32
    %dma_wait3A_12 = tpu.memref_slice %arg6[%add3A_9, %dma_wait3A_11] : memref<76800x128xf32, #tpu.memory_space<hbm>> -> memref<400x128xf32, #tpu.memory_space<hbm>>
    tpu.wait_dma2 semaphore(%arg13 : memref<!tpu.dma_semaphore, #tpu.memory_space<semaphore_mem>>) src(%arg10 : memref<400x128xf32, #tpu.memory_space<vmem>>) dst(%dma_wait3A_12 : memref<400x128xf32, #tpu.memory_space<hbm>>)
    %add3A_13 = arith.constant 2000 : i32
    %add3A_14 = arith.addi %mul3A_2, %add3A_13 : i32
    %dma_wait3A_15 = arith.constant 0 : i32
    %dma_wait3A_16 = tpu.memref_slice %arg7[%add3A_14, %dma_wait3A_15] : memref<76800x128xf32, #tpu.memory_space<hbm>> -> memref<400x128xf32, #tpu.memory_space<hbm>>
    %dma_wait3A_17 = arith.constant 0 : i32
    %dma_wait3A_18 = tpu.memref_slice %arg7[%add3A_14, %dma_wait3A_17] : memref<76800x128xf32, #tpu.memory_space<hbm>> -> memref<400x128xf32, #tpu.memory_space<hbm>>
    tpu.wait_dma2 semaphore(%arg14 : memref<!tpu.dma_semaphore, #tpu.memory_space<semaphore_mem>>) src(%arg11 : memref<400x128xf32, #tpu.memory_space<vmem>>) dst(%dma_wait3A_18 : memref<400x128xf32, #tpu.memory_space<hbm>>)
    return
  }
}

module attributes {stable_mosaic.version = 14 : i64} {
  func.func @body(%arg0: i32, %arg1: memref<320000x128xf32, #tpu.memory_space<any>>, %arg2: memref<3200x128xf32, #tpu.memory_space<vmem>>, %arg3: memref<3200x128xf32, #tpu.memory_space<vmem>>, %arg4: memref<3200x128xf32, #tpu.memory_space<vmem>>, %arg5: memref<384x512xbf16, #tpu.memory_space<vmem>>, %arg6: memref<1x512xf32, #tpu.memory_space<vmem>>, %arg7: memref<512x128xbf16, #tpu.memory_space<vmem>>, %arg8: memref<1x128xf32, #tpu.memory_space<vmem>>, %arg9: memref<1x128xf32, #tpu.memory_space<vmem>>, %arg10: memref<1x128xf32, #tpu.memory_space<vmem>>, %arg11: memref<3200x128xf32, #tpu.memory_space<vmem>>) attributes {dimension_semantics = [#tpu.dimension_semantics<arbitrary>], iteration_bounds = array<i64: 24>, scalar_prefetch = 0 : i64, scratch_operands = 0 : i64, tpu.core_type = #tpu.core_type<tc>, window_params = [{}, {transform_indices = @transform_1, window_bounds = array<i64: 3200, 128>}, {transform_indices = @transform_2, window_bounds = array<i64: 3200, 128>}, {transform_indices = @transform_3, window_bounds = array<i64: 3200, 128>}, {pipeline_mode = #tpu.pipeline_mode<synchronous>, transform_indices = @transform_4, window_bounds = array<i64: 384, 512>}, {pipeline_mode = #tpu.pipeline_mode<synchronous>, transform_indices = @transform_5, window_bounds = array<i64: 1, 512>}, {pipeline_mode = #tpu.pipeline_mode<synchronous>, transform_indices = @transform_6, window_bounds = array<i64: 512, 128>}, {pipeline_mode = #tpu.pipeline_mode<synchronous>, transform_indices = @transform_7, window_bounds = array<i64: 1, 128>}, {pipeline_mode = #tpu.pipeline_mode<synchronous>, transform_indices = @transform_8, window_bounds = array<i64: 1, 128>}, {pipeline_mode = #tpu.pipeline_mode<synchronous>, transform_indices = @transform_9, window_bounds = array<i64: 1, 128>}, {transform_indices = @transform_10, window_bounds = array<i64: 3200, 128>}]} {
    %get3A = arith.constant 0 : index
    %get3A_0 = arith.constant 0 : index
    %get3A_1 = vector.load %arg4[%get3A, %get3A_0] : memref<3200x128xf32, #tpu.memory_space<vmem>>, vector<3200x128xf32>
    %get3A_2 = arith.constant 0 : index
    %get3A_3 = arith.constant 0 : index
    %get3A_4 = vector.load %arg2[%get3A_2, %get3A_3] : memref<3200x128xf32, #tpu.memory_space<vmem>>, vector<3200x128xf32>
    %convert_element_type3A = arith.truncf %get3A_4 : vector<3200x128xf32> to vector<3200x128xbf16>
    %get3A_5 = arith.constant 0 : index
    %get3A_6 = arith.constant 0 : index
    %get3A_7 = vector.load %arg3[%get3A_5, %get3A_6] : memref<3200x128xf32, #tpu.memory_space<vmem>>, vector<3200x128xf32>
    %convert_element_type3A_8 = arith.truncf %get3A_7 : vector<3200x128xf32> to vector<3200x128xbf16>
    %convert_element_type3A_9 = arith.truncf %get3A_1 : vector<3200x128xf32> to vector<3200x128xbf16>
    %concatenate3A = tpu.concatenate %convert_element_type3A, %convert_element_type3A_8, %convert_element_type3A_9 in 1 : vector<3200x128xbf16>, vector<3200x128xbf16>, vector<3200x128xbf16> -> vector<3200x384xbf16>
    %get3A_10 = arith.constant 0 : index
    %get3A_11 = arith.constant 0 : index
    %get3A_12 = vector.load %arg5[%get3A_10, %get3A_11] : memref<384x512xbf16, #tpu.memory_space<vmem>>, vector<384x512xbf16>
    %dot_general3A = arith.constant dense<0.000000e+00> : vector<3200x512xf32>
    %dot_general3A_13 = tpu.matmul %concatenate3A, %get3A_12, %dot_general3A {dimension_numbers = #tpu.dot_dimension_numbers<[1], [0], [0], [1], [0, 0, 1, 1], [], []>, transpose_lhs_hint = false} : vector<3200x384xbf16>, vector<384x512xbf16>, vector<3200x512xf32> -> vector<3200x512xf32>
    %get3A_14 = arith.constant 0 : index
    %get3A_15 = arith.constant 0 : index
    %get3A_16 = vector.load %arg6[%get3A_14, %get3A_15] : memref<1x512xf32, #tpu.memory_space<vmem>>, vector<1x512xf32>
    %add3A = vector.broadcast %get3A_16 : vector<1x512xf32> to vector<3200x512xf32>
    %add3A_17 = arith.addf %dot_general3A_13, %add3A : vector<3200x512xf32>
    %mul3A = arith.constant 5.000000e-01 : f32
    %mul3A_18 = vector.broadcast %mul3A : f32 to vector<3200x512xf32>
    %mul3A_19 = arith.mulf %mul3A_18, %add3A_17 : vector<3200x512xf32>
    %tanh3A = math.tanh %mul3A_19 : vector<3200x512xf32>
    %mul3A_20 = arith.constant 5.000000e-01 : f32
    %mul3A_21 = vector.broadcast %mul3A_20 : f32 to vector<3200x512xf32>
    %mul3A_22 = arith.mulf %mul3A_21, %tanh3A : vector<3200x512xf32>
    %add3A_23 = arith.constant 5.000000e-01 : f32
    %add3A_24 = vector.broadcast %add3A_23 : f32 to vector<3200x512xf32>
    %add3A_25 = arith.addf %mul3A_22, %add3A_24 : vector<3200x512xf32>
    %mul3A_26 = arith.mulf %add3A_17, %add3A_25 : vector<3200x512xf32>
    %convert_element_type3A_27 = arith.truncf %mul3A_26 : vector<3200x512xf32> to vector<3200x512xbf16>
    %get3A_28 = arith.constant 0 : index
    %get3A_29 = arith.constant 0 : index
    %get3A_30 = vector.load %arg7[%get3A_28, %get3A_29] : memref<512x128xbf16, #tpu.memory_space<vmem>>, vector<512x128xbf16>
    %dot_general3A_31 = arith.constant dense<0.000000e+00> : vector<3200x128xf32>
    %dot_general3A_32 = tpu.matmul %convert_element_type3A_27, %get3A_30, %dot_general3A_31 {dimension_numbers = #tpu.dot_dimension_numbers<[1], [0], [0], [1], [0, 0, 1, 1], [], []>, transpose_lhs_hint = false} : vector<3200x512xbf16>, vector<512x128xbf16>, vector<3200x128xf32> -> vector<3200x128xf32>
    %get3A_33 = arith.constant 0 : index
    %get3A_34 = arith.constant 0 : index
    %get3A_35 = vector.load %arg8[%get3A_33, %get3A_34] : memref<1x128xf32, #tpu.memory_space<vmem>>, vector<1x128xf32>
    %add3A_36 = vector.broadcast %get3A_35 : vector<1x128xf32> to vector<3200x128xf32>
    %add3A_37 = arith.addf %dot_general3A_32, %add3A_36 : vector<3200x128xf32>
    %reduce_sum3A = arith.constant dense<0.000000e+00> : vector<3200xf32>
    %reduce_sum3A_38 = vector.multi_reduction <add>, %add3A_37, %reduce_sum3A [1] : vector<3200x128xf32> to vector<3200xf32>
    %broadcast_in_dim3A = vector.shape_cast %reduce_sum3A_38 : vector<3200xf32> to vector<3200x1xf32>
    %div3A = arith.constant 1.280000e+02 : f32
    %div3A_39 = vector.broadcast %div3A : f32 to vector<3200x1xf32>
    %div3A_40 = arith.divf %broadcast_in_dim3A, %div3A_39 : vector<3200x1xf32>
    %sub3A = vector.broadcast %div3A_40 : vector<3200x1xf32> to vector<3200x128xf32>
    %sub3A_41 = arith.subf %add3A_37, %sub3A : vector<3200x128xf32>
    %mul3A_42 = arith.mulf %sub3A_41, %sub3A_41 : vector<3200x128xf32>
    %reduce_sum3A_43 = arith.constant dense<0.000000e+00> : vector<3200xf32>
    %reduce_sum3A_44 = vector.multi_reduction <add>, %mul3A_42, %reduce_sum3A_43 [1] : vector<3200x128xf32> to vector<3200xf32>
    %broadcast_in_dim3A_45 = vector.shape_cast %reduce_sum3A_44 : vector<3200xf32> to vector<3200x1xf32>
    %div3A_46 = arith.constant 1.280000e+02 : f32
    %div3A_47 = vector.broadcast %div3A_46 : f32 to vector<3200x1xf32>
    %div3A_48 = arith.divf %broadcast_in_dim3A_45, %div3A_47 : vector<3200x1xf32>
    %add3A_49 = arith.constant 9.99999974E-6 : f32
    %add3A_50 = vector.broadcast %add3A_49 : f32 to vector<3200x1xf32>
    %add3A_51 = arith.addf %div3A_48, %add3A_50 : vector<3200x1xf32>
    %rsqrt3A = math.rsqrt %add3A_51 : vector<3200x1xf32>
    %mul3A_52 = vector.broadcast %rsqrt3A : vector<3200x1xf32> to vector<3200x128xf32>
    %mul3A_53 = arith.mulf %sub3A_41, %mul3A_52 : vector<3200x128xf32>
    %get3A_54 = arith.constant 0 : index
    %get3A_55 = arith.constant 0 : index
    %get3A_56 = vector.load %arg9[%get3A_54, %get3A_55] : memref<1x128xf32, #tpu.memory_space<vmem>>, vector<1x128xf32>
    %mul3A_57 = vector.broadcast %get3A_56 : vector<1x128xf32> to vector<3200x128xf32>
    %mul3A_58 = arith.mulf %mul3A_53, %mul3A_57 : vector<3200x128xf32>
    %get3A_59 = arith.constant 0 : index
    %get3A_60 = arith.constant 0 : index
    %get3A_61 = vector.load %arg10[%get3A_59, %get3A_60] : memref<1x128xf32, #tpu.memory_space<vmem>>, vector<1x128xf32>
    %add3A_62 = vector.broadcast %get3A_61 : vector<1x128xf32> to vector<3200x128xf32>
    %add3A_63 = arith.addf %mul3A_58, %add3A_62 : vector<3200x128xf32>
    %add3A_64 = arith.addf %add3A_63, %get3A_1 : vector<3200x128xf32>
    %swap3A = arith.constant 0 : index
    %swap3A_65 = arith.constant 0 : index
    %swap3A_66 = vector.load %arg11[%swap3A, %swap3A_65] : memref<3200x128xf32, #tpu.memory_space<vmem>>, vector<3200x128xf32>
    tpu.vector_store %arg11[%swap3A, %swap3A_65], %add3A_64 {strides = array<i32>} : memref<3200x128xf32, #tpu.memory_space<vmem>>, vector<3200x128xf32>,
    return
  }
  func.func @transform_1(%arg0: i32) -> (i32, i32) {
    %c0_i32 = arith.constant 0 : i32
    %c0_i32_0 = arith.constant 0 : i32
    return %arg0, %c0_i32 : i32, i32
  }
  func.func @transform_2(%arg0: i32) -> (i32, i32) {
    %c0_i32 = arith.constant 0 : i32
    %c0_i32_0 = arith.constant 0 : i32
    return %arg0, %c0_i32 : i32, i32
  }
  func.func @transform_3(%arg0: i32) -> (i32, i32) {
    %add3A = arith.constant 4 : i32
    %add3A_0 = arith.addi %arg0, %add3A : i32
    %c0_i32 = arith.constant 0 : i32
    %c0_i32_1 = arith.constant 0 : i32
    return %add3A_0, %c0_i32 : i32, i32
  }
  func.func @transform_4(%arg0: i32) -> (i32, i32) {
    %c0_i32 = arith.constant 0 : i32
    %c0_i32_0 = arith.constant 0 : i32
    %c0_i32_1 = arith.constant 0 : i32
    return %c0_i32, %c0_i32_0 : i32, i32
  }
  func.func @transform_5(%arg0: i32) -> (i32, i32) {
    %c0_i32 = arith.constant 0 : i32
    %c0_i32_0 = arith.constant 0 : i32
    %c0_i32_1 = arith.constant 0 : i32
    return %c0_i32, %c0_i32_0 : i32, i32
  }
  func.func @transform_6(%arg0: i32) -> (i32, i32) {
    %c0_i32 = arith.constant 0 : i32
    %c0_i32_0 = arith.constant 0 : i32
    %c0_i32_1 = arith.constant 0 : i32
    return %c0_i32, %c0_i32_0 : i32, i32
  }
  func.func @transform_7(%arg0: i32) -> (i32, i32) {
    %c0_i32 = arith.constant 0 : i32
    %c0_i32_0 = arith.constant 0 : i32
    %c0_i32_1 = arith.constant 0 : i32
    return %c0_i32, %c0_i32_0 : i32, i32
  }
  func.func @transform_8(%arg0: i32) -> (i32, i32) {
    %c0_i32 = arith.constant 0 : i32
    %c0_i32_0 = arith.constant 0 : i32
    %c0_i32_1 = arith.constant 0 : i32
    return %c0_i32, %c0_i32_0 : i32, i32
  }
  func.func @transform_9(%arg0: i32) -> (i32, i32) {
    %c0_i32 = arith.constant 0 : i32
    %c0_i32_0 = arith.constant 0 : i32
    %c0_i32_1 = arith.constant 0 : i32
    return %c0_i32, %c0_i32_0 : i32, i32
  }
  func.func @transform_10(%arg0: i32) -> (i32, i32) {
    %add3A = arith.constant 4 : i32
    %add3A_0 = arith.addi %arg0, %add3A : i32
    %c0_i32 = arith.constant 0 : i32
    %c0_i32_1 = arith.constant 0 : i32
    return %add3A_0, %c0_i32 : i32, i32
  }
}

module attributes {stable_mosaic.version = 14 : i64} {
  func.func @_mlp_body(%arg0: i32, %arg1: memref<3200x128xf32, #tpu.memory_space<vmem>>, %arg2: memref<3200x128xf32, #tpu.memory_space<vmem>>, %arg3: memref<3200x128xf32, #tpu.memory_space<vmem>>, %arg4: memref<384x512xbf16, #tpu.memory_space<vmem>>, %arg5: memref<1x512xf32, #tpu.memory_space<vmem>>, %arg6: memref<512x128xbf16, #tpu.memory_space<vmem>>, %arg7: memref<1x128xf32, #tpu.memory_space<vmem>>, %arg8: memref<1x128xf32, #tpu.memory_space<vmem>>, %arg9: memref<1x128xf32, #tpu.memory_space<vmem>>, %arg10: memref<3200x128xf32, #tpu.memory_space<vmem>>) attributes {dimension_semantics = [#tpu.dimension_semantics<arbitrary>], iteration_bounds = array<i64: 4>, scalar_prefetch = 0 : i64, scratch_operands = 0 : i64, tpu.core_type = #tpu.core_type<tc>, window_params = [{transform_indices = @transform_0, window_bounds = array<i64: 3200, 128>}, {transform_indices = @transform_1, window_bounds = array<i64: 3200, 128>}, {transform_indices = @transform_2, window_bounds = array<i64: 3200, 128>}, {pipeline_mode = #tpu.pipeline_mode<synchronous>, transform_indices = @transform_3, window_bounds = array<i64: 384, 512>}, {pipeline_mode = #tpu.pipeline_mode<synchronous>, transform_indices = @transform_4, window_bounds = array<i64: 1, 512>}, {pipeline_mode = #tpu.pipeline_mode<synchronous>, transform_indices = @transform_5, window_bounds = array<i64: 512, 128>}, {pipeline_mode = #tpu.pipeline_mode<synchronous>, transform_indices = @transform_6, window_bounds = array<i64: 1, 128>}, {pipeline_mode = #tpu.pipeline_mode<synchronous>, transform_indices = @transform_7, window_bounds = array<i64: 1, 128>}, {pipeline_mode = #tpu.pipeline_mode<synchronous>, transform_indices = @transform_8, window_bounds = array<i64: 1, 128>}, {transform_indices = @transform_9, window_bounds = array<i64: 3200, 128>}]} {
    %get3A = arith.constant 0 : index
    %get3A_0 = arith.constant 0 : index
    %get3A_1 = vector.load %arg3[%get3A, %get3A_0] : memref<3200x128xf32, #tpu.memory_space<vmem>>, vector<3200x128xf32>
    %get3A_2 = arith.constant 0 : index
    %get3A_3 = arith.constant 0 : index
    %get3A_4 = vector.load %arg1[%get3A_2, %get3A_3] : memref<3200x128xf32, #tpu.memory_space<vmem>>, vector<3200x128xf32>
    %convert_element_type3A = arith.truncf %get3A_4 : vector<3200x128xf32> to vector<3200x128xbf16>
    %get3A_5 = arith.constant 0 : index
    %get3A_6 = arith.constant 0 : index
    %get3A_7 = vector.load %arg2[%get3A_5, %get3A_6] : memref<3200x128xf32, #tpu.memory_space<vmem>>, vector<3200x128xf32>
    %convert_element_type3A_8 = arith.truncf %get3A_7 : vector<3200x128xf32> to vector<3200x128xbf16>
    %convert_element_type3A_9 = arith.truncf %get3A_1 : vector<3200x128xf32> to vector<3200x128xbf16>
    %concatenate3A = tpu.concatenate %convert_element_type3A, %convert_element_type3A_8, %convert_element_type3A_9 in 1 : vector<3200x128xbf16>, vector<3200x128xbf16>, vector<3200x128xbf16> -> vector<3200x384xbf16>
    %get3A_10 = arith.constant 0 : index
    %get3A_11 = arith.constant 0 : index
    %get3A_12 = vector.load %arg4[%get3A_10, %get3A_11] : memref<384x512xbf16, #tpu.memory_space<vmem>>, vector<384x512xbf16>
    %dot_general3A = arith.constant dense<0.000000e+00> : vector<3200x512xf32>
    %dot_general3A_13 = tpu.matmul %concatenate3A, %get3A_12, %dot_general3A {dimension_numbers = #tpu.dot_dimension_numbers<[1], [0], [0], [1], [0, 0, 1, 1], [], []>, transpose_lhs_hint = false} : vector<3200x384xbf16>, vector<384x512xbf16>, vector<3200x512xf32> -> vector<3200x512xf32>
    %get3A_14 = arith.constant 0 : index
    %get3A_15 = arith.constant 0 : index
    %get3A_16 = vector.load %arg5[%get3A_14, %get3A_15] : memref<1x512xf32, #tpu.memory_space<vmem>>, vector<1x512xf32>
    %add3A = vector.broadcast %get3A_16 : vector<1x512xf32> to vector<3200x512xf32>
    %add3A_17 = arith.addf %dot_general3A_13, %add3A : vector<3200x512xf32>
    %mul3A = arith.constant 5.000000e-01 : f32
    %mul3A_18 = vector.broadcast %mul3A : f32 to vector<3200x512xf32>
    %mul3A_19 = arith.mulf %mul3A_18, %add3A_17 : vector<3200x512xf32>
    %tanh3A = math.tanh %mul3A_19 : vector<3200x512xf32>
    %mul3A_20 = arith.constant 5.000000e-01 : f32
    %mul3A_21 = vector.broadcast %mul3A_20 : f32 to vector<3200x512xf32>
    %mul3A_22 = arith.mulf %mul3A_21, %tanh3A : vector<3200x512xf32>
    %add3A_23 = arith.constant 5.000000e-01 : f32
    %add3A_24 = vector.broadcast %add3A_23 : f32 to vector<3200x512xf32>
    %add3A_25 = arith.addf %mul3A_22, %add3A_24 : vector<3200x512xf32>
    %mul3A_26 = arith.mulf %add3A_17, %add3A_25 : vector<3200x512xf32>
    %convert_element_type3A_27 = arith.truncf %mul3A_26 : vector<3200x512xf32> to vector<3200x512xbf16>
    %get3A_28 = arith.constant 0 : index
    %get3A_29 = arith.constant 0 : index
    %get3A_30 = vector.load %arg6[%get3A_28, %get3A_29] : memref<512x128xbf16, #tpu.memory_space<vmem>>, vector<512x128xbf16>
    %dot_general3A_31 = arith.constant dense<0.000000e+00> : vector<3200x128xf32>
    %dot_general3A_32 = tpu.matmul %convert_element_type3A_27, %get3A_30, %dot_general3A_31 {dimension_numbers = #tpu.dot_dimension_numbers<[1], [0], [0], [1], [0, 0, 1, 1], [], []>, transpose_lhs_hint = false} : vector<3200x512xbf16>, vector<512x128xbf16>, vector<3200x128xf32> -> vector<3200x128xf32>
    %get3A_33 = arith.constant 0 : index
    %get3A_34 = arith.constant 0 : index
    %get3A_35 = vector.load %arg7[%get3A_33, %get3A_34] : memref<1x128xf32, #tpu.memory_space<vmem>>, vector<1x128xf32>
    %add3A_36 = vector.broadcast %get3A_35 : vector<1x128xf32> to vector<3200x128xf32>
    %add3A_37 = arith.addf %dot_general3A_32, %add3A_36 : vector<3200x128xf32>
    %reduce_sum3A = arith.constant dense<0.000000e+00> : vector<3200xf32>
    %reduce_sum3A_38 = vector.multi_reduction <add>, %add3A_37, %reduce_sum3A [1] : vector<3200x128xf32> to vector<3200xf32>
    %broadcast_in_dim3A = vector.shape_cast %reduce_sum3A_38 : vector<3200xf32> to vector<3200x1xf32>
    %div3A = arith.constant 1.280000e+02 : f32
    %div3A_39 = vector.broadcast %div3A : f32 to vector<3200x1xf32>
    %div3A_40 = arith.divf %broadcast_in_dim3A, %div3A_39 : vector<3200x1xf32>
    %sub3A = vector.broadcast %div3A_40 : vector<3200x1xf32> to vector<3200x128xf32>
    %sub3A_41 = arith.subf %add3A_37, %sub3A : vector<3200x128xf32>
    %mul3A_42 = arith.mulf %sub3A_41, %sub3A_41 : vector<3200x128xf32>
    %reduce_sum3A_43 = arith.constant dense<0.000000e+00> : vector<3200xf32>
    %reduce_sum3A_44 = vector.multi_reduction <add>, %mul3A_42, %reduce_sum3A_43 [1] : vector<3200x128xf32> to vector<3200xf32>
    %broadcast_in_dim3A_45 = vector.shape_cast %reduce_sum3A_44 : vector<3200xf32> to vector<3200x1xf32>
    %div3A_46 = arith.constant 1.280000e+02 : f32
    %div3A_47 = vector.broadcast %div3A_46 : f32 to vector<3200x1xf32>
    %div3A_48 = arith.divf %broadcast_in_dim3A_45, %div3A_47 : vector<3200x1xf32>
    %add3A_49 = arith.constant 9.99999974E-6 : f32
    %add3A_50 = vector.broadcast %add3A_49 : f32 to vector<3200x1xf32>
    %add3A_51 = arith.addf %div3A_48, %add3A_50 : vector<3200x1xf32>
    %rsqrt3A = math.rsqrt %add3A_51 : vector<3200x1xf32>
    %mul3A_52 = vector.broadcast %rsqrt3A : vector<3200x1xf32> to vector<3200x128xf32>
    %mul3A_53 = arith.mulf %sub3A_41, %mul3A_52 : vector<3200x128xf32>
    %get3A_54 = arith.constant 0 : index
    %get3A_55 = arith.constant 0 : index
    %get3A_56 = vector.load %arg8[%get3A_54, %get3A_55] : memref<1x128xf32, #tpu.memory_space<vmem>>, vector<1x128xf32>
    %mul3A_57 = vector.broadcast %get3A_56 : vector<1x128xf32> to vector<3200x128xf32>
    %mul3A_58 = arith.mulf %mul3A_53, %mul3A_57 : vector<3200x128xf32>
    %get3A_59 = arith.constant 0 : index
    %get3A_60 = arith.constant 0 : index
    %get3A_61 = vector.load %arg9[%get3A_59, %get3A_60] : memref<1x128xf32, #tpu.memory_space<vmem>>, vector<1x128xf32>
    %add3A_62 = vector.broadcast %get3A_61 : vector<1x128xf32> to vector<3200x128xf32>
    %add3A_63 = arith.addf %mul3A_58, %add3A_62 : vector<3200x128xf32>
    %add3A_64 = arith.addf %add3A_63, %get3A_1 : vector<3200x128xf32>
    %swap3A = arith.constant 0 : index
    %swap3A_65 = arith.constant 0 : index
    %swap3A_66 = vector.load %arg10[%swap3A, %swap3A_65] : memref<3200x128xf32, #tpu.memory_space<vmem>>, vector<3200x128xf32>
    tpu.vector_store %arg10[%swap3A, %swap3A_65], %add3A_64 {strides = array<i32>} : memref<3200x128xf32, #tpu.memory_space<vmem>>, vector<3200x128xf32>,
    return
  }
  func.func @transform_0(%arg0: i32) -> (i32, i32) {
    %c0_i32 = arith.constant 0 : i32
    %c0_i32_0 = arith.constant 0 : i32
    return %arg0, %c0_i32 : i32, i32
  }
  func.func @transform_1(%arg0: i32) -> (i32, i32) {
    %c0_i32 = arith.constant 0 : i32
    %c0_i32_0 = arith.constant 0 : i32
    return %arg0, %c0_i32 : i32, i32
  }
  func.func @transform_2(%arg0: i32) -> (i32, i32) {
    %add3A = arith.constant 0 : i32
    %add3A_0 = arith.addi %arg0, %add3A : i32
    %c0_i32 = arith.constant 0 : i32
    %c0_i32_1 = arith.constant 0 : i32
    return %add3A_0, %c0_i32 : i32, i32
  }
  func.func @transform_3(%arg0: i32) -> (i32, i32) {
    %c0_i32 = arith.constant 0 : i32
    %c0_i32_0 = arith.constant 0 : i32
    %c0_i32_1 = arith.constant 0 : i32
    return %c0_i32, %c0_i32_0 : i32, i32
  }
  func.func @transform_4(%arg0: i32) -> (i32, i32) {
    %c0_i32 = arith.constant 0 : i32
    %c0_i32_0 = arith.constant 0 : i32
    %c0_i32_1 = arith.constant 0 : i32
    return %c0_i32, %c0_i32_0 : i32, i32
  }
  func.func @transform_5(%arg0: i32) -> (i32, i32) {
    %c0_i32 = arith.constant 0 : i32
    %c0_i32_0 = arith.constant 0 : i32
    %c0_i32_1 = arith.constant 0 : i32
    return %c0_i32, %c0_i32_0 : i32, i32
  }
  func.func @transform_6(%arg0: i32) -> (i32, i32) {
    %c0_i32 = arith.constant 0 : i32
    %c0_i32_0 = arith.constant 0 : i32
    %c0_i32_1 = arith.constant 0 : i32
    return %c0_i32, %c0_i32_0 : i32, i32
  }
  func.func @transform_7(%arg0: i32) -> (i32, i32) {
    %c0_i32 = arith.constant 0 : i32
    %c0_i32_0 = arith.constant 0 : i32
    %c0_i32_1 = arith.constant 0 : i32
    return %c0_i32, %c0_i32_0 : i32, i32
  }
  func.func @transform_8(%arg0: i32) -> (i32, i32) {
    %c0_i32 = arith.constant 0 : i32
    %c0_i32_0 = arith.constant 0 : i32
    %c0_i32_1 = arith.constant 0 : i32
    return %c0_i32, %c0_i32_0 : i32, i32
  }
  func.func @transform_9(%arg0: i32) -> (i32, i32) {
    %add3A = arith.constant 0 : i32
    %add3A_0 = arith.addi %arg0, %add3A : i32
    %c0_i32 = arith.constant 0 : i32
    %c0_i32_1 = arith.constant 0 : i32
    return %add3A_0, %c0_i32 : i32, i32
  }
}

module attributes {stable_mosaic.version = 14 : i64} {
  func.func @body(%arg0: i32, %arg1: memref<320000x128xf32, #tpu.memory_space<any>>, %arg2: memref<3200x128xf32, #tpu.memory_space<vmem>>, %arg3: memref<3200x128xf32, #tpu.memory_space<vmem>>, %arg4: memref<3200x128xf32, #tpu.memory_space<vmem>>, %arg5: memref<384x512xbf16, #tpu.memory_space<vmem>>, %arg6: memref<1x512xf32, #tpu.memory_space<vmem>>, %arg7: memref<512x128xbf16, #tpu.memory_space<vmem>>, %arg8: memref<1x128xf32, #tpu.memory_space<vmem>>, %arg9: memref<1x128xf32, #tpu.memory_space<vmem>>, %arg10: memref<1x128xf32, #tpu.memory_space<vmem>>, %arg11: memref<3200x128xf32, #tpu.memory_space<vmem>>) attributes {dimension_semantics = [#tpu.dimension_semantics<arbitrary>], iteration_bounds = array<i64: 24>, scalar_prefetch = 0 : i64, scratch_operands = 0 : i64, tpu.core_type = #tpu.core_type<tc>, window_params = [{}, {transform_indices = @transform_1, window_bounds = array<i64: 3200, 128>}, {transform_indices = @transform_2, window_bounds = array<i64: 3200, 128>}, {transform_indices = @transform_3, window_bounds = array<i64: 3200, 128>}, {pipeline_mode = #tpu.pipeline_mode<synchronous>, transform_indices = @transform_4, window_bounds = array<i64: 384, 512>}, {pipeline_mode = #tpu.pipeline_mode<synchronous>, transform_indices = @transform_5, window_bounds = array<i64: 1, 512>}, {pipeline_mode = #tpu.pipeline_mode<synchronous>, transform_indices = @transform_6, window_bounds = array<i64: 512, 128>}, {pipeline_mode = #tpu.pipeline_mode<synchronous>, transform_indices = @transform_7, window_bounds = array<i64: 1, 128>}, {pipeline_mode = #tpu.pipeline_mode<synchronous>, transform_indices = @transform_8, window_bounds = array<i64: 1, 128>}, {pipeline_mode = #tpu.pipeline_mode<synchronous>, transform_indices = @transform_9, window_bounds = array<i64: 1, 128>}, {transform_indices = @transform_10, window_bounds = array<i64: 3200, 128>}]} {
    %get3A = arith.constant 0 : index
    %get3A_0 = arith.constant 0 : index
    %get3A_1 = vector.load %arg4[%get3A, %get3A_0] : memref<3200x128xf32, #tpu.memory_space<vmem>>, vector<3200x128xf32>
    %get3A_2 = arith.constant 0 : index
    %get3A_3 = arith.constant 0 : index
    %get3A_4 = vector.load %arg2[%get3A_2, %get3A_3] : memref<3200x128xf32, #tpu.memory_space<vmem>>, vector<3200x128xf32>
    %convert_element_type3A = arith.truncf %get3A_4 : vector<3200x128xf32> to vector<3200x128xbf16>
    %get3A_5 = arith.constant 0 : index
    %get3A_6 = arith.constant 0 : index
    %get3A_7 = vector.load %arg3[%get3A_5, %get3A_6] : memref<3200x128xf32, #tpu.memory_space<vmem>>, vector<3200x128xf32>
    %convert_element_type3A_8 = arith.truncf %get3A_7 : vector<3200x128xf32> to vector<3200x128xbf16>
    %convert_element_type3A_9 = arith.truncf %get3A_1 : vector<3200x128xf32> to vector<3200x128xbf16>
    %concatenate3A = tpu.concatenate %convert_element_type3A, %convert_element_type3A_8, %convert_element_type3A_9 in 1 : vector<3200x128xbf16>, vector<3200x128xbf16>, vector<3200x128xbf16> -> vector<3200x384xbf16>
    %get3A_10 = arith.constant 0 : index
    %get3A_11 = arith.constant 0 : index
    %get3A_12 = vector.load %arg5[%get3A_10, %get3A_11] : memref<384x512xbf16, #tpu.memory_space<vmem>>, vector<384x512xbf16>
    %dot_general3A = arith.constant dense<0.000000e+00> : vector<3200x512xf32>
    %dot_general3A_13 = tpu.matmul %concatenate3A, %get3A_12, %dot_general3A {dimension_numbers = #tpu.dot_dimension_numbers<[1], [0], [0], [1], [0, 0, 1, 1], [], []>, transpose_lhs_hint = false} : vector<3200x384xbf16>, vector<384x512xbf16>, vector<3200x512xf32> -> vector<3200x512xf32>
    %get3A_14 = arith.constant 0 : index
    %get3A_15 = arith.constant 0 : index
    %get3A_16 = vector.load %arg6[%get3A_14, %get3A_15] : memref<1x512xf32, #tpu.memory_space<vmem>>, vector<1x512xf32>
    %add3A = vector.broadcast %get3A_16 : vector<1x512xf32> to vector<3200x512xf32>
    %add3A_17 = arith.addf %dot_general3A_13, %add3A : vector<3200x512xf32>
    %mul3A = arith.constant 5.000000e-01 : f32
    %mul3A_18 = vector.broadcast %mul3A : f32 to vector<3200x512xf32>
    %mul3A_19 = arith.mulf %mul3A_18, %add3A_17 : vector<3200x512xf32>
    %tanh3A = math.tanh %mul3A_19 : vector<3200x512xf32>
    %mul3A_20 = arith.constant 5.000000e-01 : f32
    %mul3A_21 = vector.broadcast %mul3A_20 : f32 to vector<3200x512xf32>
    %mul3A_22 = arith.mulf %mul3A_21, %tanh3A : vector<3200x512xf32>
    %add3A_23 = arith.constant 5.000000e-01 : f32
    %add3A_24 = vector.broadcast %add3A_23 : f32 to vector<3200x512xf32>
    %add3A_25 = arith.addf %mul3A_22, %add3A_24 : vector<3200x512xf32>
    %mul3A_26 = arith.mulf %add3A_17, %add3A_25 : vector<3200x512xf32>
    %convert_element_type3A_27 = arith.truncf %mul3A_26 : vector<3200x512xf32> to vector<3200x512xbf16>
    %get3A_28 = arith.constant 0 : index
    %get3A_29 = arith.constant 0 : index
    %get3A_30 = vector.load %arg7[%get3A_28, %get3A_29] : memref<512x128xbf16, #tpu.memory_space<vmem>>, vector<512x128xbf16>
    %dot_general3A_31 = arith.constant dense<0.000000e+00> : vector<3200x128xf32>
    %dot_general3A_32 = tpu.matmul %convert_element_type3A_27, %get3A_30, %dot_general3A_31 {dimension_numbers = #tpu.dot_dimension_numbers<[1], [0], [0], [1], [0, 0, 1, 1], [], []>, transpose_lhs_hint = false} : vector<3200x512xbf16>, vector<512x128xbf16>, vector<3200x128xf32> -> vector<3200x128xf32>
    %get3A_33 = arith.constant 0 : index
    %get3A_34 = arith.constant 0 : index
    %get3A_35 = vector.load %arg8[%get3A_33, %get3A_34] : memref<1x128xf32, #tpu.memory_space<vmem>>, vector<1x128xf32>
    %add3A_36 = vector.broadcast %get3A_35 : vector<1x128xf32> to vector<3200x128xf32>
    %add3A_37 = arith.addf %dot_general3A_32, %add3A_36 : vector<3200x128xf32>
    %reduce_sum3A = arith.constant dense<0.000000e+00> : vector<3200xf32>
    %reduce_sum3A_38 = vector.multi_reduction <add>, %add3A_37, %reduce_sum3A [1] : vector<3200x128xf32> to vector<3200xf32>
    %broadcast_in_dim3A = vector.shape_cast %reduce_sum3A_38 : vector<3200xf32> to vector<3200x1xf32>
    %div3A = arith.constant 1.280000e+02 : f32
    %div3A_39 = vector.broadcast %div3A : f32 to vector<3200x1xf32>
    %div3A_40 = arith.divf %broadcast_in_dim3A, %div3A_39 : vector<3200x1xf32>
    %sub3A = vector.broadcast %div3A_40 : vector<3200x1xf32> to vector<3200x128xf32>
    %sub3A_41 = arith.subf %add3A_37, %sub3A : vector<3200x128xf32>
    %mul3A_42 = arith.mulf %sub3A_41, %sub3A_41 : vector<3200x128xf32>
    %reduce_sum3A_43 = arith.constant dense<0.000000e+00> : vector<3200xf32>
    %reduce_sum3A_44 = vector.multi_reduction <add>, %mul3A_42, %reduce_sum3A_43 [1] : vector<3200x128xf32> to vector<3200xf32>
    %broadcast_in_dim3A_45 = vector.shape_cast %reduce_sum3A_44 : vector<3200xf32> to vector<3200x1xf32>
    %div3A_46 = arith.constant 1.280000e+02 : f32
    %div3A_47 = vector.broadcast %div3A_46 : f32 to vector<3200x1xf32>
    %div3A_48 = arith.divf %broadcast_in_dim3A_45, %div3A_47 : vector<3200x1xf32>
    %add3A_49 = arith.constant 9.99999974E-6 : f32
    %add3A_50 = vector.broadcast %add3A_49 : f32 to vector<3200x1xf32>
    %add3A_51 = arith.addf %div3A_48, %add3A_50 : vector<3200x1xf32>
    %rsqrt3A = math.rsqrt %add3A_51 : vector<3200x1xf32>
    %mul3A_52 = vector.broadcast %rsqrt3A : vector<3200x1xf32> to vector<3200x128xf32>
    %mul3A_53 = arith.mulf %sub3A_41, %mul3A_52 : vector<3200x128xf32>
    %get3A_54 = arith.constant 0 : index
    %get3A_55 = arith.constant 0 : index
    %get3A_56 = vector.load %arg9[%get3A_54, %get3A_55] : memref<1x128xf32, #tpu.memory_space<vmem>>, vector<1x128xf32>
    %mul3A_57 = vector.broadcast %get3A_56 : vector<1x128xf32> to vector<3200x128xf32>
    %mul3A_58 = arith.mulf %mul3A_53, %mul3A_57 : vector<3200x128xf32>
    %get3A_59 = arith.constant 0 : index
    %get3A_60 = arith.constant 0 : index
    %get3A_61 = vector.load %arg10[%get3A_59, %get3A_60] : memref<1x128xf32, #tpu.memory_space<vmem>>, vector<1x128xf32>
    %add3A_62 = vector.broadcast %get3A_61 : vector<1x128xf32> to vector<3200x128xf32>
    %add3A_63 = arith.addf %mul3A_58, %add3A_62 : vector<3200x128xf32>
    %add3A_64 = arith.addf %add3A_63, %get3A_1 : vector<3200x128xf32>
    %swap3A = arith.constant 0 : index
    %swap3A_65 = arith.constant 0 : index
    %swap3A_66 = vector.load %arg11[%swap3A, %swap3A_65] : memref<3200x128xf32, #tpu.memory_space<vmem>>, vector<3200x128xf32>
    tpu.vector_store %arg11[%swap3A, %swap3A_65], %add3A_64 {strides = array<i32>} : memref<3200x128xf32, #tpu.memory_space<vmem>>, vector<3200x128xf32>,
    return
  }
  func.func @transform_1(%arg0: i32) -> (i32, i32) {
    %c0_i32 = arith.constant 0 : i32
    %c0_i32_0 = arith.constant 0 : i32
    return %arg0, %c0_i32 : i32, i32
  }
  func.func @transform_2(%arg0: i32) -> (i32, i32) {
    %c0_i32 = arith.constant 0 : i32
    %c0_i32_0 = arith.constant 0 : i32
    return %arg0, %c0_i32 : i32, i32
  }
  func.func @transform_3(%arg0: i32) -> (i32, i32) {
    %add3A = arith.constant 28 : i32
    %add3A_0 = arith.addi %arg0, %add3A : i32
    %c0_i32 = arith.constant 0 : i32
    %c0_i32_1 = arith.constant 0 : i32
    return %add3A_0, %c0_i32 : i32, i32
  }
  func.func @transform_4(%arg0: i32) -> (i32, i32) {
    %c0_i32 = arith.constant 0 : i32
    %c0_i32_0 = arith.constant 0 : i32
    %c0_i32_1 = arith.constant 0 : i32
    return %c0_i32, %c0_i32_0 : i32, i32
  }
  func.func @transform_5(%arg0: i32) -> (i32, i32) {
    %c0_i32 = arith.constant 0 : i32
    %c0_i32_0 = arith.constant 0 : i32
    %c0_i32_1 = arith.constant 0 : i32
    return %c0_i32, %c0_i32_0 : i32, i32
  }
  func.func @transform_6(%arg0: i32) -> (i32, i32) {
    %c0_i32 = arith.constant 0 : i32
    %c0_i32_0 = arith.constant 0 : i32
    %c0_i32_1 = arith.constant 0 : i32
    return %c0_i32, %c0_i32_0 : i32, i32
  }
  func.func @transform_7(%arg0: i32) -> (i32, i32) {
    %c0_i32 = arith.constant 0 : i32
    %c0_i32_0 = arith.constant 0 : i32
    %c0_i32_1 = arith.constant 0 : i32
    return %c0_i32, %c0_i32_0 : i32, i32
  }
  func.func @transform_8(%arg0: i32) -> (i32, i32) {
    %c0_i32 = arith.constant 0 : i32
    %c0_i32_0 = arith.constant 0 : i32
    %c0_i32_1 = arith.constant 0 : i32
    return %c0_i32, %c0_i32_0 : i32, i32
  }
  func.func @transform_9(%arg0: i32) -> (i32, i32) {
    %c0_i32 = arith.constant 0 : i32
    %c0_i32_0 = arith.constant 0 : i32
    %c0_i32_1 = arith.constant 0 : i32
    return %c0_i32, %c0_i32_0 : i32, i32
  }
  func.func @transform_10(%arg0: i32) -> (i32, i32) {
    %add3A = arith.constant 28 : i32
    %add3A_0 = arith.addi %arg0, %add3A : i32
    %c0_i32 = arith.constant 0 : i32
    %c0_i32_1 = arith.constant 0 : i32
    return %add3A_0, %c0_i32 : i32, i32
  }
}

module attributes {stable_mosaic.version = 14 : i64} {
  func.func @body(%arg0: i32, %arg1: memref<320000x128xf32, #tpu.memory_space<any>>, %arg2: memref<3200x128xf32, #tpu.memory_space<vmem>>, %arg3: memref<3200x128xf32, #tpu.memory_space<vmem>>, %arg4: memref<3200x128xf32, #tpu.memory_space<vmem>>, %arg5: memref<384x512xbf16, #tpu.memory_space<vmem>>, %arg6: memref<1x512xf32, #tpu.memory_space<vmem>>, %arg7: memref<512x128xbf16, #tpu.memory_space<vmem>>, %arg8: memref<1x128xf32, #tpu.memory_space<vmem>>, %arg9: memref<1x128xf32, #tpu.memory_space<vmem>>, %arg10: memref<1x128xf32, #tpu.memory_space<vmem>>, %arg11: memref<3200x128xf32, #tpu.memory_space<vmem>>) attributes {dimension_semantics = [#tpu.dimension_semantics<arbitrary>], iteration_bounds = array<i64: 24>, scalar_prefetch = 0 : i64, scratch_operands = 0 : i64, tpu.core_type = #tpu.core_type<tc>, window_params = [{}, {transform_indices = @transform_1, window_bounds = array<i64: 3200, 128>}, {transform_indices = @transform_2, window_bounds = array<i64: 3200, 128>}, {transform_indices = @transform_3, window_bounds = array<i64: 3200, 128>}, {pipeline_mode = #tpu.pipeline_mode<synchronous>, transform_indices = @transform_4, window_bounds = array<i64: 384, 512>}, {pipeline_mode = #tpu.pipeline_mode<synchronous>, transform_indices = @transform_5, window_bounds = array<i64: 1, 512>}, {pipeline_mode = #tpu.pipeline_mode<synchronous>, transform_indices = @transform_6, window_bounds = array<i64: 512, 128>}, {pipeline_mode = #tpu.pipeline_mode<synchronous>, transform_indices = @transform_7, window_bounds = array<i64: 1, 128>}, {pipeline_mode = #tpu.pipeline_mode<synchronous>, transform_indices = @transform_8, window_bounds = array<i64: 1, 128>}, {pipeline_mode = #tpu.pipeline_mode<synchronous>, transform_indices = @transform_9, window_bounds = array<i64: 1, 128>}, {transform_indices = @transform_10, window_bounds = array<i64: 3200, 128>}]} {
    %get3A = arith.constant 0 : index
    %get3A_0 = arith.constant 0 : index
    %get3A_1 = vector.load %arg4[%get3A, %get3A_0] : memref<3200x128xf32, #tpu.memory_space<vmem>>, vector<3200x128xf32>
    %get3A_2 = arith.constant 0 : index
    %get3A_3 = arith.constant 0 : index
    %get3A_4 = vector.load %arg2[%get3A_2, %get3A_3] : memref<3200x128xf32, #tpu.memory_space<vmem>>, vector<3200x128xf32>
    %convert_element_type3A = arith.truncf %get3A_4 : vector<3200x128xf32> to vector<3200x128xbf16>
    %get3A_5 = arith.constant 0 : index
    %get3A_6 = arith.constant 0 : index
    %get3A_7 = vector.load %arg3[%get3A_5, %get3A_6] : memref<3200x128xf32, #tpu.memory_space<vmem>>, vector<3200x128xf32>
    %convert_element_type3A_8 = arith.truncf %get3A_7 : vector<3200x128xf32> to vector<3200x128xbf16>
    %convert_element_type3A_9 = arith.truncf %get3A_1 : vector<3200x128xf32> to vector<3200x128xbf16>
    %concatenate3A = tpu.concatenate %convert_element_type3A, %convert_element_type3A_8, %convert_element_type3A_9 in 1 : vector<3200x128xbf16>, vector<3200x128xbf16>, vector<3200x128xbf16> -> vector<3200x384xbf16>
    %get3A_10 = arith.constant 0 : index
    %get3A_11 = arith.constant 0 : index
    %get3A_12 = vector.load %arg5[%get3A_10, %get3A_11] : memref<384x512xbf16, #tpu.memory_space<vmem>>, vector<384x512xbf16>
    %dot_general3A = arith.constant dense<0.000000e+00> : vector<3200x512xf32>
    %dot_general3A_13 = tpu.matmul %concatenate3A, %get3A_12, %dot_general3A {dimension_numbers = #tpu.dot_dimension_numbers<[1], [0], [0], [1], [0, 0, 1, 1], [], []>, transpose_lhs_hint = false} : vector<3200x384xbf16>, vector<384x512xbf16>, vector<3200x512xf32> -> vector<3200x512xf32>
    %get3A_14 = arith.constant 0 : index
    %get3A_15 = arith.constant 0 : index
    %get3A_16 = vector.load %arg6[%get3A_14, %get3A_15] : memref<1x512xf32, #tpu.memory_space<vmem>>, vector<1x512xf32>
    %add3A = vector.broadcast %get3A_16 : vector<1x512xf32> to vector<3200x512xf32>
    %add3A_17 = arith.addf %dot_general3A_13, %add3A : vector<3200x512xf32>
    %mul3A = arith.constant 5.000000e-01 : f32
    %mul3A_18 = vector.broadcast %mul3A : f32 to vector<3200x512xf32>
    %mul3A_19 = arith.mulf %mul3A_18, %add3A_17 : vector<3200x512xf32>
    %tanh3A = math.tanh %mul3A_19 : vector<3200x512xf32>
    %mul3A_20 = arith.constant 5.000000e-01 : f32
    %mul3A_21 = vector.broadcast %mul3A_20 : f32 to vector<3200x512xf32>
    %mul3A_22 = arith.mulf %mul3A_21, %tanh3A : vector<3200x512xf32>
    %add3A_23 = arith.constant 5.000000e-01 : f32
    %add3A_24 = vector.broadcast %add3A_23 : f32 to vector<3200x512xf32>
    %add3A_25 = arith.addf %mul3A_22, %add3A_24 : vector<3200x512xf32>
    %mul3A_26 = arith.mulf %add3A_17, %add3A_25 : vector<3200x512xf32>
    %convert_element_type3A_27 = arith.truncf %mul3A_26 : vector<3200x512xf32> to vector<3200x512xbf16>
    %get3A_28 = arith.constant 0 : index
    %get3A_29 = arith.constant 0 : index
    %get3A_30 = vector.load %arg7[%get3A_28, %get3A_29] : memref<512x128xbf16, #tpu.memory_space<vmem>>, vector<512x128xbf16>
    %dot_general3A_31 = arith.constant dense<0.000000e+00> : vector<3200x128xf32>
    %dot_general3A_32 = tpu.matmul %convert_element_type3A_27, %get3A_30, %dot_general3A_31 {dimension_numbers = #tpu.dot_dimension_numbers<[1], [0], [0], [1], [0, 0, 1, 1], [], []>, transpose_lhs_hint = false} : vector<3200x512xbf16>, vector<512x128xbf16>, vector<3200x128xf32> -> vector<3200x128xf32>
    %get3A_33 = arith.constant 0 : index
    %get3A_34 = arith.constant 0 : index
    %get3A_35 = vector.load %arg8[%get3A_33, %get3A_34] : memref<1x128xf32, #tpu.memory_space<vmem>>, vector<1x128xf32>
    %add3A_36 = vector.broadcast %get3A_35 : vector<1x128xf32> to vector<3200x128xf32>
    %add3A_37 = arith.addf %dot_general3A_32, %add3A_36 : vector<3200x128xf32>
    %reduce_sum3A = arith.constant dense<0.000000e+00> : vector<3200xf32>
    %reduce_sum3A_38 = vector.multi_reduction <add>, %add3A_37, %reduce_sum3A [1] : vector<3200x128xf32> to vector<3200xf32>
    %broadcast_in_dim3A = vector.shape_cast %reduce_sum3A_38 : vector<3200xf32> to vector<3200x1xf32>
    %div3A = arith.constant 1.280000e+02 : f32
    %div3A_39 = vector.broadcast %div3A : f32 to vector<3200x1xf32>
    %div3A_40 = arith.divf %broadcast_in_dim3A, %div3A_39 : vector<3200x1xf32>
    %sub3A = vector.broadcast %div3A_40 : vector<3200x1xf32> to vector<3200x128xf32>
    %sub3A_41 = arith.subf %add3A_37, %sub3A : vector<3200x128xf32>
    %mul3A_42 = arith.mulf %sub3A_41, %sub3A_41 : vector<3200x128xf32>
    %reduce_sum3A_43 = arith.constant dense<0.000000e+00> : vector<3200xf32>
    %reduce_sum3A_44 = vector.multi_reduction <add>, %mul3A_42, %reduce_sum3A_43 [1] : vector<3200x128xf32> to vector<3200xf32>
    %broadcast_in_dim3A_45 = vector.shape_cast %reduce_sum3A_44 : vector<3200xf32> to vector<3200x1xf32>
    %div3A_46 = arith.constant 1.280000e+02 : f32
    %div3A_47 = vector.broadcast %div3A_46 : f32 to vector<3200x1xf32>
    %div3A_48 = arith.divf %broadcast_in_dim3A_45, %div3A_47 : vector<3200x1xf32>
    %add3A_49 = arith.constant 9.99999974E-6 : f32
    %add3A_50 = vector.broadcast %add3A_49 : f32 to vector<3200x1xf32>
    %add3A_51 = arith.addf %div3A_48, %add3A_50 : vector<3200x1xf32>
    %rsqrt3A = math.rsqrt %add3A_51 : vector<3200x1xf32>
    %mul3A_52 = vector.broadcast %rsqrt3A : vector<3200x1xf32> to vector<3200x128xf32>
    %mul3A_53 = arith.mulf %sub3A_41, %mul3A_52 : vector<3200x128xf32>
    %get3A_54 = arith.constant 0 : index
    %get3A_55 = arith.constant 0 : index
    %get3A_56 = vector.load %arg9[%get3A_54, %get3A_55] : memref<1x128xf32, #tpu.memory_space<vmem>>, vector<1x128xf32>
    %mul3A_57 = vector.broadcast %get3A_56 : vector<1x128xf32> to vector<3200x128xf32>
    %mul3A_58 = arith.mulf %mul3A_53, %mul3A_57 : vector<3200x128xf32>
    %get3A_59 = arith.constant 0 : index
    %get3A_60 = arith.constant 0 : index
    %get3A_61 = vector.load %arg10[%get3A_59, %get3A_60] : memref<1x128xf32, #tpu.memory_space<vmem>>, vector<1x128xf32>
    %add3A_62 = vector.broadcast %get3A_61 : vector<1x128xf32> to vector<3200x128xf32>
    %add3A_63 = arith.addf %mul3A_58, %add3A_62 : vector<3200x128xf32>
    %add3A_64 = arith.addf %add3A_63, %get3A_1 : vector<3200x128xf32>
    %swap3A = arith.constant 0 : index
    %swap3A_65 = arith.constant 0 : index
    %swap3A_66 = vector.load %arg11[%swap3A, %swap3A_65] : memref<3200x128xf32, #tpu.memory_space<vmem>>, vector<3200x128xf32>
    tpu.vector_store %arg11[%swap3A, %swap3A_65], %add3A_64 {strides = array<i32>} : memref<3200x128xf32, #tpu.memory_space<vmem>>, vector<3200x128xf32>,
    return
  }
  func.func @transform_1(%arg0: i32) -> (i32, i32) {
    %c0_i32 = arith.constant 0 : i32
    %c0_i32_0 = arith.constant 0 : i32
    return %arg0, %c0_i32 : i32, i32
  }
  func.func @transform_2(%arg0: i32) -> (i32, i32) {
    %c0_i32 = arith.constant 0 : i32
    %c0_i32_0 = arith.constant 0 : i32
    return %arg0, %c0_i32 : i32, i32
  }
  func.func @transform_3(%arg0: i32) -> (i32, i32) {
    %add3A = arith.constant 52 : i32
    %add3A_0 = arith.addi %arg0, %add3A : i32
    %c0_i32 = arith.constant 0 : i32
    %c0_i32_1 = arith.constant 0 : i32
    return %add3A_0, %c0_i32 : i32, i32
  }
  func.func @transform_4(%arg0: i32) -> (i32, i32) {
    %c0_i32 = arith.constant 0 : i32
    %c0_i32_0 = arith.constant 0 : i32
    %c0_i32_1 = arith.constant 0 : i32
    return %c0_i32, %c0_i32_0 : i32, i32
  }
  func.func @transform_5(%arg0: i32) -> (i32, i32) {
    %c0_i32 = arith.constant 0 : i32
    %c0_i32_0 = arith.constant 0 : i32
    %c0_i32_1 = arith.constant 0 : i32
    return %c0_i32, %c0_i32_0 : i32, i32
  }
  func.func @transform_6(%arg0: i32) -> (i32, i32) {
    %c0_i32 = arith.constant 0 : i32
    %c0_i32_0 = arith.constant 0 : i32
    %c0_i32_1 = arith.constant 0 : i32
    return %c0_i32, %c0_i32_0 : i32, i32
  }
  func.func @transform_7(%arg0: i32) -> (i32, i32) {
    %c0_i32 = arith.constant 0 : i32
    %c0_i32_0 = arith.constant 0 : i32
    %c0_i32_1 = arith.constant 0 : i32
    return %c0_i32, %c0_i32_0 : i32, i32
  }
  func.func @transform_8(%arg0: i32) -> (i32, i32) {
    %c0_i32 = arith.constant 0 : i32
    %c0_i32_0 = arith.constant 0 : i32
    %c0_i32_1 = arith.constant 0 : i32
    return %c0_i32, %c0_i32_0 : i32, i32
  }
  func.func @transform_9(%arg0: i32) -> (i32, i32) {
    %c0_i32 = arith.constant 0 : i32
    %c0_i32_0 = arith.constant 0 : i32
    %c0_i32_1 = arith.constant 0 : i32
    return %c0_i32, %c0_i32_0 : i32, i32
  }
  func.func @transform_10(%arg0: i32) -> (i32, i32) {
    %add3A = arith.constant 52 : i32
    %add3A_0 = arith.addi %arg0, %add3A : i32
    %c0_i32 = arith.constant 0 : i32
    %c0_i32_1 = arith.constant 0 : i32
    return %add3A_0, %c0_i32 : i32, i32
  }
}

module attributes {stable_mosaic.version = 14 : i64} {
  func.func @body(%arg0: i32, %arg1: memref<320000x128xf32, #tpu.memory_space<any>>, %arg2: memref<3200x128xf32, #tpu.memory_space<vmem>>, %arg3: memref<3200x128xf32, #tpu.memory_space<vmem>>, %arg4: memref<3200x128xf32, #tpu.memory_space<vmem>>, %arg5: memref<384x512xbf16, #tpu.memory_space<vmem>>, %arg6: memref<1x512xf32, #tpu.memory_space<vmem>>, %arg7: memref<512x128xbf16, #tpu.memory_space<vmem>>, %arg8: memref<1x128xf32, #tpu.memory_space<vmem>>, %arg9: memref<1x128xf32, #tpu.memory_space<vmem>>, %arg10: memref<1x128xf32, #tpu.memory_space<vmem>>, %arg11: memref<3200x128xf32, #tpu.memory_space<vmem>>) attributes {dimension_semantics = [#tpu.dimension_semantics<arbitrary>], iteration_bounds = array<i64: 24>, scalar_prefetch = 0 : i64, scratch_operands = 0 : i64, tpu.core_type = #tpu.core_type<tc>, window_params = [{}, {transform_indices = @transform_1, window_bounds = array<i64: 3200, 128>}, {transform_indices = @transform_2, window_bounds = array<i64: 3200, 128>}, {transform_indices = @transform_3, window_bounds = array<i64: 3200, 128>}, {pipeline_mode = #tpu.pipeline_mode<synchronous>, transform_indices = @transform_4, window_bounds = array<i64: 384, 512>}, {pipeline_mode = #tpu.pipeline_mode<synchronous>, transform_indices = @transform_5, window_bounds = array<i64: 1, 512>}, {pipeline_mode = #tpu.pipeline_mode<synchronous>, transform_indices = @transform_6, window_bounds = array<i64: 512, 128>}, {pipeline_mode = #tpu.pipeline_mode<synchronous>, transform_indices = @transform_7, window_bounds = array<i64: 1, 128>}, {pipeline_mode = #tpu.pipeline_mode<synchronous>, transform_indices = @transform_8, window_bounds = array<i64: 1, 128>}, {pipeline_mode = #tpu.pipeline_mode<synchronous>, transform_indices = @transform_9, window_bounds = array<i64: 1, 128>}, {transform_indices = @transform_10, window_bounds = array<i64: 3200, 128>}]} {
    %get3A = arith.constant 0 : index
    %get3A_0 = arith.constant 0 : index
    %get3A_1 = vector.load %arg4[%get3A, %get3A_0] : memref<3200x128xf32, #tpu.memory_space<vmem>>, vector<3200x128xf32>
    %get3A_2 = arith.constant 0 : index
    %get3A_3 = arith.constant 0 : index
    %get3A_4 = vector.load %arg2[%get3A_2, %get3A_3] : memref<3200x128xf32, #tpu.memory_space<vmem>>, vector<3200x128xf32>
    %convert_element_type3A = arith.truncf %get3A_4 : vector<3200x128xf32> to vector<3200x128xbf16>
    %get3A_5 = arith.constant 0 : index
    %get3A_6 = arith.constant 0 : index
    %get3A_7 = vector.load %arg3[%get3A_5, %get3A_6] : memref<3200x128xf32, #tpu.memory_space<vmem>>, vector<3200x128xf32>
    %convert_element_type3A_8 = arith.truncf %get3A_7 : vector<3200x128xf32> to vector<3200x128xbf16>
    %convert_element_type3A_9 = arith.truncf %get3A_1 : vector<3200x128xf32> to vector<3200x128xbf16>
    %concatenate3A = tpu.concatenate %convert_element_type3A, %convert_element_type3A_8, %convert_element_type3A_9 in 1 : vector<3200x128xbf16>, vector<3200x128xbf16>, vector<3200x128xbf16> -> vector<3200x384xbf16>
    %get3A_10 = arith.constant 0 : index
    %get3A_11 = arith.constant 0 : index
    %get3A_12 = vector.load %arg5[%get3A_10, %get3A_11] : memref<384x512xbf16, #tpu.memory_space<vmem>>, vector<384x512xbf16>
    %dot_general3A = arith.constant dense<0.000000e+00> : vector<3200x512xf32>
    %dot_general3A_13 = tpu.matmul %concatenate3A, %get3A_12, %dot_general3A {dimension_numbers = #tpu.dot_dimension_numbers<[1], [0], [0], [1], [0, 0, 1, 1], [], []>, transpose_lhs_hint = false} : vector<3200x384xbf16>, vector<384x512xbf16>, vector<3200x512xf32> -> vector<3200x512xf32>
    %get3A_14 = arith.constant 0 : index
    %get3A_15 = arith.constant 0 : index
    %get3A_16 = vector.load %arg6[%get3A_14, %get3A_15] : memref<1x512xf32, #tpu.memory_space<vmem>>, vector<1x512xf32>
    %add3A = vector.broadcast %get3A_16 : vector<1x512xf32> to vector<3200x512xf32>
    %add3A_17 = arith.addf %dot_general3A_13, %add3A : vector<3200x512xf32>
    %mul3A = arith.constant 5.000000e-01 : f32
    %mul3A_18 = vector.broadcast %mul3A : f32 to vector<3200x512xf32>
    %mul3A_19 = arith.mulf %mul3A_18, %add3A_17 : vector<3200x512xf32>
    %tanh3A = math.tanh %mul3A_19 : vector<3200x512xf32>
    %mul3A_20 = arith.constant 5.000000e-01 : f32
    %mul3A_21 = vector.broadcast %mul3A_20 : f32 to vector<3200x512xf32>
    %mul3A_22 = arith.mulf %mul3A_21, %tanh3A : vector<3200x512xf32>
    %add3A_23 = arith.constant 5.000000e-01 : f32
    %add3A_24 = vector.broadcast %add3A_23 : f32 to vector<3200x512xf32>
    %add3A_25 = arith.addf %mul3A_22, %add3A_24 : vector<3200x512xf32>
    %mul3A_26 = arith.mulf %add3A_17, %add3A_25 : vector<3200x512xf32>
    %convert_element_type3A_27 = arith.truncf %mul3A_26 : vector<3200x512xf32> to vector<3200x512xbf16>
    %get3A_28 = arith.constant 0 : index
    %get3A_29 = arith.constant 0 : index
    %get3A_30 = vector.load %arg7[%get3A_28, %get3A_29] : memref<512x128xbf16, #tpu.memory_space<vmem>>, vector<512x128xbf16>
    %dot_general3A_31 = arith.constant dense<0.000000e+00> : vector<3200x128xf32>
    %dot_general3A_32 = tpu.matmul %convert_element_type3A_27, %get3A_30, %dot_general3A_31 {dimension_numbers = #tpu.dot_dimension_numbers<[1], [0], [0], [1], [0, 0, 1, 1], [], []>, transpose_lhs_hint = false} : vector<3200x512xbf16>, vector<512x128xbf16>, vector<3200x128xf32> -> vector<3200x128xf32>
    %get3A_33 = arith.constant 0 : index
    %get3A_34 = arith.constant 0 : index
    %get3A_35 = vector.load %arg8[%get3A_33, %get3A_34] : memref<1x128xf32, #tpu.memory_space<vmem>>, vector<1x128xf32>
    %add3A_36 = vector.broadcast %get3A_35 : vector<1x128xf32> to vector<3200x128xf32>
    %add3A_37 = arith.addf %dot_general3A_32, %add3A_36 : vector<3200x128xf32>
    %reduce_sum3A = arith.constant dense<0.000000e+00> : vector<3200xf32>
    %reduce_sum3A_38 = vector.multi_reduction <add>, %add3A_37, %reduce_sum3A [1] : vector<3200x128xf32> to vector<3200xf32>
    %broadcast_in_dim3A = vector.shape_cast %reduce_sum3A_38 : vector<3200xf32> to vector<3200x1xf32>
    %div3A = arith.constant 1.280000e+02 : f32
    %div3A_39 = vector.broadcast %div3A : f32 to vector<3200x1xf32>
    %div3A_40 = arith.divf %broadcast_in_dim3A, %div3A_39 : vector<3200x1xf32>
    %sub3A = vector.broadcast %div3A_40 : vector<3200x1xf32> to vector<3200x128xf32>
    %sub3A_41 = arith.subf %add3A_37, %sub3A : vector<3200x128xf32>
    %mul3A_42 = arith.mulf %sub3A_41, %sub3A_41 : vector<3200x128xf32>
    %reduce_sum3A_43 = arith.constant dense<0.000000e+00> : vector<3200xf32>
    %reduce_sum3A_44 = vector.multi_reduction <add>, %mul3A_42, %reduce_sum3A_43 [1] : vector<3200x128xf32> to vector<3200xf32>
    %broadcast_in_dim3A_45 = vector.shape_cast %reduce_sum3A_44 : vector<3200xf32> to vector<3200x1xf32>
    %div3A_46 = arith.constant 1.280000e+02 : f32
    %div3A_47 = vector.broadcast %div3A_46 : f32 to vector<3200x1xf32>
    %div3A_48 = arith.divf %broadcast_in_dim3A_45, %div3A_47 : vector<3200x1xf32>
    %add3A_49 = arith.constant 9.99999974E-6 : f32
    %add3A_50 = vector.broadcast %add3A_49 : f32 to vector<3200x1xf32>
    %add3A_51 = arith.addf %div3A_48, %add3A_50 : vector<3200x1xf32>
    %rsqrt3A = math.rsqrt %add3A_51 : vector<3200x1xf32>
    %mul3A_52 = vector.broadcast %rsqrt3A : vector<3200x1xf32> to vector<3200x128xf32>
    %mul3A_53 = arith.mulf %sub3A_41, %mul3A_52 : vector<3200x128xf32>
    %get3A_54 = arith.constant 0 : index
    %get3A_55 = arith.constant 0 : index
    %get3A_56 = vector.load %arg9[%get3A_54, %get3A_55] : memref<1x128xf32, #tpu.memory_space<vmem>>, vector<1x128xf32>
    %mul3A_57 = vector.broadcast %get3A_56 : vector<1x128xf32> to vector<3200x128xf32>
    %mul3A_58 = arith.mulf %mul3A_53, %mul3A_57 : vector<3200x128xf32>
    %get3A_59 = arith.constant 0 : index
    %get3A_60 = arith.constant 0 : index
    %get3A_61 = vector.load %arg10[%get3A_59, %get3A_60] : memref<1x128xf32, #tpu.memory_space<vmem>>, vector<1x128xf32>
    %add3A_62 = vector.broadcast %get3A_61 : vector<1x128xf32> to vector<3200x128xf32>
    %add3A_63 = arith.addf %mul3A_58, %add3A_62 : vector<3200x128xf32>
    %add3A_64 = arith.addf %add3A_63, %get3A_1 : vector<3200x128xf32>
    %swap3A = arith.constant 0 : index
    %swap3A_65 = arith.constant 0 : index
    %swap3A_66 = vector.load %arg11[%swap3A, %swap3A_65] : memref<3200x128xf32, #tpu.memory_space<vmem>>, vector<3200x128xf32>
    tpu.vector_store %arg11[%swap3A, %swap3A_65], %add3A_64 {strides = array<i32>} : memref<3200x128xf32, #tpu.memory_space<vmem>>, vector<3200x128xf32>,
    return
  }
  func.func @transform_1(%arg0: i32) -> (i32, i32) {
    %c0_i32 = arith.constant 0 : i32
    %c0_i32_0 = arith.constant 0 : i32
    return %arg0, %c0_i32 : i32, i32
  }
  func.func @transform_2(%arg0: i32) -> (i32, i32) {
    %c0_i32 = arith.constant 0 : i32
    %c0_i32_0 = arith.constant 0 : i32
    return %arg0, %c0_i32 : i32, i32
  }
  func.func @transform_3(%arg0: i32) -> (i32, i32) {
    %add3A = arith.constant 76 : i32
    %add3A_0 = arith.addi %arg0, %add3A : i32
    %c0_i32 = arith.constant 0 : i32
    %c0_i32_1 = arith.constant 0 : i32
    return %add3A_0, %c0_i32 : i32, i32
  }
  func.func @transform_4(%arg0: i32) -> (i32, i32) {
    %c0_i32 = arith.constant 0 : i32
    %c0_i32_0 = arith.constant 0 : i32
    %c0_i32_1 = arith.constant 0 : i32
    return %c0_i32, %c0_i32_0 : i32, i32
  }
  func.func @transform_5(%arg0: i32) -> (i32, i32) {
    %c0_i32 = arith.constant 0 : i32
    %c0_i32_0 = arith.constant 0 : i32
    %c0_i32_1 = arith.constant 0 : i32
    return %c0_i32, %c0_i32_0 : i32, i32
  }
  func.func @transform_6(%arg0: i32) -> (i32, i32) {
    %c0_i32 = arith.constant 0 : i32
    %c0_i32_0 = arith.constant 0 : i32
    %c0_i32_1 = arith.constant 0 : i32
    return %c0_i32, %c0_i32_0 : i32, i32
  }
  func.func @transform_7(%arg0: i32) -> (i32, i32) {
    %c0_i32 = arith.constant 0 : i32
    %c0_i32_0 = arith.constant 0 : i32
    %c0_i32_1 = arith.constant 0 : i32
    return %c0_i32, %c0_i32_0 : i32, i32
  }
  func.func @transform_8(%arg0: i32) -> (i32, i32) {
    %c0_i32 = arith.constant 0 : i32
    %c0_i32_0 = arith.constant 0 : i32
    %c0_i32_1 = arith.constant 0 : i32
    return %c0_i32, %c0_i32_0 : i32, i32
  }
  func.func @transform_9(%arg0: i32) -> (i32, i32) {
    %c0_i32 = arith.constant 0 : i32
    %c0_i32_0 = arith.constant 0 : i32
    %c0_i32_1 = arith.constant 0 : i32
    return %c0_i32, %c0_i32_0 : i32, i32
  }
  func.func @transform_10(%arg0: i32) -> (i32, i32) {
    %add3A = arith.constant 76 : i32
    %add3A_0 = arith.addi %arg0, %add3A : i32
    %c0_i32 = arith.constant 0 : i32
    %c0_i32_1 = arith.constant 0 : i32
    return %add3A_0, %c0_i32 : i32, i32
  }
}

</mosaic_0001>

<sc_bundles>
// kernel: kernel.12.cloned.1.call-start
scs
__scs_entry_jumppad:
0x0: {  	(pc) =	sbr.rel $0x88, $3  }
0x1: {  	(tag) =	ssettag $0x0;
	lr =	simm.s32 $0x1  }
0x2: {  	[smem:$0x3F96] =	sst lr;
	_ =	strace $0xD0000000  }
0x3: {  	_ = 	snop  }
0x4: {  	_ = 	snop  }
0x5: {  	_ = 	snop  }
0x6: {  	_ = 	snop  }
0x7: {  	_ = 	snop  }
__scs_overlays_trampoline_lowered:
0x8: {  	[smem:$0x3FA5] =	sst s0  }
0x9: {  	[smem:$0x3FA6] =	sst s1  }
0xa: {  	[smem:$0x3FA7] =	sst s2  }
0xb: {  	[smem:$0x3FA8] =	sst s3  }
0xc: {  	[smem:$0x3FA9] =	sst s4  }
0xd: {  	[smem:$0x3FAA] =	sst s5  }
0xe: {  	[smem:$0x3FAB] =	sst s6  }
0xf: {  	[smem:$0x3FAC] =	sst s7  }
0x10: {  	[smem:$0x3FAD] =	sst s8  }
0x11: {  	[smem:$0x3FAE] =	sst s9;
	s0 =	simm.s32 @!p0 $0x0  }
0x12: {  	s1 =	sld [smem:$0x3F94];
	s0 =	simm.s32 @p0 $0x1  }
0x13: {  	[smem:$0x3FAF] =	sst s0;
	s0 =	simm.s32 @!p1 $0x0  }
0x14: {  	s2 =	sld [smem:$0x3F93];
	s0 =	simm.s32 @p1 $0x1  }
0x15: {  	[smem:$0x3FB0] =	sst s0;
	s0 =	simm.s32 @!p2 $0x0  }
0x16: {  	s3 =	sld [smem:$0x3FDB];
	s0 =	simm.s32 @p2 $0x1  }
0x17: {  	s4 =	simm.s32 $0x1BF5;
	[smem:$0x3FB2] =	sst s0  }
0x18: {  	s0 =	sld [smem:$0x3F95];
	_ =	swait.ge [sflag:s4], $0x0  }
0x19: {  	s7 =	sld [smem:$0x3F96]  }
0x1a: {  	s8 =	sadd.s32 $0xFFFFE003, lr  }
0x1b: {  	s9 =	sadd.s32 $0xFFFFFEF7, lr;
	s5 =	simm.s32 $0xFFFFFFFF;
	p2 =	slt.u32 s8, $0xFFFFF086  }
0x1c: {  	p1 =	slt.u32 s9, $0xF7A;
	s5 =	simm.s32 @!p2 $0x0  }
0x1d: {  	s5 =	simm.s32 @p1 $0x1;
	p0 =	seq.s32 s7, s2  }
0x1e: {  	s7 =	smul.u32 @!p0 $0xF7A, s2;
	p2 =	seq.s32 @!p0 s5, $0x0  }
0x1f: {  	s9 =	smul.u32 $0xF7A, s1;
	s8 =	simm.s32 @!p0 $0x1BF5;
	p2 =	por !p2, p0  }
0x20: {  	[sflag:s8] =	ssyncset.s32 @!p0 $0xFFFFF086;
	s6 =	sadd.s32 @!p0 s3, s7;
	s7 =	simm.s32 @!p0 $0x108  }
0x21: {  	s3 =	sadd.s32 s3, s9;
	s6 =	sadd.s32 @!p0 $0x88, s6;
	s7 =	simm.s32 @p2 $0x1082  }
0x22: {  	[simem:s7], [sflag:s8] =	dma.local @!p0 [hbm:s6], $0xF7A  }
0x23: {  	s9 =	sor.u32 $0xD0000000, s2;
	s6 =	simm.s32 $0x108;
	_ =	swait.ge @!p0 [sflag:s8], $0x0  }
0x24: {  	s3 =	sadd.s32 $0x88, s3;
	s6 =	simm.s32 @!p1 $0x1082;
	[sflag:s4] =	ssyncset.s32 $0xFFFFF086  }
0x25: {  	[simem:s6], [sflag:s4] =	dma.local [hbm:s3], $0xF7A  }
0x26: {  	[smem:$0x3F96] =	sst s1;
	(tag) =	ssettag s2;
	_ =	strace s9  }
0x27: {  	s1 =	sld [smem:$0x3FA6]  }
0x28: {  	s2 =	sld [smem:$0x3FA7]  }
0x29: {  	s4 =	sld [smem:$0x3FA9]  }
0x2a: {  	p0 =	seq.s32 s5, $0x0;
	s5 =	sld [smem:$0x3FAA]  }
0x2b: {  	s6 =	sld [smem:$0x3FAB]  }
0x2c: {  	s7 =	sld [smem:$0x3FAC]  }
0x2d: {  	s3 =	simm.s32 $0x108;
	s8 =	sld [smem:$0x3FAD]  }
0x2e: {  	s3 =	simm.s32 @!p0 $0x1082;
	s9 =	sld [smem:$0x3FAE]  }
0x2f: {  	lr =	sadd.s32 s0, s3;
	s0 =	sld [smem:$0x3FA5]  }
0x30: {  	s3 =	sld [smem:$0x3FA8]  }
0x31: {  	[smem:$0x3FB1] =	sst s10  }
0x32: {  	s10 =	sld [smem:$0x3FAF];
	_ =	sdelay $0x3  }
0x33: {  	p0 =	seq.s32 s10, $0x1;
	s10 =	sld [smem:$0x3FB1];
	_ =	sdelay $0x3  }
0x34: {  	[smem:$0x3FB1] =	sst s10  }
0x35: {  	s10 =	sld [smem:$0x3FB0];
	_ =	sdelay $0x3  }
0x36: {  	p1 =	seq.s32 s10, $0x1;
	s10 =	sld [smem:$0x3FB1];
	_ =	sdelay $0x3  }
0x37: {  	[smem:$0x3FB1] =	sst s10  }
0x38: {  	s10 =	sld [smem:$0x3FB2]  }
0x39: {  	_ = 	snop;
	(pc) =	sbr.ind lr, $3  }
0x3a: {  	_ = 	snop  }
0x3b: {  	_ = 	snop  }
0x3c: {  	p2 =	seq.s32 s10, $0x1;
	s10 =	sld [smem:$0x3FB1]  }
0x3d: {  	_ =	shalt  }
0x3e: {  	_ =	shalt  }
0x3f: {  	_ =	shalt  }
0x40: {  	_ =	shalt  }
0x41: {  	_ =	shalt  }
0x42: {  	_ =	shalt  }
0x43: {  	_ =	shalt  }
0x44: {  	_ =	shalt  }
0x45: {  	_ =	shalt  }
0x46: {  	_ =	shalt  }
0x47: {  	_ =	shalt  }
0x48: {  	_ =	shalt  }
0x49: {  	_ =	shalt  }
0x4a: {  	_ =	shalt  }
0x4b: {  	_ =	shalt  }
0x4c: {  	_ =	shalt  }
0x4d: {  	_ =	shalt  }
0x4e: {  	_ =	shalt  }
0x4f: {  	_ =	shalt  }
0x50: {  	_ =	shalt  }
0x51: {  	_ =	shalt  }
0x52: {  	_ =	shalt  }
0x53: {  	_ =	shalt  }
0x54: {  	_ =	shalt  }
0x55: {  	_ =	shalt  }
0x56: {  	_ =	shalt  }
0x57: {  	_ =	shalt  }
0x58: {  	_ =	shalt  }
0x59: {  	_ =	shalt  }
0x5a: {  	_ =	shalt  }
0x5b: {  	_ =	shalt  }
0x5c: {  	_ =	shalt  }
0x5d: {  	_ =	shalt  }
0x5e: {  	_ =	shalt  }
0x5f: {  	_ =	shalt  }
0x60: {  	_ =	shalt  }
0x61: {  	_ =	shalt  }
0x62: {  	_ =	shalt  }
0x63: {  	_ =	shalt  }
0x64: {  	_ =	shalt  }
0x65: {  	_ =	shalt  }
0x66: {  	_ =	shalt  }
0x67: {  	_ =	shalt  }
0x68: {  	_ =	shalt  }
0x69: {  	_ =	shalt  }
0x6a: {  	_ =	shalt  }
0x6b: {  	_ =	shalt  }
0x6c: {  	_ =	shalt  }
0x6d: {  	_ =	shalt  }
0x6e: {  	_ =	shalt  }
0x6f: {  	_ =	shalt  }
0x70: {  	_ =	shalt  }
0x71: {  	_ =	shalt  }
0x72: {  	_ =	shalt  }
0x73: {  	_ =	shalt  }
0x74: {  	_ =	shalt  }
0x75: {  	_ =	shalt  }
0x76: {  	_ =	shalt  }
0x77: {  	_ =	shalt  }
0x78: {  	_ =	shalt  }
0x79: {  	_ =	shalt  }
0x7a: {  	_ =	shalt  }
0x7b: {  	_ =	shalt  }
0x7c: {  	_ =	shalt  }
0x7d: {  	_ =	shalt  }
0x7e: {  	_ =	shalt  }
0x7f: {  	_ =	shalt  }
0x80: {  	_ =	shalt  }
0x81: {  	_ =	shalt  }
0x82: {  	_ =	shalt  }
0x83: {  	_ =	shalt  }
0x84: {  	_ =	shalt  }
0x85: {  	_ =	shalt  }
0x86: {  	_ =	shalt  }
0x87: {  	_ =	shalt  }
.Lfunc_end0:
.L_simem_size_0:
called_computation_lowered:
.L_overlay_start_0:
0x88: {  	s2 =	sld [smem:$0x3FD9]  }
0x89: {  	s3 =	sld [smem:$0x3FFE];
	_ =	sdelay $0x1  }
0x8a: {  	s1 =	srdreg.scid  }
0x8b: {  	s0 =	sand.u32 $0x1, s1  }
0x8c: {  	s17 =	sshll.u32 s0, $0xA;
	s2 =	sadd.s32 s3, s2  }
0x8d: {  	s2 =	sadd.s32 s2, s17  }
0x8e: {  	[smem:$0x3FBD] =	sst s2  }
0x8f: {  	_ = 	snop  }
0x90: {  	s2 =	sld [smem:$0x3FC9]  }
0x91: {  	s18 =	sld [smem:$0x3FC8]  }
0x92: {  	s4 =	sld [smem:$0x3FD0];
	(tm) =	ssettm $0x1  }
0x93: {  	s5 =	sld [smem:$0x3FFB];
	_ =	sdelay $0x3  }
0x94: {  	_ =	strace s5  }
0x95: {  	s5 =	sld [smem:$0x3FFC];
	_ =	sdelay $0x3  }
0x96: {  	_ =	strace s5  }
0x97: {  	s5 =	sld [smem:$0x3FFD];
	_ =	sdelay $0x3  }
0x98: {  	_ =	strace s5  }
0x99: {  	_ =	strace $0x8FFFFFFF  }
0x9a: {  	s19 =	sld [smem:$0x3FDB];
	_ =	sdelay $0x1  }
0x9b: {  	s6 =	simm.s32 $_scs_section_size  }
0x9c: {  	s7 =	simm.s32 $_size__tile_overlayer_lowered;
	s8 =	simm.s32 $_tile_overlayer_lowered  }
0x9d: {  	s22 =	simm.s32 $0x1BFF;
	s21 =	sshll.u32 s8, $0x1;
	s5 =	sadd.s32 s6, s19  }
0x9e: {  	s9 =	simm.s32 $0x0;
	s20 =	sshll.u32 s7, $0x1;
	s7 =	sadd.s32 s21, s5  }
0x9f: {  	[timem:s9], [sflag:s22] =	dma.local [hbm:s7], s20  }
0xa0: {  	_ =	swait.ge [sflag:s22], s20  }
0xa1: {  	s6 =	ssub.s32 $0x0, s20;
	[sflag:s22] =	ssyncset.done $0x0  }
0xa2: {  	[sflag:s22] =	ssyncadd.s32 s6;
	_ =	sdelay $0x1  }
0xa3: {  	s23 =	simm.s32 $0x1B8B  }
0xa4: {  	_ =	swait.ge [sflag:s23], $0x1  }
0xa5: {  	[sflag:s23] =	ssyncset.done $0x0  }
0xa6: {  	s25 =	simm.s32 $0x1B8E;
	s24 =	sld [smem:$0x3FFE];
	[sflag:s23] =	ssyncadd.s32 $0xFFFFFFFF  }
0xa7: {  	s26 =	simm.s32 $execute0_lowered;
	[smem:$0x3FD2] =	sst s25  }
0xa8: {  	s7 =	sshll.u32 s26, $0x1;
	_ =	strace $0x80000046;
	[dreg:$0x1] =	wrdreg $0xFFFFFFFF  }
0xa9: {  	s28 =	simm.s32 $_size_execute0_lowered;
	s5 =	sadd.s32 s5, s7;
	[dreg:$0x0] =	wrdreg $0x0  }
0xaa: {  	s7 =	sshll.u32 s28, $0x1;
	[dreg:$0x2] =	wrdreg s5  }
0xab: {  	[dreg:$0x3] =	wrdreg s7  }
0xac: {  	[dreg:$0x4] =	wrdreg $0xC0  }
0xad: {  	_ =	task [dreg:s9], $0x5FFFF  }
0xae: {  	[dreg:$0x1] =	wrdreg $0xFFFFFFFF  }
0xaf: {  	[dreg:$0x0] =	wrdreg $0x60  }
0xb0: {  	[dreg:$0x2] =	wrdreg s2  }
0xb1: {  	[dreg:$0x3] =	wrdreg s18  }
0xb2: {  	[dreg:$0x4] =	wrdreg s24  }
0xb3: {  	[dreg:$0x5] =	wrdreg s4  }
0xb4: {  	[dreg:$0x6] =	wrdreg $0x9  }
0xb5: {  	_ =	task.clear_ibuf [dreg:s9], $0x7FFFF;
	_ =	strace $0x90000046  }
0xb6: {  	s29 =	simm.s32 $0x9;
	_ =	strace $0x80000048  }
0xb7: {  	_ =	swait.ge [sflag:s29], $0x1  }
0xb8: {  	[sflag:s29] =	ssyncadd.s32 $0xFFFFFFFF  }
0xb9: {  	_ =	strace $0x90000048  }
0xba: {  	_ =	sfence  }
0xbb: {  	s30 =	sld [smem:$0x0];
	_ =	sdelay $0x2  }
0xbc: {  	s31 =	sshll.u32 s1, $0xD;
	s1 =	sshrl.u32 s1, $0x2  }
0xbd: {  	s3 =	sand.u32 $0x4000, s31;
	s1 =	sadd.s32 s1, s30  }
0xbe: {  	s0 =	sor.u32 s3, s0;
	s1 =	sshll.u32 s1, $0x11  }
0xbf: {  	s0 =	sor.u32 s1, s0  }
0xc0: {  	s0 =	sadd.s32 $0x8F2B, s0  }
0xc1: {  	[sflag:s0] =	ssyncadd.remote.s32 $0x1  }
0xc2: {  	_ =	sfence.sel $0xFFFF  }
0xc3: {  	[dreg:$0x0] =	wrdreg $0xFFFFFFFF;
	(pc) =	sbr.abs _section_cstart, $3  }
0xc4: {  	[dreg:$0x1] =	wrdreg $0xFFFFFFFF  }
0xc5: {  	_ =	task.clear_ibuf [dreg:s9], $0x2FFFF;
	_ =	strace $0x9FFFFFFF  }
0xc6: {  	(tm) =	ssettm $0x7FFFFFFF  }
0xc7: {  	_ =	shalt  }
tec
execute0_lowered:
.L_overlay_start_1:
0x0: {  	(tag) =	ssettag $0x1  }
0x1: {  	s5 =	rddreg [dreg:$0x0]  }
0x2: {  	s4 =	rddreg [dreg:$0x1];
	s0 =	srdreg.scid  }
0x3: {  	s2 =	stileid.u32;
	s1 =	rddreg [dreg:$0x2]  }
0x4: {  	s3 =	rddreg [dreg:$0x3];
	s15 =	simm.s32 $0x4;
	s13 =	simm.s32 $0x200  }
0x5: {  	s12 =	simm.s32 $0x50;
	s16 =	simm.s32 $0x2C00;
	s17 =	simm.s32 $0xA0  }
0x6: {  	s18 =	simm.s32 $0x5400;
	s19 =	simm.s32 $0xF0;
	s20 =	simm.s32 $0x7C00  }
0x7: {  	s21 =	simm.s32 $0x140;
	s22 =	simm.s32 $0xA400;
	s23 =	simm.s32 $0x250  }
0x8: {  	s24 =	simm.s32 $0xF400;
	s25 =	simm.s32 $0x2A0;
	s26 =	simm.s32 $0x11C00  }
0x9: {  	s28 =	simm.s32 $0x2F0;
	s0 =	sand.u32 $0x1, s0;
	s2 =	sshll.u32 s2, $0x1  }
0xa: {  	p0 =	por $0x0, $0x0;
	s6 =	sor.u32 s0, s2;
	s0 =	ssub.s32 $0x2, s0  }
0xb: {  	s29 =	simm.s32 $0x14400;
	s30 =	simm.s32 $0x340;
	s8 =	sshrl.u32 s0, $0x1  }
0xc: {  	s31 =	simm.s32 $0x16C00;
	s11 =	simm.s32 $0x1;
	s0 =	ssub.s32 s0, s8  }
0xd: {  	s2 =	simm.s32 $0x0;
	s7 =	smul.u32 $0x32, s6;
	s0 =	smax.u32 s0, $0x1  }
0xe: {  	[smem:$0x7FF] =	sst s2;
	s6 =	smul.u32 $0x1900, s6;
	p1 =	sne.s32 s0, $0x1  }
.Ltmp0:
0xf: {  	s10 =	simm.s32 $0x2;
	_ =	strace $0x80000047;
	(pc) =	sbr.rel @!p1 .LBB2_3-.Ltmp0, $4  }
0x10: {  	s8 =	simm.s32 $0x400;
	s7 =	sadd.s32 s7, s1;
	s1 =	sadd.s32 s6, s1  }
0x11: {  	s9 =	sadd.s32 $0x3A00, s7;
	s14 =	sadd.s32 $0x4200, s7;
	s7 =	sadd.s32 s3, s6  }
0x12: {  	s3 =	sadd.s32 $0x4A00, s1;
	s6 =	simm.s32 $0xCC00;
	[dreg:$0x5] =	wrdreg s9  }
0x13: {  	s1 =	sadd.s32 $0xFFFFFFFF, s0;
	s9 =	simm.s32 $0x3;
	s0 =	rddreg [dreg:$0x5]  }
0x14: {  	[tilespmem:s2], [sflag:$0x4] =	stream.linear.gather [hbm4b:s0+s2], $0x190, $0x38;
	[tilespmem:$0x19400] =	vst v63  }
0x15: {  	_ =	swait.ge [sflag:s15], $0x190  }
0x16: {  	[sflag:s15] =	ssyncset.done $0x0  }
0x17: {  	[sflag:s15] =	ssyncadd.s32 $0xFFFFFE70  }
0x18: {  	[tilespmem:s13], [sflag:$0x4] =	stream.linear.gather [hbm4b:s14+s2], $0x190, $0x38;
	[tilespmem:$0x19400] =	vst v63  }
0x19: {  	_ =	swait.ge [sflag:s15], $0x190  }
0x1a: {  	[sflag:s15] =	ssyncset.done $0x0  }
0x1b: {  	[sflag:s15] =	ssyncadd.s32 $0xFFFFFE70  }
0x1c: {  	[tilespmem:s8], [sflag:$0x1] =	stream.indirect.gather [hbm4b:s5+s12], $0x80, s2, s12, $0xb8;
	[tilespmem:$0x19400] =	vst v63  }
0x1d: {  	_ = 	snop  }
0x1e: {  	[tilespmem:s16], [sflag:$0x1] =	stream.indirect.gather [hbm4b:s5+s12], $0x80, s12, s12, $0xb8;
	[tilespmem:$0x19400] =	vst v63  }
0x1f: {  	_ = 	snop  }
0x20: {  	[tilespmem:s18], [sflag:$0x1] =	stream.indirect.gather [hbm4b:s5+s12], $0x80, s17, s12, $0xb8;
	[tilespmem:$0x19400] =	vst v63  }
0x21: {  	_ = 	snop  }
0x22: {  	[tilespmem:s20], [sflag:$0x1] =	stream.indirect.gather [hbm4b:s5+s12], $0x80, s19, s12, $0xb8;
	[tilespmem:$0x19400] =	vst v63  }
0x23: {  	_ = 	snop  }
0x24: {  	[tilespmem:s22], [sflag:$0x1] =	stream.indirect.gather [hbm4b:s5+s12], $0x80, s21, s12, $0xb8;
	[tilespmem:$0x19400] =	vst v63  }
0x25: {  	_ = 	snop  }
0x26: {  	[tilespmem:s6], [sflag:$0x1] =	stream.indirect.gather [hbm4b:s4+s12], $0x80, s13, s12, $0xb8;
	[tilespmem:$0x19400] =	vst v63  }
0x27: {  	_ = 	snop  }
0x28: {  	[tilespmem:s24], [sflag:$0x1] =	stream.indirect.gather [hbm4b:s4+s12], $0x80, s23, s12, $0xb8;
	[tilespmem:$0x19400] =	vst v63  }
0x29: {  	_ = 	snop  }
0x2a: {  	[tilespmem:s26], [sflag:$0x1] =	stream.indirect.gather [hbm4b:s4+s12], $0x80, s25, s12, $0xb8;
	[tilespmem:$0x19400] =	vst v63  }
0x2b: {  	_ = 	snop  }
0x2c: {  	[tilespmem:s29], [sflag:$0x1] =	stream.indirect.gather [hbm4b:s4+s12], $0x80, s28, s12, $0xb8;
	[tilespmem:$0x19400] =	vst v63  }
0x2d: {  	_ = 	snop  }
0x2e: {  	[tilespmem:s31], [sflag:$0x1] =	stream.indirect.gather [hbm4b:s4+s12], $0x80, s30, s12, $0xb8;
	[tilespmem:$0x19400] =	vst v63  }
0x2f: {  	_ =	swait.ge [sflag:s11], $0x2800  }
0x30: {  	[sflag:s11] =	ssyncset.done $0x0  }
0x31: {  	[sflag:s11] =	ssyncadd.s32 $0xFFFFD800  }
0x32: {  	_ =	swait.ge [sflag:s11], $0x2800  }
0x33: {  	[sflag:s11] =	ssyncset.done $0x0  }
0x34: {  	[sflag:s11] =	ssyncadd.s32 $0xFFFFD800  }
0x35: {  	_ =	swait.ge [sflag:s11], $0x2800  }
0x36: {  	[sflag:s11] =	ssyncset.done $0x0  }
0x37: {  	[sflag:s11] =	ssyncadd.s32 $0xFFFFD800  }
0x38: {  	_ =	swait.ge [sflag:s11], $0x2800  }
0x39: {  	[sflag:s11] =	ssyncset.done $0x0  }
0x3a: {  	[sflag:s11] =	ssyncadd.s32 $0xFFFFD800  }
0x3b: {  	_ =	swait.ge [sflag:s11], $0x2800  }
0x3c: {  	[sflag:s11] =	ssyncset.done $0x0  }
0x3d: {  	[sflag:s11] =	ssyncadd.s32 $0xFFFFD800  }
0x3e: {  	[hbm4b:s7+s2] =	stream.linear.scatter [tilespmem:s8], [sflag:$0x2], $0xC800, $0x38;
	[tilespmem:$0x19400] =	vst v63  }
0x3f: {  	_ =	swait.ge [sflag:s11], $0x2800  }
0x40: {  	[sflag:s11] =	ssyncset.done $0x0  }
0x41: {  	[sflag:s11] =	ssyncadd.s32 $0xFFFFD800  }
0x42: {  	_ =	swait.ge [sflag:s11], $0x2800  }
0x43: {  	[sflag:s11] =	ssyncset.done $0x0  }
0x44: {  	[sflag:s11] =	ssyncadd.s32 $0xFFFFD800  }
0x45: {  	_ =	swait.ge [sflag:s11], $0x2800  }
0x46: {  	[sflag:s11] =	ssyncset.done $0x0  }
0x47: {  	[sflag:s11] =	ssyncadd.s32 $0xFFFFD800  }
0x48: {  	_ =	swait.ge [sflag:s11], $0x2800  }
0x49: {  	[sflag:s11] =	ssyncset.done $0x0  }
0x4a: {  	[sflag:s11] =	ssyncadd.s32 $0xFFFFD800  }
0x4b: {  	_ =	swait.ge [sflag:s11], $0x2800  }
0x4c: {  	[sflag:s11] =	ssyncset.done $0x0  }
0x4d: {  	p1 =	sne.s32 s1, $0x1;
	[sflag:s11] =	ssyncadd.s32 $0xFFFFD800  }
0x4e: {  	[hbm4b:s3+s2] =	stream.linear.scatter [tilespmem:s6], [sflag:$0x3], $0xC800, $0x38;
	[tilespmem:$0x19400] =	vst v63  }
.Ltmp1:
0x4f: {  	_ =	swait.ge [sflag:s10], $0xC800;
	(pc) =	sbr.rel @!p1 .LBB2_3-.Ltmp1, $4  }
0x50: {  	[sflag:s10] =	ssyncset.done $0x0  }
0x51: {  	[sflag:s10] =	ssyncadd.s32 $0xFFFF3800  }
0x52: {  	s1 =	sadd.s32 $0xFFFFFFFF, s1;
	_ =	swait.ge [sflag:s9], $0xC800  }
0x53: {  	p0 =	por $0x1, $0x1;
	s0 =	rddreg [dreg:$0x5];
	[sflag:s9] =	ssyncset.done $0x0  }
.LBB2_2:
0x54: {  	[sflag:s9] =	ssyncadd.s32 $0xFFFF3800  }
0x55: {  	[tilespmem:s2], [sflag:$0x4] =	stream.linear.gather [hbm4b:s0+s2], $0x190, $0x38;
	[tilespmem:$0x19400] =	vst v63  }
0x56: {  	_ =	swait.ge [sflag:s15], $0x190  }
0x57: {  	[sflag:s15] =	ssyncset.done $0x0  }
0x58: {  	[sflag:s15] =	ssyncadd.s32 $0xFFFFFE70  }
0x59: {  	[tilespmem:s13], [sflag:$0x4] =	stream.linear.gather [hbm4b:s14+s2], $0x190, $0x38;
	[tilespmem:$0x19400] =	vst v63  }
0x5a: {  	_ =	swait.ge [sflag:s15], $0x190  }
0x5b: {  	[sflag:s15] =	ssyncset.done $0x0  }
0x5c: {  	[sflag:s15] =	ssyncadd.s32 $0xFFFFFE70  }
0x5d: {  	[tilespmem:s8], [sflag:$0x1] =	stream.indirect.gather [hbm4b:s5+s12], $0x80, s2, s12, $0xb8;
	[tilespmem:$0x19400] =	vst v63  }
0x5e: {  	_ = 	snop  }
0x5f: {  	[tilespmem:s16], [sflag:$0x1] =	stream.indirect.gather [hbm4b:s5+s12], $0x80, s12, s12, $0xb8;
	[tilespmem:$0x19400] =	vst v63  }
0x60: {  	_ = 	snop  }
0x61: {  	[tilespmem:s18], [sflag:$0x1] =	stream.indirect.gather [hbm4b:s5+s12], $0x80, s17, s12, $0xb8;
	[tilespmem:$0x19400] =	vst v63  }
0x62: {  	_ = 	snop  }
0x63: {  	[tilespmem:s20], [sflag:$0x1] =	stream.indirect.gather [hbm4b:s5+s12], $0x80, s19, s12, $0xb8;
	[tilespmem:$0x19400] =	vst v63  }
0x64: {  	_ = 	snop  }
0x65: {  	[tilespmem:s22], [sflag:$0x1] =	stream.indirect.gather [hbm4b:s5+s12], $0x80, s21, s12, $0xb8;
	[tilespmem:$0x19400] =	vst v63  }
0x66: {  	_ = 	snop  }
0x67: {  	[tilespmem:s6], [sflag:$0x1] =	stream.indirect.gather [hbm4b:s4+s12], $0x80, s13, s12, $0xb8;
	[tilespmem:$0x19400] =	vst v63  }
0x68: {  	_ = 	snop  }
0x69: {  	[tilespmem:s24], [sflag:$0x1] =	stream.indirect.gather [hbm4b:s4+s12], $0x80, s23, s12, $0xb8;
	[tilespmem:$0x19400] =	vst v63  }
0x6a: {  	_ = 	snop  }
0x6b: {  	[tilespmem:s26], [sflag:$0x1] =	stream.indirect.gather [hbm4b:s4+s12], $0x80, s25, s12, $0xb8;
	[tilespmem:$0x19400] =	vst v63  }
0x6c: {  	_ = 	snop  }
0x6d: {  	[tilespmem:s29], [sflag:$0x1] =	stream.indirect.gather [hbm4b:s4+s12], $0x80, s28, s12, $0xb8;
	[tilespmem:$0x19400] =	vst v63  }
0x6e: {  	_ = 	snop  }
0x6f: {  	[tilespmem:s31], [sflag:$0x1] =	stream.indirect.gather [hbm4b:s4+s12], $0x80, s30, s12, $0xb8;
	[tilespmem:$0x19400] =	vst v63  }
0x70: {  	_ =	swait.ge [sflag:s11], $0x2800  }
0x71: {  	[sflag:s11] =	ssyncset.done $0x0  }
0x72: {  	[sflag:s11] =	ssyncadd.s32 $0xFFFFD800  }
0x73: {  	_ =	swait.ge [sflag:s11], $0x2800  }
0x74: {  	[sflag:s11] =	ssyncset.done $0x0  }
0x75: {  	[sflag:s11] =	ssyncadd.s32 $0xFFFFD800  }
0x76: {  	_ =	swait.ge [sflag:s11], $0x2800  }
0x77: {  	[sflag:s11] =	ssyncset.done $0x0  }
0x78: {  	[sflag:s11] =	ssyncadd.s32 $0xFFFFD800  }
0x79: {  	_ =	swait.ge [sflag:s11], $0x2800  }
0x7a: {  	[sflag:s11] =	ssyncset.done $0x0  }
0x7b: {  	[sflag:s11] =	ssyncadd.s32 $0xFFFFD800  }
0x7c: {  	_ =	swait.ge [sflag:s11], $0x2800  }
0x7d: {  	[sflag:s11] =	ssyncset.done $0x0  }
0x7e: {  	[sflag:s11] =	ssyncadd.s32 $0xFFFFD800  }
0x7f: {  	[hbm4b:s7+s2] =	stream.linear.scatter [tilespmem:s8], [sflag:$0x2], $0xC800, $0x38;
	[tilespmem:$0x19400] =	vst v63  }
0x80: {  	_ =	swait.ge [sflag:s11], $0x2800  }
0x81: {  	[sflag:s11] =	ssyncset.done $0x0  }
0x82: {  	[sflag:s11] =	ssyncadd.s32 $0xFFFFD800  }
0x83: {  	_ =	swait.ge [sflag:s11], $0x2800  }
0x84: {  	[sflag:s11] =	ssyncset.done $0x0  }
0x85: {  	[sflag:s11] =	ssyncadd.s32 $0xFFFFD800  }
0x86: {  	_ =	swait.ge [sflag:s11], $0x2800  }
0x87: {  	[sflag:s11] =	ssyncset.done $0x0  }
0x88: {  	[sflag:s11] =	ssyncadd.s32 $0xFFFFD800  }
0x89: {  	_ =	swait.ge [sflag:s11], $0x2800  }
0x8a: {  	[sflag:s11] =	ssyncset.done $0x0  }
0x8b: {  	[sflag:s11] =	ssyncadd.s32 $0xFFFFD800  }
0x8c: {  	_ =	swait.ge [sflag:s11], $0x2800  }
0x8d: {  	[sflag:s11] =	ssyncset.done $0x0  }
0x8e: {  	p1 =	sne.s32 s1, $0x1;
	[sflag:s11] =	ssyncadd.s32 $0xFFFFD800  }
0x8f: {  	[hbm4b:s3+s2] =	stream.linear.scatter [tilespmem:s6], [sflag:$0x3], $0xC800, $0x38;
	[tilespmem:$0x19400] =	vst v63  }
.Ltmp2:
0x90: {  	_ =	swait.ge [sflag:s10], $0xC800;
	(pc) =	sbr.rel @p1 .LBB2_2-.Ltmp2, $4  }
0x91: {  	[sflag:s10] =	ssyncset.done $0x0  }
0x92: {  	[sflag:s10] =	ssyncadd.s32 $0xFFFF3800  }
0x93: {  	_ =	swait.ge [sflag:s9], $0xC800  }
0x94: {  	s1 =	sadd.s32 $0xFFFFFFFF, s1;
	s0 =	rddreg [dreg:$0x5];
	[sflag:s9] =	ssyncset.done $0x0  }
.LBB2_3:
0x95: {  	[sflag:s9] =	ssyncadd.s32 @p0 $0xFFFF3800  }
0x96: {  	[tilespmem:s2], [sflag:$0x4] =	stream.linear.gather [hbm4b:s0+s2], $0x190, $0x38;
	[tilespmem:$0x19400] =	vst v63  }
0x97: {  	_ =	swait.ge [sflag:s15], $0x190  }
0x98: {  	[sflag:s15] =	ssyncset.done $0x0  }
0x99: {  	[sflag:s15] =	ssyncadd.s32 $0xFFFFFE70  }
0x9a: {  	[tilespmem:s13], [sflag:$0x4] =	stream.linear.gather [hbm4b:s14+s2], $0x190, $0x38;
	[tilespmem:$0x19400] =	vst v63  }
0x9b: {  	_ =	swait.ge [sflag:s15], $0x190  }
0x9c: {  	[sflag:s15] =	ssyncset.done $0x0  }
0x9d: {  	[sflag:s15] =	ssyncadd.s32 $0xFFFFFE70  }
0x9e: {  	[tilespmem:s8], [sflag:$0x1] =	stream.indirect.gather [hbm4b:s5+s12], $0x80, s2, s12, $0xb8;
	[tilespmem:$0x19400] =	vst v63  }
0x9f: {  	_ = 	snop  }
0xa0: {  	[tilespmem:s16], [sflag:$0x1] =	stream.indirect.gather [hbm4b:s5+s12], $0x80, s12, s12, $0xb8;
	[tilespmem:$0x19400] =	vst v63  }
0xa1: {  	_ = 	snop  }
0xa2: {  	[tilespmem:s18], [sflag:$0x1] =	stream.indirect.gather [hbm4b:s5+s12], $0x80, s17, s12, $0xb8;
	[tilespmem:$0x19400] =	vst v63  }
0xa3: {  	_ = 	snop  }
0xa4: {  	[tilespmem:s20], [sflag:$0x1] =	stream.indirect.gather [hbm4b:s5+s12], $0x80, s19, s12, $0xb8;
	[tilespmem:$0x19400] =	vst v63  }
0xa5: {  	_ = 	snop  }
0xa6: {  	[tilespmem:s22], [sflag:$0x1] =	stream.indirect.gather [hbm4b:s5+s12], $0x80, s21, s12, $0xb8;
	[tilespmem:$0x19400] =	vst v63  }
0xa7: {  	_ = 	snop  }
0xa8: {  	[tilespmem:s6], [sflag:$0x1] =	stream.indirect.gather [hbm4b:s4+s12], $0x80, s13, s12, $0xb8;
	[tilespmem:$0x19400] =	vst v63  }
0xa9: {  	_ = 	snop  }
0xaa: {  	[tilespmem:s24], [sflag:$0x1] =	stream.indirect.gather [hbm4b:s4+s12], $0x80, s23, s12, $0xb8;
	[tilespmem:$0x19400] =	vst v63  }
0xab: {  	_ = 	snop  }
0xac: {  	[tilespmem:s26], [sflag:$0x1] =	stream.indirect.gather [hbm4b:s4+s12], $0x80, s25, s12, $0xb8;
	[tilespmem:$0x19400] =	vst v63  }
0xad: {  	_ = 	snop  }
0xae: {  	[tilespmem:s29], [sflag:$0x1] =	stream.indirect.gather [hbm4b:s4+s12], $0x80, s28, s12, $0xb8;
	[tilespmem:$0x19400] =	vst v63  }
0xaf: {  	_ = 	snop  }
0xb0: {  	[tilespmem:s31], [sflag:$0x1] =	stream.indirect.gather [hbm4b:s4+s12], $0x80, s30, s12, $0xb8;
	[tilespmem:$0x19400] =	vst v63  }
0xb1: {  	_ =	swait.ge [sflag:s11], $0x2800  }
0xb2: {  	[sflag:s11] =	ssyncset.done $0x0  }
0xb3: {  	[sflag:s11] =	ssyncadd.s32 $0xFFFFD800  }
0xb4: {  	_ =	swait.ge [sflag:s11], $0x2800  }
0xb5: {  	[sflag:s11] =	ssyncset.done $0x0  }
0xb6: {  	[sflag:s11] =	ssyncadd.s32 $0xFFFFD800  }
0xb7: {  	_ =	swait.ge [sflag:s11], $0x2800  }
0xb8: {  	[sflag:s11] =	ssyncset.done $0x0  }
0xb9: {  	[sflag:s11] =	ssyncadd.s32 $0xFFFFD800  }
0xba: {  	_ =	swait.ge [sflag:s11], $0x2800  }
0xbb: {  	[sflag:s11] =	ssyncset.done $0x0  }
0xbc: {  	[sflag:s11] =	ssyncadd.s32 $0xFFFFD800  }
0xbd: {  	_ =	swait.ge [sflag:s11], $0x2800  }
0xbe: {  	[sflag:s11] =	ssyncset.done $0x0  }
0xbf: {  	[sflag:s11] =	ssyncadd.s32 $0xFFFFD800  }
0xc0: {  	[hbm4b:s7+s2] =	stream.linear.scatter [tilespmem:s8], [sflag:$0x2], $0xC800, $0x38;
	[tilespmem:$0x19400] =	vst v63  }
0xc1: {  	_ =	swait.ge [sflag:s11], $0x2800  }
0xc2: {  	[sflag:s11] =	ssyncset.done $0x0  }
0xc3: {  	[sflag:s11] =	ssyncadd.s32 $0xFFFFD800  }
0xc4: {  	_ =	swait.ge [sflag:s11], $0x2800  }
0xc5: {  	[sflag:s11] =	ssyncset.done $0x0  }
0xc6: {  	[sflag:s11] =	ssyncadd.s32 $0xFFFFD800  }
0xc7: {  	_ =	swait.ge [sflag:s11], $0x2800  }
0xc8: {  	[sflag:s11] =	ssyncset.done $0x0  }
0xc9: {  	[sflag:s11] =	ssyncadd.s32 $0xFFFFD800  }
0xca: {  	_ =	swait.ge [sflag:s11], $0x2800  }
0xcb: {  	[sflag:s11] =	ssyncset.done $0x0  }
0xcc: {  	[sflag:s11] =	ssyncadd.s32 $0xFFFFD800  }
0xcd: {  	_ =	swait.ge [sflag:s11], $0x2800  }
0xce: {  	[sflag:s11] =	ssyncset.done $0x0  }
0xcf: {  	[sflag:s11] =	ssyncadd.s32 $0xFFFFD800  }
0xd0: {  	[hbm4b:s3+s2] =	stream.linear.scatter [tilespmem:s6], [sflag:$0x3], $0xC800, $0x38;
	[tilespmem:$0x19400] =	vst v63  }
0xd1: {  	_ =	swait.ge [sflag:s10], $0xC800  }
0xd2: {  	[sflag:s10] =	ssyncset.done $0x0  }
0xd3: {  	[sflag:s10] =	ssyncadd.s32 $0xFFFF3800  }
0xd4: {  	_ =	swait.ge [sflag:s9], $0xC800  }
0xd5: {  	[sflag:s9] =	ssyncset.done $0x0  }
0xd6: {  	[sflag:s9] =	ssyncadd.s32 $0xFFFF3800  }
0xd7: {  	_ =	sfence.sel $0x180000  }
0xd8: {  	[bflag:$0x0] =	sbarrier.arrive $0xFFFF  }
0xd9: {  	_ =	strace $0x90000047  }
0xda: {  	s31 =	stileid.u32;
	[bflag:$0x2] =	sbarrier.arrive $0xFFFF  }
0xdb: {  	p0 =	sne.s32 s31, $0x0;
	s0 =	rddreg [dreg:$0x4]  }
0xdc: {  	s0 =	sadd.s32 @!p0 $0x100000, s0  }
0xdd: {  	[sflag:s0] =	ssyncadd.tile.s32 @!p0 $0x1;
	_ =	shalt  }
.Lfunc_end2:
_tile_overlayer_lowered:
.L_overlay_start_2:
0xde: {  	(tag) =	ssettag $0x2  }
0xdf: {  	s0 =	rddreg [dreg:$0x0];
	s2 =	stileid.u32  }
0xe0: {  	s1 =	rddreg [dreg:$0x1];
	p0 =	sne.s32 s2, $0x0  }
0xe1: {  	s3 =	rddreg [dreg:$0x2];
	[bflag:$0x3] =	sbarrier.arrive $0xFFFF;
	s2 =	simm.s32 @!p0 $0x1C04  }
0xe2: {  	[timem:s3], [sflag:s2] =	dma.local @!p0 [hbm:s0], s1  }
0xe3: {  	s0 =	simm.s32 @!p0 $0x4  }
0xe4: {  	_ =	swait.ge @!p0 [sflag:s0], s1  }
0xe5: {  	s1 =	ssub.s32 @!p0 $0x0, s1;
	[sflag:s0] =	ssyncset.done @!p0 $0x0  }
0xe6: {  	[sflag:s0] =	ssyncadd.s32 @!p0 s1  }
0xe7: {  	[bflag:$0x3] =	sbarrier.arrive $0xFFFF  }
0xe8: {  	_ =	shalt  }

// kernel: kernel.15.cloned.1.call-start
scs
__scs_entry_jumppad:
0x0: {  	(pc) =	sbr.rel $0x88, $3  }
0x1: {  	(tag) =	ssettag $0x0;
	lr =	simm.s32 $0x1  }
0x2: {  	[smem:$0x3F96] =	sst lr;
	_ =	strace $0xD0000000  }
0x3: {  	_ = 	snop  }
0x4: {  	_ = 	snop  }
0x5: {  	_ = 	snop  }
0x6: {  	_ = 	snop  }
0x7: {  	_ = 	snop  }
__scs_overlays_trampoline_lowered:
0x8: {  	[smem:$0x3FA5] =	sst s0  }
0x9: {  	[smem:$0x3FA6] =	sst s1  }
0xa: {  	[smem:$0x3FA7] =	sst s2  }
0xb: {  	[smem:$0x3FA8] =	sst s3  }
0xc: {  	[smem:$0x3FA9] =	sst s4  }
0xd: {  	[smem:$0x3FAA] =	sst s5  }
0xe: {  	[smem:$0x3FAB] =	sst s6  }
0xf: {  	[smem:$0x3FAC] =	sst s7  }
0x10: {  	[smem:$0x3FAD] =	sst s8  }
0x11: {  	[smem:$0x3FAE] =	sst s9;
	s0 =	simm.s32 @!p0 $0x0  }
0x12: {  	s1 =	sld [smem:$0x3F94];
	s0 =	simm.s32 @p0 $0x1  }
0x13: {  	[smem:$0x3FAF] =	sst s0;
	s0 =	simm.s32 @!p1 $0x0  }
0x14: {  	s2 =	sld [smem:$0x3F93];
	s0 =	simm.s32 @p1 $0x1  }
0x15: {  	[smem:$0x3FB0] =	sst s0;
	s0 =	simm.s32 @!p2 $0x0  }
0x16: {  	s3 =	sld [smem:$0x3FDB];
	s0 =	simm.s32 @p2 $0x1  }
0x17: {  	s4 =	simm.s32 $0x1BF5;
	[smem:$0x3FB2] =	sst s0  }
0x18: {  	s0 =	sld [smem:$0x3F95];
	_ =	swait.ge [sflag:s4], $0x0  }
0x19: {  	s7 =	sld [smem:$0x3F96]  }
0x1a: {  	s8 =	sadd.s32 $0xFFFFE003, lr  }
0x1b: {  	s9 =	sadd.s32 $0xFFFFFEF7, lr;
	s5 =	simm.s32 $0xFFFFFFFF;
	p2 =	slt.u32 s8, $0xFFFFF086  }
0x1c: {  	p1 =	slt.u32 s9, $0xF7A;
	s5 =	simm.s32 @!p2 $0x0  }
0x1d: {  	s5 =	simm.s32 @p1 $0x1;
	p0 =	seq.s32 s7, s2  }
0x1e: {  	s7 =	smul.u32 @!p0 $0xF7A, s2;
	p2 =	seq.s32 @!p0 s5, $0x0  }
0x1f: {  	s9 =	smul.u32 $0xF7A, s1;
	s8 =	simm.s32 @!p0 $0x1BF5;
	p2 =	por !p2, p0  }
0x20: {  	[sflag:s8] =	ssyncset.s32 @!p0 $0xFFFFF086;
	s6 =	sadd.s32 @!p0 s3, s7;
	s7 =	simm.s32 @!p0 $0x108  }
0x21: {  	s3 =	sadd.s32 s3, s9;
	s6 =	sadd.s32 @!p0 $0x88, s6;
	s7 =	simm.s32 @p2 $0x1082  }
0x22: {  	[simem:s7], [sflag:s8] =	dma.local @!p0 [hbm:s6], $0xF7A  }
0x23: {  	s9 =	sor.u32 $0xD0000000, s2;
	s6 =	simm.s32 $0x108;
	_ =	swait.ge @!p0 [sflag:s8], $0x0  }
0x24: {  	s3 =	sadd.s32 $0x88, s3;
	s6 =	simm.s32 @!p1 $0x1082;
	[sflag:s4] =	ssyncset.s32 $0xFFFFF086  }
0x25: {  	[simem:s6], [sflag:s4] =	dma.local [hbm:s3], $0xF7A  }
0x26: {  	[smem:$0x3F96] =	sst s1;
	(tag) =	ssettag s2;
	_ =	strace s9  }
0x27: {  	s1 =	sld [smem:$0x3FA6]  }
0x28: {  	s2 =	sld [smem:$0x3FA7]  }
0x29: {  	s4 =	sld [smem:$0x3FA9]  }
0x2a: {  	p0 =	seq.s32 s5, $0x0;
	s5 =	sld [smem:$0x3FAA]  }
0x2b: {  	s6 =	sld [smem:$0x3FAB]  }
0x2c: {  	s7 =	sld [smem:$0x3FAC]  }
0x2d: {  	s3 =	simm.s32 $0x108;
	s8 =	sld [smem:$0x3FAD]  }
0x2e: {  	s3 =	simm.s32 @!p0 $0x1082;
	s9 =	sld [smem:$0x3FAE]  }
0x2f: {  	lr =	sadd.s32 s0, s3;
	s0 =	sld [smem:$0x3FA5]  }
0x30: {  	s3 =	sld [smem:$0x3FA8]  }
0x31: {  	[smem:$0x3FB1] =	sst s10  }
0x32: {  	s10 =	sld [smem:$0x3FAF];
	_ =	sdelay $0x3  }
0x33: {  	p0 =	seq.s32 s10, $0x1;
	s10 =	sld [smem:$0x3FB1];
	_ =	sdelay $0x3  }
0x34: {  	[smem:$0x3FB1] =	sst s10  }
0x35: {  	s10 =	sld [smem:$0x3FB0];
	_ =	sdelay $0x3  }
0x36: {  	p1 =	seq.s32 s10, $0x1;
	s10 =	sld [smem:$0x3FB1];
	_ =	sdelay $0x3  }
0x37: {  	[smem:$0x3FB1] =	sst s10  }
0x38: {  	s10 =	sld [smem:$0x3FB2]  }
0x39: {  	_ = 	snop;
	(pc) =	sbr.ind lr, $3  }
0x3a: {  	_ = 	snop  }
0x3b: {  	_ = 	snop  }
0x3c: {  	p2 =	seq.s32 s10, $0x1;
	s10 =	sld [smem:$0x3FB1]  }
0x3d: {  	_ =	shalt  }
0x3e: {  	_ =	shalt  }
0x3f: {  	_ =	shalt  }
0x40: {  	_ =	shalt  }
0x41: {  	_ =	shalt  }
0x42: {  	_ =	shalt  }
0x43: {  	_ =	shalt  }
0x44: {  	_ =	shalt  }
0x45: {  	_ =	shalt  }
0x46: {  	_ =	shalt  }
0x47: {  	_ =	shalt  }
0x48: {  	_ =	shalt  }
0x49: {  	_ =	shalt  }
0x4a: {  	_ =	shalt  }
0x4b: {  	_ =	shalt  }
0x4c: {  	_ =	shalt  }
0x4d: {  	_ =	shalt  }
0x4e: {  	_ =	shalt  }
0x4f: {  	_ =	shalt  }
0x50: {  	_ =	shalt  }
0x51: {  	_ =	shalt  }
0x52: {  	_ =	shalt  }
0x53: {  	_ =	shalt  }
0x54: {  	_ =	shalt  }
0x55: {  	_ =	shalt  }
0x56: {  	_ =	shalt  }
0x57: {  	_ =	shalt  }
0x58: {  	_ =	shalt  }
0x59: {  	_ =	shalt  }
0x5a: {  	_ =	shalt  }
0x5b: {  	_ =	shalt  }
0x5c: {  	_ =	shalt  }
0x5d: {  	_ =	shalt  }
0x5e: {  	_ =	shalt  }
0x5f: {  	_ =	shalt  }
0x60: {  	_ =	shalt  }
0x61: {  	_ =	shalt  }
0x62: {  	_ =	shalt  }
0x63: {  	_ =	shalt  }
0x64: {  	_ =	shalt  }
0x65: {  	_ =	shalt  }
0x66: {  	_ =	shalt  }
0x67: {  	_ =	shalt  }
0x68: {  	_ =	shalt  }
0x69: {  	_ =	shalt  }
0x6a: {  	_ =	shalt  }
0x6b: {  	_ =	shalt  }
0x6c: {  	_ =	shalt  }
0x6d: {  	_ =	shalt  }
0x6e: {  	_ =	shalt  }
0x6f: {  	_ =	shalt  }
0x70: {  	_ =	shalt  }
0x71: {  	_ =	shalt  }
0x72: {  	_ =	shalt  }
0x73: {  	_ =	shalt  }
0x74: {  	_ =	shalt  }
0x75: {  	_ =	shalt  }
0x76: {  	_ =	shalt  }
0x77: {  	_ =	shalt  }
0x78: {  	_ =	shalt  }
0x79: {  	_ =	shalt  }
0x7a: {  	_ =	shalt  }
0x7b: {  	_ =	shalt  }
0x7c: {  	_ =	shalt  }
0x7d: {  	_ =	shalt  }
0x7e: {  	_ =	shalt  }
0x7f: {  	_ =	shalt  }
0x80: {  	_ =	shalt  }
0x81: {  	_ =	shalt  }
0x82: {  	_ =	shalt  }
0x83: {  	_ =	shalt  }
0x84: {  	_ =	shalt  }
0x85: {  	_ =	shalt  }
0x86: {  	_ =	shalt  }
0x87: {  	_ =	shalt  }
.Lfunc_end0:
.L_simem_size_0:
called_computation.1_lowered:
.L_overlay_start_0:
0x88: {  	s2 =	sld [smem:$0x3FD9]  }
0x89: {  	s3 =	sld [smem:$0x3FFE];
	_ =	sdelay $0x1  }
0x8a: {  	s1 =	srdreg.scid  }
0x8b: {  	s0 =	sand.u32 $0x1, s1  }
0x8c: {  	s17 =	sshll.u32 s0, $0xA;
	s2 =	sadd.s32 s3, s2  }
0x8d: {  	s2 =	sadd.s32 s2, s17  }
0x8e: {  	[smem:$0x3FBD] =	sst s2  }
0x8f: {  	_ = 	snop  }
0x90: {  	s18 =	sld [smem:$0x3FC9]  }
0x91: {  	s4 =	sld [smem:$0x3FC8];
	(tm) =	ssettm $0x1  }
0x92: {  	s19 =	sld [smem:$0x3FFB];
	_ =	sdelay $0x3  }
0x93: {  	_ =	strace s19  }
0x94: {  	s2 =	sld [smem:$0x3FFC];
	_ =	sdelay $0x3  }
0x95: {  	_ =	strace s2  }
0x96: {  	s2 =	sld [smem:$0x3FFD];
	_ =	sdelay $0x3  }
0x97: {  	_ =	strace s2  }
0x98: {  	_ =	strace $0x8FFFFFFF  }
0x99: {  	s20 =	sld [smem:$0x3FDB];
	_ =	sdelay $0x1  }
0x9a: {  	s5 =	simm.s32 $_scs_section_size  }
0x9b: {  	s6 =	simm.s32 $_size__tile_overlayer_lowered;
	s7 =	simm.s32 $_tile_overlayer_lowered  }
0x9c: {  	s8 =	simm.s32 $0x1BFF;
	s21 =	sshll.u32 s7, $0x1;
	s5 =	sadd.s32 s5, s20  }
0x9d: {  	s22 =	simm.s32 $0x0;
	s6 =	sshll.u32 s6, $0x1;
	s7 =	sadd.s32 s21, s5  }
0x9e: {  	[timem:s22], [sflag:s8] =	dma.local [hbm:s7], s6  }
0x9f: {  	_ =	swait.ge [sflag:s8], s6  }
0xa0: {  	s6 =	ssub.s32 $0x0, s6;
	[sflag:s8] =	ssyncset.done $0x0  }
0xa1: {  	[sflag:s8] =	ssyncadd.s32 s6;
	_ =	sdelay $0x1  }
0xa2: {  	s23 =	simm.s32 $0x1B8B  }
0xa3: {  	_ =	swait.ge [sflag:s23], $0x1  }
0xa4: {  	[sflag:s23] =	ssyncset.done $0x0  }
0xa5: {  	[sflag:s23] =	ssyncadd.s32 $0xFFFFFFFF  }
0xa6: {  	s6 =	sld [smem:$0x0]  }
0xa7: {  	s7 =	sand.u32 $0xFFFFFFFE, s1  }
0xa8: {  	p0 =	sne.s32 s1, s7  }
0xa9: {  	s7 =	sshll.u32 @p0 s7, $0xE  }
0xaa: {  	s7 =	sadd.s32 @p0 $0x11B8D, s7;
	s8 =	sshll.u32 @p0 s6, $0x11  }
0xab: {  	s7 =	sor.u32 @p0 s8, s7  }
0xac: {  	[sflag:s7] =	ssyncadd.remote.s32 @p0 $0x1;
	_ =	sdelay $0x1  }
0xad: {  	s7 =	simm.s32 @p0 $0x1B8D  }
0xae: {  	_ =	swait.eq @p0 [sflag:s7], $0x1  }
0xaf: {  	[sflag:s7] =	ssyncadd.s32 @p0 $0xFFFFFFFF  }
0xb0: {  	s8 =	sshll.u32 @!p0 s1, $0xE  }
0xb1: {  	s8 =	sor.u32 @!p0 $0x4000, s8;
	s7 =	simm.s32 @!p0 $0x1B8D  }
0xb2: {  	s6 =	sshll.u32 @!p0 s6, $0x11;
	s8 =	sadd.s32 @!p0 $0x11B8D, s8;
	_ =	swait.eq @!p0 [sflag:s7], $0x1  }
0xb3: {  	s6 =	sor.u32 @!p0 s6, s8;
	[sflag:s7] =	ssyncadd.s32 @!p0 $0xFFFFFFFF  }
0xb4: {  	s25 =	simm.s32 $0x1B8E;
	s24 =	sld [smem:$0x3FFE];
	[sflag:s6] =	ssyncadd.remote.s32 @!p0 $0x1  }
0xb5: {  	s26 =	simm.s32 $execute0_lowered;
	[smem:$0x3FD2] =	sst s25  }
0xb6: {  	s7 =	sshll.u32 s26, $0x1;
	_ =	strace $0x80000049;
	[dreg:$0x1] =	wrdreg $0xFFFFFFFF  }
0xb7: {  	s28 =	simm.s32 $_size_execute0_lowered;
	s5 =	sadd.s32 s5, s7;
	[dreg:$0x0] =	wrdreg $0x0  }
0xb8: {  	s7 =	sshll.u32 s28, $0x1;
	[dreg:$0x2] =	wrdreg s5  }
0xb9: {  	[dreg:$0x3] =	wrdreg s7  }
0xba: {  	[dreg:$0x4] =	wrdreg $0xC0  }
0xbb: {  	_ =	task [dreg:s22], $0x5FFFF  }
0xbc: {  	[dreg:$0x1] =	wrdreg $0xFFFFFFFF  }
0xbd: {  	[dreg:$0x0] =	wrdreg $0x60  }
0xbe: {  	[dreg:$0x2] =	wrdreg s18  }
0xbf: {  	[dreg:$0x3] =	wrdreg s4  }
0xc0: {  	[dreg:$0x4] =	wrdreg s24  }
0xc1: {  	[dreg:$0x5] =	wrdreg $0xA  }
0xc2: {  	_ =	task.clear_ibuf [dreg:s22], $0x6FFFF;
	_ =	strace $0x90000049  }
0xc3: {  	s29 =	simm.s32 $0xA;
	_ =	strace $0x8000004B  }
0xc4: {  	_ =	swait.ge [sflag:s29], $0x1  }
0xc5: {  	[sflag:s29] =	ssyncadd.s32 $0xFFFFFFFF  }
0xc6: {  	_ =	strace $0x9000004B  }
0xc7: {  	_ =	sfence  }
0xc8: {  	s30 =	sld [smem:$0x0];
	_ =	sdelay $0x2  }
0xc9: {  	s31 =	sshll.u32 s1, $0xD;
	s1 =	sshrl.u32 s1, $0x2  }
0xca: {  	s4 =	sand.u32 $0x4000, s31;
	s1 =	sadd.s32 s1, s30  }
0xcb: {  	s0 =	sor.u32 s4, s0;
	s1 =	sshll.u32 s1, $0x11  }
0xcc: {  	s0 =	sor.u32 s1, s0  }
0xcd: {  	s0 =	sadd.s32 $0x8F2B, s0  }
0xce: {  	[sflag:s0] =	ssyncadd.remote.s32 $0x1  }
0xcf: {  	_ =	sfence.sel $0xFFFF  }
0xd0: {  	[dreg:$0x0] =	wrdreg $0xFFFFFFFF;
	(pc) =	sbr.abs _section_cstart, $3  }
0xd1: {  	[dreg:$0x1] =	wrdreg $0xFFFFFFFF  }
0xd2: {  	_ =	task.clear_ibuf [dreg:s22], $0x2FFFF;
	_ =	strace $0x9FFFFFFF  }
0xd3: {  	(tm) =	ssettm $0x7FFFFFFF  }
tec
execute0_lowered:
.L_overlay_start_1:
0x0: {  	(tag) =	ssettag $0x1  }
0x1: {  	s1 =	rddreg [dreg:$0x0]  }
0x2: {  	s3 =	rddreg [dreg:$0x1]  }
0x3: {  	s2 =	srdreg.scid;
	s0 =	stileid.u32  }
0x4: {  	s5 =	rddreg [dreg:$0x2];
	s4 =	simm.s32 $0x0;
	s10 =	simm.s32 $0x4  }
0x5: {  	s12 =	simm.s32 $0x50;
	s13 =	simm.s32 $0x1300;
	s14 =	simm.s32 $0x3B00  }
0x6: {  	s15 =	simm.s32 $0x6300;
	s16 =	simm.s32 $0x8B00;
	s17 =	simm.s32 $0xB300  }
0x7: {  	s18 =	simm.s32 $0xDB00;
	s19 =	simm.s32 $0x10300;
	s20 =	simm.s32 $0x12B00  }
0x8: {  	s21 =	simm.s32 $0x15300;
	s22 =	simm.s32 $0x17B00;
	s23 =	simm.s32 $0x1  }
0x9: {  	s24 =	simm.s32 $0x2;
	s2 =	sand.u32 $0x1, s2;
	s6 =	sshll.u32 s0, $0x1  }
0xa: {  	s25 =	simm.s32 $0x3;
	s7 =	smul.u32 $0x12C00, s0;
	s6 =	sor.u32 s2, s6  }
0xb: {  	s26 =	simm.s32 $0x0;
	[smem:$0x7FF] =	sst s4;
	s6 =	smul.u32 $0x960, s6  }
0xc: {  	_ =	strace $0x8000004A;
	s8 =	ssub.s32 $0x2, s2;
	s2 =	smul.u32 $0x9600, s2  }
0xd: {  	s7 =	sadd.s32 s7, s5;
	s30 =	sshrl.u32 s8, $0x1;
	s6 =	sshrl.u32 s6, $0x3  }
0xe: {  	s8 =	ssub.s32 s8, s30;
	s2 =	sadd.s32 s2, s7;
	s6 =	sadd.s32 s6, s5  }
0xf: {  	s7 =	smax.u32 s8, $0x1;
	s8 =	sadd.s32 $0x49A00, s2;
	s31 =	sadd.s32 $0x39000, s6  }
0x10: {  	s2 =	sadd.s32 $0x175A00, s2;
	s6 =	sadd.s32 $0x36A00, s6;
	[dreg:$0x4] =	wrdreg s31  }
.LBB2_1:
0x11: {  	s0 =	rddreg [dreg:$0x4]  }
0x12: {  	[tilespmem:s4], [sflag:$0x4] =	stream.linear.gather [hbm4b:s0+s4], $0x960, $0x38;
	[tilespmem:$0x1A300] =	vst v63  }
0x13: {  	_ =	swait.ge [sflag:s10], $0x960  }
0x14: {  	[sflag:s10] =	ssyncset.done $0x0  }
0x15: {  	s9 =	simm.s32 $0x980;
	[sflag:s10] =	ssyncadd.s32 $0xFFFFF6A0  }
0x16: {  	[tilespmem:s9], [sflag:$0x4] =	stream.linear.gather [hbm4b:s6+s4], $0x960, $0x38;
	[tilespmem:$0x1A300] =	vst v63  }
0x17: {  	_ =	swait.ge [sflag:s10], $0x960  }
0x18: {  	p0 =	por $0x1, $0x1;
	[sflag:s10] =	ssyncset.done $0x0  }
0x19: {  	s9 =	simm.s32 @!p0 $0x2;
	[sflag:s10] =	ssyncadd.s32 $0xFFFFF6A0  }
0x1a: {  	_ =	swait.ge @!p0 [sflag:s9], $0xC800  }
0x1b: {  	[sflag:s9] =	ssyncset.done @!p0 $0x0  }
0x1c: {  	s11 =	simm.s32 $0x0;
	[sflag:s9] =	ssyncadd.s32 @!p0 $0xFFFF3800  }
0x1d: {  	[tilespmem:s13], [sflag:$0x1] =	stream.indirect.gather [hbm4b:s1+s12], $0x80, s11, s12, $0xb8;
	[tilespmem:$0x1A300] =	vst v63  }
0x1e: {  	s0 =	simm.s32 $0x50  }
0x1f: {  	[tilespmem:s14], [sflag:$0x1] =	stream.indirect.gather [hbm4b:s1+s12], $0x80, s0, s12, $0xb8;
	[tilespmem:$0x1A300] =	vst v63  }
0x20: {  	s5 =	simm.s32 $0xA0  }
0x21: {  	[tilespmem:s15], [sflag:$0x1] =	stream.indirect.gather [hbm4b:s1+s12], $0x80, s5, s12, $0xb8;
	[tilespmem:$0x1A300] =	vst v63  }
0x22: {  	s11 =	simm.s32 $0xF0  }
0x23: {  	[tilespmem:s16], [sflag:$0x1] =	stream.indirect.gather [hbm4b:s1+s12], $0x80, s11, s12, $0xb8;
	[tilespmem:$0x1A300] =	vst v63  }
0x24: {  	s28 =	simm.s32 @!p0 $0x3;
	s0 =	simm.s32 $0x140  }
0x25: {  	[tilespmem:s17], [sflag:$0x1] =	stream.indirect.gather [hbm4b:s1+s12], $0x80, s0, s12, $0xb8;
	[tilespmem:$0x1A300] =	vst v63  }
0x26: {  	_ =	swait.ge @!p0 [sflag:s28], $0xC800  }
0x27: {  	[sflag:s28] =	ssyncset.done @!p0 $0x0  }
0x28: {  	s5 =	simm.s32 $0x980;
	[sflag:s28] =	ssyncadd.s32 @!p0 $0xFFFF3800  }
0x29: {  	[tilespmem:s18], [sflag:$0x1] =	stream.indirect.gather [hbm4b:s3+s12], $0x80, s5, s12, $0xb8;
	[tilespmem:$0x1A300] =	vst v63  }
0x2a: {  	s11 =	simm.s32 $0x9D0  }
0x2b: {  	[tilespmem:s19], [sflag:$0x1] =	stream.indirect.gather [hbm4b:s3+s12], $0x80, s11, s12, $0xb8;
	[tilespmem:$0x1A300] =	vst v63  }
0x2c: {  	s0 =	simm.s32 $0xA20  }
0x2d: {  	[tilespmem:s20], [sflag:$0x1] =	stream.indirect.gather [hbm4b:s3+s12], $0x80, s0, s12, $0xb8;
	[tilespmem:$0x1A300] =	vst v63  }
0x2e: {  	s5 =	simm.s32 $0xA70  }
0x2f: {  	[tilespmem:s21], [sflag:$0x1] =	stream.indirect.gather [hbm4b:s3+s12], $0x80, s5, s12, $0xb8;
	[tilespmem:$0x1A300] =	vst v63  }
0x30: {  	s11 =	simm.s32 $0xAC0  }
0x31: {  	[tilespmem:s22], [sflag:$0x1] =	stream.indirect.gather [hbm4b:s3+s12], $0x80, s11, s12, $0xb8;
	[tilespmem:$0x1A300] =	vst v63  }
0x32: {  	_ =	swait.ge [sflag:s23], $0x2800  }
0x33: {  	[sflag:s23] =	ssyncset.done $0x0  }
0x34: {  	[sflag:s23] =	ssyncadd.s32 $0xFFFFD800  }
0x35: {  	_ =	swait.ge [sflag:s23], $0x2800  }
0x36: {  	[sflag:s23] =	ssyncset.done $0x0  }
0x37: {  	[sflag:s23] =	ssyncadd.s32 $0xFFFFD800  }
0x38: {  	_ =	swait.ge [sflag:s23], $0x2800  }
0x39: {  	[sflag:s23] =	ssyncset.done $0x0  }
0x3a: {  	[sflag:s23] =	ssyncadd.s32 $0xFFFFD800  }
0x3b: {  	_ =	swait.ge [sflag:s23], $0x2800  }
0x3c: {  	[sflag:s23] =	ssyncset.done $0x0  }
0x3d: {  	[sflag:s23] =	ssyncadd.s32 $0xFFFFD800  }
0x3e: {  	_ =	swait.ge [sflag:s23], $0x2800  }
0x3f: {  	[sflag:s23] =	ssyncset.done $0x0  }
0x40: {  	[sflag:s23] =	ssyncadd.s32 $0xFFFFD800  }
0x41: {  	[hbm4b:s8+s4] =	stream.linear.scatter [tilespmem:s13], [sflag:$0x2], $0xC800, $0x38;
	[tilespmem:$0x1A300] =	vst v63  }
0x42: {  	_ =	swait.ge [sflag:s23], $0x2800  }
0x43: {  	[sflag:s23] =	ssyncset.done $0x0  }
0x44: {  	[sflag:s23] =	ssyncadd.s32 $0xFFFFD800  }
0x45: {  	_ =	swait.ge [sflag:s23], $0x2800  }
0x46: {  	[sflag:s23] =	ssyncset.done $0x0  }
0x47: {  	[sflag:s23] =	ssyncadd.s32 $0xFFFFD800  }
0x48: {  	_ =	swait.ge [sflag:s23], $0x2800  }
0x49: {  	[sflag:s23] =	ssyncset.done $0x0  }
0x4a: {  	[sflag:s23] =	ssyncadd.s32 $0xFFFFD800  }
0x4b: {  	_ =	swait.ge [sflag:s23], $0x2800  }
0x4c: {  	[sflag:s23] =	ssyncset.done $0x0  }
0x4d: {  	s30 =	simm.s32 $0x640;
	s31 =	simm.s32 $0xC80;
	[sflag:s23] =	ssyncadd.s32 $0xFFFFD800  }
0x4e: {  	p1 =	por $0x0, $0x0;
	s29 =	sadd.s32 $0x1900, s8;
	_ =	swait.ge [sflag:s23], $0x2800  }
0x4f: {  	s9 =	smov.u32 s2;
	s28 =	sadd.s32 $0x1900, s2;
	[sflag:s23] =	ssyncset.done $0x0  }
.LBB2_2:
0x50: {  	s0 =	simm.s32 @!p1 $0x2  }
0x51: {  	[sflag:s23] =	ssyncadd.s32 $0xFFFFD800;
	s11 =	smov.u32 s31;
	s31 =	sadd.s32 $0x640, s31  }
0x52: {  	[hbm4b:s9+s4] =	stream.linear.scatter [tilespmem:s18], [sflag:$0x3], $0xC800, $0x38;
	[tilespmem:$0x1A300] =	vst v63  }
0x53: {  	p0 =	sne.s32 s31, $0x2580;
	s9 =	smov.u32 s28;
	_ =	swait.ge @!p1 [sflag:s0], $0xC800  }
0x54: {  	[sflag:s0] =	ssyncset.done @!p1 $0x0  }
0x55: {  	[sflag:s0] =	ssyncadd.s32 @!p1 $0xFFFF3800;
	s0 =	sshra.s32 s30, $0x2;
	s30 =	smov.u32 s11  }
0x56: {  	[tilespmem:s13], [sflag:$0x1] =	stream.indirect.gather [hbm4b:s1+s12], $0x80, s0, s12, $0xb8;
	[tilespmem:$0x1A300] =	vst v63  }
0x57: {  	s11 =	sadd.s32 $0x50, s0  }
0x58: {  	[tilespmem:s14], [sflag:$0x1] =	stream.indirect.gather [hbm4b:s1+s12], $0x80, s11, s12, $0xb8;
	[tilespmem:$0x1A300] =	vst v63  }
0x59: {  	s11 =	sadd.s32 $0xA0, s0  }
0x5a: {  	[tilespmem:s15], [sflag:$0x1] =	stream.indirect.gather [hbm4b:s1+s12], $0x80, s11, s12, $0xb8;
	[tilespmem:$0x1A300] =	vst v63  }
0x5b: {  	s11 =	sadd.s32 $0xF0, s0  }
0x5c: {  	[tilespmem:s16], [sflag:$0x1] =	stream.indirect.gather [hbm4b:s1+s12], $0x80, s11, s12, $0xb8;
	[tilespmem:$0x1A300] =	vst v63  }
0x5d: {  	s5 =	simm.s32 @!p1 $0x3;
	s11 =	sadd.s32 $0x140, s0  }
0x5e: {  	[tilespmem:s17], [sflag:$0x1] =	stream.indirect.gather [hbm4b:s1+s12], $0x80, s11, s12, $0xb8;
	[tilespmem:$0x1A300] =	vst v63  }
0x5f: {  	_ =	swait.ge @!p1 [sflag:s5], $0xC800  }
0x60: {  	[sflag:s5] =	ssyncset.done @!p1 $0x0  }
0x61: {  	[sflag:s5] =	ssyncadd.s32 @!p1 $0xFFFF3800;
	s5 =	sadd.s32 $0x980, s0  }
0x62: {  	[tilespmem:s18], [sflag:$0x1] =	stream.indirect.gather [hbm4b:s3+s12], $0x80, s5, s12, $0xb8;
	[tilespmem:$0x1A300] =	vst v63  }
0x63: {  	s5 =	sadd.s32 $0x9D0, s0  }
0x64: {  	[tilespmem:s19], [sflag:$0x1] =	stream.indirect.gather [hbm4b:s3+s12], $0x80, s5, s12, $0xb8;
	[tilespmem:$0x1A300] =	vst v63  }
0x65: {  	s5 =	sadd.s32 $0xA20, s0  }
0x66: {  	[tilespmem:s20], [sflag:$0x1] =	stream.indirect.gather [hbm4b:s3+s12], $0x80, s5, s12, $0xb8;
	[tilespmem:$0x1A300] =	vst v63  }
0x67: {  	s5 =	sadd.s32 $0xA70, s0  }
0x68: {  	[tilespmem:s21], [sflag:$0x1] =	stream.indirect.gather [hbm4b:s3+s12], $0x80, s5, s12, $0xb8;
	[tilespmem:$0x1A300] =	vst v63  }
0x69: {  	s0 =	sadd.s32 $0xAC0, s0  }
0x6a: {  	[tilespmem:s22], [sflag:$0x1] =	stream.indirect.gather [hbm4b:s3+s12], $0x80, s0, s12, $0xb8;
	[tilespmem:$0x1A300] =	vst v63  }
0x6b: {  	_ =	swait.ge [sflag:s23], $0x2800  }
0x6c: {  	[sflag:s23] =	ssyncset.done $0x0  }
0x6d: {  	[sflag:s23] =	ssyncadd.s32 $0xFFFFD800  }
0x6e: {  	_ =	swait.ge [sflag:s23], $0x2800  }
0x6f: {  	[sflag:s23] =	ssyncset.done $0x0  }
0x70: {  	[sflag:s23] =	ssyncadd.s32 $0xFFFFD800  }
0x71: {  	_ =	swait.ge [sflag:s23], $0x2800  }
0x72: {  	[sflag:s23] =	ssyncset.done $0x0  }
0x73: {  	[sflag:s23] =	ssyncadd.s32 $0xFFFFD800  }
0x74: {  	_ =	swait.ge [sflag:s23], $0x2800  }
0x75: {  	[sflag:s23] =	ssyncset.done $0x0  }
0x76: {  	[sflag:s23] =	ssyncadd.s32 $0xFFFFD800  }
0x77: {  	_ =	swait.ge [sflag:s23], $0x2800  }
0x78: {  	[sflag:s23] =	ssyncset.done $0x0  }
0x79: {  	[sflag:s23] =	ssyncadd.s32 $0xFFFFD800  }
0x7a: {  	[hbm4b:s29+s4] =	stream.linear.scatter [tilespmem:s13], [sflag:$0x2], $0xC800, $0x38;
	[tilespmem:$0x1A300] =	vst v63  }
0x7b: {  	_ =	swait.ge [sflag:s23], $0x2800  }
0x7c: {  	[sflag:s23] =	ssyncset.done $0x0  }
0x7d: {  	[sflag:s23] =	ssyncadd.s32 $0xFFFFD800  }
0x7e: {  	_ =	swait.ge [sflag:s23], $0x2800  }
0x7f: {  	[sflag:s23] =	ssyncset.done $0x0  }
0x80: {  	[sflag:s23] =	ssyncadd.s32 $0xFFFFD800  }
0x81: {  	_ =	swait.ge [sflag:s23], $0x2800  }
0x82: {  	[sflag:s23] =	ssyncset.done $0x0  }
0x83: {  	[sflag:s23] =	ssyncadd.s32 $0xFFFFD800  }
.Ltmp0:
0x84: {  	_ =	swait.ge [sflag:s23], $0x2800;
	(pc) =	sbr.rel @p0 .LBB2_2-.Ltmp0, $4  }
0x85: {  	[sflag:s23] =	ssyncset.done $0x0  }
0x86: {  	[sflag:s23] =	ssyncadd.s32 $0xFFFFD800  }
0x87: {  	s28 =	sadd.s32 $0x1900, s28;
	_ =	swait.ge [sflag:s23], $0x2800  }
0x88: {  	p1 =	seq.s32 s30, $0x0;
	s29 =	sadd.s32 $0x1900, s29;
	[sflag:s23] =	ssyncset.done $0x0  }
0x89: {  	s0 =	simm.s32 @!p1 $0x2;
	[sflag:s23] =	ssyncadd.s32 $0xFFFFD800  }
0x8a: {  	[hbm4b:s9+s4] =	stream.linear.scatter [tilespmem:s18], [sflag:$0x3], $0xC800, $0x38;
	[tilespmem:$0x1A300] =	vst v63  }
0x8b: {  	_ =	swait.ge @!p1 [sflag:s0], $0xC800  }
0x8c: {  	[sflag:s0] =	ssyncset.done @!p1 $0x0  }
0x8d: {  	[sflag:s0] =	ssyncadd.s32 @!p1 $0xFFFF3800;
	s0 =	sshra.s32 s30, $0x2  }
0x8e: {  	[tilespmem:s13], [sflag:$0x1] =	stream.indirect.gather [hbm4b:s1+s12], $0x80, s0, s12, $0xb8;
	[tilespmem:$0x1A300] =	vst v63  }
0x8f: {  	s5 =	sadd.s32 $0x50, s0  }
0x90: {  	[tilespmem:s14], [sflag:$0x1] =	stream.indirect.gather [hbm4b:s1+s12], $0x80, s5, s12, $0xb8;
	[tilespmem:$0x1A300] =	vst v63  }
0x91: {  	s11 =	sadd.s32 $0xA0, s0  }
0x92: {  	[tilespmem:s15], [sflag:$0x1] =	stream.indirect.gather [hbm4b:s1+s12], $0x80, s11, s12, $0xb8;
	[tilespmem:$0x1A300] =	vst v63  }
0x93: {  	s30 =	sadd.s32 $0xF0, s0  }
0x94: {  	[tilespmem:s16], [sflag:$0x1] =	stream.indirect.gather [hbm4b:s1+s12], $0x80, s30, s12, $0xb8;
	[tilespmem:$0x1A300] =	vst v63  }
0x95: {  	s9 =	simm.s32 @!p1 $0x3;
	s31 =	sadd.s32 $0x140, s0  }
0x96: {  	[tilespmem:s17], [sflag:$0x1] =	stream.indirect.gather [hbm4b:s1+s12], $0x80, s31, s12, $0xb8;
	[tilespmem:$0x1A300] =	vst v63  }
0x97: {  	_ =	swait.ge @!p1 [sflag:s9], $0xC800  }
0x98: {  	[sflag:s9] =	ssyncset.done @!p1 $0x0  }
0x99: {  	[sflag:s9] =	ssyncadd.s32 @!p1 $0xFFFF3800;
	s9 =	sadd.s32 $0x980, s0  }
0x9a: {  	[tilespmem:s18], [sflag:$0x1] =	stream.indirect.gather [hbm4b:s3+s12], $0x80, s9, s12, $0xb8;
	[tilespmem:$0x1A300] =	vst v63  }
0x9b: {  	s11 =	sadd.s32 $0x9D0, s0  }
0x9c: {  	[tilespmem:s19], [sflag:$0x1] =	stream.indirect.gather [hbm4b:s3+s12], $0x80, s11, s12, $0xb8;
	[tilespmem:$0x1A300] =	vst v63  }
0x9d: {  	s30 =	sadd.s32 $0xA20, s0  }
0x9e: {  	[tilespmem:s20], [sflag:$0x1] =	stream.indirect.gather [hbm4b:s3+s12], $0x80, s30, s12, $0xb8;
	[tilespmem:$0x1A300] =	vst v63  }
0x9f: {  	s31 =	sadd.s32 $0xA70, s0  }
0xa0: {  	[tilespmem:s21], [sflag:$0x1] =	stream.indirect.gather [hbm4b:s3+s12], $0x80, s31, s12, $0xb8;
	[tilespmem:$0x1A300] =	vst v63  }
0xa1: {  	s0 =	sadd.s32 $0xAC0, s0  }
0xa2: {  	[tilespmem:s22], [sflag:$0x1] =	stream.indirect.gather [hbm4b:s3+s12], $0x80, s0, s12, $0xb8;
	[tilespmem:$0x1A300] =	vst v63  }
0xa3: {  	_ =	swait.ge [sflag:s23], $0x2800  }
0xa4: {  	[sflag:s23] =	ssyncset.done $0x0  }
0xa5: {  	[sflag:s23] =	ssyncadd.s32 $0xFFFFD800  }
0xa6: {  	_ =	swait.ge [sflag:s23], $0x2800  }
0xa7: {  	[sflag:s23] =	ssyncset.done $0x0  }
0xa8: {  	[sflag:s23] =	ssyncadd.s32 $0xFFFFD800  }
0xa9: {  	_ =	swait.ge [sflag:s23], $0x2800  }
0xaa: {  	[sflag:s23] =	ssyncset.done $0x0  }
0xab: {  	[sflag:s23] =	ssyncadd.s32 $0xFFFFD800  }
0xac: {  	_ =	swait.ge [sflag:s23], $0x2800  }
0xad: {  	[sflag:s23] =	ssyncset.done $0x0  }
0xae: {  	[sflag:s23] =	ssyncadd.s32 $0xFFFFD800  }
0xaf: {  	_ =	swait.ge [sflag:s23], $0x2800  }
0xb0: {  	[sflag:s23] =	ssyncset.done $0x0  }
0xb1: {  	[sflag:s23] =	ssyncadd.s32 $0xFFFFD800  }
0xb2: {  	[hbm4b:s29+s4] =	stream.linear.scatter [tilespmem:s13], [sflag:$0x2], $0xC800, $0x38;
	[tilespmem:$0x1A300] =	vst v63  }
0xb3: {  	_ =	swait.ge [sflag:s23], $0x2800  }
0xb4: {  	[sflag:s23] =	ssyncset.done $0x0  }
0xb5: {  	[sflag:s23] =	ssyncadd.s32 $0xFFFFD800  }
0xb6: {  	_ =	swait.ge [sflag:s23], $0x2800  }
0xb7: {  	[sflag:s23] =	ssyncset.done $0x0  }
0xb8: {  	[sflag:s23] =	ssyncadd.s32 $0xFFFFD800  }
0xb9: {  	_ =	swait.ge [sflag:s23], $0x2800  }
0xba: {  	[sflag:s23] =	ssyncset.done $0x0  }
0xbb: {  	[sflag:s23] =	ssyncadd.s32 $0xFFFFD800  }
0xbc: {  	_ =	swait.ge [sflag:s23], $0x2800  }
0xbd: {  	[sflag:s23] =	ssyncset.done $0x0  }
0xbe: {  	[sflag:s23] =	ssyncadd.s32 $0xFFFFD800  }
0xbf: {  	_ =	swait.ge [sflag:s23], $0x2800  }
0xc0: {  	[sflag:s23] =	ssyncset.done $0x0  }
0xc1: {  	s26 =	sadd.s32 $0x1, s26;
	[sflag:s23] =	ssyncadd.s32 $0xFFFFD800  }
0xc2: {  	[hbm4b:s28+s4] =	stream.linear.scatter [tilespmem:s18], [sflag:$0x3], $0xC800, $0x38;
	[tilespmem:$0x1A300] =	vst v63  }
0xc3: {  	p0 =	sne.s32 s26, s7;
	_ =	swait.ge [sflag:s24], $0xC800  }
.Ltmp1:
0xc4: {  	[sflag:s24] =	ssyncset.done $0x0;
	(pc) =	sbr.rel @p0 .LBB2_1-.Ltmp1, $4  }
0xc5: {  	[sflag:s24] =	ssyncadd.s32 $0xFFFF3800  }
0xc6: {  	_ =	swait.ge [sflag:s25], $0xC800  }
0xc7: {  	[sflag:s25] =	ssyncset.done $0x0  }
0xc8: {  	[sflag:s25] =	ssyncadd.s32 $0xFFFF3800  }
0xc9: {  	_ =	sfence.sel $0x180000  }
0xca: {  	[bflag:$0x0] =	sbarrier.arrive $0xFFFF  }
0xcb: {  	_ =	strace $0x9000004A  }
0xcc: {  	s0 =	stileid.u32;
	[bflag:$0x2] =	sbarrier.arrive $0xFFFF  }
0xcd: {  	p0 =	sne.s32 s0, $0x0;
	s0 =	rddreg [dreg:$0x3]  }
0xce: {  	s0 =	sadd.s32 @!p0 $0x100000, s0  }
0xcf: {  	[sflag:s0] =	ssyncadd.tile.s32 @!p0 $0x1;
	_ =	shalt  }
.Lfunc_end2:
_tile_overlayer_lowered:
.L_overlay_start_2:
0xd0: {  	(tag) =	ssettag $0x2  }
0xd1: {  	s0 =	rddreg [dreg:$0x0];
	s2 =	stileid.u32  }
0xd2: {  	s1 =	rddreg [dreg:$0x1];
	p0 =	sne.s32 s2, $0x0  }
0xd3: {  	s3 =	rddreg [dreg:$0x2];
	[bflag:$0x3] =	sbarrier.arrive $0xFFFF;
	s2 =	simm.s32 @!p0 $0x1C04  }
0xd4: {  	[timem:s3], [sflag:s2] =	dma.local @!p0 [hbm:s0], s1  }
0xd5: {  	s0 =	simm.s32 @!p0 $0x4  }
0xd6: {  	_ =	swait.ge @!p0 [sflag:s0], s1  }
0xd7: {  	s1 =	ssub.s32 @!p0 $0x0, s1;
	[sflag:s0] =	ssyncset.done @!p0 $0x0  }
0xd8: {  	[sflag:s0] =	ssyncadd.s32 @!p0 s1  }
0xd9: {  	[bflag:$0x3] =	sbarrier.arrive $0xFFFF  }
0xda: {  	_ =	shalt  }

// kernel: kernel.18.cloned.1.call-start
scs
__scs_entry_jumppad:
0x0: {  	(pc) =	sbr.rel $0x88, $3  }
0x1: {  	(tag) =	ssettag $0x0;
	lr =	simm.s32 $0x1  }
0x2: {  	[smem:$0x3F96] =	sst lr;
	_ =	strace $0xD0000000  }
0x3: {  	_ = 	snop  }
0x4: {  	_ = 	snop  }
0x5: {  	_ = 	snop  }
0x6: {  	_ = 	snop  }
0x7: {  	_ = 	snop  }
__scs_overlays_trampoline_lowered:
0x8: {  	[smem:$0x3FA5] =	sst s0  }
0x9: {  	[smem:$0x3FA6] =	sst s1  }
0xa: {  	[smem:$0x3FA7] =	sst s2  }
0xb: {  	[smem:$0x3FA8] =	sst s3  }
0xc: {  	[smem:$0x3FA9] =	sst s4  }
0xd: {  	[smem:$0x3FAA] =	sst s5  }
0xe: {  	[smem:$0x3FAB] =	sst s6  }
0xf: {  	[smem:$0x3FAC] =	sst s7  }
0x10: {  	[smem:$0x3FAD] =	sst s8  }
0x11: {  	[smem:$0x3FAE] =	sst s9;
	s0 =	simm.s32 @!p0 $0x0  }
0x12: {  	s1 =	sld [smem:$0x3F94];
	s0 =	simm.s32 @p0 $0x1  }
0x13: {  	[smem:$0x3FAF] =	sst s0;
	s0 =	simm.s32 @!p1 $0x0  }
0x14: {  	s2 =	sld [smem:$0x3F93];
	s0 =	simm.s32 @p1 $0x1  }
0x15: {  	[smem:$0x3FB0] =	sst s0;
	s0 =	simm.s32 @!p2 $0x0  }
0x16: {  	s3 =	sld [smem:$0x3FDB];
	s0 =	simm.s32 @p2 $0x1  }
0x17: {  	s4 =	simm.s32 $0x1BF5;
	[smem:$0x3FB2] =	sst s0  }
0x18: {  	s0 =	sld [smem:$0x3F95];
	_ =	swait.ge [sflag:s4], $0x0  }
0x19: {  	s7 =	sld [smem:$0x3F96]  }
0x1a: {  	s8 =	sadd.s32 $0xFFFFE003, lr  }
0x1b: {  	s9 =	sadd.s32 $0xFFFFFEF7, lr;
	s5 =	simm.s32 $0xFFFFFFFF;
	p2 =	slt.u32 s8, $0xFFFFF086  }
0x1c: {  	p1 =	slt.u32 s9, $0xF7A;
	s5 =	simm.s32 @!p2 $0x0  }
0x1d: {  	s5 =	simm.s32 @p1 $0x1;
	p0 =	seq.s32 s7, s2  }
0x1e: {  	s7 =	smul.u32 @!p0 $0xF7A, s2;
	p2 =	seq.s32 @!p0 s5, $0x0  }
0x1f: {  	s9 =	smul.u32 $0xF7A, s1;
	s8 =	simm.s32 @!p0 $0x1BF5;
	p2 =	por !p2, p0  }
0x20: {  	[sflag:s8] =	ssyncset.s32 @!p0 $0xFFFFF086;
	s6 =	sadd.s32 @!p0 s3, s7;
	s7 =	simm.s32 @!p0 $0x108  }
0x21: {  	s3 =	sadd.s32 s3, s9;
	s6 =	sadd.s32 @!p0 $0x88, s6;
	s7 =	simm.s32 @p2 $0x1082  }
0x22: {  	[simem:s7], [sflag:s8] =	dma.local @!p0 [hbm:s6], $0xF7A  }
0x23: {  	s9 =	sor.u32 $0xD0000000, s2;
	s6 =	simm.s32 $0x108;
	_ =	swait.ge @!p0 [sflag:s8], $0x0  }
0x24: {  	s3 =	sadd.s32 $0x88, s3;
	s6 =	simm.s32 @!p1 $0x1082;
	[sflag:s4] =	ssyncset.s32 $0xFFFFF086  }
0x25: {  	[simem:s6], [sflag:s4] =	dma.local [hbm:s3], $0xF7A  }
0x26: {  	[smem:$0x3F96] =	sst s1;
	(tag) =	ssettag s2;
	_ =	strace s9  }
0x27: {  	s1 =	sld [smem:$0x3FA6]  }
0x28: {  	s2 =	sld [smem:$0x3FA7]  }
0x29: {  	s4 =	sld [smem:$0x3FA9]  }
0x2a: {  	p0 =	seq.s32 s5, $0x0;
	s5 =	sld [smem:$0x3FAA]  }
0x2b: {  	s6 =	sld [smem:$0x3FAB]  }
0x2c: {  	s7 =	sld [smem:$0x3FAC]  }
0x2d: {  	s3 =	simm.s32 $0x108;
	s8 =	sld [smem:$0x3FAD]  }
0x2e: {  	s3 =	simm.s32 @!p0 $0x1082;
	s9 =	sld [smem:$0x3FAE]  }
0x2f: {  	lr =	sadd.s32 s0, s3;
	s0 =	sld [smem:$0x3FA5]  }
0x30: {  	s3 =	sld [smem:$0x3FA8]  }
0x31: {  	[smem:$0x3FB1] =	sst s10  }
0x32: {  	s10 =	sld [smem:$0x3FAF];
	_ =	sdelay $0x3  }
0x33: {  	p0 =	seq.s32 s10, $0x1;
	s10 =	sld [smem:$0x3FB1];
	_ =	sdelay $0x3  }
0x34: {  	[smem:$0x3FB1] =	sst s10  }
0x35: {  	s10 =	sld [smem:$0x3FB0];
	_ =	sdelay $0x3  }
0x36: {  	p1 =	seq.s32 s10, $0x1;
	s10 =	sld [smem:$0x3FB1];
	_ =	sdelay $0x3  }
0x37: {  	[smem:$0x3FB1] =	sst s10  }
0x38: {  	s10 =	sld [smem:$0x3FB2]  }
0x39: {  	_ = 	snop;
	(pc) =	sbr.ind lr, $3  }
0x3a: {  	_ = 	snop  }
0x3b: {  	_ = 	snop  }
0x3c: {  	p2 =	seq.s32 s10, $0x1;
	s10 =	sld [smem:$0x3FB1]  }
0x3d: {  	_ =	shalt  }
0x3e: {  	_ =	shalt  }
0x3f: {  	_ =	shalt  }
0x40: {  	_ =	shalt  }
0x41: {  	_ =	shalt  }
0x42: {  	_ =	shalt  }
0x43: {  	_ =	shalt  }
0x44: {  	_ =	shalt  }
0x45: {  	_ =	shalt  }
0x46: {  	_ =	shalt  }
0x47: {  	_ =	shalt  }
0x48: {  	_ =	shalt  }
0x49: {  	_ =	shalt  }
0x4a: {  	_ =	shalt  }
0x4b: {  	_ =	shalt  }
0x4c: {  	_ =	shalt  }
0x4d: {  	_ =	shalt  }
0x4e: {  	_ =	shalt  }
0x4f: {  	_ =	shalt  }
0x50: {  	_ =	shalt  }
0x51: {  	_ =	shalt  }
0x52: {  	_ =	shalt  }
0x53: {  	_ =	shalt  }
0x54: {  	_ =	shalt  }
0x55: {  	_ =	shalt  }
0x56: {  	_ =	shalt  }
0x57: {  	_ =	shalt  }
0x58: {  	_ =	shalt  }
0x59: {  	_ =	shalt  }
0x5a: {  	_ =	shalt  }
0x5b: {  	_ =	shalt  }
0x5c: {  	_ =	shalt  }
0x5d: {  	_ =	shalt  }
0x5e: {  	_ =	shalt  }
0x5f: {  	_ =	shalt  }
0x60: {  	_ =	shalt  }
0x61: {  	_ =	shalt  }
0x62: {  	_ =	shalt  }
0x63: {  	_ =	shalt  }
0x64: {  	_ =	shalt  }
0x65: {  	_ =	shalt  }
0x66: {  	_ =	shalt  }
0x67: {  	_ =	shalt  }
0x68: {  	_ =	shalt  }
0x69: {  	_ =	shalt  }
0x6a: {  	_ =	shalt  }
0x6b: {  	_ =	shalt  }
0x6c: {  	_ =	shalt  }
0x6d: {  	_ =	shalt  }
0x6e: {  	_ =	shalt  }
0x6f: {  	_ =	shalt  }
0x70: {  	_ =	shalt  }
0x71: {  	_ =	shalt  }
0x72: {  	_ =	shalt  }
0x73: {  	_ =	shalt  }
0x74: {  	_ =	shalt  }
0x75: {  	_ =	shalt  }
0x76: {  	_ =	shalt  }
0x77: {  	_ =	shalt  }
0x78: {  	_ =	shalt  }
0x79: {  	_ =	shalt  }
0x7a: {  	_ =	shalt  }
0x7b: {  	_ =	shalt  }
0x7c: {  	_ =	shalt  }
0x7d: {  	_ =	shalt  }
0x7e: {  	_ =	shalt  }
0x7f: {  	_ =	shalt  }
0x80: {  	_ =	shalt  }
0x81: {  	_ =	shalt  }
0x82: {  	_ =	shalt  }
0x83: {  	_ =	shalt  }
0x84: {  	_ =	shalt  }
0x85: {  	_ =	shalt  }
0x86: {  	_ =	shalt  }
0x87: {  	_ =	shalt  }
.Lfunc_end0:
.L_simem_size_0:
called_computation.2_lowered:
.L_overlay_start_0:
0x88: {  	s2 =	sld [smem:$0x3FD9]  }
0x89: {  	s3 =	sld [smem:$0x3FFE];
	_ =	sdelay $0x1  }
0x8a: {  	s1 =	srdreg.scid  }
0x8b: {  	s0 =	sand.u32 $0x1, s1  }
0x8c: {  	s17 =	sshll.u32 s0, $0xA;
	s2 =	sadd.s32 s3, s2  }
0x8d: {  	s2 =	sadd.s32 s2, s17  }
0x8e: {  	[smem:$0x3FBD] =	sst s2  }
0x8f: {  	_ = 	snop  }
0x90: {  	s18 =	sld [smem:$0x3FC9]  }
0x91: {  	s4 =	sld [smem:$0x3FC8];
	(tm) =	ssettm $0x1  }
0x92: {  	s19 =	sld [smem:$0x3FFB];
	_ =	sdelay $0x3  }
0x93: {  	_ =	strace s19  }
0x94: {  	s2 =	sld [smem:$0x3FFC];
	_ =	sdelay $0x3  }
0x95: {  	_ =	strace s2  }
0x96: {  	s2 =	sld [smem:$0x3FFD];
	_ =	sdelay $0x3  }
0x97: {  	_ =	strace s2  }
0x98: {  	_ =	strace $0x8FFFFFFF  }
0x99: {  	s20 =	sld [smem:$0x3FDB];
	_ =	sdelay $0x1  }
0x9a: {  	s5 =	simm.s32 $_scs_section_size  }
0x9b: {  	s6 =	simm.s32 $_size__tile_overlayer_lowered;
	s7 =	simm.s32 $_tile_overlayer_lowered  }
0x9c: {  	s8 =	simm.s32 $0x1BFF;
	s21 =	sshll.u32 s7, $0x1;
	s5 =	sadd.s32 s5, s20  }
0x9d: {  	s22 =	simm.s32 $0x0;
	s6 =	sshll.u32 s6, $0x1;
	s7 =	sadd.s32 s21, s5  }
0x9e: {  	[timem:s22], [sflag:s8] =	dma.local [hbm:s7], s6  }
0x9f: {  	_ =	swait.ge [sflag:s8], s6  }
0xa0: {  	s6 =	ssub.s32 $0x0, s6;
	[sflag:s8] =	ssyncset.done $0x0  }
0xa1: {  	[sflag:s8] =	ssyncadd.s32 s6;
	_ =	sdelay $0x1  }
0xa2: {  	s23 =	simm.s32 $0x1B8B  }
0xa3: {  	_ =	swait.ge [sflag:s23], $0x1  }
0xa4: {  	[sflag:s23] =	ssyncset.done $0x0  }
0xa5: {  	[sflag:s23] =	ssyncadd.s32 $0xFFFFFFFF  }
0xa6: {  	s6 =	sld [smem:$0x0]  }
0xa7: {  	s7 =	sand.u32 $0xFFFFFFFE, s1  }
0xa8: {  	p0 =	sne.s32 s1, s7  }
0xa9: {  	s7 =	sshll.u32 @p0 s7, $0xE  }
0xaa: {  	s7 =	sadd.s32 @p0 $0x11B8D, s7;
	s8 =	sshll.u32 @p0 s6, $0x11  }
0xab: {  	s7 =	sor.u32 @p0 s8, s7  }
0xac: {  	[sflag:s7] =	ssyncadd.remote.s32 @p0 $0x1;
	_ =	sdelay $0x1  }
0xad: {  	s7 =	simm.s32 @p0 $0x1B8D  }
0xae: {  	_ =	swait.eq @p0 [sflag:s7], $0x1  }
0xaf: {  	[sflag:s7] =	ssyncadd.s32 @p0 $0xFFFFFFFF  }
0xb0: {  	s8 =	sshll.u32 @!p0 s1, $0xE  }
0xb1: {  	s8 =	sor.u32 @!p0 $0x4000, s8;
	s7 =	simm.s32 @!p0 $0x1B8D  }
0xb2: {  	s6 =	sshll.u32 @!p0 s6, $0x11;
	s8 =	sadd.s32 @!p0 $0x11B8D, s8;
	_ =	swait.eq @!p0 [sflag:s7], $0x1  }
0xb3: {  	s6 =	sor.u32 @!p0 s6, s8;
	[sflag:s7] =	ssyncadd.s32 @!p0 $0xFFFFFFFF  }
0xb4: {  	s25 =	simm.s32 $0x1B8E;
	s24 =	sld [smem:$0x3FFE];
	[sflag:s6] =	ssyncadd.remote.s32 @!p0 $0x1  }
0xb5: {  	s26 =	simm.s32 $execute0_lowered;
	[smem:$0x3FD2] =	sst s25  }
0xb6: {  	s7 =	sshll.u32 s26, $0x1;
	_ =	strace $0x8000004C;
	[dreg:$0x1] =	wrdreg $0xFFFFFFFF  }
0xb7: {  	s28 =	simm.s32 $_size_execute0_lowered;
	s5 =	sadd.s32 s5, s7;
	[dreg:$0x0] =	wrdreg $0x0  }
0xb8: {  	s7 =	sshll.u32 s28, $0x1;
	[dreg:$0x2] =	wrdreg s5  }
0xb9: {  	[dreg:$0x3] =	wrdreg s7  }
0xba: {  	[dreg:$0x4] =	wrdreg $0xC0  }
0xbb: {  	_ =	task [dreg:s22], $0x5FFFF  }
0xbc: {  	[dreg:$0x1] =	wrdreg $0xFFFFFFFF  }
0xbd: {  	[dreg:$0x0] =	wrdreg $0x60  }
0xbe: {  	[dreg:$0x2] =	wrdreg s18  }
0xbf: {  	[dreg:$0x3] =	wrdreg s4  }
0xc0: {  	[dreg:$0x4] =	wrdreg s24  }
0xc1: {  	[dreg:$0x5] =	wrdreg $0xB  }
0xc2: {  	_ =	task.clear_ibuf [dreg:s22], $0x6FFFF;
	_ =	strace $0x9000004C  }
0xc3: {  	s29 =	simm.s32 $0xB;
	_ =	strace $0x8000004E  }
0xc4: {  	_ =	swait.ge [sflag:s29], $0x1  }
0xc5: {  	[sflag:s29] =	ssyncadd.s32 $0xFFFFFFFF  }
0xc6: {  	_ =	strace $0x9000004E  }
0xc7: {  	_ =	sfence  }
0xc8: {  	s30 =	sld [smem:$0x0];
	_ =	sdelay $0x2  }
0xc9: {  	s31 =	sshll.u32 s1, $0xD;
	s1 =	sshrl.u32 s1, $0x2  }
0xca: {  	s4 =	sand.u32 $0x4000, s31;
	s1 =	sadd.s32 s1, s30  }
0xcb: {  	s0 =	sor.u32 s4, s0;
	s1 =	sshll.u32 s1, $0x11  }
0xcc: {  	s0 =	sor.u32 s1, s0  }
0xcd: {  	s0 =	sadd.s32 $0x8F2B, s0  }
0xce: {  	[sflag:s0] =	ssyncadd.remote.s32 $0x1  }
0xcf: {  	_ =	sfence.sel $0xFFFF  }
0xd0: {  	[dreg:$0x0] =	wrdreg $0xFFFFFFFF;
	(pc) =	sbr.abs _section_cstart, $3  }
0xd1: {  	[dreg:$0x1] =	wrdreg $0xFFFFFFFF  }
0xd2: {  	_ =	task.clear_ibuf [dreg:s22], $0x2FFFF;
	_ =	strace $0x9FFFFFFF  }
0xd3: {  	(tm) =	ssettm $0x7FFFFFFF  }
tec
execute0_lowered:
.L_overlay_start_1:
0x0: {  	(tag) =	ssettag $0x1  }
0x1: {  	s1 =	rddreg [dreg:$0x0]  }
0x2: {  	s3 =	rddreg [dreg:$0x1]  }
0x3: {  	s2 =	srdreg.scid;
	s0 =	stileid.u32  }
0x4: {  	s5 =	rddreg [dreg:$0x2];
	s4 =	simm.s32 $0x0;
	s10 =	simm.s32 $0x4  }
0x5: {  	s12 =	simm.s32 $0x50;
	s13 =	simm.s32 $0x1300;
	s14 =	simm.s32 $0x3B00  }
0x6: {  	s15 =	simm.s32 $0x6300;
	s16 =	simm.s32 $0x8B00;
	s17 =	simm.s32 $0xB300  }
0x7: {  	s18 =	simm.s32 $0xDB00;
	s19 =	simm.s32 $0x10300;
	s20 =	simm.s32 $0x12B00  }
0x8: {  	s21 =	simm.s32 $0x15300;
	s22 =	simm.s32 $0x17B00;
	s23 =	simm.s32 $0x1  }
0x9: {  	s24 =	simm.s32 $0x2;
	s2 =	sand.u32 $0x1, s2;
	s6 =	sshll.u32 s0, $0x1  }
0xa: {  	s25 =	simm.s32 $0x3;
	s7 =	smul.u32 $0x12C00, s0;
	s6 =	sor.u32 s2, s6  }
0xb: {  	s26 =	simm.s32 $0x0;
	[smem:$0x7FF] =	sst s4;
	s6 =	smul.u32 $0x960, s6  }
0xc: {  	_ =	strace $0x8000004D;
	s8 =	ssub.s32 $0x2, s2;
	s2 =	smul.u32 $0x9600, s2  }
0xd: {  	s7 =	sadd.s32 s7, s5;
	s30 =	sshrl.u32 s8, $0x1;
	s6 =	sshrl.u32 s6, $0x3  }
0xe: {  	s8 =	ssub.s32 s8, s30;
	s2 =	sadd.s32 s2, s7;
	s6 =	sadd.s32 s6, s5  }
0xf: {  	s7 =	smax.u32 s8, $0x1;
	s8 =	sadd.s32 $0x2A1A00, s2;
	s31 =	sadd.s32 $0x3DC00, s6  }
0x10: {  	s2 =	sadd.s32 $0x3CDA00, s2;
	s6 =	sadd.s32 $0x3B600, s6;
	[dreg:$0x4] =	wrdreg s31  }
.LBB2_1:
0x11: {  	s0 =	rddreg [dreg:$0x4]  }
0x12: {  	[tilespmem:s4], [sflag:$0x4] =	stream.linear.gather [hbm4b:s0+s4], $0x960, $0x38;
	[tilespmem:$0x1A300] =	vst v63  }
0x13: {  	_ =	swait.ge [sflag:s10], $0x960  }
0x14: {  	[sflag:s10] =	ssyncset.done $0x0  }
0x15: {  	s9 =	simm.s32 $0x980;
	[sflag:s10] =	ssyncadd.s32 $0xFFFFF6A0  }
0x16: {  	[tilespmem:s9], [sflag:$0x4] =	stream.linear.gather [hbm4b:s6+s4], $0x960, $0x38;
	[tilespmem:$0x1A300] =	vst v63  }
0x17: {  	_ =	swait.ge [sflag:s10], $0x960  }
0x18: {  	p0 =	por $0x1, $0x1;
	[sflag:s10] =	ssyncset.done $0x0  }
0x19: {  	s9 =	simm.s32 @!p0 $0x2;
	[sflag:s10] =	ssyncadd.s32 $0xFFFFF6A0  }
0x1a: {  	_ =	swait.ge @!p0 [sflag:s9], $0xC800  }
0x1b: {  	[sflag:s9] =	ssyncset.done @!p0 $0x0  }
0x1c: {  	s11 =	simm.s32 $0x0;
	[sflag:s9] =	ssyncadd.s32 @!p0 $0xFFFF3800  }
0x1d: {  	[tilespmem:s13], [sflag:$0x1] =	stream.indirect.gather [hbm4b:s1+s12], $0x80, s11, s12, $0xb8;
	[tilespmem:$0x1A300] =	vst v63  }
0x1e: {  	s0 =	simm.s32 $0x50  }
0x1f: {  	[tilespmem:s14], [sflag:$0x1] =	stream.indirect.gather [hbm4b:s1+s12], $0x80, s0, s12, $0xb8;
	[tilespmem:$0x1A300] =	vst v63  }
0x20: {  	s5 =	simm.s32 $0xA0  }
0x21: {  	[tilespmem:s15], [sflag:$0x1] =	stream.indirect.gather [hbm4b:s1+s12], $0x80, s5, s12, $0xb8;
	[tilespmem:$0x1A300] =	vst v63  }
0x22: {  	s11 =	simm.s32 $0xF0  }
0x23: {  	[tilespmem:s16], [sflag:$0x1] =	stream.indirect.gather [hbm4b:s1+s12], $0x80, s11, s12, $0xb8;
	[tilespmem:$0x1A300] =	vst v63  }
0x24: {  	s28 =	simm.s32 @!p0 $0x3;
	s0 =	simm.s32 $0x140  }
0x25: {  	[tilespmem:s17], [sflag:$0x1] =	stream.indirect.gather [hbm4b:s1+s12], $0x80, s0, s12, $0xb8;
	[tilespmem:$0x1A300] =	vst v63  }
0x26: {  	_ =	swait.ge @!p0 [sflag:s28], $0xC800  }
0x27: {  	[sflag:s28] =	ssyncset.done @!p0 $0x0  }
0x28: {  	s5 =	simm.s32 $0x980;
	[sflag:s28] =	ssyncadd.s32 @!p0 $0xFFFF3800  }
0x29: {  	[tilespmem:s18], [sflag:$0x1] =	stream.indirect.gather [hbm4b:s3+s12], $0x80, s5, s12, $0xb8;
	[tilespmem:$0x1A300] =	vst v63  }
0x2a: {  	s11 =	simm.s32 $0x9D0  }
0x2b: {  	[tilespmem:s19], [sflag:$0x1] =	stream.indirect.gather [hbm4b:s3+s12], $0x80, s11, s12, $0xb8;
	[tilespmem:$0x1A300] =	vst v63  }
0x2c: {  	s0 =	simm.s32 $0xA20  }
0x2d: {  	[tilespmem:s20], [sflag:$0x1] =	stream.indirect.gather [hbm4b:s3+s12], $0x80, s0, s12, $0xb8;
	[tilespmem:$0x1A300] =	vst v63  }
0x2e: {  	s5 =	simm.s32 $0xA70  }
0x2f: {  	[tilespmem:s21], [sflag:$0x1] =	stream.indirect.gather [hbm4b:s3+s12], $0x80, s5, s12, $0xb8;
	[tilespmem:$0x1A300] =	vst v63  }
0x30: {  	s11 =	simm.s32 $0xAC0  }
0x31: {  	[tilespmem:s22], [sflag:$0x1] =	stream.indirect.gather [hbm4b:s3+s12], $0x80, s11, s12, $0xb8;
	[tilespmem:$0x1A300] =	vst v63  }
0x32: {  	_ =	swait.ge [sflag:s23], $0x2800  }
0x33: {  	[sflag:s23] =	ssyncset.done $0x0  }
0x34: {  	[sflag:s23] =	ssyncadd.s32 $0xFFFFD800  }
0x35: {  	_ =	swait.ge [sflag:s23], $0x2800  }
0x36: {  	[sflag:s23] =	ssyncset.done $0x0  }
0x37: {  	[sflag:s23] =	ssyncadd.s32 $0xFFFFD800  }
0x38: {  	_ =	swait.ge [sflag:s23], $0x2800  }
0x39: {  	[sflag:s23] =	ssyncset.done $0x0  }
0x3a: {  	[sflag:s23] =	ssyncadd.s32 $0xFFFFD800  }
0x3b: {  	_ =	swait.ge [sflag:s23], $0x2800  }
0x3c: {  	[sflag:s23] =	ssyncset.done $0x0  }
0x3d: {  	[sflag:s23] =	ssyncadd.s32 $0xFFFFD800  }
0x3e: {  	_ =	swait.ge [sflag:s23], $0x2800  }
0x3f: {  	[sflag:s23] =	ssyncset.done $0x0  }
0x40: {  	[sflag:s23] =	ssyncadd.s32 $0xFFFFD800  }
0x41: {  	[hbm4b:s8+s4] =	stream.linear.scatter [tilespmem:s13], [sflag:$0x2], $0xC800, $0x38;
	[tilespmem:$0x1A300] =	vst v63  }
0x42: {  	_ =	swait.ge [sflag:s23], $0x2800  }
0x43: {  	[sflag:s23] =	ssyncset.done $0x0  }
0x44: {  	[sflag:s23] =	ssyncadd.s32 $0xFFFFD800  }
0x45: {  	_ =	swait.ge [sflag:s23], $0x2800  }
0x46: {  	[sflag:s23] =	ssyncset.done $0x0  }
0x47: {  	[sflag:s23] =	ssyncadd.s32 $0xFFFFD800  }
0x48: {  	_ =	swait.ge [sflag:s23], $0x2800  }
0x49: {  	[sflag:s23] =	ssyncset.done $0x0  }
0x4a: {  	[sflag:s23] =	ssyncadd.s32 $0xFFFFD800  }
0x4b: {  	_ =	swait.ge [sflag:s23], $0x2800  }
0x4c: {  	[sflag:s23] =	ssyncset.done $0x0  }
0x4d: {  	s30 =	simm.s32 $0x640;
	s31 =	simm.s32 $0xC80;
	[sflag:s23] =	ssyncadd.s32 $0xFFFFD800  }
0x4e: {  	p1 =	por $0x0, $0x0;
	s29 =	sadd.s32 $0x1900, s8;
	_ =	swait.ge [sflag:s23], $0x2800  }
0x4f: {  	s9 =	smov.u32 s2;
	s28 =	sadd.s32 $0x1900, s2;
	[sflag:s23] =	ssyncset.done $0x0  }
.LBB2_2:
0x50: {  	s0 =	simm.s32 @!p1 $0x2  }
0x51: {  	[sflag:s23] =	ssyncadd.s32 $0xFFFFD800;
	s11 =	smov.u32 s31;
	s31 =	sadd.s32 $0x640, s31  }
0x52: {  	[hbm4b:s9+s4] =	stream.linear.scatter [tilespmem:s18], [sflag:$0x3], $0xC800, $0x38;
	[tilespmem:$0x1A300] =	vst v63  }
0x53: {  	p0 =	sne.s32 s31, $0x2580;
	s9 =	smov.u32 s28;
	_ =	swait.ge @!p1 [sflag:s0], $0xC800  }
0x54: {  	[sflag:s0] =	ssyncset.done @!p1 $0x0  }
0x55: {  	[sflag:s0] =	ssyncadd.s32 @!p1 $0xFFFF3800;
	s0 =	sshra.s32 s30, $0x2;
	s30 =	smov.u32 s11  }
0x56: {  	[tilespmem:s13], [sflag:$0x1] =	stream.indirect.gather [hbm4b:s1+s12], $0x80, s0, s12, $0xb8;
	[tilespmem:$0x1A300] =	vst v63  }
0x57: {  	s11 =	sadd.s32 $0x50, s0  }
0x58: {  	[tilespmem:s14], [sflag:$0x1] =	stream.indirect.gather [hbm4b:s1+s12], $0x80, s11, s12, $0xb8;
	[tilespmem:$0x1A300] =	vst v63  }
0x59: {  	s11 =	sadd.s32 $0xA0, s0  }
0x5a: {  	[tilespmem:s15], [sflag:$0x1] =	stream.indirect.gather [hbm4b:s1+s12], $0x80, s11, s12, $0xb8;
	[tilespmem:$0x1A300] =	vst v63  }
0x5b: {  	s11 =	sadd.s32 $0xF0, s0  }
0x5c: {  	[tilespmem:s16], [sflag:$0x1] =	stream.indirect.gather [hbm4b:s1+s12], $0x80, s11, s12, $0xb8;
	[tilespmem:$0x1A300] =	vst v63  }
0x5d: {  	s5 =	simm.s32 @!p1 $0x3;
	s11 =	sadd.s32 $0x140, s0  }
0x5e: {  	[tilespmem:s17], [sflag:$0x1] =	stream.indirect.gather [hbm4b:s1+s12], $0x80, s11, s12, $0xb8;
	[tilespmem:$0x1A300] =	vst v63  }
0x5f: {  	_ =	swait.ge @!p1 [sflag:s5], $0xC800  }
0x60: {  	[sflag:s5] =	ssyncset.done @!p1 $0x0  }
0x61: {  	[sflag:s5] =	ssyncadd.s32 @!p1 $0xFFFF3800;
	s5 =	sadd.s32 $0x980, s0  }
0x62: {  	[tilespmem:s18], [sflag:$0x1] =	stream.indirect.gather [hbm4b:s3+s12], $0x80, s5, s12, $0xb8;
	[tilespmem:$0x1A300] =	vst v63  }
0x63: {  	s5 =	sadd.s32 $0x9D0, s0  }
0x64: {  	[tilespmem:s19], [sflag:$0x1] =	stream.indirect.gather [hbm4b:s3+s12], $0x80, s5, s12, $0xb8;
	[tilespmem:$0x1A300] =	vst v63  }
0x65: {  	s5 =	sadd.s32 $0xA20, s0  }
0x66: {  	[tilespmem:s20], [sflag:$0x1] =	stream.indirect.gather [hbm4b:s3+s12], $0x80, s5, s12, $0xb8;
	[tilespmem:$0x1A300] =	vst v63  }
0x67: {  	s5 =	sadd.s32 $0xA70, s0  }
0x68: {  	[tilespmem:s21], [sflag:$0x1] =	stream.indirect.gather [hbm4b:s3+s12], $0x80, s5, s12, $0xb8;
	[tilespmem:$0x1A300] =	vst v63  }
0x69: {  	s0 =	sadd.s32 $0xAC0, s0  }
0x6a: {  	[tilespmem:s22], [sflag:$0x1] =	stream.indirect.gather [hbm4b:s3+s12], $0x80, s0, s12, $0xb8;
	[tilespmem:$0x1A300] =	vst v63  }
0x6b: {  	_ =	swait.ge [sflag:s23], $0x2800  }
0x6c: {  	[sflag:s23] =	ssyncset.done $0x0  }
0x6d: {  	[sflag:s23] =	ssyncadd.s32 $0xFFFFD800  }
0x6e: {  	_ =	swait.ge [sflag:s23], $0x2800  }
0x6f: {  	[sflag:s23] =	ssyncset.done $0x0  }
0x70: {  	[sflag:s23] =	ssyncadd.s32 $0xFFFFD800  }
0x71: {  	_ =	swait.ge [sflag:s23], $0x2800  }
0x72: {  	[sflag:s23] =	ssyncset.done $0x0  }
0x73: {  	[sflag:s23] =	ssyncadd.s32 $0xFFFFD800  }
0x74: {  	_ =	swait.ge [sflag:s23], $0x2800  }
0x75: {  	[sflag:s23] =	ssyncset.done $0x0  }
0x76: {  	[sflag:s23] =	ssyncadd.s32 $0xFFFFD800  }
0x77: {  	_ =	swait.ge [sflag:s23], $0x2800  }
0x78: {  	[sflag:s23] =	ssyncset.done $0x0  }
0x79: {  	[sflag:s23] =	ssyncadd.s32 $0xFFFFD800  }
0x7a: {  	[hbm4b:s29+s4] =	stream.linear.scatter [tilespmem:s13], [sflag:$0x2], $0xC800, $0x38;
	[tilespmem:$0x1A300] =	vst v63  }
0x7b: {  	_ =	swait.ge [sflag:s23], $0x2800  }
0x7c: {  	[sflag:s23] =	ssyncset.done $0x0  }
0x7d: {  	[sflag:s23] =	ssyncadd.s32 $0xFFFFD800  }
0x7e: {  	_ =	swait.ge [sflag:s23], $0x2800  }
0x7f: {  	[sflag:s23] =	ssyncset.done $0x0  }
0x80: {  	[sflag:s23] =	ssyncadd.s32 $0xFFFFD800  }
0x81: {  	_ =	swait.ge [sflag:s23], $0x2800  }
0x82: {  	[sflag:s23] =	ssyncset.done $0x0  }
0x83: {  	[sflag:s23] =	ssyncadd.s32 $0xFFFFD800  }
.Ltmp0:
0x84: {  	_ =	swait.ge [sflag:s23], $0x2800;
	(pc) =	sbr.rel @p0 .LBB2_2-.Ltmp0, $4  }
0x85: {  	[sflag:s23] =	ssyncset.done $0x0  }
0x86: {  	[sflag:s23] =	ssyncadd.s32 $0xFFFFD800  }
0x87: {  	s28 =	sadd.s32 $0x1900, s28;
	_ =	swait.ge [sflag:s23], $0x2800  }
0x88: {  	p1 =	seq.s32 s30, $0x0;
	s29 =	sadd.s32 $0x1900, s29;
	[sflag:s23] =	ssyncset.done $0x0  }
0x89: {  	s0 =	simm.s32 @!p1 $0x2;
	[sflag:s23] =	ssyncadd.s32 $0xFFFFD800  }
0x8a: {  	[hbm4b:s9+s4] =	stream.linear.scatter [tilespmem:s18], [sflag:$0x3], $0xC800, $0x38;
	[tilespmem:$0x1A300] =	vst v63  }
0x8b: {  	_ =	swait.ge @!p1 [sflag:s0], $0xC800  }
0x8c: {  	[sflag:s0] =	ssyncset.done @!p1 $0x0  }
0x8d: {  	[sflag:s0] =	ssyncadd.s32 @!p1 $0xFFFF3800;
	s0 =	sshra.s32 s30, $0x2  }
0x8e: {  	[tilespmem:s13], [sflag:$0x1] =	stream.indirect.gather [hbm4b:s1+s12], $0x80, s0, s12, $0xb8;
	[tilespmem:$0x1A300] =	vst v63  }
0x8f: {  	s5 =	sadd.s32 $0x50, s0  }
0x90: {  	[tilespmem:s14], [sflag:$0x1] =	stream.indirect.gather [hbm4b:s1+s12], $0x80, s5, s12, $0xb8;
	[tilespmem:$0x1A300] =	vst v63  }
0x91: {  	s11 =	sadd.s32 $0xA0, s0  }
0x92: {  	[tilespmem:s15], [sflag:$0x1] =	stream.indirect.gather [hbm4b:s1+s12], $0x80, s11, s12, $0xb8;
	[tilespmem:$0x1A300] =	vst v63  }
0x93: {  	s30 =	sadd.s32 $0xF0, s0  }
0x94: {  	[tilespmem:s16], [sflag:$0x1] =	stream.indirect.gather [hbm4b:s1+s12], $0x80, s30, s12, $0xb8;
	[tilespmem:$0x1A300] =	vst v63  }
0x95: {  	s9 =	simm.s32 @!p1 $0x3;
	s31 =	sadd.s32 $0x140, s0  }
0x96: {  	[tilespmem:s17], [sflag:$0x1] =	stream.indirect.gather [hbm4b:s1+s12], $0x80, s31, s12, $0xb8;
	[tilespmem:$0x1A300] =	vst v63  }
0x97: {  	_ =	swait.ge @!p1 [sflag:s9], $0xC800  }
0x98: {  	[sflag:s9] =	ssyncset.done @!p1 $0x0  }
0x99: {  	[sflag:s9] =	ssyncadd.s32 @!p1 $0xFFFF3800;
	s9 =	sadd.s32 $0x980, s0  }
0x9a: {  	[tilespmem:s18], [sflag:$0x1] =	stream.indirect.gather [hbm4b:s3+s12], $0x80, s9, s12, $0xb8;
	[tilespmem:$0x1A300] =	vst v63  }
0x9b: {  	s11 =	sadd.s32 $0x9D0, s0  }
0x9c: {  	[tilespmem:s19], [sflag:$0x1] =	stream.indirect.gather [hbm4b:s3+s12], $0x80, s11, s12, $0xb8;
	[tilespmem:$0x1A300] =	vst v63  }
0x9d: {  	s30 =	sadd.s32 $0xA20, s0  }
0x9e: {  	[tilespmem:s20], [sflag:$0x1] =	stream.indirect.gather [hbm4b:s3+s12], $0x80, s30, s12, $0xb8;
	[tilespmem:$0x1A300] =	vst v63  }
0x9f: {  	s31 =	sadd.s32 $0xA70, s0  }
0xa0: {  	[tilespmem:s21], [sflag:$0x1] =	stream.indirect.gather [hbm4b:s3+s12], $0x80, s31, s12, $0xb8;
	[tilespmem:$0x1A300] =	vst v63  }
0xa1: {  	s0 =	sadd.s32 $0xAC0, s0  }
0xa2: {  	[tilespmem:s22], [sflag:$0x1] =	stream.indirect.gather [hbm4b:s3+s12], $0x80, s0, s12, $0xb8;
	[tilespmem:$0x1A300] =	vst v63  }
0xa3: {  	_ =	swait.ge [sflag:s23], $0x2800  }
0xa4: {  	[sflag:s23] =	ssyncset.done $0x0  }
0xa5: {  	[sflag:s23] =	ssyncadd.s32 $0xFFFFD800  }
0xa6: {  	_ =	swait.ge [sflag:s23], $0x2800  }
0xa7: {  	[sflag:s23] =	ssyncset.done $0x0  }
0xa8: {  	[sflag:s23] =	ssyncadd.s32 $0xFFFFD800  }
0xa9: {  	_ =	swait.ge [sflag:s23], $0x2800  }
0xaa: {  	[sflag:s23] =	ssyncset.done $0x0  }
0xab: {  	[sflag:s23] =	ssyncadd.s32 $0xFFFFD800  }
0xac: {  	_ =	swait.ge [sflag:s23], $0x2800  }
0xad: {  	[sflag:s23] =	ssyncset.done $0x0  }
0xae: {  	[sflag:s23] =	ssyncadd.s32 $0xFFFFD800  }
0xaf: {  	_ =	swait.ge [sflag:s23], $0x2800  }
0xb0: {  	[sflag:s23] =	ssyncset.done $0x0  }
0xb1: {  	[sflag:s23] =	ssyncadd.s32 $0xFFFFD800  }
0xb2: {  	[hbm4b:s29+s4] =	stream.linear.scatter [tilespmem:s13], [sflag:$0x2], $0xC800, $0x38;
	[tilespmem:$0x1A300] =	vst v63  }
0xb3: {  	_ =	swait.ge [sflag:s23], $0x2800  }
0xb4: {  	[sflag:s23] =	ssyncset.done $0x0  }
0xb5: {  	[sflag:s23] =	ssyncadd.s32 $0xFFFFD800  }
0xb6: {  	_ =	swait.ge [sflag:s23], $0x2800  }
0xb7: {  	[sflag:s23] =	ssyncset.done $0x0  }
0xb8: {  	[sflag:s23] =	ssyncadd.s32 $0xFFFFD800  }
0xb9: {  	_ =	swait.ge [sflag:s23], $0x2800  }
0xba: {  	[sflag:s23] =	ssyncset.done $0x0  }
0xbb: {  	[sflag:s23] =	ssyncadd.s32 $0xFFFFD800  }
0xbc: {  	_ =	swait.ge [sflag:s23], $0x2800  }
0xbd: {  	[sflag:s23] =	ssyncset.done $0x0  }
0xbe: {  	[sflag:s23] =	ssyncadd.s32 $0xFFFFD800  }
0xbf: {  	_ =	swait.ge [sflag:s23], $0x2800  }
0xc0: {  	[sflag:s23] =	ssyncset.done $0x0  }
0xc1: {  	s26 =	sadd.s32 $0x1, s26;
	[sflag:s23] =	ssyncadd.s32 $0xFFFFD800  }
0xc2: {  	[hbm4b:s28+s4] =	stream.linear.scatter [tilespmem:s18], [sflag:$0x3], $0xC800, $0x38;
	[tilespmem:$0x1A300] =	vst v63  }
0xc3: {  	p0 =	sne.s32 s26, s7;
	_ =	swait.ge [sflag:s24], $0xC800  }
.Ltmp1:
0xc4: {  	[sflag:s24] =	ssyncset.done $0x0;
	(pc) =	sbr.rel @p0 .LBB2_1-.Ltmp1, $4  }
0xc5: {  	[sflag:s24] =	ssyncadd.s32 $0xFFFF3800  }
0xc6: {  	_ =	swait.ge [sflag:s25], $0xC800  }
0xc7: {  	[sflag:s25] =	ssyncset.done $0x0  }
0xc8: {  	[sflag:s25] =	ssyncadd.s32 $0xFFFF3800  }
0xc9: {  	_ =	sfence.sel $0x180000  }
0xca: {  	[bflag:$0x0] =	sbarrier.arrive $0xFFFF  }
0xcb: {  	_ =	strace $0x9000004D  }
0xcc: {  	s0 =	stileid.u32;
	[bflag:$0x2] =	sbarrier.arrive $0xFFFF  }
0xcd: {  	p0 =	sne.s32 s0, $0x0;
	s0 =	rddreg [dreg:$0x3]  }
0xce: {  	s0 =	sadd.s32 @!p0 $0x100000, s0  }
0xcf: {  	[sflag:s0] =	ssyncadd.tile.s32 @!p0 $0x1;
	_ =	shalt  }
.Lfunc_end2:
_tile_overlayer_lowered:
.L_overlay_start_2:
0xd0: {  	(tag) =	ssettag $0x2  }
0xd1: {  	s0 =	rddreg [dreg:$0x0];
	s2 =	stileid.u32  }
0xd2: {  	s1 =	rddreg [dreg:$0x1];
	p0 =	sne.s32 s2, $0x0  }
0xd3: {  	s3 =	rddreg [dreg:$0x2];
	[bflag:$0x3] =	sbarrier.arrive $0xFFFF;
	s2 =	simm.s32 @!p0 $0x1C04  }
0xd4: {  	[timem:s3], [sflag:s2] =	dma.local @!p0 [hbm:s0], s1  }
0xd5: {  	s0 =	simm.s32 @!p0 $0x4  }
0xd6: {  	_ =	swait.ge @!p0 [sflag:s0], s1  }
0xd7: {  	s1 =	ssub.s32 @!p0 $0x0, s1;
	[sflag:s0] =	ssyncset.done @!p0 $0x0  }
0xd8: {  	[sflag:s0] =	ssyncadd.s32 @!p0 s1  }
0xd9: {  	[bflag:$0x3] =	sbarrier.arrive $0xFFFF  }
0xda: {  	_ =	shalt  }

// kernel: kernel.21.cloned.1.call-start
scs
__scs_entry_jumppad:
0x0: {  	(pc) =	sbr.rel $0x88, $3  }
0x1: {  	(tag) =	ssettag $0x0;
	lr =	simm.s32 $0x1  }
0x2: {  	[smem:$0x3F96] =	sst lr;
	_ =	strace $0xD0000000  }
0x3: {  	_ = 	snop  }
0x4: {  	_ = 	snop  }
0x5: {  	_ = 	snop  }
0x6: {  	_ = 	snop  }
0x7: {  	_ = 	snop  }
__scs_overlays_trampoline_lowered:
0x8: {  	[smem:$0x3FA5] =	sst s0  }
0x9: {  	[smem:$0x3FA6] =	sst s1  }
0xa: {  	[smem:$0x3FA7] =	sst s2  }
0xb: {  	[smem:$0x3FA8] =	sst s3  }
0xc: {  	[smem:$0x3FA9] =	sst s4  }
0xd: {  	[smem:$0x3FAA] =	sst s5  }
0xe: {  	[smem:$0x3FAB] =	sst s6  }
0xf: {  	[smem:$0x3FAC] =	sst s7  }
0x10: {  	[smem:$0x3FAD] =	sst s8  }
0x11: {  	[smem:$0x3FAE] =	sst s9;
	s0 =	simm.s32 @!p0 $0x0  }
0x12: {  	s1 =	sld [smem:$0x3F94];
	s0 =	simm.s32 @p0 $0x1  }
0x13: {  	[smem:$0x3FAF] =	sst s0;
	s0 =	simm.s32 @!p1 $0x0  }
0x14: {  	s2 =	sld [smem:$0x3F93];
	s0 =	simm.s32 @p1 $0x1  }
0x15: {  	[smem:$0x3FB0] =	sst s0;
	s0 =	simm.s32 @!p2 $0x0  }
0x16: {  	s3 =	sld [smem:$0x3FDB];
	s0 =	simm.s32 @p2 $0x1  }
0x17: {  	s4 =	simm.s32 $0x1BF5;
	[smem:$0x3FB2] =	sst s0  }
0x18: {  	s0 =	sld [smem:$0x3F95];
	_ =	swait.ge [sflag:s4], $0x0  }
0x19: {  	s7 =	sld [smem:$0x3F96]  }
0x1a: {  	s8 =	sadd.s32 $0xFFFFE003, lr  }
0x1b: {  	s9 =	sadd.s32 $0xFFFFFEF7, lr;
	s5 =	simm.s32 $0xFFFFFFFF;
	p2 =	slt.u32 s8, $0xFFFFF086  }
0x1c: {  	p1 =	slt.u32 s9, $0xF7A;
	s5 =	simm.s32 @!p2 $0x0  }
0x1d: {  	s5 =	simm.s32 @p1 $0x1;
	p0 =	seq.s32 s7, s2  }
0x1e: {  	s7 =	smul.u32 @!p0 $0xF7A, s2;
	p2 =	seq.s32 @!p0 s5, $0x0  }
0x1f: {  	s9 =	smul.u32 $0xF7A, s1;
	s8 =	simm.s32 @!p0 $0x1BF5;
	p2 =	por !p2, p0  }
0x20: {  	[sflag:s8] =	ssyncset.s32 @!p0 $0xFFFFF086;
	s6 =	sadd.s32 @!p0 s3, s7;
	s7 =	simm.s32 @!p0 $0x108  }
0x21: {  	s3 =	sadd.s32 s3, s9;
	s6 =	sadd.s32 @!p0 $0x88, s6;
	s7 =	simm.s32 @p2 $0x1082  }
0x22: {  	[simem:s7], [sflag:s8] =	dma.local @!p0 [hbm:s6], $0xF7A  }
0x23: {  	s9 =	sor.u32 $0xD0000000, s2;
	s6 =	simm.s32 $0x108;
	_ =	swait.ge @!p0 [sflag:s8], $0x0  }
0x24: {  	s3 =	sadd.s32 $0x88, s3;
	s6 =	simm.s32 @!p1 $0x1082;
	[sflag:s4] =	ssyncset.s32 $0xFFFFF086  }
0x25: {  	[simem:s6], [sflag:s4] =	dma.local [hbm:s3], $0xF7A  }
0x26: {  	[smem:$0x3F96] =	sst s1;
	(tag) =	ssettag s2;
	_ =	strace s9  }
0x27: {  	s1 =	sld [smem:$0x3FA6]  }
0x28: {  	s2 =	sld [smem:$0x3FA7]  }
0x29: {  	s4 =	sld [smem:$0x3FA9]  }
0x2a: {  	p0 =	seq.s32 s5, $0x0;
	s5 =	sld [smem:$0x3FAA]  }
0x2b: {  	s6 =	sld [smem:$0x3FAB]  }
0x2c: {  	s7 =	sld [smem:$0x3FAC]  }
0x2d: {  	s3 =	simm.s32 $0x108;
	s8 =	sld [smem:$0x3FAD]  }
0x2e: {  	s3 =	simm.s32 @!p0 $0x1082;
	s9 =	sld [smem:$0x3FAE]  }
0x2f: {  	lr =	sadd.s32 s0, s3;
	s0 =	sld [smem:$0x3FA5]  }
0x30: {  	s3 =	sld [smem:$0x3FA8]  }
0x31: {  	[smem:$0x3FB1] =	sst s10  }
0x32: {  	s10 =	sld [smem:$0x3FAF];
	_ =	sdelay $0x3  }
0x33: {  	p0 =	seq.s32 s10, $0x1;
	s10 =	sld [smem:$0x3FB1];
	_ =	sdelay $0x3  }
0x34: {  	[smem:$0x3FB1] =	sst s10  }
0x35: {  	s10 =	sld [smem:$0x3FB0];
	_ =	sdelay $0x3  }
0x36: {  	p1 =	seq.s32 s10, $0x1;
	s10 =	sld [smem:$0x3FB1];
	_ =	sdelay $0x3  }
0x37: {  	[smem:$0x3FB1] =	sst s10  }
0x38: {  	s10 =	sld [smem:$0x3FB2]  }
0x39: {  	_ = 	snop;
	(pc) =	sbr.ind lr, $3  }
0x3a: {  	_ = 	snop  }
0x3b: {  	_ = 	snop  }
0x3c: {  	p2 =	seq.s32 s10, $0x1;
	s10 =	sld [smem:$0x3FB1]  }
0x3d: {  	_ =	shalt  }
0x3e: {  	_ =	shalt  }
0x3f: {  	_ =	shalt  }
0x40: {  	_ =	shalt  }
0x41: {  	_ =	shalt  }
0x42: {  	_ =	shalt  }
0x43: {  	_ =	shalt  }
0x44: {  	_ =	shalt  }
0x45: {  	_ =	shalt  }
0x46: {  	_ =	shalt  }
0x47: {  	_ =	shalt  }
0x48: {  	_ =	shalt  }
0x49: {  	_ =	shalt  }
0x4a: {  	_ =	shalt  }
0x4b: {  	_ =	shalt  }
0x4c: {  	_ =	shalt  }
0x4d: {  	_ =	shalt  }
0x4e: {  	_ =	shalt  }
0x4f: {  	_ =	shalt  }
0x50: {  	_ =	shalt  }
0x51: {  	_ =	shalt  }
0x52: {  	_ =	shalt  }
0x53: {  	_ =	shalt  }
0x54: {  	_ =	shalt  }
0x55: {  	_ =	shalt  }
0x56: {  	_ =	shalt  }
0x57: {  	_ =	shalt  }
0x58: {  	_ =	shalt  }
0x59: {  	_ =	shalt  }
0x5a: {  	_ =	shalt  }
0x5b: {  	_ =	shalt  }
0x5c: {  	_ =	shalt  }
0x5d: {  	_ =	shalt  }
0x5e: {  	_ =	shalt  }
0x5f: {  	_ =	shalt  }
0x60: {  	_ =	shalt  }
0x61: {  	_ =	shalt  }
0x62: {  	_ =	shalt  }
0x63: {  	_ =	shalt  }
0x64: {  	_ =	shalt  }
0x65: {  	_ =	shalt  }
0x66: {  	_ =	shalt  }
0x67: {  	_ =	shalt  }
0x68: {  	_ =	shalt  }
0x69: {  	_ =	shalt  }
0x6a: {  	_ =	shalt  }
0x6b: {  	_ =	shalt  }
0x6c: {  	_ =	shalt  }
0x6d: {  	_ =	shalt  }
0x6e: {  	_ =	shalt  }
0x6f: {  	_ =	shalt  }
0x70: {  	_ =	shalt  }
0x71: {  	_ =	shalt  }
0x72: {  	_ =	shalt  }
0x73: {  	_ =	shalt  }
0x74: {  	_ =	shalt  }
0x75: {  	_ =	shalt  }
0x76: {  	_ =	shalt  }
0x77: {  	_ =	shalt  }
0x78: {  	_ =	shalt  }
0x79: {  	_ =	shalt  }
0x7a: {  	_ =	shalt  }
0x7b: {  	_ =	shalt  }
0x7c: {  	_ =	shalt  }
0x7d: {  	_ =	shalt  }
0x7e: {  	_ =	shalt  }
0x7f: {  	_ =	shalt  }
0x80: {  	_ =	shalt  }
0x81: {  	_ =	shalt  }
0x82: {  	_ =	shalt  }
0x83: {  	_ =	shalt  }
0x84: {  	_ =	shalt  }
0x85: {  	_ =	shalt  }
0x86: {  	_ =	shalt  }
0x87: {  	_ =	shalt  }
.Lfunc_end0:
.L_simem_size_0:
called_computation.3_lowered:
.L_overlay_start_0:
0x88: {  	s2 =	sld [smem:$0x3FD9]  }
0x89: {  	s3 =	sld [smem:$0x3FFE];
	_ =	sdelay $0x1  }
0x8a: {  	s1 =	srdreg.scid  }
0x8b: {  	s0 =	sand.u32 $0x1, s1  }
0x8c: {  	s17 =	sshll.u32 s0, $0xA;
	s2 =	sadd.s32 s3, s2  }
0x8d: {  	s2 =	sadd.s32 s2, s17  }
0x8e: {  	[smem:$0x3FBD] =	sst s2  }
0x8f: {  	_ = 	snop  }
0x90: {  	s18 =	sld [smem:$0x3FC9]  }
0x91: {  	s4 =	sld [smem:$0x3FC8];
	(tm) =	ssettm $0x1  }
0x92: {  	s19 =	sld [smem:$0x3FFB];
	_ =	sdelay $0x3  }
0x93: {  	_ =	strace s19  }
0x94: {  	s2 =	sld [smem:$0x3FFC];
	_ =	sdelay $0x3  }
0x95: {  	_ =	strace s2  }
0x96: {  	s2 =	sld [smem:$0x3FFD];
	_ =	sdelay $0x3  }
0x97: {  	_ =	strace s2  }
0x98: {  	_ =	strace $0x8FFFFFFF  }
0x99: {  	s20 =	sld [smem:$0x3FDB];
	_ =	sdelay $0x1  }
0x9a: {  	s5 =	simm.s32 $_scs_section_size  }
0x9b: {  	s6 =	simm.s32 $_size__tile_overlayer_lowered;
	s7 =	simm.s32 $_tile_overlayer_lowered  }
0x9c: {  	s8 =	simm.s32 $0x1BFF;
	s21 =	sshll.u32 s7, $0x1;
	s5 =	sadd.s32 s5, s20  }
0x9d: {  	s22 =	simm.s32 $0x0;
	s6 =	sshll.u32 s6, $0x1;
	s7 =	sadd.s32 s21, s5  }
0x9e: {  	[timem:s22], [sflag:s8] =	dma.local [hbm:s7], s6  }
0x9f: {  	_ =	swait.ge [sflag:s8], s6  }
0xa0: {  	s6 =	ssub.s32 $0x0, s6;
	[sflag:s8] =	ssyncset.done $0x0  }
0xa1: {  	[sflag:s8] =	ssyncadd.s32 s6;
	_ =	sdelay $0x1  }
0xa2: {  	s23 =	simm.s32 $0x1B8B  }
0xa3: {  	_ =	swait.ge [sflag:s23], $0x1  }
0xa4: {  	[sflag:s23] =	ssyncset.done $0x0  }
0xa5: {  	[sflag:s23] =	ssyncadd.s32 $0xFFFFFFFF  }
0xa6: {  	s6 =	sld [smem:$0x0]  }
0xa7: {  	s7 =	sand.u32 $0xFFFFFFFE, s1  }
0xa8: {  	p0 =	sne.s32 s1, s7  }
0xa9: {  	s7 =	sshll.u32 @p0 s7, $0xE  }
0xaa: {  	s7 =	sadd.s32 @p0 $0x11B8D, s7;
	s8 =	sshll.u32 @p0 s6, $0x11  }
0xab: {  	s7 =	sor.u32 @p0 s8, s7  }
0xac: {  	[sflag:s7] =	ssyncadd.remote.s32 @p0 $0x1;
	_ =	sdelay $0x1  }
0xad: {  	s7 =	simm.s32 @p0 $0x1B8D  }
0xae: {  	_ =	swait.eq @p0 [sflag:s7], $0x1  }
0xaf: {  	[sflag:s7] =	ssyncadd.s32 @p0 $0xFFFFFFFF  }
0xb0: {  	s8 =	sshll.u32 @!p0 s1, $0xE  }
0xb1: {  	s8 =	sor.u32 @!p0 $0x4000, s8;
	s7 =	simm.s32 @!p0 $0x1B8D  }
0xb2: {  	s6 =	sshll.u32 @!p0 s6, $0x11;
	s8 =	sadd.s32 @!p0 $0x11B8D, s8;
	_ =	swait.eq @!p0 [sflag:s7], $0x1  }
0xb3: {  	s6 =	sor.u32 @!p0 s6, s8;
	[sflag:s7] =	ssyncadd.s32 @!p0 $0xFFFFFFFF  }
0xb4: {  	s25 =	simm.s32 $0x1B8E;
	s24 =	sld [smem:$0x3FFE];
	[sflag:s6] =	ssyncadd.remote.s32 @!p0 $0x1  }
0xb5: {  	s26 =	simm.s32 $execute0_lowered;
	[smem:$0x3FD2] =	sst s25  }
0xb6: {  	s7 =	sshll.u32 s26, $0x1;
	_ =	strace $0x8000004F;
	[dreg:$0x1] =	wrdreg $0xFFFFFFFF  }
0xb7: {  	s28 =	simm.s32 $_size_execute0_lowered;
	s5 =	sadd.s32 s5, s7;
	[dreg:$0x0] =	wrdreg $0x0  }
0xb8: {  	s7 =	sshll.u32 s28, $0x1;
	[dreg:$0x2] =	wrdreg s5  }
0xb9: {  	[dreg:$0x3] =	wrdreg s7  }
0xba: {  	[dreg:$0x4] =	wrdreg $0xC0  }
0xbb: {  	_ =	task [dreg:s22], $0x5FFFF  }
0xbc: {  	[dreg:$0x1] =	wrdreg $0xFFFFFFFF  }
0xbd: {  	[dreg:$0x0] =	wrdreg $0x60  }
0xbe: {  	[dreg:$0x2] =	wrdreg s18  }
0xbf: {  	[dreg:$0x3] =	wrdreg s4  }
0xc0: {  	[dreg:$0x4] =	wrdreg s24  }
0xc1: {  	[dreg:$0x5] =	wrdreg $0xC  }
0xc2: {  	_ =	task.clear_ibuf [dreg:s22], $0x6FFFF;
	_ =	strace $0x9000004F  }
0xc3: {  	s29 =	simm.s32 $0xC;
	_ =	strace $0x80000051  }
0xc4: {  	_ =	swait.ge [sflag:s29], $0x1  }
0xc5: {  	[sflag:s29] =	ssyncadd.s32 $0xFFFFFFFF  }
0xc6: {  	_ =	strace $0x90000051  }
0xc7: {  	_ =	sfence  }
0xc8: {  	s30 =	sld [smem:$0x0];
	_ =	sdelay $0x2  }
0xc9: {  	s31 =	sshll.u32 s1, $0xD;
	s1 =	sshrl.u32 s1, $0x2  }
0xca: {  	s4 =	sand.u32 $0x4000, s31;
	s1 =	sadd.s32 s1, s30  }
0xcb: {  	s0 =	sor.u32 s4, s0;
	s1 =	sshll.u32 s1, $0x11  }
0xcc: {  	s0 =	sor.u32 s1, s0  }
0xcd: {  	s0 =	sadd.s32 $0x8F2B, s0  }
0xce: {  	[sflag:s0] =	ssyncadd.remote.s32 $0x1  }
0xcf: {  	_ =	sfence.sel $0xFFFF  }
0xd0: {  	[dreg:$0x0] =	wrdreg $0xFFFFFFFF;
	(pc) =	sbr.abs _section_cstart, $3  }
0xd1: {  	[dreg:$0x1] =	wrdreg $0xFFFFFFFF  }
0xd2: {  	_ =	task.clear_ibuf [dreg:s22], $0x2FFFF;
	_ =	strace $0x9FFFFFFF  }
0xd3: {  	(tm) =	ssettm $0x7FFFFFFF  }
tec
execute0_lowered:
.L_overlay_start_1:
0x0: {  	(tag) =	ssettag $0x1  }
0x1: {  	s1 =	rddreg [dreg:$0x0]  }
0x2: {  	s3 =	rddreg [dreg:$0x1]  }
0x3: {  	s2 =	srdreg.scid;
	s0 =	stileid.u32  }
0x4: {  	s5 =	rddreg [dreg:$0x2];
	s4 =	simm.s32 $0x0;
	s10 =	simm.s32 $0x4  }
0x5: {  	s12 =	simm.s32 $0x50;
	s13 =	simm.s32 $0x1300;
	s14 =	simm.s32 $0x3B00  }
0x6: {  	s15 =	simm.s32 $0x6300;
	s16 =	simm.s32 $0x8B00;
	s17 =	simm.s32 $0xB300  }
0x7: {  	s18 =	simm.s32 $0xDB00;
	s19 =	simm.s32 $0x10300;
	s20 =	simm.s32 $0x12B00  }
0x8: {  	s21 =	simm.s32 $0x15300;
	s22 =	simm.s32 $0x17B00;
	s23 =	simm.s32 $0x1  }
0x9: {  	s24 =	simm.s32 $0x2;
	s2 =	sand.u32 $0x1, s2;
	s6 =	sshll.u32 s0, $0x1  }
0xa: {  	s25 =	simm.s32 $0x3;
	s7 =	smul.u32 $0x12C00, s0;
	s6 =	sor.u32 s2, s6  }
0xb: {  	s26 =	simm.s32 $0x0;
	[smem:$0x7FF] =	sst s4;
	s6 =	smul.u32 $0x960, s6  }
0xc: {  	_ =	strace $0x80000050;
	s8 =	ssub.s32 $0x2, s2;
	s2 =	smul.u32 $0x9600, s2  }
0xd: {  	s7 =	sadd.s32 s7, s5;
	s30 =	sshrl.u32 s8, $0x1;
	s6 =	sshrl.u32 s6, $0x3  }
0xe: {  	s8 =	ssub.s32 s8, s30;
	s2 =	sadd.s32 s2, s7;
	s6 =	sadd.s32 s6, s5  }
0xf: {  	s7 =	smax.u32 s8, $0x1;
	s8 =	sadd.s32 $0x4F9A00, s2;
	s31 =	sadd.s32 $0x42800, s6  }
0x10: {  	s2 =	sadd.s32 $0x625A00, s2;
	s6 =	sadd.s32 $0x40200, s6;
	[dreg:$0x4] =	wrdreg s31  }
.LBB2_1:
0x11: {  	s0 =	rddreg [dreg:$0x4]  }
0x12: {  	[tilespmem:s4], [sflag:$0x4] =	stream.linear.gather [hbm4b:s0+s4], $0x960, $0x38;
	[tilespmem:$0x1A300] =	vst v63  }
0x13: {  	_ =	swait.ge [sflag:s10], $0x960  }
0x14: {  	[sflag:s10] =	ssyncset.done $0x0  }
0x15: {  	s9 =	simm.s32 $0x980;
	[sflag:s10] =	ssyncadd.s32 $0xFFFFF6A0  }
0x16: {  	[tilespmem:s9], [sflag:$0x4] =	stream.linear.gather [hbm4b:s6+s4], $0x960, $0x38;
	[tilespmem:$0x1A300] =	vst v63  }
0x17: {  	_ =	swait.ge [sflag:s10], $0x960  }
0x18: {  	p0 =	por $0x1, $0x1;
	[sflag:s10] =	ssyncset.done $0x0  }
0x19: {  	s9 =	simm.s32 @!p0 $0x2;
	[sflag:s10] =	ssyncadd.s32 $0xFFFFF6A0  }
0x1a: {  	_ =	swait.ge @!p0 [sflag:s9], $0xC800  }
0x1b: {  	[sflag:s9] =	ssyncset.done @!p0 $0x0  }
0x1c: {  	s11 =	simm.s32 $0x0;
	[sflag:s9] =	ssyncadd.s32 @!p0 $0xFFFF3800  }
0x1d: {  	[tilespmem:s13], [sflag:$0x1] =	stream.indirect.gather [hbm4b:s1+s12], $0x80, s11, s12, $0xb8;
	[tilespmem:$0x1A300] =	vst v63  }
0x1e: {  	s0 =	simm.s32 $0x50  }
0x1f: {  	[tilespmem:s14], [sflag:$0x1] =	stream.indirect.gather [hbm4b:s1+s12], $0x80, s0, s12, $0xb8;
	[tilespmem:$0x1A300] =	vst v63  }
0x20: {  	s5 =	simm.s32 $0xA0  }
0x21: {  	[tilespmem:s15], [sflag:$0x1] =	stream.indirect.gather [hbm4b:s1+s12], $0x80, s5, s12, $0xb8;
	[tilespmem:$0x1A300] =	vst v63  }
0x22: {  	s11 =	simm.s32 $0xF0  }
0x23: {  	[tilespmem:s16], [sflag:$0x1] =	stream.indirect.gather [hbm4b:s1+s12], $0x80, s11, s12, $0xb8;
	[tilespmem:$0x1A300] =	vst v63  }
0x24: {  	s28 =	simm.s32 @!p0 $0x3;
	s0 =	simm.s32 $0x140  }
0x25: {  	[tilespmem:s17], [sflag:$0x1] =	stream.indirect.gather [hbm4b:s1+s12], $0x80, s0, s12, $0xb8;
	[tilespmem:$0x1A300] =	vst v63  }
0x26: {  	_ =	swait.ge @!p0 [sflag:s28], $0xC800  }
0x27: {  	[sflag:s28] =	ssyncset.done @!p0 $0x0  }
0x28: {  	s5 =	simm.s32 $0x980;
	[sflag:s28] =	ssyncadd.s32 @!p0 $0xFFFF3800  }
0x29: {  	[tilespmem:s18], [sflag:$0x1] =	stream.indirect.gather [hbm4b:s3+s12], $0x80, s5, s12, $0xb8;
	[tilespmem:$0x1A300] =	vst v63  }
0x2a: {  	s11 =	simm.s32 $0x9D0  }
0x2b: {  	[tilespmem:s19], [sflag:$0x1] =	stream.indirect.gather [hbm4b:s3+s12], $0x80, s11, s12, $0xb8;
	[tilespmem:$0x1A300] =	vst v63  }
0x2c: {  	s0 =	simm.s32 $0xA20  }
0x2d: {  	[tilespmem:s20], [sflag:$0x1] =	stream.indirect.gather [hbm4b:s3+s12], $0x80, s0, s12, $0xb8;
	[tilespmem:$0x1A300] =	vst v63  }
0x2e: {  	s5 =	simm.s32 $0xA70  }
0x2f: {  	[tilespmem:s21], [sflag:$0x1] =	stream.indirect.gather [hbm4b:s3+s12], $0x80, s5, s12, $0xb8;
	[tilespmem:$0x1A300] =	vst v63  }
0x30: {  	s11 =	simm.s32 $0xAC0  }
0x31: {  	[tilespmem:s22], [sflag:$0x1] =	stream.indirect.gather [hbm4b:s3+s12], $0x80, s11, s12, $0xb8;
	[tilespmem:$0x1A300] =	vst v63  }
0x32: {  	_ =	swait.ge [sflag:s23], $0x2800  }
0x33: {  	[sflag:s23] =	ssyncset.done $0x0  }
0x34: {  	[sflag:s23] =	ssyncadd.s32 $0xFFFFD800  }
0x35: {  	_ =	swait.ge [sflag:s23], $0x2800  }
0x36: {  	[sflag:s23] =	ssyncset.done $0x0  }
0x37: {  	[sflag:s23] =	ssyncadd.s32 $0xFFFFD800  }
0x38: {  	_ =	swait.ge [sflag:s23], $0x2800  }
0x39: {  	[sflag:s23] =	ssyncset.done $0x0  }
0x3a: {  	[sflag:s23] =	ssyncadd.s32 $0xFFFFD800  }
0x3b: {  	_ =	swait.ge [sflag:s23], $0x2800  }
0x3c: {  	[sflag:s23] =	ssyncset.done $0x0  }
0x3d: {  	[sflag:s23] =	ssyncadd.s32 $0xFFFFD800  }
0x3e: {  	_ =	swait.ge [sflag:s23], $0x2800  }
0x3f: {  	[sflag:s23] =	ssyncset.done $0x0  }
0x40: {  	[sflag:s23] =	ssyncadd.s32 $0xFFFFD800  }
0x41: {  	[hbm4b:s8+s4] =	stream.linear.scatter [tilespmem:s13], [sflag:$0x2], $0xC800, $0x38;
	[tilespmem:$0x1A300] =	vst v63  }
0x42: {  	_ =	swait.ge [sflag:s23], $0x2800  }
0x43: {  	[sflag:s23] =	ssyncset.done $0x0  }
0x44: {  	[sflag:s23] =	ssyncadd.s32 $0xFFFFD800  }
0x45: {  	_ =	swait.ge [sflag:s23], $0x2800  }
0x46: {  	[sflag:s23] =	ssyncset.done $0x0  }
0x47: {  	[sflag:s23] =	ssyncadd.s32 $0xFFFFD800  }
0x48: {  	_ =	swait.ge [sflag:s23], $0x2800  }
0x49: {  	[sflag:s23] =	ssyncset.done $0x0  }
0x4a: {  	[sflag:s23] =	ssyncadd.s32 $0xFFFFD800  }
0x4b: {  	_ =	swait.ge [sflag:s23], $0x2800  }
0x4c: {  	[sflag:s23] =	ssyncset.done $0x0  }
0x4d: {  	s30 =	simm.s32 $0x640;
	s31 =	simm.s32 $0xC80;
	[sflag:s23] =	ssyncadd.s32 $0xFFFFD800  }
0x4e: {  	p1 =	por $0x0, $0x0;
	s29 =	sadd.s32 $0x1900, s8;
	_ =	swait.ge [sflag:s23], $0x2800  }
0x4f: {  	s9 =	smov.u32 s2;
	s28 =	sadd.s32 $0x1900, s2;
	[sflag:s23] =	ssyncset.done $0x0  }
.LBB2_2:
0x50: {  	s0 =	simm.s32 @!p1 $0x2  }
0x51: {  	[sflag:s23] =	ssyncadd.s32 $0xFFFFD800;
	s11 =	smov.u32 s31;
	s31 =	sadd.s32 $0x640, s31  }
0x52: {  	[hbm4b:s9+s4] =	stream.linear.scatter [tilespmem:s18], [sflag:$0x3], $0xC800, $0x38;
	[tilespmem:$0x1A300] =	vst v63  }
0x53: {  	p0 =	sne.s32 s31, $0x2580;
	s9 =	smov.u32 s28;
	_ =	swait.ge @!p1 [sflag:s0], $0xC800  }
0x54: {  	[sflag:s0] =	ssyncset.done @!p1 $0x0  }
0x55: {  	[sflag:s0] =	ssyncadd.s32 @!p1 $0xFFFF3800;
	s0 =	sshra.s32 s30, $0x2;
	s30 =	smov.u32 s11  }
0x56: {  	[tilespmem:s13], [sflag:$0x1] =	stream.indirect.gather [hbm4b:s1+s12], $0x80, s0, s12, $0xb8;
	[tilespmem:$0x1A300] =	vst v63  }
0x57: {  	s11 =	sadd.s32 $0x50, s0  }
0x58: {  	[tilespmem:s14], [sflag:$0x1] =	stream.indirect.gather [hbm4b:s1+s12], $0x80, s11, s12, $0xb8;
	[tilespmem:$0x1A300] =	vst v63  }
0x59: {  	s11 =	sadd.s32 $0xA0, s0  }
0x5a: {  	[tilespmem:s15], [sflag:$0x1] =	stream.indirect.gather [hbm4b:s1+s12], $0x80, s11, s12, $0xb8;
	[tilespmem:$0x1A300] =	vst v63  }
0x5b: {  	s11 =	sadd.s32 $0xF0, s0  }
0x5c: {  	[tilespmem:s16], [sflag:$0x1] =	stream.indirect.gather [hbm4b:s1+s12], $0x80, s11, s12, $0xb8;
	[tilespmem:$0x1A300] =	vst v63  }
0x5d: {  	s5 =	simm.s32 @!p1 $0x3;
	s11 =	sadd.s32 $0x140, s0  }
0x5e: {  	[tilespmem:s17], [sflag:$0x1] =	stream.indirect.gather [hbm4b:s1+s12], $0x80, s11, s12, $0xb8;
	[tilespmem:$0x1A300] =	vst v63  }
0x5f: {  	_ =	swait.ge @!p1 [sflag:s5], $0xC800  }
0x60: {  	[sflag:s5] =	ssyncset.done @!p1 $0x0  }
0x61: {  	[sflag:s5] =	ssyncadd.s32 @!p1 $0xFFFF3800;
	s5 =	sadd.s32 $0x980, s0  }
0x62: {  	[tilespmem:s18], [sflag:$0x1] =	stream.indirect.gather [hbm4b:s3+s12], $0x80, s5, s12, $0xb8;
	[tilespmem:$0x1A300] =	vst v63  }
0x63: {  	s5 =	sadd.s32 $0x9D0, s0  }
0x64: {  	[tilespmem:s19], [sflag:$0x1] =	stream.indirect.gather [hbm4b:s3+s12], $0x80, s5, s12, $0xb8;
	[tilespmem:$0x1A300] =	vst v63  }
0x65: {  	s5 =	sadd.s32 $0xA20, s0  }
0x66: {  	[tilespmem:s20], [sflag:$0x1] =	stream.indirect.gather [hbm4b:s3+s12], $0x80, s5, s12, $0xb8;
	[tilespmem:$0x1A300] =	vst v63  }
0x67: {  	s5 =	sadd.s32 $0xA70, s0  }
0x68: {  	[tilespmem:s21], [sflag:$0x1] =	stream.indirect.gather [hbm4b:s3+s12], $0x80, s5, s12, $0xb8;
	[tilespmem:$0x1A300] =	vst v63  }
0x69: {  	s0 =	sadd.s32 $0xAC0, s0  }
0x6a: {  	[tilespmem:s22], [sflag:$0x1] =	stream.indirect.gather [hbm4b:s3+s12], $0x80, s0, s12, $0xb8;
	[tilespmem:$0x1A300] =	vst v63  }
0x6b: {  	_ =	swait.ge [sflag:s23], $0x2800  }
0x6c: {  	[sflag:s23] =	ssyncset.done $0x0  }
0x6d: {  	[sflag:s23] =	ssyncadd.s32 $0xFFFFD800  }
0x6e: {  	_ =	swait.ge [sflag:s23], $0x2800  }
0x6f: {  	[sflag:s23] =	ssyncset.done $0x0  }
0x70: {  	[sflag:s23] =	ssyncadd.s32 $0xFFFFD800  }
0x71: {  	_ =	swait.ge [sflag:s23], $0x2800  }
0x72: {  	[sflag:s23] =	ssyncset.done $0x0  }
0x73: {  	[sflag:s23] =	ssyncadd.s32 $0xFFFFD800  }
0x74: {  	_ =	swait.ge [sflag:s23], $0x2800  }
0x75: {  	[sflag:s23] =	ssyncset.done $0x0  }
0x76: {  	[sflag:s23] =	ssyncadd.s32 $0xFFFFD800  }
0x77: {  	_ =	swait.ge [sflag:s23], $0x2800  }
0x78: {  	[sflag:s23] =	ssyncset.done $0x0  }
0x79: {  	[sflag:s23] =	ssyncadd.s32 $0xFFFFD800  }
0x7a: {  	[hbm4b:s29+s4] =	stream.linear.scatter [tilespmem:s13], [sflag:$0x2], $0xC800, $0x38;
	[tilespmem:$0x1A300] =	vst v63  }
0x7b: {  	_ =	swait.ge [sflag:s23], $0x2800  }
0x7c: {  	[sflag:s23] =	ssyncset.done $0x0  }
0x7d: {  	[sflag:s23] =	ssyncadd.s32 $0xFFFFD800  }
0x7e: {  	_ =	swait.ge [sflag:s23], $0x2800  }
0x7f: {  	[sflag:s23] =	ssyncset.done $0x0  }
0x80: {  	[sflag:s23] =	ssyncadd.s32 $0xFFFFD800  }
0x81: {  	_ =	swait.ge [sflag:s23], $0x2800  }
0x82: {  	[sflag:s23] =	ssyncset.done $0x0  }
0x83: {  	[sflag:s23] =	ssyncadd.s32 $0xFFFFD800  }
.Ltmp0:
0x84: {  	_ =	swait.ge [sflag:s23], $0x2800;
	(pc) =	sbr.rel @p0 .LBB2_2-.Ltmp0, $4  }
0x85: {  	[sflag:s23] =	ssyncset.done $0x0  }
0x86: {  	[sflag:s23] =	ssyncadd.s32 $0xFFFFD800  }
0x87: {  	s28 =	sadd.s32 $0x1900, s28;
	_ =	swait.ge [sflag:s23], $0x2800  }
0x88: {  	p1 =	seq.s32 s30, $0x0;
	s29 =	sadd.s32 $0x1900, s29;
	[sflag:s23] =	ssyncset.done $0x0  }
0x89: {  	s0 =	simm.s32 @!p1 $0x2;
	[sflag:s23] =	ssyncadd.s32 $0xFFFFD800  }
0x8a: {  	[hbm4b:s9+s4] =	stream.linear.scatter [tilespmem:s18], [sflag:$0x3], $0xC800, $0x38;
	[tilespmem:$0x1A300] =	vst v63  }
0x8b: {  	_ =	swait.ge @!p1 [sflag:s0], $0xC800  }
0x8c: {  	[sflag:s0] =	ssyncset.done @!p1 $0x0  }
0x8d: {  	[sflag:s0] =	ssyncadd.s32 @!p1 $0xFFFF3800;
	s0 =	sshra.s32 s30, $0x2  }
0x8e: {  	[tilespmem:s13], [sflag:$0x1] =	stream.indirect.gather [hbm4b:s1+s12], $0x80, s0, s12, $0xb8;
	[tilespmem:$0x1A300] =	vst v63  }
0x8f: {  	s5 =	sadd.s32 $0x50, s0  }
0x90: {  	[tilespmem:s14], [sflag:$0x1] =	stream.indirect.gather [hbm4b:s1+s12], $0x80, s5, s12, $0xb8;
	[tilespmem:$0x1A300] =	vst v63  }
0x91: {  	s11 =	sadd.s32 $0xA0, s0  }
0x92: {  	[tilespmem:s15], [sflag:$0x1] =	stream.indirect.gather [hbm4b:s1+s12], $0x80, s11, s12, $0xb8;
	[tilespmem:$0x1A300] =	vst v63  }
0x93: {  	s30 =	sadd.s32 $0xF0, s0  }
0x94: {  	[tilespmem:s16], [sflag:$0x1] =	stream.indirect.gather [hbm4b:s1+s12], $0x80, s30, s12, $0xb8;
	[tilespmem:$0x1A300] =	vst v63  }
0x95: {  	s9 =	simm.s32 @!p1 $0x3;
	s31 =	sadd.s32 $0x140, s0  }
0x96: {  	[tilespmem:s17], [sflag:$0x1] =	stream.indirect.gather [hbm4b:s1+s12], $0x80, s31, s12, $0xb8;
	[tilespmem:$0x1A300] =	vst v63  }
0x97: {  	_ =	swait.ge @!p1 [sflag:s9], $0xC800  }
0x98: {  	[sflag:s9] =	ssyncset.done @!p1 $0x0  }
0x99: {  	[sflag:s9] =	ssyncadd.s32 @!p1 $0xFFFF3800;
	s9 =	sadd.s32 $0x980, s0  }
0x9a: {  	[tilespmem:s18], [sflag:$0x1] =	stream.indirect.gather [hbm4b:s3+s12], $0x80, s9, s12, $0xb8;
	[tilespmem:$0x1A300] =	vst v63  }
0x9b: {  	s11 =	sadd.s32 $0x9D0, s0  }
0x9c: {  	[tilespmem:s19], [sflag:$0x1] =	stream.indirect.gather [hbm4b:s3+s12], $0x80, s11, s12, $0xb8;
	[tilespmem:$0x1A300] =	vst v63  }
0x9d: {  	s30 =	sadd.s32 $0xA20, s0  }
0x9e: {  	[tilespmem:s20], [sflag:$0x1] =	stream.indirect.gather [hbm4b:s3+s12], $0x80, s30, s12, $0xb8;
	[tilespmem:$0x1A300] =	vst v63  }
0x9f: {  	s31 =	sadd.s32 $0xA70, s0  }
0xa0: {  	[tilespmem:s21], [sflag:$0x1] =	stream.indirect.gather [hbm4b:s3+s12], $0x80, s31, s12, $0xb8;
	[tilespmem:$0x1A300] =	vst v63  }
0xa1: {  	s0 =	sadd.s32 $0xAC0, s0  }
0xa2: {  	[tilespmem:s22], [sflag:$0x1] =	stream.indirect.gather [hbm4b:s3+s12], $0x80, s0, s12, $0xb8;
	[tilespmem:$0x1A300] =	vst v63  }
0xa3: {  	_ =	swait.ge [sflag:s23], $0x2800  }
0xa4: {  	[sflag:s23] =	ssyncset.done $0x0  }
0xa5: {  	[sflag:s23] =	ssyncadd.s32 $0xFFFFD800  }
0xa6: {  	_ =	swait.ge [sflag:s23], $0x2800  }
0xa7: {  	[sflag:s23] =	ssyncset.done $0x0  }
0xa8: {  	[sflag:s23] =	ssyncadd.s32 $0xFFFFD800  }
0xa9: {  	_ =	swait.ge [sflag:s23], $0x2800  }
0xaa: {  	[sflag:s23] =	ssyncset.done $0x0  }
0xab: {  	[sflag:s23] =	ssyncadd.s32 $0xFFFFD800  }
0xac: {  	_ =	swait.ge [sflag:s23], $0x2800  }
0xad: {  	[sflag:s23] =	ssyncset.done $0x0  }
0xae: {  	[sflag:s23] =	ssyncadd.s32 $0xFFFFD800  }
0xaf: {  	_ =	swait.ge [sflag:s23], $0x2800  }
0xb0: {  	[sflag:s23] =	ssyncset.done $0x0  }
0xb1: {  	[sflag:s23] =	ssyncadd.s32 $0xFFFFD800  }
0xb2: {  	[hbm4b:s29+s4] =	stream.linear.scatter [tilespmem:s13], [sflag:$0x2], $0xC800, $0x38;
	[tilespmem:$0x1A300] =	vst v63  }
0xb3: {  	_ =	swait.ge [sflag:s23], $0x2800  }
0xb4: {  	[sflag:s23] =	ssyncset.done $0x0  }
0xb5: {  	[sflag:s23] =	ssyncadd.s32 $0xFFFFD800  }
0xb6: {  	_ =	swait.ge [sflag:s23], $0x2800  }
0xb7: {  	[sflag:s23] =	ssyncset.done $0x0  }
0xb8: {  	[sflag:s23] =	ssyncadd.s32 $0xFFFFD800  }
0xb9: {  	_ =	swait.ge [sflag:s23], $0x2800  }
0xba: {  	[sflag:s23] =	ssyncset.done $0x0  }
0xbb: {  	[sflag:s23] =	ssyncadd.s32 $0xFFFFD800  }
0xbc: {  	_ =	swait.ge [sflag:s23], $0x2800  }
0xbd: {  	[sflag:s23] =	ssyncset.done $0x0  }
0xbe: {  	[sflag:s23] =	ssyncadd.s32 $0xFFFFD800  }
0xbf: {  	_ =	swait.ge [sflag:s23], $0x2800  }
0xc0: {  	[sflag:s23] =	ssyncset.done $0x0  }
0xc1: {  	s26 =	sadd.s32 $0x1, s26;
	[sflag:s23] =	ssyncadd.s32 $0xFFFFD800  }
0xc2: {  	[hbm4b:s28+s4] =	stream.linear.scatter [tilespmem:s18], [sflag:$0x3], $0xC800, $0x38;
	[tilespmem:$0x1A300] =	vst v63  }
0xc3: {  	p0 =	sne.s32 s26, s7;
	_ =	swait.ge [sflag:s24], $0xC800  }
.Ltmp1:
0xc4: {  	[sflag:s24] =	ssyncset.done $0x0;
	(pc) =	sbr.rel @p0 .LBB2_1-.Ltmp1, $4  }
0xc5: {  	[sflag:s24] =	ssyncadd.s32 $0xFFFF3800  }
0xc6: {  	_ =	swait.ge [sflag:s25], $0xC800  }
0xc7: {  	[sflag:s25] =	ssyncset.done $0x0  }
0xc8: {  	[sflag:s25] =	ssyncadd.s32 $0xFFFF3800  }
0xc9: {  	_ =	sfence.sel $0x180000  }
0xca: {  	[bflag:$0x0] =	sbarrier.arrive $0xFFFF  }
0xcb: {  	_ =	strace $0x90000050  }
0xcc: {  	s0 =	stileid.u32;
	[bflag:$0x2] =	sbarrier.arrive $0xFFFF  }
0xcd: {  	p0 =	sne.s32 s0, $0x0;
	s0 =	rddreg [dreg:$0x3]  }
0xce: {  	s0 =	sadd.s32 @!p0 $0x100000, s0  }
0xcf: {  	[sflag:s0] =	ssyncadd.tile.s32 @!p0 $0x1;
	_ =	shalt  }
.Lfunc_end2:
_tile_overlayer_lowered:
.L_overlay_start_2:
0xd0: {  	(tag) =	ssettag $0x2  }
0xd1: {  	s0 =	rddreg [dreg:$0x0];
	s2 =	stileid.u32  }
0xd2: {  	s1 =	rddreg [dreg:$0x1];
	p0 =	sne.s32 s2, $0x0  }
0xd3: {  	s3 =	rddreg [dreg:$0x2];
	[bflag:$0x3] =	sbarrier.arrive $0xFFFF;
	s2 =	simm.s32 @!p0 $0x1C04  }
0xd4: {  	[timem:s3], [sflag:s2] =	dma.local @!p0 [hbm:s0], s1  }
0xd5: {  	s0 =	simm.s32 @!p0 $0x4  }
0xd6: {  	_ =	swait.ge @!p0 [sflag:s0], s1  }
0xd7: {  	s1 =	ssub.s32 @!p0 $0x0, s1;
	[sflag:s0] =	ssyncset.done @!p0 $0x0  }
0xd8: {  	[sflag:s0] =	ssyncadd.s32 @!p0 s1  }
0xd9: {  	[bflag:$0x3] =	sbarrier.arrive $0xFFFF  }
0xda: {  	_ =	shalt  }

// kernel: kernel.24.cloned.1.call-start
scs
__scs_entry_jumppad:
0x0: {  	(pc) =	sbr.rel $0x88, $3  }
0x1: {  	(tag) =	ssettag $0x0;
	lr =	simm.s32 $0x1  }
0x2: {  	[smem:$0x3F96] =	sst lr;
	_ =	strace $0xD0000000  }
0x3: {  	_ = 	snop  }
0x4: {  	_ = 	snop  }
0x5: {  	_ = 	snop  }
0x6: {  	_ = 	snop  }
0x7: {  	_ = 	snop  }
__scs_overlays_trampoline_lowered:
0x8: {  	[smem:$0x3FA5] =	sst s0  }
0x9: {  	[smem:$0x3FA6] =	sst s1  }
0xa: {  	[smem:$0x3FA7] =	sst s2  }
0xb: {  	[smem:$0x3FA8] =	sst s3  }
0xc: {  	[smem:$0x3FA9] =	sst s4  }
0xd: {  	[smem:$0x3FAA] =	sst s5  }
0xe: {  	[smem:$0x3FAB] =	sst s6  }
0xf: {  	[smem:$0x3FAC] =	sst s7  }
0x10: {  	[smem:$0x3FAD] =	sst s8  }
0x11: {  	[smem:$0x3FAE] =	sst s9;
	s0 =	simm.s32 @!p0 $0x0  }
0x12: {  	s1 =	sld [smem:$0x3F94];
	s0 =	simm.s32 @p0 $0x1  }
0x13: {  	[smem:$0x3FAF] =	sst s0;
	s0 =	simm.s32 @!p1 $0x0  }
0x14: {  	s2 =	sld [smem:$0x3F93];
	s0 =	simm.s32 @p1 $0x1  }
0x15: {  	[smem:$0x3FB0] =	sst s0;
	s0 =	simm.s32 @!p2 $0x0  }
0x16: {  	s3 =	sld [smem:$0x3FDB];
	s0 =	simm.s32 @p2 $0x1  }
0x17: {  	s4 =	simm.s32 $0x1BF5;
	[smem:$0x3FB2] =	sst s0  }
0x18: {  	s0 =	sld [smem:$0x3F95];
	_ =	swait.ge [sflag:s4], $0x0  }
0x19: {  	s7 =	sld [smem:$0x3F96]  }
0x1a: {  	s8 =	sadd.s32 $0xFFFFE003, lr  }
0x1b: {  	s9 =	sadd.s32 $0xFFFFFEF7, lr;
	s5 =	simm.s32 $0xFFFFFFFF;
	p2 =	slt.u32 s8, $0xFFFFF086  }
0x1c: {  	p1 =	slt.u32 s9, $0xF7A;
	s5 =	simm.s32 @!p2 $0x0  }
0x1d: {  	s5 =	simm.s32 @p1 $0x1;
	p0 =	seq.s32 s7, s2  }
0x1e: {  	s7 =	smul.u32 @!p0 $0xF7A, s2;
	p2 =	seq.s32 @!p0 s5, $0x0  }
0x1f: {  	s9 =	smul.u32 $0xF7A, s1;
	s8 =	simm.s32 @!p0 $0x1BF5;
	p2 =	por !p2, p0  }
0x20: {  	[sflag:s8] =	ssyncset.s32 @!p0 $0xFFFFF086;
	s6 =	sadd.s32 @!p0 s3, s7;
	s7 =	simm.s32 @!p0 $0x108  }
0x21: {  	s3 =	sadd.s32 s3, s9;
	s6 =	sadd.s32 @!p0 $0x88, s6;
	s7 =	simm.s32 @p2 $0x1082  }
0x22: {  	[simem:s7], [sflag:s8] =	dma.local @!p0 [hbm:s6], $0xF7A  }
0x23: {  	s9 =	sor.u32 $0xD0000000, s2;
	s6 =	simm.s32 $0x108;
	_ =	swait.ge @!p0 [sflag:s8], $0x0  }
0x24: {  	s3 =	sadd.s32 $0x88, s3;
	s6 =	simm.s32 @!p1 $0x1082;
	[sflag:s4] =	ssyncset.s32 $0xFFFFF086  }
0x25: {  	[simem:s6], [sflag:s4] =	dma.local [hbm:s3], $0xF7A  }
0x26: {  	[smem:$0x3F96] =	sst s1;
	(tag) =	ssettag s2;
	_ =	strace s9  }
0x27: {  	s1 =	sld [smem:$0x3FA6]  }
0x28: {  	s2 =	sld [smem:$0x3FA7]  }
0x29: {  	s4 =	sld [smem:$0x3FA9]  }
0x2a: {  	p0 =	seq.s32 s5, $0x0;
	s5 =	sld [smem:$0x3FAA]  }
0x2b: {  	s6 =	sld [smem:$0x3FAB]  }
0x2c: {  	s7 =	sld [smem:$0x3FAC]  }
0x2d: {  	s3 =	simm.s32 $0x108;
	s8 =	sld [smem:$0x3FAD]  }
0x2e: {  	s3 =	simm.s32 @!p0 $0x1082;
	s9 =	sld [smem:$0x3FAE]  }
0x2f: {  	lr =	sadd.s32 s0, s3;
	s0 =	sld [smem:$0x3FA5]  }
0x30: {  	s3 =	sld [smem:$0x3FA8]  }
0x31: {  	[smem:$0x3FB1] =	sst s10  }
0x32: {  	s10 =	sld [smem:$0x3FAF];
	_ =	sdelay $0x3  }
0x33: {  	p0 =	seq.s32 s10, $0x1;
	s10 =	sld [smem:$0x3FB1];
	_ =	sdelay $0x3  }
0x34: {  	[smem:$0x3FB1] =	sst s10  }
0x35: {  	s10 =	sld [smem:$0x3FB0];
	_ =	sdelay $0x3  }
0x36: {  	p1 =	seq.s32 s10, $0x1;
	s10 =	sld [smem:$0x3FB1];
	_ =	sdelay $0x3  }
0x37: {  	[smem:$0x3FB1] =	sst s10  }
0x38: {  	s10 =	sld [smem:$0x3FB2]  }
0x39: {  	_ = 	snop;
	(pc) =	sbr.ind lr, $3  }
0x3a: {  	_ = 	snop  }
0x3b: {  	_ = 	snop  }
0x3c: {  	p2 =	seq.s32 s10, $0x1;
	s10 =	sld [smem:$0x3FB1]  }
0x3d: {  	_ =	shalt  }
0x3e: {  	_ =	shalt  }
0x3f: {  	_ =	shalt  }
0x40: {  	_ =	shalt  }
0x41: {  	_ =	shalt  }
0x42: {  	_ =	shalt  }
0x43: {  	_ =	shalt  }
0x44: {  	_ =	shalt  }
0x45: {  	_ =	shalt  }
0x46: {  	_ =	shalt  }
0x47: {  	_ =	shalt  }
0x48: {  	_ =	shalt  }
0x49: {  	_ =	shalt  }
0x4a: {  	_ =	shalt  }
0x4b: {  	_ =	shalt  }
0x4c: {  	_ =	shalt  }
0x4d: {  	_ =	shalt  }
0x4e: {  	_ =	shalt  }
0x4f: {  	_ =	shalt  }
0x50: {  	_ =	shalt  }
0x51: {  	_ =	shalt  }
0x52: {  	_ =	shalt  }
0x53: {  	_ =	shalt  }
0x54: {  	_ =	shalt  }
0x55: {  	_ =	shalt  }
0x56: {  	_ =	shalt  }
0x57: {  	_ =	shalt  }
0x58: {  	_ =	shalt  }
0x59: {  	_ =	shalt  }
0x5a: {  	_ =	shalt  }
0x5b: {  	_ =	shalt  }
0x5c: {  	_ =	shalt  }
0x5d: {  	_ =	shalt  }
0x5e: {  	_ =	shalt  }
0x5f: {  	_ =	shalt  }
0x60: {  	_ =	shalt  }
0x61: {  	_ =	shalt  }
0x62: {  	_ =	shalt  }
0x63: {  	_ =	shalt  }
0x64: {  	_ =	shalt  }
0x65: {  	_ =	shalt  }
0x66: {  	_ =	shalt  }
0x67: {  	_ =	shalt  }
0x68: {  	_ =	shalt  }
0x69: {  	_ =	shalt  }
0x6a: {  	_ =	shalt  }
0x6b: {  	_ =	shalt  }
0x6c: {  	_ =	shalt  }
0x6d: {  	_ =	shalt  }
0x6e: {  	_ =	shalt  }
0x6f: {  	_ =	shalt  }
0x70: {  	_ =	shalt  }
0x71: {  	_ =	shalt  }
0x72: {  	_ =	shalt  }
0x73: {  	_ =	shalt  }
0x74: {  	_ =	shalt  }
0x75: {  	_ =	shalt  }
0x76: {  	_ =	shalt  }
0x77: {  	_ =	shalt  }
0x78: {  	_ =	shalt  }
0x79: {  	_ =	shalt  }
0x7a: {  	_ =	shalt  }
0x7b: {  	_ =	shalt  }
0x7c: {  	_ =	shalt  }
0x7d: {  	_ =	shalt  }
0x7e: {  	_ =	shalt  }
0x7f: {  	_ =	shalt  }
0x80: {  	_ =	shalt  }
0x81: {  	_ =	shalt  }
0x82: {  	_ =	shalt  }
0x83: {  	_ =	shalt  }
0x84: {  	_ =	shalt  }
0x85: {  	_ =	shalt  }
0x86: {  	_ =	shalt  }
0x87: {  	_ =	shalt  }
.Lfunc_end0:
.L_simem_size_0:
called_computation.4_lowered:
.L_overlay_start_0:
0x88: {  	s2 =	sld [smem:$0x3FD9]  }
0x89: {  	s3 =	sld [smem:$0x3FFE];
	_ =	sdelay $0x1  }
0x8a: {  	s1 =	srdreg.scid  }
0x8b: {  	s0 =	sand.u32 $0x1, s1  }
0x8c: {  	s17 =	sshll.u32 s0, $0xA;
	s2 =	sadd.s32 s3, s2  }
0x8d: {  	s2 =	sadd.s32 s2, s17  }
0x8e: {  	[smem:$0x3FBD] =	sst s2  }
0x8f: {  	_ = 	snop  }
0x90: {  	s18 =	sld [smem:$0x3FC9]  }
0x91: {  	s4 =	sld [smem:$0x3FC8];
	(tm) =	ssettm $0x1  }
0x92: {  	s19 =	sld [smem:$0x3FFB];
	_ =	sdelay $0x3  }
0x93: {  	_ =	strace s19  }
0x94: {  	s2 =	sld [smem:$0x3FFC];
	_ =	sdelay $0x3  }
0x95: {  	_ =	strace s2  }
0x96: {  	s2 =	sld [smem:$0x3FFD];
	_ =	sdelay $0x3  }
0x97: {  	_ =	strace s2  }
0x98: {  	_ =	strace $0x8FFFFFFF  }
0x99: {  	s20 =	sld [smem:$0x3FDB];
	_ =	sdelay $0x1  }
0x9a: {  	s5 =	simm.s32 $_scs_section_size  }
0x9b: {  	s6 =	simm.s32 $_size__tile_overlayer_lowered;
	s7 =	simm.s32 $_tile_overlayer_lowered  }
0x9c: {  	s8 =	simm.s32 $0x1BFF;
	s21 =	sshll.u32 s7, $0x1;
	s5 =	sadd.s32 s5, s20  }
0x9d: {  	s22 =	simm.s32 $0x0;
	s6 =	sshll.u32 s6, $0x1;
	s7 =	sadd.s32 s21, s5  }
0x9e: {  	[timem:s22], [sflag:s8] =	dma.local [hbm:s7], s6  }
0x9f: {  	_ =	swait.ge [sflag:s8], s6  }
0xa0: {  	s6 =	ssub.s32 $0x0, s6;
	[sflag:s8] =	ssyncset.done $0x0  }
0xa1: {  	[sflag:s8] =	ssyncadd.s32 s6;
	_ =	sdelay $0x1  }
0xa2: {  	s23 =	simm.s32 $0x1B8B  }
0xa3: {  	_ =	swait.ge [sflag:s23], $0x1  }
0xa4: {  	[sflag:s23] =	ssyncset.done $0x0  }
0xa5: {  	[sflag:s23] =	ssyncadd.s32 $0xFFFFFFFF  }
0xa6: {  	s6 =	sld [smem:$0x0]  }
0xa7: {  	s7 =	sand.u32 $0xFFFFFFFE, s1  }
0xa8: {  	p0 =	sne.s32 s1, s7  }
0xa9: {  	s7 =	sshll.u32 @p0 s7, $0xE  }
0xaa: {  	s7 =	sadd.s32 @p0 $0x11B8D, s7;
	s8 =	sshll.u32 @p0 s6, $0x11  }
0xab: {  	s7 =	sor.u32 @p0 s8, s7  }
0xac: {  	[sflag:s7] =	ssyncadd.remote.s32 @p0 $0x1;
	_ =	sdelay $0x1  }
0xad: {  	s7 =	simm.s32 @p0 $0x1B8D  }
0xae: {  	_ =	swait.eq @p0 [sflag:s7], $0x1  }
0xaf: {  	[sflag:s7] =	ssyncadd.s32 @p0 $0xFFFFFFFF  }
0xb0: {  	s8 =	sshll.u32 @!p0 s1, $0xE  }
0xb1: {  	s8 =	sor.u32 @!p0 $0x4000, s8;
	s7 =	simm.s32 @!p0 $0x1B8D  }
0xb2: {  	s6 =	sshll.u32 @!p0 s6, $0x11;
	s8 =	sadd.s32 @!p0 $0x11B8D, s8;
	_ =	swait.eq @!p0 [sflag:s7], $0x1  }
0xb3: {  	s6 =	sor.u32 @!p0 s6, s8;
	[sflag:s7] =	ssyncadd.s32 @!p0 $0xFFFFFFFF  }
0xb4: {  	s25 =	simm.s32 $0x1B8E;
	s24 =	sld [smem:$0x3FFE];
	[sflag:s6] =	ssyncadd.remote.s32 @!p0 $0x1  }
0xb5: {  	s26 =	simm.s32 $execute0_lowered;
	[smem:$0x3FD2] =	sst s25  }
0xb6: {  	s7 =	sshll.u32 s26, $0x1;
	_ =	strace $0x80000052;
	[dreg:$0x1] =	wrdreg $0xFFFFFFFF  }
0xb7: {  	s28 =	simm.s32 $_size_execute0_lowered;
	s5 =	sadd.s32 s5, s7;
	[dreg:$0x0] =	wrdreg $0x0  }
0xb8: {  	s7 =	sshll.u32 s28, $0x1;
	[dreg:$0x2] =	wrdreg s5  }
0xb9: {  	[dreg:$0x3] =	wrdreg s7  }
0xba: {  	[dreg:$0x4] =	wrdreg $0xC0  }
0xbb: {  	_ =	task [dreg:s22], $0x5FFFF  }
0xbc: {  	[dreg:$0x1] =	wrdreg $0xFFFFFFFF  }
0xbd: {  	[dreg:$0x0] =	wrdreg $0x60  }
0xbe: {  	[dreg:$0x2] =	wrdreg s18  }
0xbf: {  	[dreg:$0x3] =	wrdreg s4  }
0xc0: {  	[dreg:$0x4] =	wrdreg s24  }
0xc1: {  	[dreg:$0x5] =	wrdreg $0xD  }
0xc2: {  	_ =	task.clear_ibuf [dreg:s22], $0x6FFFF;
	_ =	strace $0x90000052  }
0xc3: {  	s29 =	simm.s32 $0xD;
	_ =	strace $0x80000054  }
0xc4: {  	_ =	swait.ge [sflag:s29], $0x1  }
0xc5: {  	[sflag:s29] =	ssyncadd.s32 $0xFFFFFFFF  }
0xc6: {  	_ =	strace $0x90000054  }
0xc7: {  	_ =	sfence  }
0xc8: {  	s30 =	sld [smem:$0x0];
	_ =	sdelay $0x2  }
0xc9: {  	s31 =	sshll.u32 s1, $0xD;
	s1 =	sshrl.u32 s1, $0x2  }
0xca: {  	s4 =	sand.u32 $0x4000, s31;
	s1 =	sadd.s32 s1, s30  }
0xcb: {  	s0 =	sor.u32 s4, s0;
	s1 =	sshll.u32 s1, $0x11  }
0xcc: {  	s0 =	sor.u32 s1, s0  }
0xcd: {  	s0 =	sadd.s32 $0x8F2B, s0  }
0xce: {  	[sflag:s0] =	ssyncadd.remote.s32 $0x1  }
0xcf: {  	_ =	sfence.sel $0xFFFF  }
0xd0: {  	[dreg:$0x0] =	wrdreg $0xFFFFFFFF;
	(pc) =	sbr.abs _section_cstart, $3  }
0xd1: {  	[dreg:$0x1] =	wrdreg $0xFFFFFFFF  }
0xd2: {  	_ =	task.clear_ibuf [dreg:s22], $0x2FFFF;
	_ =	strace $0x9FFFFFFF  }
0xd3: {  	(tm) =	ssettm $0x7FFFFFFF  }
tec
execute0_lowered:
.L_overlay_start_1:
0x0: {  	(tag) =	ssettag $0x1  }
0x1: {  	s1 =	rddreg [dreg:$0x0]  }
0x2: {  	s3 =	rddreg [dreg:$0x1]  }
0x3: {  	s2 =	srdreg.scid;
	s0 =	stileid.u32  }
0x4: {  	s5 =	rddreg [dreg:$0x2];
	s4 =	simm.s32 $0x0;
	s10 =	simm.s32 $0x4  }
0x5: {  	s12 =	simm.s32 $0x50;
	s13 =	simm.s32 $0x1300;
	s14 =	simm.s32 $0x3B00  }
0x6: {  	s15 =	simm.s32 $0x6300;
	s16 =	simm.s32 $0x8B00;
	s17 =	simm.s32 $0xB300  }
0x7: {  	s18 =	simm.s32 $0xDB00;
	s19 =	simm.s32 $0x10300;
	s20 =	simm.s32 $0x12B00  }
0x8: {  	s21 =	simm.s32 $0x15300;
	s22 =	simm.s32 $0x17B00;
	s23 =	simm.s32 $0x1  }
0x9: {  	s24 =	simm.s32 $0x2;
	s2 =	sand.u32 $0x1, s2;
	s6 =	sshll.u32 s0, $0x1  }
0xa: {  	s25 =	simm.s32 $0x3;
	s7 =	smul.u32 $0x12C00, s0;
	s6 =	sor.u32 s2, s6  }
0xb: {  	s26 =	simm.s32 $0x0;
	[smem:$0x7FF] =	sst s4;
	s6 =	smul.u32 $0x960, s6  }
0xc: {  	_ =	strace $0x80000053;
	s8 =	ssub.s32 $0x2, s2;
	s2 =	smul.u32 $0x9600, s2  }
0xd: {  	s7 =	sadd.s32 s7, s5;
	s30 =	sshrl.u32 s8, $0x1;
	s6 =	sshrl.u32 s6, $0x3  }
0xe: {  	s8 =	ssub.s32 s8, s30;
	s2 =	sadd.s32 s2, s7;
	s6 =	sadd.s32 s6, s5  }
0xf: {  	s7 =	smax.u32 s8, $0x1;
	s8 =	sadd.s32 $0x751A00, s2;
	s31 =	sadd.s32 $0x47400, s6  }
0x10: {  	s2 =	sadd.s32 $0x87DA00, s2;
	s6 =	sadd.s32 $0x44E00, s6;
	[dreg:$0x4] =	wrdreg s31  }
.LBB2_1:
0x11: {  	s0 =	rddreg [dreg:$0x4]  }
0x12: {  	[tilespmem:s4], [sflag:$0x4] =	stream.linear.gather [hbm4b:s0+s4], $0x960, $0x38;
	[tilespmem:$0x1A300] =	vst v63  }
0x13: {  	_ =	swait.ge [sflag:s10], $0x960  }
0x14: {  	[sflag:s10] =	ssyncset.done $0x0  }
0x15: {  	s9 =	simm.s32 $0x980;
	[sflag:s10] =	ssyncadd.s32 $0xFFFFF6A0  }
0x16: {  	[tilespmem:s9], [sflag:$0x4] =	stream.linear.gather [hbm4b:s6+s4], $0x960, $0x38;
	[tilespmem:$0x1A300] =	vst v63  }
0x17: {  	_ =	swait.ge [sflag:s10], $0x960  }
0x18: {  	p0 =	por $0x1, $0x1;
	[sflag:s10] =	ssyncset.done $0x0  }
0x19: {  	s9 =	simm.s32 @!p0 $0x2;
	[sflag:s10] =	ssyncadd.s32 $0xFFFFF6A0  }
0x1a: {  	_ =	swait.ge @!p0 [sflag:s9], $0xC800  }
0x1b: {  	[sflag:s9] =	ssyncset.done @!p0 $0x0  }
0x1c: {  	s11 =	simm.s32 $0x0;
	[sflag:s9] =	ssyncadd.s32 @!p0 $0xFFFF3800  }
0x1d: {  	[tilespmem:s13], [sflag:$0x1] =	stream.indirect.gather [hbm4b:s1+s12], $0x80, s11, s12, $0xb8;
	[tilespmem:$0x1A300] =	vst v63  }
0x1e: {  	s0 =	simm.s32 $0x50  }
0x1f: {  	[tilespmem:s14], [sflag:$0x1] =	stream.indirect.gather [hbm4b:s1+s12], $0x80, s0, s12, $0xb8;
	[tilespmem:$0x1A300] =	vst v63  }
0x20: {  	s5 =	simm.s32 $0xA0  }
0x21: {  	[tilespmem:s15], [sflag:$0x1] =	stream.indirect.gather [hbm4b:s1+s12], $0x80, s5, s12, $0xb8;
	[tilespmem:$0x1A300] =	vst v63  }
0x22: {  	s11 =	simm.s32 $0xF0  }
0x23: {  	[tilespmem:s16], [sflag:$0x1] =	stream.indirect.gather [hbm4b:s1+s12], $0x80, s11, s12, $0xb8;
	[tilespmem:$0x1A300] =	vst v63  }
0x24: {  	s28 =	simm.s32 @!p0 $0x3;
	s0 =	simm.s32 $0x140  }
0x25: {  	[tilespmem:s17], [sflag:$0x1] =	stream.indirect.gather [hbm4b:s1+s12], $0x80, s0, s12, $0xb8;
	[tilespmem:$0x1A300] =	vst v63  }
0x26: {  	_ =	swait.ge @!p0 [sflag:s28], $0xC800  }
0x27: {  	[sflag:s28] =	ssyncset.done @!p0 $0x0  }
0x28: {  	s5 =	simm.s32 $0x980;
	[sflag:s28] =	ssyncadd.s32 @!p0 $0xFFFF3800  }
0x29: {  	[tilespmem:s18], [sflag:$0x1] =	stream.indirect.gather [hbm4b:s3+s12], $0x80, s5, s12, $0xb8;
	[tilespmem:$0x1A300] =	vst v63  }
0x2a: {  	s11 =	simm.s32 $0x9D0  }
0x2b: {  	[tilespmem:s19], [sflag:$0x1] =	stream.indirect.gather [hbm4b:s3+s12], $0x80, s11, s12, $0xb8;
	[tilespmem:$0x1A300] =	vst v63  }
0x2c: {  	s0 =	simm.s32 $0xA20  }
0x2d: {  	[tilespmem:s20], [sflag:$0x1] =	stream.indirect.gather [hbm4b:s3+s12], $0x80, s0, s12, $0xb8;
	[tilespmem:$0x1A300] =	vst v63  }
0x2e: {  	s5 =	simm.s32 $0xA70  }
0x2f: {  	[tilespmem:s21], [sflag:$0x1] =	stream.indirect.gather [hbm4b:s3+s12], $0x80, s5, s12, $0xb8;
	[tilespmem:$0x1A300] =	vst v63  }
0x30: {  	s11 =	simm.s32 $0xAC0  }
0x31: {  	[tilespmem:s22], [sflag:$0x1] =	stream.indirect.gather [hbm4b:s3+s12], $0x80, s11, s12, $0xb8;
	[tilespmem:$0x1A300] =	vst v63  }
0x32: {  	_ =	swait.ge [sflag:s23], $0x2800  }
0x33: {  	[sflag:s23] =	ssyncset.done $0x0  }
0x34: {  	[sflag:s23] =	ssyncadd.s32 $0xFFFFD800  }
0x35: {  	_ =	swait.ge [sflag:s23], $0x2800  }
0x36: {  	[sflag:s23] =	ssyncset.done $0x0  }
0x37: {  	[sflag:s23] =	ssyncadd.s32 $0xFFFFD800  }
0x38: {  	_ =	swait.ge [sflag:s23], $0x2800  }
0x39: {  	[sflag:s23] =	ssyncset.done $0x0  }
0x3a: {  	[sflag:s23] =	ssyncadd.s32 $0xFFFFD800  }
0x3b: {  	_ =	swait.ge [sflag:s23], $0x2800  }
0x3c: {  	[sflag:s23] =	ssyncset.done $0x0  }
0x3d: {  	[sflag:s23] =	ssyncadd.s32 $0xFFFFD800  }
0x3e: {  	_ =	swait.ge [sflag:s23], $0x2800  }
0x3f: {  	[sflag:s23] =	ssyncset.done $0x0  }
0x40: {  	[sflag:s23] =	ssyncadd.s32 $0xFFFFD800  }
0x41: {  	[hbm4b:s8+s4] =	stream.linear.scatter [tilespmem:s13], [sflag:$0x2], $0xC800, $0x38;
	[tilespmem:$0x1A300] =	vst v63  }
0x42: {  	_ =	swait.ge [sflag:s23], $0x2800  }
0x43: {  	[sflag:s23] =	ssyncset.done $0x0  }
0x44: {  	[sflag:s23] =	ssyncadd.s32 $0xFFFFD800  }
0x45: {  	_ =	swait.ge [sflag:s23], $0x2800  }
0x46: {  	[sflag:s23] =	ssyncset.done $0x0  }
0x47: {  	[sflag:s23] =	ssyncadd.s32 $0xFFFFD800  }
0x48: {  	_ =	swait.ge [sflag:s23], $0x2800  }
0x49: {  	[sflag:s23] =	ssyncset.done $0x0  }
0x4a: {  	[sflag:s23] =	ssyncadd.s32 $0xFFFFD800  }
0x4b: {  	_ =	swait.ge [sflag:s23], $0x2800  }
0x4c: {  	[sflag:s23] =	ssyncset.done $0x0  }
0x4d: {  	s30 =	simm.s32 $0x640;
	s31 =	simm.s32 $0xC80;
	[sflag:s23] =	ssyncadd.s32 $0xFFFFD800  }
0x4e: {  	p1 =	por $0x0, $0x0;
	s29 =	sadd.s32 $0x1900, s8;
	_ =	swait.ge [sflag:s23], $0x2800  }
0x4f: {  	s9 =	smov.u32 s2;
	s28 =	sadd.s32 $0x1900, s2;
	[sflag:s23] =	ssyncset.done $0x0  }
.LBB2_2:
0x50: {  	s0 =	simm.s32 @!p1 $0x2  }
0x51: {  	[sflag:s23] =	ssyncadd.s32 $0xFFFFD800;
	s11 =	smov.u32 s31;
	s31 =	sadd.s32 $0x640, s31  }
0x52: {  	[hbm4b:s9+s4] =	stream.linear.scatter [tilespmem:s18], [sflag:$0x3], $0xC800, $0x38;
	[tilespmem:$0x1A300] =	vst v63  }
0x53: {  	p0 =	sne.s32 s31, $0x2580;
	s9 =	smov.u32 s28;
	_ =	swait.ge @!p1 [sflag:s0], $0xC800  }
0x54: {  	[sflag:s0] =	ssyncset.done @!p1 $0x0  }
0x55: {  	[sflag:s0] =	ssyncadd.s32 @!p1 $0xFFFF3800;
	s0 =	sshra.s32 s30, $0x2;
	s30 =	smov.u32 s11  }
0x56: {  	[tilespmem:s13], [sflag:$0x1] =	stream.indirect.gather [hbm4b:s1+s12], $0x80, s0, s12, $0xb8;
	[tilespmem:$0x1A300] =	vst v63  }
0x57: {  	s11 =	sadd.s32 $0x50, s0  }
0x58: {  	[tilespmem:s14], [sflag:$0x1] =	stream.indirect.gather [hbm4b:s1+s12], $0x80, s11, s12, $0xb8;
	[tilespmem:$0x1A300] =	vst v63  }
0x59: {  	s11 =	sadd.s32 $0xA0, s0  }
0x5a: {  	[tilespmem:s15], [sflag:$0x1] =	stream.indirect.gather [hbm4b:s1+s12], $0x80, s11, s12, $0xb8;
	[tilespmem:$0x1A300] =	vst v63  }
0x5b: {  	s11 =	sadd.s32 $0xF0, s0  }
0x5c: {  	[tilespmem:s16], [sflag:$0x1] =	stream.indirect.gather [hbm4b:s1+s12], $0x80, s11, s12, $0xb8;
	[tilespmem:$0x1A300] =	vst v63  }
0x5d: {  	s5 =	simm.s32 @!p1 $0x3;
	s11 =	sadd.s32 $0x140, s0  }
0x5e: {  	[tilespmem:s17], [sflag:$0x1] =	stream.indirect.gather [hbm4b:s1+s12], $0x80, s11, s12, $0xb8;
	[tilespmem:$0x1A300] =	vst v63  }
0x5f: {  	_ =	swait.ge @!p1 [sflag:s5], $0xC800  }
0x60: {  	[sflag:s5] =	ssyncset.done @!p1 $0x0  }
0x61: {  	[sflag:s5] =	ssyncadd.s32 @!p1 $0xFFFF3800;
	s5 =	sadd.s32 $0x980, s0  }
0x62: {  	[tilespmem:s18], [sflag:$0x1] =	stream.indirect.gather [hbm4b:s3+s12], $0x80, s5, s12, $0xb8;
	[tilespmem:$0x1A300] =	vst v63  }
0x63: {  	s5 =	sadd.s32 $0x9D0, s0  }
0x64: {  	[tilespmem:s19], [sflag:$0x1] =	stream.indirect.gather [hbm4b:s3+s12], $0x80, s5, s12, $0xb8;
	[tilespmem:$0x1A300] =	vst v63  }
0x65: {  	s5 =	sadd.s32 $0xA20, s0  }
0x66: {  	[tilespmem:s20], [sflag:$0x1] =	stream.indirect.gather [hbm4b:s3+s12], $0x80, s5, s12, $0xb8;
	[tilespmem:$0x1A300] =	vst v63  }
0x67: {  	s5 =	sadd.s32 $0xA70, s0  }
0x68: {  	[tilespmem:s21], [sflag:$0x1] =	stream.indirect.gather [hbm4b:s3+s12], $0x80, s5, s12, $0xb8;
	[tilespmem:$0x1A300] =	vst v63  }
0x69: {  	s0 =	sadd.s32 $0xAC0, s0  }
0x6a: {  	[tilespmem:s22], [sflag:$0x1] =	stream.indirect.gather [hbm4b:s3+s12], $0x80, s0, s12, $0xb8;
	[tilespmem:$0x1A300] =	vst v63  }
0x6b: {  	_ =	swait.ge [sflag:s23], $0x2800  }
0x6c: {  	[sflag:s23] =	ssyncset.done $0x0  }
0x6d: {  	[sflag:s23] =	ssyncadd.s32 $0xFFFFD800  }
0x6e: {  	_ =	swait.ge [sflag:s23], $0x2800  }
0x6f: {  	[sflag:s23] =	ssyncset.done $0x0  }
0x70: {  	[sflag:s23] =	ssyncadd.s32 $0xFFFFD800  }
0x71: {  	_ =	swait.ge [sflag:s23], $0x2800  }
0x72: {  	[sflag:s23] =	ssyncset.done $0x0  }
0x73: {  	[sflag:s23] =	ssyncadd.s32 $0xFFFFD800  }
0x74: {  	_ =	swait.ge [sflag:s23], $0x2800  }
0x75: {  	[sflag:s23] =	ssyncset.done $0x0  }
0x76: {  	[sflag:s23] =	ssyncadd.s32 $0xFFFFD800  }
0x77: {  	_ =	swait.ge [sflag:s23], $0x2800  }
0x78: {  	[sflag:s23] =	ssyncset.done $0x0  }
0x79: {  	[sflag:s23] =	ssyncadd.s32 $0xFFFFD800  }
0x7a: {  	[hbm4b:s29+s4] =	stream.linear.scatter [tilespmem:s13], [sflag:$0x2], $0xC800, $0x38;
	[tilespmem:$0x1A300] =	vst v63  }
0x7b: {  	_ =	swait.ge [sflag:s23], $0x2800  }
0x7c: {  	[sflag:s23] =	ssyncset.done $0x0  }
0x7d: {  	[sflag:s23] =	ssyncadd.s32 $0xFFFFD800  }
0x7e: {  	_ =	swait.ge [sflag:s23], $0x2800  }
0x7f: {  	[sflag:s23] =	ssyncset.done $0x0  }
0x80: {  	[sflag:s23] =	ssyncadd.s32 $0xFFFFD800  }
0x81: {  	_ =	swait.ge [sflag:s23], $0x2800  }
0x82: {  	[sflag:s23] =	ssyncset.done $0x0  }
0x83: {  	[sflag:s23] =	ssyncadd.s32 $0xFFFFD800  }
.Ltmp0:
0x84: {  	_ =	swait.ge [sflag:s23], $0x2800;
	(pc) =	sbr.rel @p0 .LBB2_2-.Ltmp0, $4  }
0x85: {  	[sflag:s23] =	ssyncset.done $0x0  }
0x86: {  	[sflag:s23] =	ssyncadd.s32 $0xFFFFD800  }
0x87: {  	s28 =	sadd.s32 $0x1900, s28;
	_ =	swait.ge [sflag:s23], $0x2800  }
0x88: {  	p1 =	seq.s32 s30, $0x0;
	s29 =	sadd.s32 $0x1900, s29;
	[sflag:s23] =	ssyncset.done $0x0  }
0x89: {  	s0 =	simm.s32 @!p1 $0x2;
	[sflag:s23] =	ssyncadd.s32 $0xFFFFD800  }
0x8a: {  	[hbm4b:s9+s4] =	stream.linear.scatter [tilespmem:s18], [sflag:$0x3], $0xC800, $0x38;
	[tilespmem:$0x1A300] =	vst v63  }
0x8b: {  	_ =	swait.ge @!p1 [sflag:s0], $0xC800  }
0x8c: {  	[sflag:s0] =	ssyncset.done @!p1 $0x0  }
0x8d: {  	[sflag:s0] =	ssyncadd.s32 @!p1 $0xFFFF3800;
	s0 =	sshra.s32 s30, $0x2  }
0x8e: {  	[tilespmem:s13], [sflag:$0x1] =	stream.indirect.gather [hbm4b:s1+s12], $0x80, s0, s12, $0xb8;
	[tilespmem:$0x1A300] =	vst v63  }
0x8f: {  	s5 =	sadd.s32 $0x50, s0  }
0x90: {  	[tilespmem:s14], [sflag:$0x1] =	stream.indirect.gather [hbm4b:s1+s12], $0x80, s5, s12, $0xb8;
	[tilespmem:$0x1A300] =	vst v63  }
0x91: {  	s11 =	sadd.s32 $0xA0, s0  }
0x92: {  	[tilespmem:s15], [sflag:$0x1] =	stream.indirect.gather [hbm4b:s1+s12], $0x80, s11, s12, $0xb8;
	[tilespmem:$0x1A300] =	vst v63  }
0x93: {  	s30 =	sadd.s32 $0xF0, s0  }
0x94: {  	[tilespmem:s16], [sflag:$0x1] =	stream.indirect.gather [hbm4b:s1+s12], $0x80, s30, s12, $0xb8;
	[tilespmem:$0x1A300] =	vst v63  }
0x95: {  	s9 =	simm.s32 @!p1 $0x3;
	s31 =	sadd.s32 $0x140, s0  }
0x96: {  	[tilespmem:s17], [sflag:$0x1] =	stream.indirect.gather [hbm4b:s1+s12], $0x80, s31, s12, $0xb8;
	[tilespmem:$0x1A300] =	vst v63  }
0x97: {  	_ =	swait.ge @!p1 [sflag:s9], $0xC800  }
0x98: {  	[sflag:s9] =	ssyncset.done @!p1 $0x0  }
0x99: {  	[sflag:s9] =	ssyncadd.s32 @!p1 $0xFFFF3800;
	s9 =	sadd.s32 $0x980, s0  }
0x9a: {  	[tilespmem:s18], [sflag:$0x1] =	stream.indirect.gather [hbm4b:s3+s12], $0x80, s9, s12, $0xb8;
	[tilespmem:$0x1A300] =	vst v63  }
0x9b: {  	s11 =	sadd.s32 $0x9D0, s0  }
0x9c: {  	[tilespmem:s19], [sflag:$0x1] =	stream.indirect.gather [hbm4b:s3+s12], $0x80, s11, s12, $0xb8;
	[tilespmem:$0x1A300] =	vst v63  }
0x9d: {  	s30 =	sadd.s32 $0xA20, s0  }
0x9e: {  	[tilespmem:s20], [sflag:$0x1] =	stream.indirect.gather [hbm4b:s3+s12], $0x80, s30, s12, $0xb8;
	[tilespmem:$0x1A300] =	vst v63  }
0x9f: {  	s31 =	sadd.s32 $0xA70, s0  }
0xa0: {  	[tilespmem:s21], [sflag:$0x1] =	stream.indirect.gather [hbm4b:s3+s12], $0x80, s31, s12, $0xb8;
	[tilespmem:$0x1A300] =	vst v63  }
0xa1: {  	s0 =	sadd.s32 $0xAC0, s0  }
0xa2: {  	[tilespmem:s22], [sflag:$0x1] =	stream.indirect.gather [hbm4b:s3+s12], $0x80, s0, s12, $0xb8;
	[tilespmem:$0x1A300] =	vst v63  }
0xa3: {  	_ =	swait.ge [sflag:s23], $0x2800  }
0xa4: {  	[sflag:s23] =	ssyncset.done $0x0  }
0xa5: {  	[sflag:s23] =	ssyncadd.s32 $0xFFFFD800  }
0xa6: {  	_ =	swait.ge [sflag:s23], $0x2800  }
0xa7: {  	[sflag:s23] =	ssyncset.done $0x0  }
0xa8: {  	[sflag:s23] =	ssyncadd.s32 $0xFFFFD800  }
0xa9: {  	_ =	swait.ge [sflag:s23], $0x2800  }
0xaa: {  	[sflag:s23] =	ssyncset.done $0x0  }
0xab: {  	[sflag:s23] =	ssyncadd.s32 $0xFFFFD800  }
0xac: {  	_ =	swait.ge [sflag:s23], $0x2800  }
0xad: {  	[sflag:s23] =	ssyncset.done $0x0  }
0xae: {  	[sflag:s23] =	ssyncadd.s32 $0xFFFFD800  }
0xaf: {  	_ =	swait.ge [sflag:s23], $0x2800  }
0xb0: {  	[sflag:s23] =	ssyncset.done $0x0  }
0xb1: {  	[sflag:s23] =	ssyncadd.s32 $0xFFFFD800  }
0xb2: {  	[hbm4b:s29+s4] =	stream.linear.scatter [tilespmem:s13], [sflag:$0x2], $0xC800, $0x38;
	[tilespmem:$0x1A300] =	vst v63  }
0xb3: {  	_ =	swait.ge [sflag:s23], $0x2800  }
0xb4: {  	[sflag:s23] =	ssyncset.done $0x0  }
0xb5: {  	[sflag:s23] =	ssyncadd.s32 $0xFFFFD800  }
0xb6: {  	_ =	swait.ge [sflag:s23], $0x2800  }
0xb7: {  	[sflag:s23] =	ssyncset.done $0x0  }
0xb8: {  	[sflag:s23] =	ssyncadd.s32 $0xFFFFD800  }
0xb9: {  	_ =	swait.ge [sflag:s23], $0x2800  }
0xba: {  	[sflag:s23] =	ssyncset.done $0x0  }
0xbb: {  	[sflag:s23] =	ssyncadd.s32 $0xFFFFD800  }
0xbc: {  	_ =	swait.ge [sflag:s23], $0x2800  }
0xbd: {  	[sflag:s23] =	ssyncset.done $0x0  }
0xbe: {  	[sflag:s23] =	ssyncadd.s32 $0xFFFFD800  }
0xbf: {  	_ =	swait.ge [sflag:s23], $0x2800  }
0xc0: {  	[sflag:s23] =	ssyncset.done $0x0  }
0xc1: {  	s26 =	sadd.s32 $0x1, s26;
	[sflag:s23] =	ssyncadd.s32 $0xFFFFD800  }
0xc2: {  	[hbm4b:s28+s4] =	stream.linear.scatter [tilespmem:s18], [sflag:$0x3], $0xC800, $0x38;
	[tilespmem:$0x1A300] =	vst v63  }
0xc3: {  	p0 =	sne.s32 s26, s7;
	_ =	swait.ge [sflag:s24], $0xC800  }
.Ltmp1:
0xc4: {  	[sflag:s24] =	ssyncset.done $0x0;
	(pc) =	sbr.rel @p0 .LBB2_1-.Ltmp1, $4  }
0xc5: {  	[sflag:s24] =	ssyncadd.s32 $0xFFFF3800  }
0xc6: {  	_ =	swait.ge [sflag:s25], $0xC800  }
0xc7: {  	[sflag:s25] =	ssyncset.done $0x0  }
0xc8: {  	[sflag:s25] =	ssyncadd.s32 $0xFFFF3800  }
0xc9: {  	_ =	sfence.sel $0x180000  }
0xca: {  	[bflag:$0x0] =	sbarrier.arrive $0xFFFF  }
0xcb: {  	_ =	strace $0x90000053  }
0xcc: {  	s0 =	stileid.u32;
	[bflag:$0x2] =	sbarrier.arrive $0xFFFF  }
0xcd: {  	p0 =	sne.s32 s0, $0x0;
	s0 =	rddreg [dreg:$0x3]  }
0xce: {  	s0 =	sadd.s32 @!p0 $0x100000, s0  }
0xcf: {  	[sflag:s0] =	ssyncadd.tile.s32 @!p0 $0x1;
	_ =	shalt  }
.Lfunc_end2:
_tile_overlayer_lowered:
.L_overlay_start_2:
0xd0: {  	(tag) =	ssettag $0x2  }
0xd1: {  	s0 =	rddreg [dreg:$0x0];
	s2 =	stileid.u32  }
0xd2: {  	s1 =	rddreg [dreg:$0x1];
	p0 =	sne.s32 s2, $0x0  }
0xd3: {  	s3 =	rddreg [dreg:$0x2];
	[bflag:$0x3] =	sbarrier.arrive $0xFFFF;
	s2 =	simm.s32 @!p0 $0x1C04  }
0xd4: {  	[timem:s3], [sflag:s2] =	dma.local @!p0 [hbm:s0], s1  }
0xd5: {  	s0 =	simm.s32 @!p0 $0x4  }
0xd6: {  	_ =	swait.ge @!p0 [sflag:s0], s1  }
0xd7: {  	s1 =	ssub.s32 @!p0 $0x0, s1;
	[sflag:s0] =	ssyncset.done @!p0 $0x0  }
0xd8: {  	[sflag:s0] =	ssyncadd.s32 @!p0 s1  }
0xd9: {  	[bflag:$0x3] =	sbarrier.arrive $0xFFFF  }
0xda: {  	_ =	shalt  }

</sc_bundles>
